<compile_context>
chip_gen: v7x
topology: tpu7x:2x2x1
jax: 0.10.2.dev20260603
libtpu: 0.0.44.dev20260713+nightly
codegen_flags: <defaults>
</compile_context>

<pallas_src>
import functools

import jax
import jax.numpy as jnp
from jax import lax
from jax.experimental import pallas as pl
from jax.experimental.pallas import tpu as pltpu
from jax.experimental.pallas import tpu_sc as plsc

A, B, C0, D = 16, 16, 16, 128
N = A * B * C0 * 8 * D
NW = 32
CELLS_PER_W = N // NW
CHUNK = 2048
NBUF = 4
ITERS = CELLS_PER_W // CHUNK
T_PER_CHUNK = (CHUNK // 1024) * 8


def _body(input_hbm, mean_hbm, sig_hbm, eps_hbm, out_hbm, outz_hbm, *rest):
    bufs = tuple(tuple(rest[b * 6:(b + 1) * 6]) for b in range(NBUF))
    zero_v, sem_in, sem_out = rest[NBUF * 6:]
    wid = lax.axis_index("s") * 2 + lax.axis_index("c")
    iota = lax.iota(jnp.int32, 16)

    def base_of(it):
        return pl.multiple_of(wid * CELLS_PER_W + it * CHUNK, CHUNK)

    def in_copies(it, b):
        base = base_of(it)
        iv, mv, sv, ev, _, _ = bufs[b]
        return [
            pltpu.make_async_copy(
                input_hbm.at[pl.ds(pl.multiple_of(base // 8, CHUNK // 8),
                                   CHUNK // 8)],
                iv, sem_in.at[b]),
            pltpu.make_async_copy(
                mean_hbm.at[pl.ds(pl.multiple_of(base * 4, CHUNK * 4),
                                  CHUNK * 4)],
                mv, sem_in.at[b]),
            pltpu.make_async_copy(
                sig_hbm.at[pl.ds(pl.multiple_of(base * 4, CHUNK * 4),
                                 CHUNK * 4)],
                sv, sem_in.at[b]),
            pltpu.make_async_copy(
                eps_hbm.at[pl.ds(base, CHUNK)], ev, sem_in.at[b]),
        ]

    def out_copies(it, b):
        base = base_of(it)
        ov_p, ov_n = bufs[b][4], bufs[b][5]
        return [
            pltpu.make_async_copy(
                ov_p, out_hbm.at[pl.ds(base, CHUNK)], sem_out.at[b]),
            pltpu.make_async_copy(
                ov_n, out_hbm.at[pl.ds(N + base, CHUNK)], sem_out.at[b]),
            pltpu.make_async_copy(
                zero_v, outz_hbm.at[pl.ds(base, CHUNK)], sem_out.at[b]),
            pltpu.make_async_copy(
                zero_v, outz_hbm.at[pl.ds(N + base, CHUNK)], sem_out.at[b]),
        ]

    def compute(b):
        iv, mv, sv, ev, ov_p, ov_n = bufs[b]

        def _t_body(t, _):
            row = t >> 3
            d0 = (t & 7) * 16
            x = iv[pl.ds(t * 16, 16)]
            xp = jnp.maximum(x, 0.0).astype(jnp.int32)
            xn = jnp.maximum(-x, 0.0).astype(jnp.int32)
            cell0 = row * 1024 + d0
            vec = (row * 4096 + d0) + iota
            for k in range(8):
                sh = 7 - 2 * k
                if sh >= 0:
                    cp = (xp >> sh) & 0x180
                    cn = (xn >> sh) & 0x180
                else:
                    cp = (xp << -sh) & 0x180
                    cn = (xn << -sh) & 0x180
                veck = vec + k * 512
                mp = plsc.load_gather(mv, [veck + cp])
                sp = plsc.load_gather(sv, [veck + cp])
                mn = plsc.load_gather(mv, [veck + cn])
                sn = plsc.load_gather(sv, [veck + cn])
                off = cell0 + k * 128
                e = ev[pl.ds(off, 16)]
                ov_p[pl.ds(off, 16)] = mp + e * sp
                ov_n[pl.ds(off, 16)] = mn + e * sn
            return 0

        lax.fori_loop(0, T_PER_CHUNK, _t_body, 0)

    zvec = jnp.zeros((16,), jnp.float32)

    def zinit(g, _):
        zero_v[pl.ds(g * 16, 16)] = zvec
        return 0

    lax.fori_loop(0, CHUNK // 16, zinit, 0)

    for b in range(NBUF):
        for c in in_copies(b, b):
            c.start()

    def loop_ring(i, _):
        for b in range(NBUF):
            it = i * NBUF + b
            for c in in_copies(it, b):
                c.wait()

            @pl.when(it >= NBUF)
            def _():
                for c in out_copies(it - NBUF, b):
                    c.wait()

            compute(b)
            for c in out_copies(it, b):
                c.start()

            @pl.when(it + NBUF < ITERS)
            def _():
                for c in in_copies(it + NBUF, b):
                    c.start()
        return 0

    lax.fori_loop(0, ITERS // NBUF, loop_ring, 0)

    for b in range(NBUF):
        for c in out_copies(ITERS - NBUF + b, b):
            c.wait()


@jax.jit
def kernel(input, mean_G, sig_G, eps):
    mesh = plsc.VectorSubcoreMesh(core_axis_name="c", subcore_axis_name="s",
                                  num_cores=2, num_subcores=16)
    run = functools.partial(
        pl.kernel,
        out_type=(jax.ShapeDtypeStruct((2 * N,), jnp.float32),
                  jax.ShapeDtypeStruct((2 * N,), jnp.float32)),
        mesh=mesh,
        compiler_params=pltpu.CompilerParams(needs_layout_passes=False),
        scratch_types=(
            [pltpu.VMEM((CHUNK // 8,), jnp.float32),
             pltpu.VMEM((CHUNK * 4,), jnp.float32),
             pltpu.VMEM((CHUNK * 4,), jnp.float32),
             pltpu.VMEM((CHUNK,), jnp.float32),
             pltpu.VMEM((CHUNK,), jnp.float32),
             pltpu.VMEM((CHUNK,), jnp.float32)] * NBUF
            + [pltpu.VMEM((CHUNK,), jnp.float32),
               pltpu.SemaphoreType.DMA((NBUF,)),
               pltpu.SemaphoreType.DMA((NBUF,))]),
    )(_body)
    mean_lin = jnp.transpose(mean_G, (0, 1, 2, 4, 3)).reshape(-1)
    sig_lin = jnp.transpose(sig_G, (0, 1, 2, 4, 3)).reshape(-1)
    out, outz = run(input.reshape(-1), mean_lin, sig_lin, eps.reshape(-1))
    g_inactive = out.reshape(2, A, B, C0 * 8, D)
    g_active = outz.reshape(2, A, B, C0 * 8, D)
    return (g_active, g_inactive)

# --- scband reference (transcript-rebuilt; emitter-appended) ---
"""Pipeline reference for scband-w2g-84318797955210 (READ-ONLY COPY).

The authoritative reference and input builder live on the scoring server;
editing this copy changes nothing except your own understanding.
"""

import jax, jax.numpy as jnp
import numpy as np


def bitslicer(x):
    s0, s1, s2, s3 = x.shape
    t = x.astype(jnp.int16)
    segs = [((t >> jnp.int16(2 * i)) & jnp.int16(3)) for i in range(7, -1, -1)]
    st = jnp.stack(segs, axis=-1).astype(jnp.float32)  # [s0,s1,s2,s3,8]
    st = jnp.transpose(st, (0, 1, 2, 4, 3))            # [s0,s1,s2,8,s3]
    return st.reshape(s0, s1, s2 * 8, s3)


def setup_inputs(seed: int = 0) -> dict:
    key = jax.random.key(seed)
    k1, k2, k3, k4 = jax.random.split(key, 4)
    # fixed-point-ish weights: scale randn so int16 codes are nontrivial
    inp = jax.random.normal(k1, (16, 16, 16, 128), dtype=jnp.float32) * 8.0
    # learned/characterized per-cell conductance codebook: new_shape + [4]
    mean_G = jax.random.uniform(k2, (16, 16, 128, 128, 4), dtype=jnp.float32) * 1e-5 + 1e-6
    sig_G = jax.random.uniform(k3, (16, 16, 128, 128, 4), dtype=jnp.float32) * 1e-6
    # torch forward draws eps = randn(new_shape) internally; pass explicitly for determinism
    eps = jax.random.normal(k4, (16, 16, 128, 128), dtype=jnp.float32)
    return {"input": inp, "mean_G": mean_G, "sig_G": sig_G, "eps": eps}


def reference(input, mean_G, sig_G, eps):
    # x_relu splits into positive / negative conductance planes
    pos = jnp.maximum(input, 0.0)
    neg = jnp.maximum(-input, 0.0)
    code_pos = bitslicer(pos).astype(jnp.int32)  # values in {0,1,2,3}, shape new_shape
    code_neg = bitslicer(neg).astype(jnp.int32)
    # charge_trapping branch: G_all = mean_G + eps * sig_G, then per-cell 4-way select
    G_all = mean_G + eps[..., None] * sig_G      # [..., 4]
    G_pos = jnp.take_along_axis(G_all, code_pos[..., None], axis=-1)[..., 0]
    G_neg = jnp.take_along_axis(G_all, code_neg[..., None], axis=-1)[..., 0]
    # warp is None -> active_mask is None -> zeros_like(bool)
    active_mask = jnp.zeros_like(G_pos, dtype=bool)
    inactive_mask = ~active_mask
    G_pos_active = G_pos * active_mask
    G_pos_inactive = G_pos * inactive_mask
    G_neg_active = G_neg * active_mask
    G_neg_inactive = G_neg * inactive_mask
    G_active = jnp.concatenate([G_pos_active[None], G_neg_active[None]], axis=0)
    G_inactive = jnp.concatenate([G_pos_inactive[None], G_neg_inactive[None]], axis=0)
    return (G_active, G_inactive)

if __name__ == "__main__":
    import jax
    _d = setup_inputs()
    print(jax.jit(kernel)(*tuple(_d.values())))

</pallas_src>

<mosaic_0001>
#map = affine_map<(d0, d1) -> (0)>
module attributes {stable_mosaic.version = 14 : i64} {
  func.func @_body(%arg0: i32, %arg1: i32, %arg2: memref<524288xf32, #tpu.memory_space<hbm>>, %arg3: memref<16777216xf32, #tpu.memory_space<hbm>>, %arg4: memref<16777216xf32, #tpu.memory_space<hbm>>, %arg5: memref<4194304xf32, #tpu.memory_space<hbm>>, %arg6: memref<8388608xf32, #tpu.memory_space<hbm>>, %arg7: memref<8388608xf32, #tpu.memory_space<hbm>>, %arg8: memref<256xf32, #tpu.memory_space<vmem>>, %arg9: memref<8192xf32, #tpu.memory_space<vmem>>, %arg10: memref<8192xf32, #tpu.memory_space<vmem>>, %arg11: memref<2048xf32, #tpu.memory_space<vmem>>, %arg12: memref<2048xf32, #tpu.memory_space<vmem>>, %arg13: memref<2048xf32, #tpu.memory_space<vmem>>, %arg14: memref<256xf32, #tpu.memory_space<vmem>>, %arg15: memref<8192xf32, #tpu.memory_space<vmem>>, %arg16: memref<8192xf32, #tpu.memory_space<vmem>>, %arg17: memref<2048xf32, #tpu.memory_space<vmem>>, %arg18: memref<2048xf32, #tpu.memory_space<vmem>>, %arg19: memref<2048xf32, #tpu.memory_space<vmem>>, %arg20: memref<256xf32, #tpu.memory_space<vmem>>, %arg21: memref<8192xf32, #tpu.memory_space<vmem>>, %arg22: memref<8192xf32, #tpu.memory_space<vmem>>, %arg23: memref<2048xf32, #tpu.memory_space<vmem>>, %arg24: memref<2048xf32, #tpu.memory_space<vmem>>, %arg25: memref<2048xf32, #tpu.memory_space<vmem>>, %arg26: memref<256xf32, #tpu.memory_space<vmem>>, %arg27: memref<8192xf32, #tpu.memory_space<vmem>>, %arg28: memref<8192xf32, #tpu.memory_space<vmem>>, %arg29: memref<2048xf32, #tpu.memory_space<vmem>>, %arg30: memref<2048xf32, #tpu.memory_space<vmem>>, %arg31: memref<2048xf32, #tpu.memory_space<vmem>>, %arg32: memref<2048xf32, #tpu.memory_space<vmem>>, %arg33: memref<4x!tpu.dma_semaphore, #tpu.memory_space<semaphore_mem>>, %arg34: memref<4x!tpu.dma_semaphore, #tpu.memory_space<semaphore_mem>>) attributes {dimension_semantics = [#tpu.dimension_semantics<core_parallel>, #tpu.dimension_semantics<subcore_parallel>], iteration_bounds = array<i64: 2, 16>, scalar_prefetch = 0 : i64, scratch_operands = 27 : i64, tpu.core_type = #tpu.core_type<sc_vector_subcore>, window_params = [{transform_indices = #map}, {transform_indices = #map}, {transform_indices = #map}, {transform_indices = #map}, {transform_indices = #map}, {transform_indices = #map}]} {
    %mul3A = arith.constant 2 : i32
    %mul3A_0 = arith.muli %arg1, %mul3A : i32
    %add3A = arith.addi %mul3A_0, %arg0 : i32
    %iota3A = tpu.iota {dimensions = array<i32: 0>} : vector<16xi32>
    %broadcast_in_dim3A = arith.constant 0.000000e+00 : f32
    %broadcast_in_dim3A_1 = vector.broadcast %broadcast_in_dim3A : f32 to vector<16xf32>
    %scan3A = arith.constant 0 : i32
    %scan3A_2 = arith.constant 0 : i32
    %scan3A_3 = arith.constant 128 : i32
    %scan3A_4 = arith.addi %scan3A_2, %scan3A_3 : i32
    %scan3A_5 = arith.constant 1 : i32
    %scan3A_6 = scf.for %scan3A_344 = %scan3A_2 to %scan3A_4 step %scan3A_5 iter_args(%scan3A_345 = %scan3A) -> (i32)  : i32 {
      %mul3A_346 = arith.constant 16 : i32
      %mul3A_347 = arith.muli %scan3A_344, %mul3A_346 : i32
      %swap3A = arith.index_cast %mul3A_347 : i32 to index
      %swap3A_348 = tpu.vector_load %arg32[%swap3A] {strides = array<i32>} : memref<2048xf32, #tpu.memory_space<vmem>>, vector<16xf32>,
      tpu.vector_store %arg32[%swap3A], %broadcast_in_dim3A_1 {strides = array<i32>} : memref<2048xf32, #tpu.memory_space<vmem>>, vector<16xf32>,
      %scan3A_349 = arith.constant 0 : i32
      scf.yield %scan3A_349 : i32
    }
    %scan3A_7 = arith.constant 128 : i32
    %mul3A_8 = arith.constant 131072 : i32
    %mul3A_9 = arith.muli %add3A, %mul3A_8 : i32
    %add3A_10 = arith.constant 0 : i32
    %add3A_11 = arith.addi %mul3A_9, %add3A_10 : i32
    %multiple_of3A = tpu.assume_multiple %add3A_11, 2048 : i32
    %jit3A = arith.constant 8 : i32
    %div3A = arith.divsi %multiple_of3A, %jit3A : i32
    %sign3A = arith.constant 0 : i32
    %sign3A_12 = arith.cmpi sgt, %multiple_of3A, %sign3A : i32
    %sign3A_13 = arith.extui %sign3A_12 : i1 to i32
    %sign3A_14 = arith.constant 0 : i32
    %sign3A_15 = arith.cmpi slt, %multiple_of3A, %sign3A_14 : i32
    %sign3A_16 = arith.extui %sign3A_15 : i1 to i32
    %sign3A_17 = arith.subi %sign3A_13, %sign3A_16 : i32
    %sign3A_18 = arith.constant 0 : i32
    %sign3A_19 = arith.cmpi sgt, %jit3A, %sign3A_18 : i32
    %sign3A_20 = arith.extui %sign3A_19 : i1 to i32
    %sign3A_21 = arith.constant 0 : i32
    %sign3A_22 = arith.cmpi slt, %jit3A, %sign3A_21 : i32
    %sign3A_23 = arith.extui %sign3A_22 : i1 to i32
    %sign3A_24 = arith.subi %sign3A_20, %sign3A_23 : i32
    %ne3A = arith.cmpi ne, %sign3A_17, %sign3A_24 : i32
    %rem3A = arith.remsi %multiple_of3A, %jit3A : i32
    %ne3A_25 = arith.constant 0 : i32
    %ne3A_26 = arith.cmpi ne, %rem3A, %ne3A_25 : i32
    %and3A = arith.andi %ne3A, %ne3A_26 : i1
    %sub3A = arith.constant 1 : i32
    %sub3A_27 = arith.subi %div3A, %sub3A : i32
    %select_n3A = arith.select %and3A, %sub3A_27, %div3A : i32
    %multiple_of3A_28 = tpu.assume_multiple %select_n3A, 256 : i32
    %mul3A_29 = arith.constant 4 : i32
    %mul3A_30 = arith.muli %multiple_of3A, %mul3A_29 : i32
    %multiple_of3A_31 = tpu.assume_multiple %mul3A_30, 8192 : i32
    %mul3A_32 = arith.constant 4 : i32
    %mul3A_33 = arith.muli %multiple_of3A, %mul3A_32 : i32
    %multiple_of3A_34 = tpu.assume_multiple %mul3A_33, 8192 : i32
    %dma_start3A = arith.constant 0 : i32
    %dma_start3A_35 = tpu.memref_slice %arg2[%multiple_of3A_28] : memref<524288xf32, #tpu.memory_space<hbm>> -> memref<256xf32, #tpu.memory_space<hbm>>
    %dma_start3A_36 = tpu.memref_slice %arg33[%dma_start3A] : memref<4x!tpu.dma_semaphore, #tpu.memory_space<semaphore_mem>> -> memref<1x!tpu.dma_semaphore, #tpu.memory_space<semaphore_mem>>
    %dma_start3A_37 = tpu.memref_squeeze %dma_start3A_36 : memref<1x!tpu.dma_semaphore, #tpu.memory_space<semaphore_mem>> -> memref<!tpu.dma_semaphore, #tpu.memory_space<semaphore_mem>>
    %dma_start3A_38 = tpu.memref_slice %arg2[%multiple_of3A_28] : memref<524288xf32, #tpu.memory_space<hbm>> -> memref<256xf32, #tpu.memory_space<hbm>>
    tpu.enqueue_dma source(%dma_start3A_38 : memref<256xf32, #tpu.memory_space<hbm>>) target(%arg8 : memref<256xf32, #tpu.memory_space<vmem>>) target_semaphore(%dma_start3A_37 : memref<!tpu.dma_semaphore, #tpu.memory_space<semaphore_mem>>)
    %dma_start3A_39 = arith.constant 0 : i32
    %dma_start3A_40 = tpu.memref_slice %arg3[%multiple_of3A_31] : memref<16777216xf32, #tpu.memory_space<hbm>> -> memref<8192xf32, #tpu.memory_space<hbm>>
    %dma_start3A_41 = tpu.memref_slice %arg33[%dma_start3A_39] : memref<4x!tpu.dma_semaphore, #tpu.memory_space<semaphore_mem>> -> memref<1x!tpu.dma_semaphore, #tpu.memory_space<semaphore_mem>>
    %dma_start3A_42 = tpu.memref_squeeze %dma_start3A_41 : memref<1x!tpu.dma_semaphore, #tpu.memory_space<semaphore_mem>> -> memref<!tpu.dma_semaphore, #tpu.memory_space<semaphore_mem>>
    %dma_start3A_43 = tpu.memref_slice %arg3[%multiple_of3A_31] : memref<16777216xf32, #tpu.memory_space<hbm>> -> memref<8192xf32, #tpu.memory_space<hbm>>
    tpu.enqueue_dma source(%dma_start3A_43 : memref<8192xf32, #tpu.memory_space<hbm>>) target(%arg9 : memref<8192xf32, #tpu.memory_space<vmem>>) target_semaphore(%dma_start3A_42 : memref<!tpu.dma_semaphore, #tpu.memory_space<semaphore_mem>>)
    %dma_start3A_44 = arith.constant 0 : i32
    %dma_start3A_45 = tpu.memref_slice %arg4[%multiple_of3A_34] : memref<16777216xf32, #tpu.memory_space<hbm>> -> memref<8192xf32, #tpu.memory_space<hbm>>
    %dma_start3A_46 = tpu.memref_slice %arg33[%dma_start3A_44] : memref<4x!tpu.dma_semaphore, #tpu.memory_space<semaphore_mem>> -> memref<1x!tpu.dma_semaphore, #tpu.memory_space<semaphore_mem>>
    %dma_start3A_47 = tpu.memref_squeeze %dma_start3A_46 : memref<1x!tpu.dma_semaphore, #tpu.memory_space<semaphore_mem>> -> memref<!tpu.dma_semaphore, #tpu.memory_space<semaphore_mem>>
    %dma_start3A_48 = tpu.memref_slice %arg4[%multiple_of3A_34] : memref<16777216xf32, #tpu.memory_space<hbm>> -> memref<8192xf32, #tpu.memory_space<hbm>>
    tpu.enqueue_dma source(%dma_start3A_48 : memref<8192xf32, #tpu.memory_space<hbm>>) target(%arg10 : memref<8192xf32, #tpu.memory_space<vmem>>) target_semaphore(%dma_start3A_47 : memref<!tpu.dma_semaphore, #tpu.memory_space<semaphore_mem>>)
    %dma_start3A_49 = arith.constant 0 : i32
    %dma_start3A_50 = tpu.memref_slice %arg5[%multiple_of3A] : memref<4194304xf32, #tpu.memory_space<hbm>> -> memref<2048xf32, #tpu.memory_space<hbm>>
    %dma_start3A_51 = tpu.memref_slice %arg33[%dma_start3A_49] : memref<4x!tpu.dma_semaphore, #tpu.memory_space<semaphore_mem>> -> memref<1x!tpu.dma_semaphore, #tpu.memory_space<semaphore_mem>>
    %dma_start3A_52 = tpu.memref_squeeze %dma_start3A_51 : memref<1x!tpu.dma_semaphore, #tpu.memory_space<semaphore_mem>> -> memref<!tpu.dma_semaphore, #tpu.memory_space<semaphore_mem>>
    %dma_start3A_53 = tpu.memref_slice %arg5[%multiple_of3A] : memref<4194304xf32, #tpu.memory_space<hbm>> -> memref<2048xf32, #tpu.memory_space<hbm>>
    tpu.enqueue_dma source(%dma_start3A_53 : memref<2048xf32, #tpu.memory_space<hbm>>) target(%arg11 : memref<2048xf32, #tpu.memory_space<vmem>>) target_semaphore(%dma_start3A_52 : memref<!tpu.dma_semaphore, #tpu.memory_space<semaphore_mem>>)
    %mul3A_54 = arith.constant 131072 : i32
    %mul3A_55 = arith.muli %add3A, %mul3A_54 : i32
    %add3A_56 = arith.constant 2048 : i32
    %add3A_57 = arith.addi %mul3A_55, %add3A_56 : i32
    %multiple_of3A_58 = tpu.assume_multiple %add3A_57, 2048 : i32
    %jit3A_59 = arith.constant 8 : i32
    %div3A_60 = arith.divsi %multiple_of3A_58, %jit3A_59 : i32
    %sign3A_61 = arith.constant 0 : i32
    %sign3A_62 = arith.cmpi sgt, %multiple_of3A_58, %sign3A_61 : i32
    %sign3A_63 = arith.extui %sign3A_62 : i1 to i32
    %sign3A_64 = arith.constant 0 : i32
    %sign3A_65 = arith.cmpi slt, %multiple_of3A_58, %sign3A_64 : i32
    %sign3A_66 = arith.extui %sign3A_65 : i1 to i32
    %sign3A_67 = arith.subi %sign3A_63, %sign3A_66 : i32
    %sign3A_68 = arith.constant 0 : i32
    %sign3A_69 = arith.cmpi sgt, %jit3A_59, %sign3A_68 : i32
    %sign3A_70 = arith.extui %sign3A_69 : i1 to i32
    %sign3A_71 = arith.constant 0 : i32
    %sign3A_72 = arith.cmpi slt, %jit3A_59, %sign3A_71 : i32
    %sign3A_73 = arith.extui %sign3A_72 : i1 to i32
    %sign3A_74 = arith.subi %sign3A_70, %sign3A_73 : i32
    %ne3A_75 = arith.cmpi ne, %sign3A_67, %sign3A_74 : i32
    %rem3A_76 = arith.remsi %multiple_of3A_58, %jit3A_59 : i32
    %ne3A_77 = arith.constant 0 : i32
    %ne3A_78 = arith.cmpi ne, %rem3A_76, %ne3A_77 : i32
    %and3A_79 = arith.andi %ne3A_75, %ne3A_78 : i1
    %sub3A_80 = arith.constant 1 : i32
    %sub3A_81 = arith.subi %div3A_60, %sub3A_80 : i32
    %select_n3A_82 = arith.select %and3A_79, %sub3A_81, %div3A_60 : i32
    %multiple_of3A_83 = tpu.assume_multiple %select_n3A_82, 256 : i32
    %mul3A_84 = arith.constant 4 : i32
    %mul3A_85 = arith.muli %multiple_of3A_58, %mul3A_84 : i32
    %multiple_of3A_86 = tpu.assume_multiple %mul3A_85, 8192 : i32
    %mul3A_87 = arith.constant 4 : i32
    %mul3A_88 = arith.muli %multiple_of3A_58, %mul3A_87 : i32
    %multiple_of3A_89 = tpu.assume_multiple %mul3A_88, 8192 : i32
    %dma_start3A_90 = arith.constant 1 : i32
    %dma_start3A_91 = tpu.memref_slice %arg2[%multiple_of3A_83] : memref<524288xf32, #tpu.memory_space<hbm>> -> memref<256xf32, #tpu.memory_space<hbm>>
    %dma_start3A_92 = tpu.memref_slice %arg33[%dma_start3A_90] : memref<4x!tpu.dma_semaphore, #tpu.memory_space<semaphore_mem>> -> memref<1x!tpu.dma_semaphore, #tpu.memory_space<semaphore_mem>>
    %dma_start3A_93 = tpu.memref_squeeze %dma_start3A_92 : memref<1x!tpu.dma_semaphore, #tpu.memory_space<semaphore_mem>> -> memref<!tpu.dma_semaphore, #tpu.memory_space<semaphore_mem>>
    %dma_start3A_94 = tpu.memref_slice %arg2[%multiple_of3A_83] : memref<524288xf32, #tpu.memory_space<hbm>> -> memref<256xf32, #tpu.memory_space<hbm>>
    tpu.enqueue_dma source(%dma_start3A_94 : memref<256xf32, #tpu.memory_space<hbm>>) target(%arg14 : memref<256xf32, #tpu.memory_space<vmem>>) target_semaphore(%dma_start3A_93 : memref<!tpu.dma_semaphore, #tpu.memory_space<semaphore_mem>>)
    %dma_start3A_95 = arith.constant 1 : i32
    %dma_start3A_96 = tpu.memref_slice %arg3[%multiple_of3A_86] : memref<16777216xf32, #tpu.memory_space<hbm>> -> memref<8192xf32, #tpu.memory_space<hbm>>
    %dma_start3A_97 = tpu.memref_slice %arg33[%dma_start3A_95] : memref<4x!tpu.dma_semaphore, #tpu.memory_space<semaphore_mem>> -> memref<1x!tpu.dma_semaphore, #tpu.memory_space<semaphore_mem>>
    %dma_start3A_98 = tpu.memref_squeeze %dma_start3A_97 : memref<1x!tpu.dma_semaphore, #tpu.memory_space<semaphore_mem>> -> memref<!tpu.dma_semaphore, #tpu.memory_space<semaphore_mem>>
    %dma_start3A_99 = tpu.memref_slice %arg3[%multiple_of3A_86] : memref<16777216xf32, #tpu.memory_space<hbm>> -> memref<8192xf32, #tpu.memory_space<hbm>>
    tpu.enqueue_dma source(%dma_start3A_99 : memref<8192xf32, #tpu.memory_space<hbm>>) target(%arg15 : memref<8192xf32, #tpu.memory_space<vmem>>) target_semaphore(%dma_start3A_98 : memref<!tpu.dma_semaphore, #tpu.memory_space<semaphore_mem>>)
    %dma_start3A_100 = arith.constant 1 : i32
    %dma_start3A_101 = tpu.memref_slice %arg4[%multiple_of3A_89] : memref<16777216xf32, #tpu.memory_space<hbm>> -> memref<8192xf32, #tpu.memory_space<hbm>>
    %dma_start3A_102 = tpu.memref_slice %arg33[%dma_start3A_100] : memref<4x!tpu.dma_semaphore, #tpu.memory_space<semaphore_mem>> -> memref<1x!tpu.dma_semaphore, #tpu.memory_space<semaphore_mem>>
    %dma_start3A_103 = tpu.memref_squeeze %dma_start3A_102 : memref<1x!tpu.dma_semaphore, #tpu.memory_space<semaphore_mem>> -> memref<!tpu.dma_semaphore, #tpu.memory_space<semaphore_mem>>
    %dma_start3A_104 = tpu.memref_slice %arg4[%multiple_of3A_89] : memref<16777216xf32, #tpu.memory_space<hbm>> -> memref<8192xf32, #tpu.memory_space<hbm>>
    tpu.enqueue_dma source(%dma_start3A_104 : memref<8192xf32, #tpu.memory_space<hbm>>) target(%arg16 : memref<8192xf32, #tpu.memory_space<vmem>>) target_semaphore(%dma_start3A_103 : memref<!tpu.dma_semaphore, #tpu.memory_space<semaphore_mem>>)
    %dma_start3A_105 = arith.constant 1 : i32
    %dma_start3A_106 = tpu.memref_slice %arg5[%multiple_of3A_58] : memref<4194304xf32, #tpu.memory_space<hbm>> -> memref<2048xf32, #tpu.memory_space<hbm>>
    %dma_start3A_107 = tpu.memref_slice %arg33[%dma_start3A_105] : memref<4x!tpu.dma_semaphore, #tpu.memory_space<semaphore_mem>> -> memref<1x!tpu.dma_semaphore, #tpu.memory_space<semaphore_mem>>
    %dma_start3A_108 = tpu.memref_squeeze %dma_start3A_107 : memref<1x!tpu.dma_semaphore, #tpu.memory_space<semaphore_mem>> -> memref<!tpu.dma_semaphore, #tpu.memory_space<semaphore_mem>>
    %dma_start3A_109 = tpu.memref_slice %arg5[%multiple_of3A_58] : memref<4194304xf32, #tpu.memory_space<hbm>> -> memref<2048xf32, #tpu.memory_space<hbm>>
    tpu.enqueue_dma source(%dma_start3A_109 : memref<2048xf32, #tpu.memory_space<hbm>>) target(%arg17 : memref<2048xf32, #tpu.memory_space<vmem>>) target_semaphore(%dma_start3A_108 : memref<!tpu.dma_semaphore, #tpu.memory_space<semaphore_mem>>)
    %mul3A_110 = arith.constant 131072 : i32
    %mul3A_111 = arith.muli %add3A, %mul3A_110 : i32
    %add3A_112 = arith.constant 4096 : i32
    %add3A_113 = arith.addi %mul3A_111, %add3A_112 : i32
    %multiple_of3A_114 = tpu.assume_multiple %add3A_113, 2048 : i32
    %jit3A_115 = arith.constant 8 : i32
    %div3A_116 = arith.divsi %multiple_of3A_114, %jit3A_115 : i32
    %sign3A_117 = arith.constant 0 : i32
    %sign3A_118 = arith.cmpi sgt, %multiple_of3A_114, %sign3A_117 : i32
    %sign3A_119 = arith.extui %sign3A_118 : i1 to i32
    %sign3A_120 = arith.constant 0 : i32
    %sign3A_121 = arith.cmpi slt, %multiple_of3A_114, %sign3A_120 : i32
    %sign3A_122 = arith.extui %sign3A_121 : i1 to i32
    %sign3A_123 = arith.subi %sign3A_119, %sign3A_122 : i32
    %sign3A_124 = arith.constant 0 : i32
    %sign3A_125 = arith.cmpi sgt, %jit3A_115, %sign3A_124 : i32
    %sign3A_126 = arith.extui %sign3A_125 : i1 to i32
    %sign3A_127 = arith.constant 0 : i32
    %sign3A_128 = arith.cmpi slt, %jit3A_115, %sign3A_127 : i32
    %sign3A_129 = arith.extui %sign3A_128 : i1 to i32
    %sign3A_130 = arith.subi %sign3A_126, %sign3A_129 : i32
    %ne3A_131 = arith.cmpi ne, %sign3A_123, %sign3A_130 : i32
    %rem3A_132 = arith.remsi %multiple_of3A_114, %jit3A_115 : i32
    %ne3A_133 = arith.constant 0 : i32
    %ne3A_134 = arith.cmpi ne, %rem3A_132, %ne3A_133 : i32
    %and3A_135 = arith.andi %ne3A_131, %ne3A_134 : i1
    %sub3A_136 = arith.constant 1 : i32
    %sub3A_137 = arith.subi %div3A_116, %sub3A_136 : i32
    %select_n3A_138 = arith.select %and3A_135, %sub3A_137, %div3A_116 : i32
    %multiple_of3A_139 = tpu.assume_multiple %select_n3A_138, 256 : i32
    %mul3A_140 = arith.constant 4 : i32
    %mul3A_141 = arith.muli %multiple_of3A_114, %mul3A_140 : i32
    %multiple_of3A_142 = tpu.assume_multiple %mul3A_141, 8192 : i32
    %mul3A_143 = arith.constant 4 : i32
    %mul3A_144 = arith.muli %multiple_of3A_114, %mul3A_143 : i32
    %multiple_of3A_145 = tpu.assume_multiple %mul3A_144, 8192 : i32
    %dma_start3A_146 = arith.constant 2 : i32
    %dma_start3A_147 = tpu.memref_slice %arg2[%multiple_of3A_139] : memref<524288xf32, #tpu.memory_space<hbm>> -> memref<256xf32, #tpu.memory_space<hbm>>
    %dma_start3A_148 = tpu.memref_slice %arg33[%dma_start3A_146] : memref<4x!tpu.dma_semaphore, #tpu.memory_space<semaphore_mem>> -> memref<1x!tpu.dma_semaphore, #tpu.memory_space<semaphore_mem>>
    %dma_start3A_149 = tpu.memref_squeeze %dma_start3A_148 : memref<1x!tpu.dma_semaphore, #tpu.memory_space<semaphore_mem>> -> memref<!tpu.dma_semaphore, #tpu.memory_space<semaphore_mem>>
    %dma_start3A_150 = tpu.memref_slice %arg2[%multiple_of3A_139] : memref<524288xf32, #tpu.memory_space<hbm>> -> memref<256xf32, #tpu.memory_space<hbm>>
    tpu.enqueue_dma source(%dma_start3A_150 : memref<256xf32, #tpu.memory_space<hbm>>) target(%arg20 : memref<256xf32, #tpu.memory_space<vmem>>) target_semaphore(%dma_start3A_149 : memref<!tpu.dma_semaphore, #tpu.memory_space<semaphore_mem>>)
    %dma_start3A_151 = arith.constant 2 : i32
    %dma_start3A_152 = tpu.memref_slice %arg3[%multiple_of3A_142] : memref<16777216xf32, #tpu.memory_space<hbm>> -> memref<8192xf32, #tpu.memory_space<hbm>>
    %dma_start3A_153 = tpu.memref_slice %arg33[%dma_start3A_151] : memref<4x!tpu.dma_semaphore, #tpu.memory_space<semaphore_mem>> -> memref<1x!tpu.dma_semaphore, #tpu.memory_space<semaphore_mem>>
    %dma_start3A_154 = tpu.memref_squeeze %dma_start3A_153 : memref<1x!tpu.dma_semaphore, #tpu.memory_space<semaphore_mem>> -> memref<!tpu.dma_semaphore, #tpu.memory_space<semaphore_mem>>
    %dma_start3A_155 = tpu.memref_slice %arg3[%multiple_of3A_142] : memref<16777216xf32, #tpu.memory_space<hbm>> -> memref<8192xf32, #tpu.memory_space<hbm>>
    tpu.enqueue_dma source(%dma_start3A_155 : memref<8192xf32, #tpu.memory_space<hbm>>) target(%arg21 : memref<8192xf32, #tpu.memory_space<vmem>>) target_semaphore(%dma_start3A_154 : memref<!tpu.dma_semaphore, #tpu.memory_space<semaphore_mem>>)
    %dma_start3A_156 = arith.constant 2 : i32
    %dma_start3A_157 = tpu.memref_slice %arg4[%multiple_of3A_145] : memref<16777216xf32, #tpu.memory_space<hbm>> -> memref<8192xf32, #tpu.memory_space<hbm>>
    %dma_start3A_158 = tpu.memref_slice %arg33[%dma_start3A_156] : memref<4x!tpu.dma_semaphore, #tpu.memory_space<semaphore_mem>> -> memref<1x!tpu.dma_semaphore, #tpu.memory_space<semaphore_mem>>
    %dma_start3A_159 = tpu.memref_squeeze %dma_start3A_158 : memref<1x!tpu.dma_semaphore, #tpu.memory_space<semaphore_mem>> -> memref<!tpu.dma_semaphore, #tpu.memory_space<semaphore_mem>>
    %dma_start3A_160 = tpu.memref_slice %arg4[%multiple_of3A_145] : memref<16777216xf32, #tpu.memory_space<hbm>> -> memref<8192xf32, #tpu.memory_space<hbm>>
    tpu.enqueue_dma source(%dma_start3A_160 : memref<8192xf32, #tpu.memory_space<hbm>>) target(%arg22 : memref<8192xf32, #tpu.memory_space<vmem>>) target_semaphore(%dma_start3A_159 : memref<!tpu.dma_semaphore, #tpu.memory_space<semaphore_mem>>)
    %dma_start3A_161 = arith.constant 2 : i32
    %dma_start3A_162 = tpu.memref_slice %arg5[%multiple_of3A_114] : memref<4194304xf32, #tpu.memory_space<hbm>> -> memref<2048xf32, #tpu.memory_space<hbm>>
    %dma_start3A_163 = tpu.memref_slice %arg33[%dma_start3A_161] : memref<4x!tpu.dma_semaphore, #tpu.memory_space<semaphore_mem>> -> memref<1x!tpu.dma_semaphore, #tpu.memory_space<semaphore_mem>>
    %dma_start3A_164 = tpu.memref_squeeze %dma_start3A_163 : memref<1x!tpu.dma_semaphore, #tpu.memory_space<semaphore_mem>> -> memref<!tpu.dma_semaphore, #tpu.memory_space<semaphore_mem>>
    %dma_start3A_165 = tpu.memref_slice %arg5[%multiple_of3A_114] : memref<4194304xf32, #tpu.memory_space<hbm>> -> memref<2048xf32, #tpu.memory_space<hbm>>
    tpu.enqueue_dma source(%dma_start3A_165 : memref<2048xf32, #tpu.memory_space<hbm>>) target(%arg23 : memref<2048xf32, #tpu.memory_space<vmem>>) target_semaphore(%dma_start3A_164 : memref<!tpu.dma_semaphore, #tpu.memory_space<semaphore_mem>>)
    %mul3A_166 = arith.constant 131072 : i32
    %mul3A_167 = arith.muli %add3A, %mul3A_166 : i32
    %add3A_168 = arith.constant 6144 : i32
    %add3A_169 = arith.addi %mul3A_167, %add3A_168 : i32
    %multiple_of3A_170 = tpu.assume_multiple %add3A_169, 2048 : i32
    %jit3A_171 = arith.constant 8 : i32
    %div3A_172 = arith.divsi %multiple_of3A_170, %jit3A_171 : i32
    %sign3A_173 = arith.constant 0 : i32
    %sign3A_174 = arith.cmpi sgt, %multiple_of3A_170, %sign3A_173 : i32
    %sign3A_175 = arith.extui %sign3A_174 : i1 to i32
    %sign3A_176 = arith.constant 0 : i32
    %sign3A_177 = arith.cmpi slt, %multiple_of3A_170, %sign3A_176 : i32
    %sign3A_178 = arith.extui %sign3A_177 : i1 to i32
    %sign3A_179 = arith.subi %sign3A_175, %sign3A_178 : i32
    %sign3A_180 = arith.constant 0 : i32
    %sign3A_181 = arith.cmpi sgt, %jit3A_171, %sign3A_180 : i32
    %sign3A_182 = arith.extui %sign3A_181 : i1 to i32
    %sign3A_183 = arith.constant 0 : i32
    %sign3A_184 = arith.cmpi slt, %jit3A_171, %sign3A_183 : i32
    %sign3A_185 = arith.extui %sign3A_184 : i1 to i32
    %sign3A_186 = arith.subi %sign3A_182, %sign3A_185 : i32
    %ne3A_187 = arith.cmpi ne, %sign3A_179, %sign3A_186 : i32
    %rem3A_188 = arith.remsi %multiple_of3A_170, %jit3A_171 : i32
    %ne3A_189 = arith.constant 0 : i32
    %ne3A_190 = arith.cmpi ne, %rem3A_188, %ne3A_189 : i32
    %and3A_191 = arith.andi %ne3A_187, %ne3A_190 : i1
    %sub3A_192 = arith.constant 1 : i32
    %sub3A_193 = arith.subi %div3A_172, %sub3A_192 : i32
    %select_n3A_194 = arith.select %and3A_191, %sub3A_193, %div3A_172 : i32
    %multiple_of3A_195 = tpu.assume_multiple %select_n3A_194, 256 : i32
    %mul3A_196 = arith.constant 4 : i32
    %mul3A_197 = arith.muli %multiple_of3A_170, %mul3A_196 : i32
    %multiple_of3A_198 = tpu.assume_multiple %mul3A_197, 8192 : i32
    %mul3A_199 = arith.constant 4 : i32
    %mul3A_200 = arith.muli %multiple_of3A_170, %mul3A_199 : i32
    %multiple_of3A_201 = tpu.assume_multiple %mul3A_200, 8192 : i32
    %dma_start3A_202 = arith.constant 3 : i32
    %dma_start3A_203 = tpu.memref_slice %arg2[%multiple_of3A_195] : memref<524288xf32, #tpu.memory_space<hbm>> -> memref<256xf32, #tpu.memory_space<hbm>>
    %dma_start3A_204 = tpu.memref_slice %arg33[%dma_start3A_202] : memref<4x!tpu.dma_semaphore, #tpu.memory_space<semaphore_mem>> -> memref<1x!tpu.dma_semaphore, #tpu.memory_space<semaphore_mem>>
    %dma_start3A_205 = tpu.memref_squeeze %dma_start3A_204 : memref<1x!tpu.dma_semaphore, #tpu.memory_space<semaphore_mem>> -> memref<!tpu.dma_semaphore, #tpu.memory_space<semaphore_mem>>
    %dma_start3A_206 = tpu.memref_slice %arg2[%multiple_of3A_195] : memref<524288xf32, #tpu.memory_space<hbm>> -> memref<256xf32, #tpu.memory_space<hbm>>
    tpu.enqueue_dma source(%dma_start3A_206 : memref<256xf32, #tpu.memory_space<hbm>>) target(%arg26 : memref<256xf32, #tpu.memory_space<vmem>>) target_semaphore(%dma_start3A_205 : memref<!tpu.dma_semaphore, #tpu.memory_space<semaphore_mem>>)
    %dma_start3A_207 = arith.constant 3 : i32
    %dma_start3A_208 = tpu.memref_slice %arg3[%multiple_of3A_198] : memref<16777216xf32, #tpu.memory_space<hbm>> -> memref<8192xf32, #tpu.memory_space<hbm>>
    %dma_start3A_209 = tpu.memref_slice %arg33[%dma_start3A_207] : memref<4x!tpu.dma_semaphore, #tpu.memory_space<semaphore_mem>> -> memref<1x!tpu.dma_semaphore, #tpu.memory_space<semaphore_mem>>
    %dma_start3A_210 = tpu.memref_squeeze %dma_start3A_209 : memref<1x!tpu.dma_semaphore, #tpu.memory_space<semaphore_mem>> -> memref<!tpu.dma_semaphore, #tpu.memory_space<semaphore_mem>>
    %dma_start3A_211 = tpu.memref_slice %arg3[%multiple_of3A_198] : memref<16777216xf32, #tpu.memory_space<hbm>> -> memref<8192xf32, #tpu.memory_space<hbm>>
    tpu.enqueue_dma source(%dma_start3A_211 : memref<8192xf32, #tpu.memory_space<hbm>>) target(%arg27 : memref<8192xf32, #tpu.memory_space<vmem>>) target_semaphore(%dma_start3A_210 : memref<!tpu.dma_semaphore, #tpu.memory_space<semaphore_mem>>)
    %dma_start3A_212 = arith.constant 3 : i32
    %dma_start3A_213 = tpu.memref_slice %arg4[%multiple_of3A_201] : memref<16777216xf32, #tpu.memory_space<hbm>> -> memref<8192xf32, #tpu.memory_space<hbm>>
    %dma_start3A_214 = tpu.memref_slice %arg33[%dma_start3A_212] : memref<4x!tpu.dma_semaphore, #tpu.memory_space<semaphore_mem>> -> memref<1x!tpu.dma_semaphore, #tpu.memory_space<semaphore_mem>>
    %dma_start3A_215 = tpu.memref_squeeze %dma_start3A_214 : memref<1x!tpu.dma_semaphore, #tpu.memory_space<semaphore_mem>> -> memref<!tpu.dma_semaphore, #tpu.memory_space<semaphore_mem>>
    %dma_start3A_216 = tpu.memref_slice %arg4[%multiple_of3A_201] : memref<16777216xf32, #tpu.memory_space<hbm>> -> memref<8192xf32, #tpu.memory_space<hbm>>
    tpu.enqueue_dma source(%dma_start3A_216 : memref<8192xf32, #tpu.memory_space<hbm>>) target(%arg28 : memref<8192xf32, #tpu.memory_space<vmem>>) target_semaphore(%dma_start3A_215 : memref<!tpu.dma_semaphore, #tpu.memory_space<semaphore_mem>>)
    %dma_start3A_217 = arith.constant 3 : i32
    %dma_start3A_218 = tpu.memref_slice %arg5[%multiple_of3A_170] : memref<4194304xf32, #tpu.memory_space<hbm>> -> memref<2048xf32, #tpu.memory_space<hbm>>
    %dma_start3A_219 = tpu.memref_slice %arg33[%dma_start3A_217] : memref<4x!tpu.dma_semaphore, #tpu.memory_space<semaphore_mem>> -> memref<1x!tpu.dma_semaphore, #tpu.memory_space<semaphore_mem>>
    %dma_start3A_220 = tpu.memref_squeeze %dma_start3A_219 : memref<1x!tpu.dma_semaphore, #tpu.memory_space<semaphore_mem>> -> memref<!tpu.dma_semaphore, #tpu.memory_space<semaphore_mem>>
    %dma_start3A_221 = tpu.memref_slice %arg5[%multiple_of3A_170] : memref<4194304xf32, #tpu.memory_space<hbm>> -> memref<2048xf32, #tpu.memory_space<hbm>>
    tpu.enqueue_dma source(%dma_start3A_221 : memref<2048xf32, #tpu.memory_space<hbm>>) target(%arg29 : memref<2048xf32, #tpu.memory_space<vmem>>) target_semaphore(%dma_start3A_220 : memref<!tpu.dma_semaphore, #tpu.memory_space<semaphore_mem>>)
    %scan3A_222 = arith.constant 0 : i32
    %scan3A_223 = arith.constant 0 : i32
    %scan3A_224 = arith.constant 16 : i32
    %scan3A_225 = arith.addi %scan3A_223, %scan3A_224 : i32
    %scan3A_226 = arith.constant 1 : i32
    %scan3A_227 = scf.for %scan3A_344 = %scan3A_223 to %scan3A_225 step %scan3A_226 iter_args(%scan3A_345 = %scan3A_222) -> (i32)  : i32 {
      %mul3A_346 = arith.constant 4 : i32
      %mul3A_347 = arith.muli %scan3A_344, %mul3A_346 : i32
      %add3A_348 = arith.constant 0 : i32
      %add3A_349 = arith.addi %mul3A_347, %add3A_348 : i32
      %mul3A_350 = arith.constant 131072 : i32
      %mul3A_351 = arith.muli %add3A, %mul3A_350 : i32
      %mul3A_352 = arith.constant 2048 : i32
      %mul3A_353 = arith.muli %add3A_349, %mul3A_352 : i32
      %add3A_354 = arith.addi %mul3A_351, %mul3A_353 : i32
      %multiple_of3A_355 = tpu.assume_multiple %add3A_354, 2048 : i32
      %jit3A_356 = arith.constant 8 : i32
      %div3A_357 = arith.divsi %multiple_of3A_355, %jit3A_356 : i32
      %sign3A_358 = arith.constant 0 : i32
      %sign3A_359 = arith.cmpi sgt, %multiple_of3A_355, %sign3A_358 : i32
      %sign3A_360 = arith.extui %sign3A_359 : i1 to i32
      %sign3A_361 = arith.constant 0 : i32
      %sign3A_362 = arith.cmpi slt, %multiple_of3A_355, %sign3A_361 : i32
      %sign3A_363 = arith.extui %sign3A_362 : i1 to i32
      %sign3A_364 = arith.subi %sign3A_360, %sign3A_363 : i32
      %sign3A_365 = arith.constant 0 : i32
      %sign3A_366 = arith.cmpi sgt, %jit3A_356, %sign3A_365 : i32
      %sign3A_367 = arith.extui %sign3A_366 : i1 to i32
      %sign3A_368 = arith.constant 0 : i32
      %sign3A_369 = arith.cmpi slt, %jit3A_356, %sign3A_368 : i32
      %sign3A_370 = arith.extui %sign3A_369 : i1 to i32
      %sign3A_371 = arith.subi %sign3A_367, %sign3A_370 : i32
      %ne3A_372 = arith.cmpi ne, %sign3A_364, %sign3A_371 : i32
      %rem3A_373 = arith.remsi %multiple_of3A_355, %jit3A_356 : i32
      %ne3A_374 = arith.constant 0 : i32
      %ne3A_375 = arith.cmpi ne, %rem3A_373, %ne3A_374 : i32
      %and3A_376 = arith.andi %ne3A_372, %ne3A_375 : i1
      %sub3A_377 = arith.constant 1 : i32
      %sub3A_378 = arith.subi %div3A_357, %sub3A_377 : i32
      %select_n3A_379 = arith.select %and3A_376, %sub3A_378, %div3A_357 : i32
      %multiple_of3A_380 = tpu.assume_multiple %select_n3A_379, 256 : i32
      %mul3A_381 = arith.constant 4 : i32
      %mul3A_382 = arith.muli %multiple_of3A_355, %mul3A_381 : i32
      %multiple_of3A_383 = tpu.assume_multiple %mul3A_382, 8192 : i32
      %mul3A_384 = arith.constant 4 : i32
      %mul3A_385 = arith.muli %multiple_of3A_355, %mul3A_384 : i32
      %multiple_of3A_386 = tpu.assume_multiple %mul3A_385, 8192 : i32
      %dma_wait3A_387 = arith.constant 0 : i32
      %dma_wait3A_388 = tpu.memref_slice %arg2[%multiple_of3A_380] : memref<524288xf32, #tpu.memory_space<hbm>> -> memref<256xf32, #tpu.memory_space<hbm>>
      %dma_wait3A_389 = tpu.memref_slice %arg33[%dma_wait3A_387] : memref<4x!tpu.dma_semaphore, #tpu.memory_space<semaphore_mem>> -> memref<1x!tpu.dma_semaphore, #tpu.memory_space<semaphore_mem>>
      %dma_wait3A_390 = tpu.memref_squeeze %dma_wait3A_389 : memref<1x!tpu.dma_semaphore, #tpu.memory_space<semaphore_mem>> -> memref<!tpu.dma_semaphore, #tpu.memory_space<semaphore_mem>>
      %dma_wait3A_391 = tpu.memref_slice %arg2[%multiple_of3A_380] : memref<524288xf32, #tpu.memory_space<hbm>> -> memref<256xf32, #tpu.memory_space<hbm>>
      tpu.wait_dma2 semaphore(%dma_wait3A_390 : memref<!tpu.dma_semaphore, #tpu.memory_space<semaphore_mem>>) src(%dma_wait3A_391 : memref<256xf32, #tpu.memory_space<hbm>>) dst(%arg8 : memref<256xf32, #tpu.memory_space<vmem>>)
      %dma_wait3A_392 = arith.constant 0 : i32
      %dma_wait3A_393 = tpu.memref_slice %arg3[%multiple_of3A_383] : memref<16777216xf32, #tpu.memory_space<hbm>> -> memref<8192xf32, #tpu.memory_space<hbm>>
      %dma_wait3A_394 = tpu.memref_slice %arg33[%dma_wait3A_392] : memref<4x!tpu.dma_semaphore, #tpu.memory_space<semaphore_mem>> -> memref<1x!tpu.dma_semaphore, #tpu.memory_space<semaphore_mem>>
      %dma_wait3A_395 = tpu.memref_squeeze %dma_wait3A_394 : memref<1x!tpu.dma_semaphore, #tpu.memory_space<semaphore_mem>> -> memref<!tpu.dma_semaphore, #tpu.memory_space<semaphore_mem>>
      %dma_wait3A_396 = tpu.memref_slice %arg3[%multiple_of3A_383] : memref<16777216xf32, #tpu.memory_space<hbm>> -> memref<8192xf32, #tpu.memory_space<hbm>>
      tpu.wait_dma2 semaphore(%dma_wait3A_395 : memref<!tpu.dma_semaphore, #tpu.memory_space<semaphore_mem>>) src(%dma_wait3A_396 : memref<8192xf32, #tpu.memory_space<hbm>>) dst(%arg9 : memref<8192xf32, #tpu.memory_space<vmem>>)
      %dma_wait3A_397 = arith.constant 0 : i32
      %dma_wait3A_398 = tpu.memref_slice %arg4[%multiple_of3A_386] : memref<16777216xf32, #tpu.memory_space<hbm>> -> memref<8192xf32, #tpu.memory_space<hbm>>
      %dma_wait3A_399 = tpu.memref_slice %arg33[%dma_wait3A_397] : memref<4x!tpu.dma_semaphore, #tpu.memory_space<semaphore_mem>> -> memref<1x!tpu.dma_semaphore, #tpu.memory_space<semaphore_mem>>
      %dma_wait3A_400 = tpu.memref_squeeze %dma_wait3A_399 : memref<1x!tpu.dma_semaphore, #tpu.memory_space<semaphore_mem>> -> memref<!tpu.dma_semaphore, #tpu.memory_space<semaphore_mem>>
      %dma_wait3A_401 = tpu.memref_slice %arg4[%multiple_of3A_386] : memref<16777216xf32, #tpu.memory_space<hbm>> -> memref<8192xf32, #tpu.memory_space<hbm>>
      tpu.wait_dma2 semaphore(%dma_wait3A_400 : memref<!tpu.dma_semaphore, #tpu.memory_space<semaphore_mem>>) src(%dma_wait3A_401 : memref<8192xf32, #tpu.memory_space<hbm>>) dst(%arg10 : memref<8192xf32, #tpu.memory_space<vmem>>)
      %dma_wait3A_402 = arith.constant 0 : i32
      %dma_wait3A_403 = tpu.memref_slice %arg5[%multiple_of3A_355] : memref<4194304xf32, #tpu.memory_space<hbm>> -> memref<2048xf32, #tpu.memory_space<hbm>>
      %dma_wait3A_404 = tpu.memref_slice %arg33[%dma_wait3A_402] : memref<4x!tpu.dma_semaphore, #tpu.memory_space<semaphore_mem>> -> memref<1x!tpu.dma_semaphore, #tpu.memory_space<semaphore_mem>>
      %dma_wait3A_405 = tpu.memref_squeeze %dma_wait3A_404 : memref<1x!tpu.dma_semaphore, #tpu.memory_space<semaphore_mem>> -> memref<!tpu.dma_semaphore, #tpu.memory_space<semaphore_mem>>
      %dma_wait3A_406 = tpu.memref_slice %arg5[%multiple_of3A_355] : memref<4194304xf32, #tpu.memory_space<hbm>> -> memref<2048xf32, #tpu.memory_space<hbm>>
      tpu.wait_dma2 semaphore(%dma_wait3A_405 : memref<!tpu.dma_semaphore, #tpu.memory_space<semaphore_mem>>) src(%dma_wait3A_406 : memref<2048xf32, #tpu.memory_space<hbm>>) dst(%arg11 : memref<2048xf32, #tpu.memory_space<vmem>>)
      %ge3A = arith.constant 4 : i32
      %ge3A_407 = arith.cmpi sge, %add3A_349, %ge3A : i32
      %convert_element_type3A = arith.extui %ge3A_407 : i1 to i32
      %cond3A = arith.constant 0 : i32
      %cond3A_408 = arith.cmpi ne, %convert_element_type3A, %cond3A : i32
      scf.if %cond3A_408 {
        %sub3A_783 = arith.constant 4 : i32
        %sub3A_784 = arith.subi %add3A_349, %sub3A_783 : i32
        %mul3A_785 = arith.constant 131072 : i32
        %mul3A_786 = arith.muli %add3A, %mul3A_785 : i32
        %mul3A_787 = arith.constant 2048 : i32
        %mul3A_788 = arith.muli %sub3A_784, %mul3A_787 : i32
        %add3A_789 = arith.addi %mul3A_786, %mul3A_788 : i32
        %multiple_of3A_790 = tpu.assume_multiple %add3A_789, 2048 : i32
        %add3A_791 = arith.constant 4194304 : i32
        %add3A_792 = arith.addi %add3A_791, %multiple_of3A_790 : i32
        %add3A_793 = arith.constant 4194304 : i32
        %add3A_794 = arith.addi %add3A_793, %multiple_of3A_790 : i32
        %dma_wait3A_795 = arith.constant 0 : i32
        %dma_wait3A_796 = tpu.memref_slice %arg6[%multiple_of3A_790] : memref<8388608xf32, #tpu.memory_space<hbm>> -> memref<2048xf32, #tpu.memory_space<hbm>>
        %dma_wait3A_797 = tpu.memref_slice %arg34[%dma_wait3A_795] : memref<4x!tpu.dma_semaphore, #tpu.memory_space<semaphore_mem>> -> memref<1x!tpu.dma_semaphore, #tpu.memory_space<semaphore_mem>>
        %dma_wait3A_798 = tpu.memref_squeeze %dma_wait3A_797 : memref<1x!tpu.dma_semaphore, #tpu.memory_space<semaphore_mem>> -> memref<!tpu.dma_semaphore, #tpu.memory_space<semaphore_mem>>
        %dma_wait3A_799 = tpu.memref_slice %arg6[%multiple_of3A_790] : memref<8388608xf32, #tpu.memory_space<hbm>> -> memref<2048xf32, #tpu.memory_space<hbm>>
        tpu.wait_dma2 semaphore(%dma_wait3A_798 : memref<!tpu.dma_semaphore, #tpu.memory_space<semaphore_mem>>) src(%arg12 : memref<2048xf32, #tpu.memory_space<vmem>>) dst(%dma_wait3A_799 : memref<2048xf32, #tpu.memory_space<hbm>>)
        %dma_wait3A_800 = arith.constant 0 : i32
        %dma_wait3A_801 = tpu.memref_slice %arg6[%add3A_792] : memref<8388608xf32, #tpu.memory_space<hbm>> -> memref<2048xf32, #tpu.memory_space<hbm>>
        %dma_wait3A_802 = tpu.memref_slice %arg34[%dma_wait3A_800] : memref<4x!tpu.dma_semaphore, #tpu.memory_space<semaphore_mem>> -> memref<1x!tpu.dma_semaphore, #tpu.memory_space<semaphore_mem>>
        %dma_wait3A_803 = tpu.memref_squeeze %dma_wait3A_802 : memref<1x!tpu.dma_semaphore, #tpu.memory_space<semaphore_mem>> -> memref<!tpu.dma_semaphore, #tpu.memory_space<semaphore_mem>>
        %dma_wait3A_804 = tpu.memref_slice %arg6[%add3A_792] : memref<8388608xf32, #tpu.memory_space<hbm>> -> memref<2048xf32, #tpu.memory_space<hbm>>
        tpu.wait_dma2 semaphore(%dma_wait3A_803 : memref<!tpu.dma_semaphore, #tpu.memory_space<semaphore_mem>>) src(%arg13 : memref<2048xf32, #tpu.memory_space<vmem>>) dst(%dma_wait3A_804 : memref<2048xf32, #tpu.memory_space<hbm>>)
        %dma_wait3A_805 = arith.constant 0 : i32
        %dma_wait3A_806 = tpu.memref_slice %arg7[%multiple_of3A_790] : memref<8388608xf32, #tpu.memory_space<hbm>> -> memref<2048xf32, #tpu.memory_space<hbm>>
        %dma_wait3A_807 = tpu.memref_slice %arg34[%dma_wait3A_805] : memref<4x!tpu.dma_semaphore, #tpu.memory_space<semaphore_mem>> -> memref<1x!tpu.dma_semaphore, #tpu.memory_space<semaphore_mem>>
        %dma_wait3A_808 = tpu.memref_squeeze %dma_wait3A_807 : memref<1x!tpu.dma_semaphore, #tpu.memory_space<semaphore_mem>> -> memref<!tpu.dma_semaphore, #tpu.memory_space<semaphore_mem>>
        %dma_wait3A_809 = tpu.memref_slice %arg7[%multiple_of3A_790] : memref<8388608xf32, #tpu.memory_space<hbm>> -> memref<2048xf32, #tpu.memory_space<hbm>>
        tpu.wait_dma2 semaphore(%dma_wait3A_808 : memref<!tpu.dma_semaphore, #tpu.memory_space<semaphore_mem>>) src(%arg32 : memref<2048xf32, #tpu.memory_space<vmem>>) dst(%dma_wait3A_809 : memref<2048xf32, #tpu.memory_space<hbm>>)
        %dma_wait3A_810 = arith.constant 0 : i32
        %dma_wait3A_811 = tpu.memref_slice %arg7[%add3A_794] : memref<8388608xf32, #tpu.memory_space<hbm>> -> memref<2048xf32, #tpu.memory_space<hbm>>
        %dma_wait3A_812 = tpu.memref_slice %arg34[%dma_wait3A_810] : memref<4x!tpu.dma_semaphore, #tpu.memory_space<semaphore_mem>> -> memref<1x!tpu.dma_semaphore, #tpu.memory_space<semaphore_mem>>
        %dma_wait3A_813 = tpu.memref_squeeze %dma_wait3A_812 : memref<1x!tpu.dma_semaphore, #tpu.memory_space<semaphore_mem>> -> memref<!tpu.dma_semaphore, #tpu.memory_space<semaphore_mem>>
        %dma_wait3A_814 = tpu.memref_slice %arg7[%add3A_794] : memref<8388608xf32, #tpu.memory_space<hbm>> -> memref<2048xf32, #tpu.memory_space<hbm>>
        tpu.wait_dma2 semaphore(%dma_wait3A_813 : memref<!tpu.dma_semaphore, #tpu.memory_space<semaphore_mem>>) src(%arg32 : memref<2048xf32, #tpu.memory_space<vmem>>) dst(%dma_wait3A_814 : memref<2048xf32, #tpu.memory_space<hbm>>)
      } else {
      }
      %scan3A_409 = arith.constant 0 : i32
      %scan3A_410 = arith.constant 0 : i32
      %scan3A_411 = arith.constant 16 : i32
      %scan3A_412 = arith.addi %scan3A_410, %scan3A_411 : i32
      %scan3A_413 = arith.constant 1 : i32
      %scan3A_414 = scf.for %scan3A_783 = %scan3A_410 to %scan3A_412 step %scan3A_413 iter_args(%scan3A_784 = %scan3A_409) -> (i32)  : i32 {
        %shift_right_arithmetic3A = arith.constant 3 : i32
        %shift_right_arithmetic3A_785 = arith.shrsi %scan3A_783, %shift_right_arithmetic3A : i32
        %and3A_786 = arith.constant 7 : i32
        %and3A_787 = arith.andi %scan3A_783, %and3A_786 : i32
        %mul3A_788 = arith.constant 16 : i32
        %mul3A_789 = arith.muli %and3A_787, %mul3A_788 : i32
        %mul3A_790 = arith.constant 16 : i32
        %mul3A_791 = arith.muli %scan3A_783, %mul3A_790 : i32
        %get3A = arith.index_cast %mul3A_791 : i32 to index
        %get3A_792 = tpu.vector_load %arg8[%get3A] {strides = array<i32>} : memref<256xf32, #tpu.memory_space<vmem>>, vector<16xf32>,
        %max3A = arith.constant 0.000000e+00 : f32
        %max3A_793 = vector.broadcast %max3A : f32 to vector<16xf32>
        %max3A_794 = arith.maximumf %get3A_792, %max3A_793 : vector<16xf32>
        %convert_element_type3A_795 = arith.fptosi %max3A_794 : vector<16xf32> to vector<16xi32>
        %neg3A = arith.constant 0.000000e+00 : f32
        %neg3A_796 = vector.broadcast %neg3A : f32 to vector<16xf32>
        %neg3A_797 = arith.subf %neg3A_796, %get3A_792 : vector<16xf32>
        %max3A_798 = arith.constant 0.000000e+00 : f32
        %max3A_799 = vector.broadcast %max3A_798 : f32 to vector<16xf32>
        %max3A_800 = arith.maximumf %neg3A_797, %max3A_799 : vector<16xf32>
        %convert_element_type3A_801 = arith.fptosi %max3A_800 : vector<16xf32> to vector<16xi32>
        %mul3A_802 = arith.constant 1024 : i32
        %mul3A_803 = arith.muli %shift_right_arithmetic3A_785, %mul3A_802 : i32
        %add3A_804 = arith.addi %mul3A_803, %mul3A_789 : i32
        %mul3A_805 = arith.constant 4096 : i32
        %mul3A_806 = arith.muli %shift_right_arithmetic3A_785, %mul3A_805 : i32
        %add3A_807 = arith.addi %mul3A_806, %mul3A_789 : i32
        %add3A_808 = vector.broadcast %add3A_807 : i32 to vector<16xi32>
        %add3A_809 = arith.addi %add3A_808, %iota3A : vector<16xi32>
        %shift_right_arithmetic3A_810 = arith.constant 7 : i32
        %shift_right_arithmetic3A_811 = vector.broadcast %shift_right_arithmetic3A_810 : i32 to vector<16xi32>
        %shift_right_arithmetic3A_812 = arith.shrsi %convert_element_type3A_795, %shift_right_arithmetic3A_811 : vector<16xi32>
        %and3A_813 = arith.constant 384 : i32
        %and3A_814 = vector.broadcast %and3A_813 : i32 to vector<16xi32>
        %and3A_815 = arith.andi %shift_right_arithmetic3A_812, %and3A_814 : vector<16xi32>
        %shift_right_arithmetic3A_816 = arith.constant 7 : i32
        %shift_right_arithmetic3A_817 = vector.broadcast %shift_right_arithmetic3A_816 : i32 to vector<16xi32>
        %shift_right_arithmetic3A_818 = arith.shrsi %convert_element_type3A_801, %shift_right_arithmetic3A_817 : vector<16xi32>
        %and3A_819 = arith.constant 384 : i32
        %and3A_820 = vector.broadcast %and3A_819 : i32 to vector<16xi32>
        %and3A_821 = arith.andi %shift_right_arithmetic3A_818, %and3A_820 : vector<16xi32>
        %add3A_822 = arith.constant 0 : i32
        %add3A_823 = vector.broadcast %add3A_822 : i32 to vector<16xi32>
        %add3A_824 = arith.addi %add3A_809, %add3A_823 : vector<16xi32>
        %add3A_825 = arith.addi %add3A_824, %and3A_815 : vector<16xi32>
        %gather3A = tpu.vector_load_idx %arg9[%add3A_825] : memref<8192xf32, #tpu.memory_space<vmem>>[vector<16xi32>], vector<16xf32>,
        %add3A_826 = arith.addi %add3A_824, %and3A_815 : vector<16xi32>
        %gather3A_827 = tpu.vector_load_idx %arg10[%add3A_826] : memref<8192xf32, #tpu.memory_space<vmem>>[vector<16xi32>], vector<16xf32>,
        %add3A_828 = arith.addi %add3A_824, %and3A_821 : vector<16xi32>
        %gather3A_829 = tpu.vector_load_idx %arg9[%add3A_828] : memref<8192xf32, #tpu.memory_space<vmem>>[vector<16xi32>], vector<16xf32>,
        %add3A_830 = arith.addi %add3A_824, %and3A_821 : vector<16xi32>
        %gather3A_831 = tpu.vector_load_idx %arg10[%add3A_830] : memref<8192xf32, #tpu.memory_space<vmem>>[vector<16xi32>], vector<16xf32>,
        %add3A_832 = arith.constant 0 : i32
        %add3A_833 = arith.addi %add3A_804, %add3A_832 : i32
        %get3A_834 = arith.index_cast %add3A_833 : i32 to index
        %get3A_835 = tpu.vector_load %arg11[%get3A_834] {strides = array<i32>} : memref<2048xf32, #tpu.memory_space<vmem>>, vector<16xf32>,
        %mul3A_836 = arith.mulf %get3A_835, %gather3A_827 : vector<16xf32>
        %add3A_837 = arith.addf %gather3A, %mul3A_836 : vector<16xf32>
        %swap3A = arith.index_cast %add3A_833 : i32 to index
        %swap3A_838 = tpu.vector_load %arg12[%swap3A] {strides = array<i32>} : memref<2048xf32, #tpu.memory_space<vmem>>, vector<16xf32>,
        tpu.vector_store %arg12[%swap3A], %add3A_837 {strides = array<i32>} : memref<2048xf32, #tpu.memory_space<vmem>>, vector<16xf32>,
        %mul3A_839 = arith.mulf %get3A_835, %gather3A_831 : vector<16xf32>
        %add3A_840 = arith.addf %gather3A_829, %mul3A_839 : vector<16xf32>
        %swap3A_841 = arith.index_cast %add3A_833 : i32 to index
        %swap3A_842 = tpu.vector_load %arg13[%swap3A_841] {strides = array<i32>} : memref<2048xf32, #tpu.memory_space<vmem>>, vector<16xf32>,
        tpu.vector_store %arg13[%swap3A_841], %add3A_840 {strides = array<i32>} : memref<2048xf32, #tpu.memory_space<vmem>>, vector<16xf32>,
        %shift_right_arithmetic3A_843 = arith.constant 5 : i32
        %shift_right_arithmetic3A_844 = vector.broadcast %shift_right_arithmetic3A_843 : i32 to vector<16xi32>
        %shift_right_arithmetic3A_845 = arith.shrsi %convert_element_type3A_795, %shift_right_arithmetic3A_844 : vector<16xi32>
        %and3A_846 = arith.constant 384 : i32
        %and3A_847 = vector.broadcast %and3A_846 : i32 to vector<16xi32>
        %and3A_848 = arith.andi %shift_right_arithmetic3A_845, %and3A_847 : vector<16xi32>
        %shift_right_arithmetic3A_849 = arith.constant 5 : i32
        %shift_right_arithmetic3A_850 = vector.broadcast %shift_right_arithmetic3A_849 : i32 to vector<16xi32>
        %shift_right_arithmetic3A_851 = arith.shrsi %convert_element_type3A_801, %shift_right_arithmetic3A_850 : vector<16xi32>
        %and3A_852 = arith.constant 384 : i32
        %and3A_853 = vector.broadcast %and3A_852 : i32 to vector<16xi32>
        %and3A_854 = arith.andi %shift_right_arithmetic3A_851, %and3A_853 : vector<16xi32>
        %add3A_855 = arith.constant 512 : i32
        %add3A_856 = vector.broadcast %add3A_855 : i32 to vector<16xi32>
        %add3A_857 = arith.addi %add3A_809, %add3A_856 : vector<16xi32>
        %add3A_858 = arith.addi %add3A_857, %and3A_848 : vector<16xi32>
        %gather3A_859 = tpu.vector_load_idx %arg9[%add3A_858] : memref<8192xf32, #tpu.memory_space<vmem>>[vector<16xi32>], vector<16xf32>,
        %add3A_860 = arith.addi %add3A_857, %and3A_848 : vector<16xi32>
        %gather3A_861 = tpu.vector_load_idx %arg10[%add3A_860] : memref<8192xf32, #tpu.memory_space<vmem>>[vector<16xi32>], vector<16xf32>,
        %add3A_862 = arith.addi %add3A_857, %and3A_854 : vector<16xi32>
        %gather3A_863 = tpu.vector_load_idx %arg9[%add3A_862] : memref<8192xf32, #tpu.memory_space<vmem>>[vector<16xi32>], vector<16xf32>,
        %add3A_864 = arith.addi %add3A_857, %and3A_854 : vector<16xi32>
        %gather3A_865 = tpu.vector_load_idx %arg10[%add3A_864] : memref<8192xf32, #tpu.memory_space<vmem>>[vector<16xi32>], vector<16xf32>,
        %add3A_866 = arith.constant 128 : i32
        %add3A_867 = arith.addi %add3A_804, %add3A_866 : i32
        %get3A_868 = arith.index_cast %add3A_867 : i32 to index
        %get3A_869 = tpu.vector_load %arg11[%get3A_868] {strides = array<i32>} : memref<2048xf32, #tpu.memory_space<vmem>>, vector<16xf32>,
        %mul3A_870 = arith.mulf %get3A_869, %gather3A_861 : vector<16xf32>
        %add3A_871 = arith.addf %gather3A_859, %mul3A_870 : vector<16xf32>
        %swap3A_872 = arith.index_cast %add3A_867 : i32 to index
        %swap3A_873 = tpu.vector_load %arg12[%swap3A_872] {strides = array<i32>} : memref<2048xf32, #tpu.memory_space<vmem>>, vector<16xf32>,
        tpu.vector_store %arg12[%swap3A_872], %add3A_871 {strides = array<i32>} : memref<2048xf32, #tpu.memory_space<vmem>>, vector<16xf32>,
        %mul3A_874 = arith.mulf %get3A_869, %gather3A_865 : vector<16xf32>
        %add3A_875 = arith.addf %gather3A_863, %mul3A_874 : vector<16xf32>
        %swap3A_876 = arith.index_cast %add3A_867 : i32 to index
        %swap3A_877 = tpu.vector_load %arg13[%swap3A_876] {strides = array<i32>} : memref<2048xf32, #tpu.memory_space<vmem>>, vector<16xf32>,
        tpu.vector_store %arg13[%swap3A_876], %add3A_875 {strides = array<i32>} : memref<2048xf32, #tpu.memory_space<vmem>>, vector<16xf32>,
        %shift_right_arithmetic3A_878 = arith.constant 3 : i32
        %shift_right_arithmetic3A_879 = vector.broadcast %shift_right_arithmetic3A_878 : i32 to vector<16xi32>
        %shift_right_arithmetic3A_880 = arith.shrsi %convert_element_type3A_795, %shift_right_arithmetic3A_879 : vector<16xi32>
        %and3A_881 = arith.constant 384 : i32
        %and3A_882 = vector.broadcast %and3A_881 : i32 to vector<16xi32>
        %and3A_883 = arith.andi %shift_right_arithmetic3A_880, %and3A_882 : vector<16xi32>
        %shift_right_arithmetic3A_884 = arith.constant 3 : i32
        %shift_right_arithmetic3A_885 = vector.broadcast %shift_right_arithmetic3A_884 : i32 to vector<16xi32>
        %shift_right_arithmetic3A_886 = arith.shrsi %convert_element_type3A_801, %shift_right_arithmetic3A_885 : vector<16xi32>
        %and3A_887 = arith.constant 384 : i32
        %and3A_888 = vector.broadcast %and3A_887 : i32 to vector<16xi32>
        %and3A_889 = arith.andi %shift_right_arithmetic3A_886, %and3A_888 : vector<16xi32>
        %add3A_890 = arith.constant 1024 : i32
        %add3A_891 = vector.broadcast %add3A_890 : i32 to vector<16xi32>
        %add3A_892 = arith.addi %add3A_809, %add3A_891 : vector<16xi32>
        %add3A_893 = arith.addi %add3A_892, %and3A_883 : vector<16xi32>
        %gather3A_894 = tpu.vector_load_idx %arg9[%add3A_893] : memref<8192xf32, #tpu.memory_space<vmem>>[vector<16xi32>], vector<16xf32>,
        %add3A_895 = arith.addi %add3A_892, %and3A_883 : vector<16xi32>
        %gather3A_896 = tpu.vector_load_idx %arg10[%add3A_895] : memref<8192xf32, #tpu.memory_space<vmem>>[vector<16xi32>], vector<16xf32>,
        %add3A_897 = arith.addi %add3A_892, %and3A_889 : vector<16xi32>
        %gather3A_898 = tpu.vector_load_idx %arg9[%add3A_897] : memref<8192xf32, #tpu.memory_space<vmem>>[vector<16xi32>], vector<16xf32>,
        %add3A_899 = arith.addi %add3A_892, %and3A_889 : vector<16xi32>
        %gather3A_900 = tpu.vector_load_idx %arg10[%add3A_899] : memref<8192xf32, #tpu.memory_space<vmem>>[vector<16xi32>], vector<16xf32>,
        %add3A_901 = arith.constant 256 : i32
        %add3A_902 = arith.addi %add3A_804, %add3A_901 : i32
        %get3A_903 = arith.index_cast %add3A_902 : i32 to index
        %get3A_904 = tpu.vector_load %arg11[%get3A_903] {strides = array<i32>} : memref<2048xf32, #tpu.memory_space<vmem>>, vector<16xf32>,
        %mul3A_905 = arith.mulf %get3A_904, %gather3A_896 : vector<16xf32>
        %add3A_906 = arith.addf %gather3A_894, %mul3A_905 : vector<16xf32>
        %swap3A_907 = arith.index_cast %add3A_902 : i32 to index
        %swap3A_908 = tpu.vector_load %arg12[%swap3A_907] {strides = array<i32>} : memref<2048xf32, #tpu.memory_space<vmem>>, vector<16xf32>,
        tpu.vector_store %arg12[%swap3A_907], %add3A_906 {strides = array<i32>} : memref<2048xf32, #tpu.memory_space<vmem>>, vector<16xf32>,
        %mul3A_909 = arith.mulf %get3A_904, %gather3A_900 : vector<16xf32>
        %add3A_910 = arith.addf %gather3A_898, %mul3A_909 : vector<16xf32>
        %swap3A_911 = arith.index_cast %add3A_902 : i32 to index
        %swap3A_912 = tpu.vector_load %arg13[%swap3A_911] {strides = array<i32>} : memref<2048xf32, #tpu.memory_space<vmem>>, vector<16xf32>,
        tpu.vector_store %arg13[%swap3A_911], %add3A_910 {strides = array<i32>} : memref<2048xf32, #tpu.memory_space<vmem>>, vector<16xf32>,
        %shift_right_arithmetic3A_913 = arith.constant 1 : i32
        %shift_right_arithmetic3A_914 = vector.broadcast %shift_right_arithmetic3A_913 : i32 to vector<16xi32>
        %shift_right_arithmetic3A_915 = arith.shrsi %convert_element_type3A_795, %shift_right_arithmetic3A_914 : vector<16xi32>
        %and3A_916 = arith.constant 384 : i32
        %and3A_917 = vector.broadcast %and3A_916 : i32 to vector<16xi32>
        %and3A_918 = arith.andi %shift_right_arithmetic3A_915, %and3A_917 : vector<16xi32>
        %shift_right_arithmetic3A_919 = arith.constant 1 : i32
        %shift_right_arithmetic3A_920 = vector.broadcast %shift_right_arithmetic3A_919 : i32 to vector<16xi32>
        %shift_right_arithmetic3A_921 = arith.shrsi %convert_element_type3A_801, %shift_right_arithmetic3A_920 : vector<16xi32>
        %and3A_922 = arith.constant 384 : i32
        %and3A_923 = vector.broadcast %and3A_922 : i32 to vector<16xi32>
        %and3A_924 = arith.andi %shift_right_arithmetic3A_921, %and3A_923 : vector<16xi32>
        %add3A_925 = arith.constant 1536 : i32
        %add3A_926 = vector.broadcast %add3A_925 : i32 to vector<16xi32>
        %add3A_927 = arith.addi %add3A_809, %add3A_926 : vector<16xi32>
        %add3A_928 = arith.addi %add3A_927, %and3A_918 : vector<16xi32>
        %gather3A_929 = tpu.vector_load_idx %arg9[%add3A_928] : memref<8192xf32, #tpu.memory_space<vmem>>[vector<16xi32>], vector<16xf32>,
        %add3A_930 = arith.addi %add3A_927, %and3A_918 : vector<16xi32>
        %gather3A_931 = tpu.vector_load_idx %arg10[%add3A_930] : memref<8192xf32, #tpu.memory_space<vmem>>[vector<16xi32>], vector<16xf32>,
        %add3A_932 = arith.addi %add3A_927, %and3A_924 : vector<16xi32>
        %gather3A_933 = tpu.vector_load_idx %arg9[%add3A_932] : memref<8192xf32, #tpu.memory_space<vmem>>[vector<16xi32>], vector<16xf32>,
        %add3A_934 = arith.addi %add3A_927, %and3A_924 : vector<16xi32>
        %gather3A_935 = tpu.vector_load_idx %arg10[%add3A_934] : memref<8192xf32, #tpu.memory_space<vmem>>[vector<16xi32>], vector<16xf32>,
        %add3A_936 = arith.constant 384 : i32
        %add3A_937 = arith.addi %add3A_804, %add3A_936 : i32
        %get3A_938 = arith.index_cast %add3A_937 : i32 to index
        %get3A_939 = tpu.vector_load %arg11[%get3A_938] {strides = array<i32>} : memref<2048xf32, #tpu.memory_space<vmem>>, vector<16xf32>,
        %mul3A_940 = arith.mulf %get3A_939, %gather3A_931 : vector<16xf32>
        %add3A_941 = arith.addf %gather3A_929, %mul3A_940 : vector<16xf32>
        %swap3A_942 = arith.index_cast %add3A_937 : i32 to index
        %swap3A_943 = tpu.vector_load %arg12[%swap3A_942] {strides = array<i32>} : memref<2048xf32, #tpu.memory_space<vmem>>, vector<16xf32>,
        tpu.vector_store %arg12[%swap3A_942], %add3A_941 {strides = array<i32>} : memref<2048xf32, #tpu.memory_space<vmem>>, vector<16xf32>,
        %mul3A_944 = arith.mulf %get3A_939, %gather3A_935 : vector<16xf32>
        %add3A_945 = arith.addf %gather3A_933, %mul3A_944 : vector<16xf32>
        %swap3A_946 = arith.index_cast %add3A_937 : i32 to index
        %swap3A_947 = tpu.vector_load %arg13[%swap3A_946] {strides = array<i32>} : memref<2048xf32, #tpu.memory_space<vmem>>, vector<16xf32>,
        tpu.vector_store %arg13[%swap3A_946], %add3A_945 {strides = array<i32>} : memref<2048xf32, #tpu.memory_space<vmem>>, vector<16xf32>,
        %shift_left3A = arith.constant 1 : i32
        %shift_left3A_948 = vector.broadcast %shift_left3A : i32 to vector<16xi32>
        %shift_left3A_949 = arith.shli %convert_element_type3A_795, %shift_left3A_948 : vector<16xi32>
        %and3A_950 = arith.constant 384 : i32
        %and3A_951 = vector.broadcast %and3A_950 : i32 to vector<16xi32>
        %and3A_952 = arith.andi %shift_left3A_949, %and3A_951 : vector<16xi32>
        %shift_left3A_953 = arith.constant 1 : i32
        %shift_left3A_954 = vector.broadcast %shift_left3A_953 : i32 to vector<16xi32>
        %shift_left3A_955 = arith.shli %convert_element_type3A_801, %shift_left3A_954 : vector<16xi32>
        %and3A_956 = arith.constant 384 : i32
        %and3A_957 = vector.broadcast %and3A_956 : i32 to vector<16xi32>
        %and3A_958 = arith.andi %shift_left3A_955, %and3A_957 : vector<16xi32>
        %add3A_959 = arith.constant 2048 : i32
        %add3A_960 = vector.broadcast %add3A_959 : i32 to vector<16xi32>
        %add3A_961 = arith.addi %add3A_809, %add3A_960 : vector<16xi32>
        %add3A_962 = arith.addi %add3A_961, %and3A_952 : vector<16xi32>
        %gather3A_963 = tpu.vector_load_idx %arg9[%add3A_962] : memref<8192xf32, #tpu.memory_space<vmem>>[vector<16xi32>], vector<16xf32>,
        %add3A_964 = arith.addi %add3A_961, %and3A_952 : vector<16xi32>
        %gather3A_965 = tpu.vector_load_idx %arg10[%add3A_964] : memref<8192xf32, #tpu.memory_space<vmem>>[vector<16xi32>], vector<16xf32>,
        %add3A_966 = arith.addi %add3A_961, %and3A_958 : vector<16xi32>
        %gather3A_967 = tpu.vector_load_idx %arg9[%add3A_966] : memref<8192xf32, #tpu.memory_space<vmem>>[vector<16xi32>], vector<16xf32>,
        %add3A_968 = arith.addi %add3A_961, %and3A_958 : vector<16xi32>
        %gather3A_969 = tpu.vector_load_idx %arg10[%add3A_968] : memref<8192xf32, #tpu.memory_space<vmem>>[vector<16xi32>], vector<16xf32>,
        %add3A_970 = arith.constant 512 : i32
        %add3A_971 = arith.addi %add3A_804, %add3A_970 : i32
        %get3A_972 = arith.index_cast %add3A_971 : i32 to index
        %get3A_973 = tpu.vector_load %arg11[%get3A_972] {strides = array<i32>} : memref<2048xf32, #tpu.memory_space<vmem>>, vector<16xf32>,
        %mul3A_974 = arith.mulf %get3A_973, %gather3A_965 : vector<16xf32>
        %add3A_975 = arith.addf %gather3A_963, %mul3A_974 : vector<16xf32>
        %swap3A_976 = arith.index_cast %add3A_971 : i32 to index
        %swap3A_977 = tpu.vector_load %arg12[%swap3A_976] {strides = array<i32>} : memref<2048xf32, #tpu.memory_space<vmem>>, vector<16xf32>,
        tpu.vector_store %arg12[%swap3A_976], %add3A_975 {strides = array<i32>} : memref<2048xf32, #tpu.memory_space<vmem>>, vector<16xf32>,
        %mul3A_978 = arith.mulf %get3A_973, %gather3A_969 : vector<16xf32>
        %add3A_979 = arith.addf %gather3A_967, %mul3A_978 : vector<16xf32>
        %swap3A_980 = arith.index_cast %add3A_971 : i32 to index
        %swap3A_981 = tpu.vector_load %arg13[%swap3A_980] {strides = array<i32>} : memref<2048xf32, #tpu.memory_space<vmem>>, vector<16xf32>,
        tpu.vector_store %arg13[%swap3A_980], %add3A_979 {strides = array<i32>} : memref<2048xf32, #tpu.memory_space<vmem>>, vector<16xf32>,
        %shift_left3A_982 = arith.constant 3 : i32
        %shift_left3A_983 = vector.broadcast %shift_left3A_982 : i32 to vector<16xi32>
        %shift_left3A_984 = arith.shli %convert_element_type3A_795, %shift_left3A_983 : vector<16xi32>
        %and3A_985 = arith.constant 384 : i32
        %and3A_986 = vector.broadcast %and3A_985 : i32 to vector<16xi32>
        %and3A_987 = arith.andi %shift_left3A_984, %and3A_986 : vector<16xi32>
        %shift_left3A_988 = arith.constant 3 : i32
        %shift_left3A_989 = vector.broadcast %shift_left3A_988 : i32 to vector<16xi32>
        %shift_left3A_990 = arith.shli %convert_element_type3A_801, %shift_left3A_989 : vector<16xi32>
        %and3A_991 = arith.constant 384 : i32
        %and3A_992 = vector.broadcast %and3A_991 : i32 to vector<16xi32>
        %and3A_993 = arith.andi %shift_left3A_990, %and3A_992 : vector<16xi32>
        %add3A_994 = arith.constant 2560 : i32
        %add3A_995 = vector.broadcast %add3A_994 : i32 to vector<16xi32>
        %add3A_996 = arith.addi %add3A_809, %add3A_995 : vector<16xi32>
        %add3A_997 = arith.addi %add3A_996, %and3A_987 : vector<16xi32>
        %gather3A_998 = tpu.vector_load_idx %arg9[%add3A_997] : memref<8192xf32, #tpu.memory_space<vmem>>[vector<16xi32>], vector<16xf32>,
        %add3A_999 = arith.addi %add3A_996, %and3A_987 : vector<16xi32>
        %gather3A_1000 = tpu.vector_load_idx %arg10[%add3A_999] : memref<8192xf32, #tpu.memory_space<vmem>>[vector<16xi32>], vector<16xf32>,
        %add3A_1001 = arith.addi %add3A_996, %and3A_993 : vector<16xi32>
        %gather3A_1002 = tpu.vector_load_idx %arg9[%add3A_1001] : memref<8192xf32, #tpu.memory_space<vmem>>[vector<16xi32>], vector<16xf32>,
        %add3A_1003 = arith.addi %add3A_996, %and3A_993 : vector<16xi32>
        %gather3A_1004 = tpu.vector_load_idx %arg10[%add3A_1003] : memref<8192xf32, #tpu.memory_space<vmem>>[vector<16xi32>], vector<16xf32>,
        %add3A_1005 = arith.constant 640 : i32
        %add3A_1006 = arith.addi %add3A_804, %add3A_1005 : i32
        %get3A_1007 = arith.index_cast %add3A_1006 : i32 to index
        %get3A_1008 = tpu.vector_load %arg11[%get3A_1007] {strides = array<i32>} : memref<2048xf32, #tpu.memory_space<vmem>>, vector<16xf32>,
        %mul3A_1009 = arith.mulf %get3A_1008, %gather3A_1000 : vector<16xf32>
        %add3A_1010 = arith.addf %gather3A_998, %mul3A_1009 : vector<16xf32>
        %swap3A_1011 = arith.index_cast %add3A_1006 : i32 to index
        %swap3A_1012 = tpu.vector_load %arg12[%swap3A_1011] {strides = array<i32>} : memref<2048xf32, #tpu.memory_space<vmem>>, vector<16xf32>,
        tpu.vector_store %arg12[%swap3A_1011], %add3A_1010 {strides = array<i32>} : memref<2048xf32, #tpu.memory_space<vmem>>, vector<16xf32>,
        %mul3A_1013 = arith.mulf %get3A_1008, %gather3A_1004 : vector<16xf32>
        %add3A_1014 = arith.addf %gather3A_1002, %mul3A_1013 : vector<16xf32>
        %swap3A_1015 = arith.index_cast %add3A_1006 : i32 to index
        %swap3A_1016 = tpu.vector_load %arg13[%swap3A_1015] {strides = array<i32>} : memref<2048xf32, #tpu.memory_space<vmem>>, vector<16xf32>,
        tpu.vector_store %arg13[%swap3A_1015], %add3A_1014 {strides = array<i32>} : memref<2048xf32, #tpu.memory_space<vmem>>, vector<16xf32>,
        %shift_left3A_1017 = arith.constant 5 : i32
        %shift_left3A_1018 = vector.broadcast %shift_left3A_1017 : i32 to vector<16xi32>
        %shift_left3A_1019 = arith.shli %convert_element_type3A_795, %shift_left3A_1018 : vector<16xi32>
        %and3A_1020 = arith.constant 384 : i32
        %and3A_1021 = vector.broadcast %and3A_1020 : i32 to vector<16xi32>
        %and3A_1022 = arith.andi %shift_left3A_1019, %and3A_1021 : vector<16xi32>
        %shift_left3A_1023 = arith.constant 5 : i32
        %shift_left3A_1024 = vector.broadcast %shift_left3A_1023 : i32 to vector<16xi32>
        %shift_left3A_1025 = arith.shli %convert_element_type3A_801, %shift_left3A_1024 : vector<16xi32>
        %and3A_1026 = arith.constant 384 : i32
        %and3A_1027 = vector.broadcast %and3A_1026 : i32 to vector<16xi32>
        %and3A_1028 = arith.andi %shift_left3A_1025, %and3A_1027 : vector<16xi32>
        %add3A_1029 = arith.constant 3072 : i32
        %add3A_1030 = vector.broadcast %add3A_1029 : i32 to vector<16xi32>
        %add3A_1031 = arith.addi %add3A_809, %add3A_1030 : vector<16xi32>
        %add3A_1032 = arith.addi %add3A_1031, %and3A_1022 : vector<16xi32>
        %gather3A_1033 = tpu.vector_load_idx %arg9[%add3A_1032] : memref<8192xf32, #tpu.memory_space<vmem>>[vector<16xi32>], vector<16xf32>,
        %add3A_1034 = arith.addi %add3A_1031, %and3A_1022 : vector<16xi32>
        %gather3A_1035 = tpu.vector_load_idx %arg10[%add3A_1034] : memref<8192xf32, #tpu.memory_space<vmem>>[vector<16xi32>], vector<16xf32>,
        %add3A_1036 = arith.addi %add3A_1031, %and3A_1028 : vector<16xi32>
        %gather3A_1037 = tpu.vector_load_idx %arg9[%add3A_1036] : memref<8192xf32, #tpu.memory_space<vmem>>[vector<16xi32>], vector<16xf32>,
        %add3A_1038 = arith.addi %add3A_1031, %and3A_1028 : vector<16xi32>
        %gather3A_1039 = tpu.vector_load_idx %arg10[%add3A_1038] : memref<8192xf32, #tpu.memory_space<vmem>>[vector<16xi32>], vector<16xf32>,
        %add3A_1040 = arith.constant 768 : i32
        %add3A_1041 = arith.addi %add3A_804, %add3A_1040 : i32
        %get3A_1042 = arith.index_cast %add3A_1041 : i32 to index
        %get3A_1043 = tpu.vector_load %arg11[%get3A_1042] {strides = array<i32>} : memref<2048xf32, #tpu.memory_space<vmem>>, vector<16xf32>,
        %mul3A_1044 = arith.mulf %get3A_1043, %gather3A_1035 : vector<16xf32>
        %add3A_1045 = arith.addf %gather3A_1033, %mul3A_1044 : vector<16xf32>
        %swap3A_1046 = arith.index_cast %add3A_1041 : i32 to index
        %swap3A_1047 = tpu.vector_load %arg12[%swap3A_1046] {strides = array<i32>} : memref<2048xf32, #tpu.memory_space<vmem>>, vector<16xf32>,
        tpu.vector_store %arg12[%swap3A_1046], %add3A_1045 {strides = array<i32>} : memref<2048xf32, #tpu.memory_space<vmem>>, vector<16xf32>,
        %mul3A_1048 = arith.mulf %get3A_1043, %gather3A_1039 : vector<16xf32>
        %add3A_1049 = arith.addf %gather3A_1037, %mul3A_1048 : vector<16xf32>
        %swap3A_1050 = arith.index_cast %add3A_1041 : i32 to index
        %swap3A_1051 = tpu.vector_load %arg13[%swap3A_1050] {strides = array<i32>} : memref<2048xf32, #tpu.memory_space<vmem>>, vector<16xf32>,
        tpu.vector_store %arg13[%swap3A_1050], %add3A_1049 {strides = array<i32>} : memref<2048xf32, #tpu.memory_space<vmem>>, vector<16xf32>,
        %shift_left3A_1052 = arith.constant 7 : i32
        %shift_left3A_1053 = vector.broadcast %shift_left3A_1052 : i32 to vector<16xi32>
        %shift_left3A_1054 = arith.shli %convert_element_type3A_795, %shift_left3A_1053 : vector<16xi32>
        %and3A_1055 = arith.constant 384 : i32
        %and3A_1056 = vector.broadcast %and3A_1055 : i32 to vector<16xi32>
        %and3A_1057 = arith.andi %shift_left3A_1054, %and3A_1056 : vector<16xi32>
        %shift_left3A_1058 = arith.constant 7 : i32
        %shift_left3A_1059 = vector.broadcast %shift_left3A_1058 : i32 to vector<16xi32>
        %shift_left3A_1060 = arith.shli %convert_element_type3A_801, %shift_left3A_1059 : vector<16xi32>
        %and3A_1061 = arith.constant 384 : i32
        %and3A_1062 = vector.broadcast %and3A_1061 : i32 to vector<16xi32>
        %and3A_1063 = arith.andi %shift_left3A_1060, %and3A_1062 : vector<16xi32>
        %add3A_1064 = arith.constant 3584 : i32
        %add3A_1065 = vector.broadcast %add3A_1064 : i32 to vector<16xi32>
        %add3A_1066 = arith.addi %add3A_809, %add3A_1065 : vector<16xi32>
        %add3A_1067 = arith.addi %add3A_1066, %and3A_1057 : vector<16xi32>
        %gather3A_1068 = tpu.vector_load_idx %arg9[%add3A_1067] : memref<8192xf32, #tpu.memory_space<vmem>>[vector<16xi32>], vector<16xf32>,
        %add3A_1069 = arith.addi %add3A_1066, %and3A_1057 : vector<16xi32>
        %gather3A_1070 = tpu.vector_load_idx %arg10[%add3A_1069] : memref<8192xf32, #tpu.memory_space<vmem>>[vector<16xi32>], vector<16xf32>,
        %add3A_1071 = arith.addi %add3A_1066, %and3A_1063 : vector<16xi32>
        %gather3A_1072 = tpu.vector_load_idx %arg9[%add3A_1071] : memref<8192xf32, #tpu.memory_space<vmem>>[vector<16xi32>], vector<16xf32>,
        %add3A_1073 = arith.addi %add3A_1066, %and3A_1063 : vector<16xi32>
        %gather3A_1074 = tpu.vector_load_idx %arg10[%add3A_1073] : memref<8192xf32, #tpu.memory_space<vmem>>[vector<16xi32>], vector<16xf32>,
        %add3A_1075 = arith.constant 896 : i32
        %add3A_1076 = arith.addi %add3A_804, %add3A_1075 : i32
        %get3A_1077 = arith.index_cast %add3A_1076 : i32 to index
        %get3A_1078 = tpu.vector_load %arg11[%get3A_1077] {strides = array<i32>} : memref<2048xf32, #tpu.memory_space<vmem>>, vector<16xf32>,
        %mul3A_1079 = arith.mulf %get3A_1078, %gather3A_1070 : vector<16xf32>
        %add3A_1080 = arith.addf %gather3A_1068, %mul3A_1079 : vector<16xf32>
        %swap3A_1081 = arith.index_cast %add3A_1076 : i32 to index
        %swap3A_1082 = tpu.vector_load %arg12[%swap3A_1081] {strides = array<i32>} : memref<2048xf32, #tpu.memory_space<vmem>>, vector<16xf32>,
        tpu.vector_store %arg12[%swap3A_1081], %add3A_1080 {strides = array<i32>} : memref<2048xf32, #tpu.memory_space<vmem>>, vector<16xf32>,
        %mul3A_1083 = arith.mulf %get3A_1078, %gather3A_1074 : vector<16xf32>
        %add3A_1084 = arith.addf %gather3A_1072, %mul3A_1083 : vector<16xf32>
        %swap3A_1085 = arith.index_cast %add3A_1076 : i32 to index
        %swap3A_1086 = tpu.vector_load %arg13[%swap3A_1085] {strides = array<i32>} : memref<2048xf32, #tpu.memory_space<vmem>>, vector<16xf32>,
        tpu.vector_store %arg13[%swap3A_1085], %add3A_1084 {strides = array<i32>} : memref<2048xf32, #tpu.memory_space<vmem>>, vector<16xf32>,
        %scan3A_1087 = arith.constant 0 : i32
        scf.yield %scan3A_1087 : i32
      }
      %scan3A_415 = arith.constant 16 : i32
      %mul3A_416 = arith.constant 131072 : i32
      %mul3A_417 = arith.muli %add3A, %mul3A_416 : i32
      %mul3A_418 = arith.constant 2048 : i32
      %mul3A_419 = arith.muli %add3A_349, %mul3A_418 : i32
      %add3A_420 = arith.addi %mul3A_417, %mul3A_419 : i32
      %multiple_of3A_421 = tpu.assume_multiple %add3A_420, 2048 : i32
      %add3A_422 = arith.constant 4194304 : i32
      %add3A_423 = arith.addi %add3A_422, %multiple_of3A_421 : i32
      %add3A_424 = arith.constant 4194304 : i32
      %add3A_425 = arith.addi %add3A_424, %multiple_of3A_421 : i32
      %dma_start3A_426 = arith.constant 0 : i32
      %dma_start3A_427 = tpu.memref_slice %arg6[%multiple_of3A_421] : memref<8388608xf32, #tpu.memory_space<hbm>> -> memref<2048xf32, #tpu.memory_space<hbm>>
      %dma_start3A_428 = tpu.memref_slice %arg34[%dma_start3A_426] : memref<4x!tpu.dma_semaphore, #tpu.memory_space<semaphore_mem>> -> memref<1x!tpu.dma_semaphore, #tpu.memory_space<semaphore_mem>>
      %dma_start3A_429 = tpu.memref_squeeze %dma_start3A_428 : memref<1x!tpu.dma_semaphore, #tpu.memory_space<semaphore_mem>> -> memref<!tpu.dma_semaphore, #tpu.memory_space<semaphore_mem>>
      %dma_start3A_430 = tpu.memref_slice %arg6[%multiple_of3A_421] : memref<8388608xf32, #tpu.memory_space<hbm>> -> memref<2048xf32, #tpu.memory_space<hbm>>
      tpu.enqueue_dma source(%arg12 : memref<2048xf32, #tpu.memory_space<vmem>>) target(%dma_start3A_430 : memref<2048xf32, #tpu.memory_space<hbm>>) target_semaphore(%dma_start3A_429 : memref<!tpu.dma_semaphore, #tpu.memory_space<semaphore_mem>>)
      %dma_start3A_431 = arith.constant 0 : i32
      %dma_start3A_432 = tpu.memref_slice %arg6[%add3A_423] : memref<8388608xf32, #tpu.memory_space<hbm>> -> memref<2048xf32, #tpu.memory_space<hbm>>
      %dma_start3A_433 = tpu.memref_slice %arg34[%dma_start3A_431] : memref<4x!tpu.dma_semaphore, #tpu.memory_space<semaphore_mem>> -> memref<1x!tpu.dma_semaphore, #tpu.memory_space<semaphore_mem>>
      %dma_start3A_434 = tpu.memref_squeeze %dma_start3A_433 : memref<1x!tpu.dma_semaphore, #tpu.memory_space<semaphore_mem>> -> memref<!tpu.dma_semaphore, #tpu.memory_space<semaphore_mem>>
      %dma_start3A_435 = tpu.memref_slice %arg6[%add3A_423] : memref<8388608xf32, #tpu.memory_space<hbm>> -> memref<2048xf32, #tpu.memory_space<hbm>>
      tpu.enqueue_dma source(%arg13 : memref<2048xf32, #tpu.memory_space<vmem>>) target(%dma_start3A_435 : memref<2048xf32, #tpu.memory_space<hbm>>) target_semaphore(%dma_start3A_434 : memref<!tpu.dma_semaphore, #tpu.memory_space<semaphore_mem>>)
      %dma_start3A_436 = arith.constant 0 : i32
      %dma_start3A_437 = tpu.memref_slice %arg7[%multiple_of3A_421] : memref<8388608xf32, #tpu.memory_space<hbm>> -> memref<2048xf32, #tpu.memory_space<hbm>>
      %dma_start3A_438 = tpu.memref_slice %arg34[%dma_start3A_436] : memref<4x!tpu.dma_semaphore, #tpu.memory_space<semaphore_mem>> -> memref<1x!tpu.dma_semaphore, #tpu.memory_space<semaphore_mem>>
      %dma_start3A_439 = tpu.memref_squeeze %dma_start3A_438 : memref<1x!tpu.dma_semaphore, #tpu.memory_space<semaphore_mem>> -> memref<!tpu.dma_semaphore, #tpu.memory_space<semaphore_mem>>
      %dma_start3A_440 = tpu.memref_slice %arg7[%multiple_of3A_421] : memref<8388608xf32, #tpu.memory_space<hbm>> -> memref<2048xf32, #tpu.memory_space<hbm>>
      tpu.enqueue_dma source(%arg32 : memref<2048xf32, #tpu.memory_space<vmem>>) target(%dma_start3A_440 : memref<2048xf32, #tpu.memory_space<hbm>>) target_semaphore(%dma_start3A_439 : memref<!tpu.dma_semaphore, #tpu.memory_space<semaphore_mem>>)
      %dma_start3A_441 = arith.constant 0 : i32
      %dma_start3A_442 = tpu.memref_slice %arg7[%add3A_425] : memref<8388608xf32, #tpu.memory_space<hbm>> -> memref<2048xf32, #tpu.memory_space<hbm>>
      %dma_start3A_443 = tpu.memref_slice %arg34[%dma_start3A_441] : memref<4x!tpu.dma_semaphore, #tpu.memory_space<semaphore_mem>> -> memref<1x!tpu.dma_semaphore, #tpu.memory_space<semaphore_mem>>
      %dma_start3A_444 = tpu.memref_squeeze %dma_start3A_443 : memref<1x!tpu.dma_semaphore, #tpu.memory_space<semaphore_mem>> -> memref<!tpu.dma_semaphore, #tpu.memory_space<semaphore_mem>>
      %dma_start3A_445 = tpu.memref_slice %arg7[%add3A_425] : memref<8388608xf32, #tpu.memory_space<hbm>> -> memref<2048xf32, #tpu.memory_space<hbm>>
      tpu.enqueue_dma source(%arg32 : memref<2048xf32, #tpu.memory_space<vmem>>) target(%dma_start3A_445 : memref<2048xf32, #tpu.memory_space<hbm>>) target_semaphore(%dma_start3A_444 : memref<!tpu.dma_semaphore, #tpu.memory_space<semaphore_mem>>)
      %add3A_446 = arith.constant 4 : i32
      %add3A_447 = arith.addi %add3A_349, %add3A_446 : i32
      %lt3A = arith.constant 64 : i32
      %lt3A_448 = arith.cmpi slt, %add3A_447, %lt3A : i32
      %convert_element_type3A_449 = arith.extui %lt3A_448 : i1 to i32
      %cond3A_450 = arith.constant 0 : i32
      %cond3A_451 = arith.cmpi ne, %convert_element_type3A_449, %cond3A_450 : i32
      scf.if %cond3A_451 {
        %add3A_783 = arith.constant 4 : i32
        %add3A_784 = arith.addi %add3A_349, %add3A_783 : i32
        %mul3A_785 = arith.constant 131072 : i32
        %mul3A_786 = arith.muli %add3A, %mul3A_785 : i32
        %mul3A_787 = arith.constant 2048 : i32
        %mul3A_788 = arith.muli %add3A_784, %mul3A_787 : i32
        %add3A_789 = arith.addi %mul3A_786, %mul3A_788 : i32
        %multiple_of3A_790 = tpu.assume_multiple %add3A_789, 2048 : i32
        %jit3A_791 = arith.constant 8 : i32
        %div3A_792 = arith.divsi %multiple_of3A_790, %jit3A_791 : i32
        %sign3A_793 = arith.constant 0 : i32
        %sign3A_794 = arith.cmpi sgt, %multiple_of3A_790, %sign3A_793 : i32
        %sign3A_795 = arith.extui %sign3A_794 : i1 to i32
        %sign3A_796 = arith.constant 0 : i32
        %sign3A_797 = arith.cmpi slt, %multiple_of3A_790, %sign3A_796 : i32
        %sign3A_798 = arith.extui %sign3A_797 : i1 to i32
        %sign3A_799 = arith.subi %sign3A_795, %sign3A_798 : i32
        %sign3A_800 = arith.constant 0 : i32
        %sign3A_801 = arith.cmpi sgt, %jit3A_791, %sign3A_800 : i32
        %sign3A_802 = arith.extui %sign3A_801 : i1 to i32
        %sign3A_803 = arith.constant 0 : i32
        %sign3A_804 = arith.cmpi slt, %jit3A_791, %sign3A_803 : i32
        %sign3A_805 = arith.extui %sign3A_804 : i1 to i32
        %sign3A_806 = arith.subi %sign3A_802, %sign3A_805 : i32
        %ne3A_807 = arith.cmpi ne, %sign3A_799, %sign3A_806 : i32
        %rem3A_808 = arith.remsi %multiple_of3A_790, %jit3A_791 : i32
        %ne3A_809 = arith.constant 0 : i32
        %ne3A_810 = arith.cmpi ne, %rem3A_808, %ne3A_809 : i32
        %and3A_811 = arith.andi %ne3A_807, %ne3A_810 : i1
        %sub3A_812 = arith.constant 1 : i32
        %sub3A_813 = arith.subi %div3A_792, %sub3A_812 : i32
        %select_n3A_814 = arith.select %and3A_811, %sub3A_813, %div3A_792 : i32
        %multiple_of3A_815 = tpu.assume_multiple %select_n3A_814, 256 : i32
        %mul3A_816 = arith.constant 4 : i32
        %mul3A_817 = arith.muli %multiple_of3A_790, %mul3A_816 : i32
        %multiple_of3A_818 = tpu.assume_multiple %mul3A_817, 8192 : i32
        %mul3A_819 = arith.constant 4 : i32
        %mul3A_820 = arith.muli %multiple_of3A_790, %mul3A_819 : i32
        %multiple_of3A_821 = tpu.assume_multiple %mul3A_820, 8192 : i32
        %dma_start3A_822 = arith.constant 0 : i32
        %dma_start3A_823 = tpu.memref_slice %arg2[%multiple_of3A_815] : memref<524288xf32, #tpu.memory_space<hbm>> -> memref<256xf32, #tpu.memory_space<hbm>>
        %dma_start3A_824 = tpu.memref_slice %arg33[%dma_start3A_822] : memref<4x!tpu.dma_semaphore, #tpu.memory_space<semaphore_mem>> -> memref<1x!tpu.dma_semaphore, #tpu.memory_space<semaphore_mem>>
        %dma_start3A_825 = tpu.memref_squeeze %dma_start3A_824 : memref<1x!tpu.dma_semaphore, #tpu.memory_space<semaphore_mem>> -> memref<!tpu.dma_semaphore, #tpu.memory_space<semaphore_mem>>
        %dma_start3A_826 = tpu.memref_slice %arg2[%multiple_of3A_815] : memref<524288xf32, #tpu.memory_space<hbm>> -> memref<256xf32, #tpu.memory_space<hbm>>
        tpu.enqueue_dma source(%dma_start3A_826 : memref<256xf32, #tpu.memory_space<hbm>>) target(%arg8 : memref<256xf32, #tpu.memory_space<vmem>>) target_semaphore(%dma_start3A_825 : memref<!tpu.dma_semaphore, #tpu.memory_space<semaphore_mem>>)
        %dma_start3A_827 = arith.constant 0 : i32
        %dma_start3A_828 = tpu.memref_slice %arg3[%multiple_of3A_818] : memref<16777216xf32, #tpu.memory_space<hbm>> -> memref<8192xf32, #tpu.memory_space<hbm>>
        %dma_start3A_829 = tpu.memref_slice %arg33[%dma_start3A_827] : memref<4x!tpu.dma_semaphore, #tpu.memory_space<semaphore_mem>> -> memref<1x!tpu.dma_semaphore, #tpu.memory_space<semaphore_mem>>
        %dma_start3A_830 = tpu.memref_squeeze %dma_start3A_829 : memref<1x!tpu.dma_semaphore, #tpu.memory_space<semaphore_mem>> -> memref<!tpu.dma_semaphore, #tpu.memory_space<semaphore_mem>>
        %dma_start3A_831 = tpu.memref_slice %arg3[%multiple_of3A_818] : memref<16777216xf32, #tpu.memory_space<hbm>> -> memref<8192xf32, #tpu.memory_space<hbm>>
        tpu.enqueue_dma source(%dma_start3A_831 : memref<8192xf32, #tpu.memory_space<hbm>>) target(%arg9 : memref<8192xf32, #tpu.memory_space<vmem>>) target_semaphore(%dma_start3A_830 : memref<!tpu.dma_semaphore, #tpu.memory_space<semaphore_mem>>)
        %dma_start3A_832 = arith.constant 0 : i32
        %dma_start3A_833 = tpu.memref_slice %arg4[%multiple_of3A_821] : memref<16777216xf32, #tpu.memory_space<hbm>> -> memref<8192xf32, #tpu.memory_space<hbm>>
        %dma_start3A_834 = tpu.memref_slice %arg33[%dma_start3A_832] : memref<4x!tpu.dma_semaphore, #tpu.memory_space<semaphore_mem>> -> memref<1x!tpu.dma_semaphore, #tpu.memory_space<semaphore_mem>>
        %dma_start3A_835 = tpu.memref_squeeze %dma_start3A_834 : memref<1x!tpu.dma_semaphore, #tpu.memory_space<semaphore_mem>> -> memref<!tpu.dma_semaphore, #tpu.memory_space<semaphore_mem>>
        %dma_start3A_836 = tpu.memref_slice %arg4[%multiple_of3A_821] : memref<16777216xf32, #tpu.memory_space<hbm>> -> memref<8192xf32, #tpu.memory_space<hbm>>
        tpu.enqueue_dma source(%dma_start3A_836 : memref<8192xf32, #tpu.memory_space<hbm>>) target(%arg10 : memref<8192xf32, #tpu.memory_space<vmem>>) target_semaphore(%dma_start3A_835 : memref<!tpu.dma_semaphore, #tpu.memory_space<semaphore_mem>>)
        %dma_start3A_837 = arith.constant 0 : i32
        %dma_start3A_838 = tpu.memref_slice %arg5[%multiple_of3A_790] : memref<4194304xf32, #tpu.memory_space<hbm>> -> memref<2048xf32, #tpu.memory_space<hbm>>
        %dma_start3A_839 = tpu.memref_slice %arg33[%dma_start3A_837] : memref<4x!tpu.dma_semaphore, #tpu.memory_space<semaphore_mem>> -> memref<1x!tpu.dma_semaphore, #tpu.memory_space<semaphore_mem>>
        %dma_start3A_840 = tpu.memref_squeeze %dma_start3A_839 : memref<1x!tpu.dma_semaphore, #tpu.memory_space<semaphore_mem>> -> memref<!tpu.dma_semaphore, #tpu.memory_space<semaphore_mem>>
        %dma_start3A_841 = tpu.memref_slice %arg5[%multiple_of3A_790] : memref<4194304xf32, #tpu.memory_space<hbm>> -> memref<2048xf32, #tpu.memory_space<hbm>>
        tpu.enqueue_dma source(%dma_start3A_841 : memref<2048xf32, #tpu.memory_space<hbm>>) target(%arg11 : memref<2048xf32, #tpu.memory_space<vmem>>) target_semaphore(%dma_start3A_840 : memref<!tpu.dma_semaphore, #tpu.memory_space<semaphore_mem>>)
      } else {
      }
      %mul3A_452 = arith.constant 4 : i32
      %mul3A_453 = arith.muli %scan3A_344, %mul3A_452 : i32
      %add3A_454 = arith.constant 1 : i32
      %add3A_455 = arith.addi %mul3A_453, %add3A_454 : i32
      %mul3A_456 = arith.constant 131072 : i32
      %mul3A_457 = arith.muli %add3A, %mul3A_456 : i32
      %mul3A_458 = arith.constant 2048 : i32
      %mul3A_459 = arith.muli %add3A_455, %mul3A_458 : i32
      %add3A_460 = arith.addi %mul3A_457, %mul3A_459 : i32
      %multiple_of3A_461 = tpu.assume_multiple %add3A_460, 2048 : i32
      %jit3A_462 = arith.constant 8 : i32
      %div3A_463 = arith.divsi %multiple_of3A_461, %jit3A_462 : i32
      %sign3A_464 = arith.constant 0 : i32
      %sign3A_465 = arith.cmpi sgt, %multiple_of3A_461, %sign3A_464 : i32
      %sign3A_466 = arith.extui %sign3A_465 : i1 to i32
      %sign3A_467 = arith.constant 0 : i32
      %sign3A_468 = arith.cmpi slt, %multiple_of3A_461, %sign3A_467 : i32
      %sign3A_469 = arith.extui %sign3A_468 : i1 to i32
      %sign3A_470 = arith.subi %sign3A_466, %sign3A_469 : i32
      %sign3A_471 = arith.constant 0 : i32
      %sign3A_472 = arith.cmpi sgt, %jit3A_462, %sign3A_471 : i32
      %sign3A_473 = arith.extui %sign3A_472 : i1 to i32
      %sign3A_474 = arith.constant 0 : i32
      %sign3A_475 = arith.cmpi slt, %jit3A_462, %sign3A_474 : i32
      %sign3A_476 = arith.extui %sign3A_475 : i1 to i32
      %sign3A_477 = arith.subi %sign3A_473, %sign3A_476 : i32
      %ne3A_478 = arith.cmpi ne, %sign3A_470, %sign3A_477 : i32
      %rem3A_479 = arith.remsi %multiple_of3A_461, %jit3A_462 : i32
      %ne3A_480 = arith.constant 0 : i32
      %ne3A_481 = arith.cmpi ne, %rem3A_479, %ne3A_480 : i32
      %and3A_482 = arith.andi %ne3A_478, %ne3A_481 : i1
      %sub3A_483 = arith.constant 1 : i32
      %sub3A_484 = arith.subi %div3A_463, %sub3A_483 : i32
      %select_n3A_485 = arith.select %and3A_482, %sub3A_484, %div3A_463 : i32
      %multiple_of3A_486 = tpu.assume_multiple %select_n3A_485, 256 : i32
      %mul3A_487 = arith.constant 4 : i32
      %mul3A_488 = arith.muli %multiple_of3A_461, %mul3A_487 : i32
      %multiple_of3A_489 = tpu.assume_multiple %mul3A_488, 8192 : i32
      %mul3A_490 = arith.constant 4 : i32
      %mul3A_491 = arith.muli %multiple_of3A_461, %mul3A_490 : i32
      %multiple_of3A_492 = tpu.assume_multiple %mul3A_491, 8192 : i32
      %dma_wait3A_493 = arith.constant 1 : i32
      %dma_wait3A_494 = tpu.memref_slice %arg2[%multiple_of3A_486] : memref<524288xf32, #tpu.memory_space<hbm>> -> memref<256xf32, #tpu.memory_space<hbm>>
      %dma_wait3A_495 = tpu.memref_slice %arg33[%dma_wait3A_493] : memref<4x!tpu.dma_semaphore, #tpu.memory_space<semaphore_mem>> -> memref<1x!tpu.dma_semaphore, #tpu.memory_space<semaphore_mem>>
      %dma_wait3A_496 = tpu.memref_squeeze %dma_wait3A_495 : memref<1x!tpu.dma_semaphore, #tpu.memory_space<semaphore_mem>> -> memref<!tpu.dma_semaphore, #tpu.memory_space<semaphore_mem>>
      %dma_wait3A_497 = tpu.memref_slice %arg2[%multiple_of3A_486] : memref<524288xf32, #tpu.memory_space<hbm>> -> memref<256xf32, #tpu.memory_space<hbm>>
      tpu.wait_dma2 semaphore(%dma_wait3A_496 : memref<!tpu.dma_semaphore, #tpu.memory_space<semaphore_mem>>) src(%dma_wait3A_497 : memref<256xf32, #tpu.memory_space<hbm>>) dst(%arg14 : memref<256xf32, #tpu.memory_space<vmem>>)
      %dma_wait3A_498 = arith.constant 1 : i32
      %dma_wait3A_499 = tpu.memref_slice %arg3[%multiple_of3A_489] : memref<16777216xf32, #tpu.memory_space<hbm>> -> memref<8192xf32, #tpu.memory_space<hbm>>
      %dma_wait3A_500 = tpu.memref_slice %arg33[%dma_wait3A_498] : memref<4x!tpu.dma_semaphore, #tpu.memory_space<semaphore_mem>> -> memref<1x!tpu.dma_semaphore, #tpu.memory_space<semaphore_mem>>
      %dma_wait3A_501 = tpu.memref_squeeze %dma_wait3A_500 : memref<1x!tpu.dma_semaphore, #tpu.memory_space<semaphore_mem>> -> memref<!tpu.dma_semaphore, #tpu.memory_space<semaphore_mem>>
      %dma_wait3A_502 = tpu.memref_slice %arg3[%multiple_of3A_489] : memref<16777216xf32, #tpu.memory_space<hbm>> -> memref<8192xf32, #tpu.memory_space<hbm>>
      tpu.wait_dma2 semaphore(%dma_wait3A_501 : memref<!tpu.dma_semaphore, #tpu.memory_space<semaphore_mem>>) src(%dma_wait3A_502 : memref<8192xf32, #tpu.memory_space<hbm>>) dst(%arg15 : memref<8192xf32, #tpu.memory_space<vmem>>)
      %dma_wait3A_503 = arith.constant 1 : i32
      %dma_wait3A_504 = tpu.memref_slice %arg4[%multiple_of3A_492] : memref<16777216xf32, #tpu.memory_space<hbm>> -> memref<8192xf32, #tpu.memory_space<hbm>>
      %dma_wait3A_505 = tpu.memref_slice %arg33[%dma_wait3A_503] : memref<4x!tpu.dma_semaphore, #tpu.memory_space<semaphore_mem>> -> memref<1x!tpu.dma_semaphore, #tpu.memory_space<semaphore_mem>>
      %dma_wait3A_506 = tpu.memref_squeeze %dma_wait3A_505 : memref<1x!tpu.dma_semaphore, #tpu.memory_space<semaphore_mem>> -> memref<!tpu.dma_semaphore, #tpu.memory_space<semaphore_mem>>
      %dma_wait3A_507 = tpu.memref_slice %arg4[%multiple_of3A_492] : memref<16777216xf32, #tpu.memory_space<hbm>> -> memref<8192xf32, #tpu.memory_space<hbm>>
      tpu.wait_dma2 semaphore(%dma_wait3A_506 : memref<!tpu.dma_semaphore, #tpu.memory_space<semaphore_mem>>) src(%dma_wait3A_507 : memref<8192xf32, #tpu.memory_space<hbm>>) dst(%arg16 : memref<8192xf32, #tpu.memory_space<vmem>>)
      %dma_wait3A_508 = arith.constant 1 : i32
      %dma_wait3A_509 = tpu.memref_slice %arg5[%multiple_of3A_461] : memref<4194304xf32, #tpu.memory_space<hbm>> -> memref<2048xf32, #tpu.memory_space<hbm>>
      %dma_wait3A_510 = tpu.memref_slice %arg33[%dma_wait3A_508] : memref<4x!tpu.dma_semaphore, #tpu.memory_space<semaphore_mem>> -> memref<1x!tpu.dma_semaphore, #tpu.memory_space<semaphore_mem>>
      %dma_wait3A_511 = tpu.memref_squeeze %dma_wait3A_510 : memref<1x!tpu.dma_semaphore, #tpu.memory_space<semaphore_mem>> -> memref<!tpu.dma_semaphore, #tpu.memory_space<semaphore_mem>>
      %dma_wait3A_512 = tpu.memref_slice %arg5[%multiple_of3A_461] : memref<4194304xf32, #tpu.memory_space<hbm>> -> memref<2048xf32, #tpu.memory_space<hbm>>
      tpu.wait_dma2 semaphore(%dma_wait3A_511 : memref<!tpu.dma_semaphore, #tpu.memory_space<semaphore_mem>>) src(%dma_wait3A_512 : memref<2048xf32, #tpu.memory_space<hbm>>) dst(%arg17 : memref<2048xf32, #tpu.memory_space<vmem>>)
      %ge3A_513 = arith.constant 4 : i32
      %ge3A_514 = arith.cmpi sge, %add3A_455, %ge3A_513 : i32
      %convert_element_type3A_515 = arith.extui %ge3A_514 : i1 to i32
      %cond3A_516 = arith.constant 0 : i32
      %cond3A_517 = arith.cmpi ne, %convert_element_type3A_515, %cond3A_516 : i32
      scf.if %cond3A_517 {
        %sub3A_783 = arith.constant 4 : i32
        %sub3A_784 = arith.subi %add3A_455, %sub3A_783 : i32
        %mul3A_785 = arith.constant 131072 : i32
        %mul3A_786 = arith.muli %add3A, %mul3A_785 : i32
        %mul3A_787 = arith.constant 2048 : i32
        %mul3A_788 = arith.muli %sub3A_784, %mul3A_787 : i32
        %add3A_789 = arith.addi %mul3A_786, %mul3A_788 : i32
        %multiple_of3A_790 = tpu.assume_multiple %add3A_789, 2048 : i32
        %add3A_791 = arith.constant 4194304 : i32
        %add3A_792 = arith.addi %add3A_791, %multiple_of3A_790 : i32
        %add3A_793 = arith.constant 4194304 : i32
        %add3A_794 = arith.addi %add3A_793, %multiple_of3A_790 : i32
        %dma_wait3A_795 = arith.constant 1 : i32
        %dma_wait3A_796 = tpu.memref_slice %arg6[%multiple_of3A_790] : memref<8388608xf32, #tpu.memory_space<hbm>> -> memref<2048xf32, #tpu.memory_space<hbm>>
        %dma_wait3A_797 = tpu.memref_slice %arg34[%dma_wait3A_795] : memref<4x!tpu.dma_semaphore, #tpu.memory_space<semaphore_mem>> -> memref<1x!tpu.dma_semaphore, #tpu.memory_space<semaphore_mem>>
        %dma_wait3A_798 = tpu.memref_squeeze %dma_wait3A_797 : memref<1x!tpu.dma_semaphore, #tpu.memory_space<semaphore_mem>> -> memref<!tpu.dma_semaphore, #tpu.memory_space<semaphore_mem>>
        %dma_wait3A_799 = tpu.memref_slice %arg6[%multiple_of3A_790] : memref<8388608xf32, #tpu.memory_space<hbm>> -> memref<2048xf32, #tpu.memory_space<hbm>>
        tpu.wait_dma2 semaphore(%dma_wait3A_798 : memref<!tpu.dma_semaphore, #tpu.memory_space<semaphore_mem>>) src(%arg18 : memref<2048xf32, #tpu.memory_space<vmem>>) dst(%dma_wait3A_799 : memref<2048xf32, #tpu.memory_space<hbm>>)
        %dma_wait3A_800 = arith.constant 1 : i32
        %dma_wait3A_801 = tpu.memref_slice %arg6[%add3A_792] : memref<8388608xf32, #tpu.memory_space<hbm>> -> memref<2048xf32, #tpu.memory_space<hbm>>
        %dma_wait3A_802 = tpu.memref_slice %arg34[%dma_wait3A_800] : memref<4x!tpu.dma_semaphore, #tpu.memory_space<semaphore_mem>> -> memref<1x!tpu.dma_semaphore, #tpu.memory_space<semaphore_mem>>
        %dma_wait3A_803 = tpu.memref_squeeze %dma_wait3A_802 : memref<1x!tpu.dma_semaphore, #tpu.memory_space<semaphore_mem>> -> memref<!tpu.dma_semaphore, #tpu.memory_space<semaphore_mem>>
        %dma_wait3A_804 = tpu.memref_slice %arg6[%add3A_792] : memref<8388608xf32, #tpu.memory_space<hbm>> -> memref<2048xf32, #tpu.memory_space<hbm>>
        tpu.wait_dma2 semaphore(%dma_wait3A_803 : memref<!tpu.dma_semaphore, #tpu.memory_space<semaphore_mem>>) src(%arg19 : memref<2048xf32, #tpu.memory_space<vmem>>) dst(%dma_wait3A_804 : memref<2048xf32, #tpu.memory_space<hbm>>)
        %dma_wait3A_805 = arith.constant 1 : i32
        %dma_wait3A_806 = tpu.memref_slice %arg7[%multiple_of3A_790] : memref<8388608xf32, #tpu.memory_space<hbm>> -> memref<2048xf32, #tpu.memory_space<hbm>>
        %dma_wait3A_807 = tpu.memref_slice %arg34[%dma_wait3A_805] : memref<4x!tpu.dma_semaphore, #tpu.memory_space<semaphore_mem>> -> memref<1x!tpu.dma_semaphore, #tpu.memory_space<semaphore_mem>>
        %dma_wait3A_808 = tpu.memref_squeeze %dma_wait3A_807 : memref<1x!tpu.dma_semaphore, #tpu.memory_space<semaphore_mem>> -> memref<!tpu.dma_semaphore, #tpu.memory_space<semaphore_mem>>
        %dma_wait3A_809 = tpu.memref_slice %arg7[%multiple_of3A_790] : memref<8388608xf32, #tpu.memory_space<hbm>> -> memref<2048xf32, #tpu.memory_space<hbm>>
        tpu.wait_dma2 semaphore(%dma_wait3A_808 : memref<!tpu.dma_semaphore, #tpu.memory_space<semaphore_mem>>) src(%arg32 : memref<2048xf32, #tpu.memory_space<vmem>>) dst(%dma_wait3A_809 : memref<2048xf32, #tpu.memory_space<hbm>>)
        %dma_wait3A_810 = arith.constant 1 : i32
        %dma_wait3A_811 = tpu.memref_slice %arg7[%add3A_794] : memref<8388608xf32, #tpu.memory_space<hbm>> -> memref<2048xf32, #tpu.memory_space<hbm>>
        %dma_wait3A_812 = tpu.memref_slice %arg34[%dma_wait3A_810] : memref<4x!tpu.dma_semaphore, #tpu.memory_space<semaphore_mem>> -> memref<1x!tpu.dma_semaphore, #tpu.memory_space<semaphore_mem>>
        %dma_wait3A_813 = tpu.memref_squeeze %dma_wait3A_812 : memref<1x!tpu.dma_semaphore, #tpu.memory_space<semaphore_mem>> -> memref<!tpu.dma_semaphore, #tpu.memory_space<semaphore_mem>>
        %dma_wait3A_814 = tpu.memref_slice %arg7[%add3A_794] : memref<8388608xf32, #tpu.memory_space<hbm>> -> memref<2048xf32, #tpu.memory_space<hbm>>
        tpu.wait_dma2 semaphore(%dma_wait3A_813 : memref<!tpu.dma_semaphore, #tpu.memory_space<semaphore_mem>>) src(%arg32 : memref<2048xf32, #tpu.memory_space<vmem>>) dst(%dma_wait3A_814 : memref<2048xf32, #tpu.memory_space<hbm>>)
      } else {
      }
      %scan3A_518 = arith.constant 0 : i32
      %scan3A_519 = arith.constant 0 : i32
      %scan3A_520 = arith.constant 16 : i32
      %scan3A_521 = arith.addi %scan3A_519, %scan3A_520 : i32
      %scan3A_522 = arith.constant 1 : i32
      %scan3A_523 = scf.for %scan3A_783 = %scan3A_519 to %scan3A_521 step %scan3A_522 iter_args(%scan3A_784 = %scan3A_518) -> (i32)  : i32 {
        %shift_right_arithmetic3A = arith.constant 3 : i32
        %shift_right_arithmetic3A_785 = arith.shrsi %scan3A_783, %shift_right_arithmetic3A : i32
        %and3A_786 = arith.constant 7 : i32
        %and3A_787 = arith.andi %scan3A_783, %and3A_786 : i32
        %mul3A_788 = arith.constant 16 : i32
        %mul3A_789 = arith.muli %and3A_787, %mul3A_788 : i32
        %mul3A_790 = arith.constant 16 : i32
        %mul3A_791 = arith.muli %scan3A_783, %mul3A_790 : i32
        %get3A = arith.index_cast %mul3A_791 : i32 to index
        %get3A_792 = tpu.vector_load %arg14[%get3A] {strides = array<i32>} : memref<256xf32, #tpu.memory_space<vmem>>, vector<16xf32>,
        %max3A = arith.constant 0.000000e+00 : f32
        %max3A_793 = vector.broadcast %max3A : f32 to vector<16xf32>
        %max3A_794 = arith.maximumf %get3A_792, %max3A_793 : vector<16xf32>
        %convert_element_type3A_795 = arith.fptosi %max3A_794 : vector<16xf32> to vector<16xi32>
        %neg3A = arith.constant 0.000000e+00 : f32
        %neg3A_796 = vector.broadcast %neg3A : f32 to vector<16xf32>
        %neg3A_797 = arith.subf %neg3A_796, %get3A_792 : vector<16xf32>
        %max3A_798 = arith.constant 0.000000e+00 : f32
        %max3A_799 = vector.broadcast %max3A_798 : f32 to vector<16xf32>
        %max3A_800 = arith.maximumf %neg3A_797, %max3A_799 : vector<16xf32>
        %convert_element_type3A_801 = arith.fptosi %max3A_800 : vector<16xf32> to vector<16xi32>
        %mul3A_802 = arith.constant 1024 : i32
        %mul3A_803 = arith.muli %shift_right_arithmetic3A_785, %mul3A_802 : i32
        %add3A_804 = arith.addi %mul3A_803, %mul3A_789 : i32
        %mul3A_805 = arith.constant 4096 : i32
        %mul3A_806 = arith.muli %shift_right_arithmetic3A_785, %mul3A_805 : i32
        %add3A_807 = arith.addi %mul3A_806, %mul3A_789 : i32
        %add3A_808 = vector.broadcast %add3A_807 : i32 to vector<16xi32>
        %add3A_809 = arith.addi %add3A_808, %iota3A : vector<16xi32>
        %shift_right_arithmetic3A_810 = arith.constant 7 : i32
        %shift_right_arithmetic3A_811 = vector.broadcast %shift_right_arithmetic3A_810 : i32 to vector<16xi32>
        %shift_right_arithmetic3A_812 = arith.shrsi %convert_element_type3A_795, %shift_right_arithmetic3A_811 : vector<16xi32>
        %and3A_813 = arith.constant 384 : i32
        %and3A_814 = vector.broadcast %and3A_813 : i32 to vector<16xi32>
        %and3A_815 = arith.andi %shift_right_arithmetic3A_812, %and3A_814 : vector<16xi32>
        %shift_right_arithmetic3A_816 = arith.constant 7 : i32
        %shift_right_arithmetic3A_817 = vector.broadcast %shift_right_arithmetic3A_816 : i32 to vector<16xi32>
        %shift_right_arithmetic3A_818 = arith.shrsi %convert_element_type3A_801, %shift_right_arithmetic3A_817 : vector<16xi32>
        %and3A_819 = arith.constant 384 : i32
        %and3A_820 = vector.broadcast %and3A_819 : i32 to vector<16xi32>
        %and3A_821 = arith.andi %shift_right_arithmetic3A_818, %and3A_820 : vector<16xi32>
        %add3A_822 = arith.constant 0 : i32
        %add3A_823 = vector.broadcast %add3A_822 : i32 to vector<16xi32>
        %add3A_824 = arith.addi %add3A_809, %add3A_823 : vector<16xi32>
        %add3A_825 = arith.addi %add3A_824, %and3A_815 : vector<16xi32>
        %gather3A = tpu.vector_load_idx %arg15[%add3A_825] : memref<8192xf32, #tpu.memory_space<vmem>>[vector<16xi32>], vector<16xf32>,
        %add3A_826 = arith.addi %add3A_824, %and3A_815 : vector<16xi32>
        %gather3A_827 = tpu.vector_load_idx %arg16[%add3A_826] : memref<8192xf32, #tpu.memory_space<vmem>>[vector<16xi32>], vector<16xf32>,
        %add3A_828 = arith.addi %add3A_824, %and3A_821 : vector<16xi32>
        %gather3A_829 = tpu.vector_load_idx %arg15[%add3A_828] : memref<8192xf32, #tpu.memory_space<vmem>>[vector<16xi32>], vector<16xf32>,
        %add3A_830 = arith.addi %add3A_824, %and3A_821 : vector<16xi32>
        %gather3A_831 = tpu.vector_load_idx %arg16[%add3A_830] : memref<8192xf32, #tpu.memory_space<vmem>>[vector<16xi32>], vector<16xf32>,
        %add3A_832 = arith.constant 0 : i32
        %add3A_833 = arith.addi %add3A_804, %add3A_832 : i32
        %get3A_834 = arith.index_cast %add3A_833 : i32 to index
        %get3A_835 = tpu.vector_load %arg17[%get3A_834] {strides = array<i32>} : memref<2048xf32, #tpu.memory_space<vmem>>, vector<16xf32>,
        %mul3A_836 = arith.mulf %get3A_835, %gather3A_827 : vector<16xf32>
        %add3A_837 = arith.addf %gather3A, %mul3A_836 : vector<16xf32>
        %swap3A = arith.index_cast %add3A_833 : i32 to index
        %swap3A_838 = tpu.vector_load %arg18[%swap3A] {strides = array<i32>} : memref<2048xf32, #tpu.memory_space<vmem>>, vector<16xf32>,
        tpu.vector_store %arg18[%swap3A], %add3A_837 {strides = array<i32>} : memref<2048xf32, #tpu.memory_space<vmem>>, vector<16xf32>,
        %mul3A_839 = arith.mulf %get3A_835, %gather3A_831 : vector<16xf32>
        %add3A_840 = arith.addf %gather3A_829, %mul3A_839 : vector<16xf32>
        %swap3A_841 = arith.index_cast %add3A_833 : i32 to index
        %swap3A_842 = tpu.vector_load %arg19[%swap3A_841] {strides = array<i32>} : memref<2048xf32, #tpu.memory_space<vmem>>, vector<16xf32>,
        tpu.vector_store %arg19[%swap3A_841], %add3A_840 {strides = array<i32>} : memref<2048xf32, #tpu.memory_space<vmem>>, vector<16xf32>,
        %shift_right_arithmetic3A_843 = arith.constant 5 : i32
        %shift_right_arithmetic3A_844 = vector.broadcast %shift_right_arithmetic3A_843 : i32 to vector<16xi32>
        %shift_right_arithmetic3A_845 = arith.shrsi %convert_element_type3A_795, %shift_right_arithmetic3A_844 : vector<16xi32>
        %and3A_846 = arith.constant 384 : i32
        %and3A_847 = vector.broadcast %and3A_846 : i32 to vector<16xi32>
        %and3A_848 = arith.andi %shift_right_arithmetic3A_845, %and3A_847 : vector<16xi32>
        %shift_right_arithmetic3A_849 = arith.constant 5 : i32
        %shift_right_arithmetic3A_850 = vector.broadcast %shift_right_arithmetic3A_849 : i32 to vector<16xi32>
        %shift_right_arithmetic3A_851 = arith.shrsi %convert_element_type3A_801, %shift_right_arithmetic3A_850 : vector<16xi32>
        %and3A_852 = arith.constant 384 : i32
        %and3A_853 = vector.broadcast %and3A_852 : i32 to vector<16xi32>
        %and3A_854 = arith.andi %shift_right_arithmetic3A_851, %and3A_853 : vector<16xi32>
        %add3A_855 = arith.constant 512 : i32
        %add3A_856 = vector.broadcast %add3A_855 : i32 to vector<16xi32>
        %add3A_857 = arith.addi %add3A_809, %add3A_856 : vector<16xi32>
        %add3A_858 = arith.addi %add3A_857, %and3A_848 : vector<16xi32>
        %gather3A_859 = tpu.vector_load_idx %arg15[%add3A_858] : memref<8192xf32, #tpu.memory_space<vmem>>[vector<16xi32>], vector<16xf32>,
        %add3A_860 = arith.addi %add3A_857, %and3A_848 : vector<16xi32>
        %gather3A_861 = tpu.vector_load_idx %arg16[%add3A_860] : memref<8192xf32, #tpu.memory_space<vmem>>[vector<16xi32>], vector<16xf32>,
        %add3A_862 = arith.addi %add3A_857, %and3A_854 : vector<16xi32>
        %gather3A_863 = tpu.vector_load_idx %arg15[%add3A_862] : memref<8192xf32, #tpu.memory_space<vmem>>[vector<16xi32>], vector<16xf32>,
        %add3A_864 = arith.addi %add3A_857, %and3A_854 : vector<16xi32>
        %gather3A_865 = tpu.vector_load_idx %arg16[%add3A_864] : memref<8192xf32, #tpu.memory_space<vmem>>[vector<16xi32>], vector<16xf32>,
        %add3A_866 = arith.constant 128 : i32
        %add3A_867 = arith.addi %add3A_804, %add3A_866 : i32
        %get3A_868 = arith.index_cast %add3A_867 : i32 to index
        %get3A_869 = tpu.vector_load %arg17[%get3A_868] {strides = array<i32>} : memref<2048xf32, #tpu.memory_space<vmem>>, vector<16xf32>,
        %mul3A_870 = arith.mulf %get3A_869, %gather3A_861 : vector<16xf32>
        %add3A_871 = arith.addf %gather3A_859, %mul3A_870 : vector<16xf32>
        %swap3A_872 = arith.index_cast %add3A_867 : i32 to index
        %swap3A_873 = tpu.vector_load %arg18[%swap3A_872] {strides = array<i32>} : memref<2048xf32, #tpu.memory_space<vmem>>, vector<16xf32>,
        tpu.vector_store %arg18[%swap3A_872], %add3A_871 {strides = array<i32>} : memref<2048xf32, #tpu.memory_space<vmem>>, vector<16xf32>,
        %mul3A_874 = arith.mulf %get3A_869, %gather3A_865 : vector<16xf32>
        %add3A_875 = arith.addf %gather3A_863, %mul3A_874 : vector<16xf32>
        %swap3A_876 = arith.index_cast %add3A_867 : i32 to index
        %swap3A_877 = tpu.vector_load %arg19[%swap3A_876] {strides = array<i32>} : memref<2048xf32, #tpu.memory_space<vmem>>, vector<16xf32>,
        tpu.vector_store %arg19[%swap3A_876], %add3A_875 {strides = array<i32>} : memref<2048xf32, #tpu.memory_space<vmem>>, vector<16xf32>,
        %shift_right_arithmetic3A_878 = arith.constant 3 : i32
        %shift_right_arithmetic3A_879 = vector.broadcast %shift_right_arithmetic3A_878 : i32 to vector<16xi32>
        %shift_right_arithmetic3A_880 = arith.shrsi %convert_element_type3A_795, %shift_right_arithmetic3A_879 : vector<16xi32>
        %and3A_881 = arith.constant 384 : i32
        %and3A_882 = vector.broadcast %and3A_881 : i32 to vector<16xi32>
        %and3A_883 = arith.andi %shift_right_arithmetic3A_880, %and3A_882 : vector<16xi32>
        %shift_right_arithmetic3A_884 = arith.constant 3 : i32
        %shift_right_arithmetic3A_885 = vector.broadcast %shift_right_arithmetic3A_884 : i32 to vector<16xi32>
        %shift_right_arithmetic3A_886 = arith.shrsi %convert_element_type3A_801, %shift_right_arithmetic3A_885 : vector<16xi32>
        %and3A_887 = arith.constant 384 : i32
        %and3A_888 = vector.broadcast %and3A_887 : i32 to vector<16xi32>
        %and3A_889 = arith.andi %shift_right_arithmetic3A_886, %and3A_888 : vector<16xi32>
        %add3A_890 = arith.constant 1024 : i32
        %add3A_891 = vector.broadcast %add3A_890 : i32 to vector<16xi32>
        %add3A_892 = arith.addi %add3A_809, %add3A_891 : vector<16xi32>
        %add3A_893 = arith.addi %add3A_892, %and3A_883 : vector<16xi32>
        %gather3A_894 = tpu.vector_load_idx %arg15[%add3A_893] : memref<8192xf32, #tpu.memory_space<vmem>>[vector<16xi32>], vector<16xf32>,
        %add3A_895 = arith.addi %add3A_892, %and3A_883 : vector<16xi32>
        %gather3A_896 = tpu.vector_load_idx %arg16[%add3A_895] : memref<8192xf32, #tpu.memory_space<vmem>>[vector<16xi32>], vector<16xf32>,
        %add3A_897 = arith.addi %add3A_892, %and3A_889 : vector<16xi32>
        %gather3A_898 = tpu.vector_load_idx %arg15[%add3A_897] : memref<8192xf32, #tpu.memory_space<vmem>>[vector<16xi32>], vector<16xf32>,
        %add3A_899 = arith.addi %add3A_892, %and3A_889 : vector<16xi32>
        %gather3A_900 = tpu.vector_load_idx %arg16[%add3A_899] : memref<8192xf32, #tpu.memory_space<vmem>>[vector<16xi32>], vector<16xf32>,
        %add3A_901 = arith.constant 256 : i32
        %add3A_902 = arith.addi %add3A_804, %add3A_901 : i32
        %get3A_903 = arith.index_cast %add3A_902 : i32 to index
        %get3A_904 = tpu.vector_load %arg17[%get3A_903] {strides = array<i32>} : memref<2048xf32, #tpu.memory_space<vmem>>, vector<16xf32>,
        %mul3A_905 = arith.mulf %get3A_904, %gather3A_896 : vector<16xf32>
        %add3A_906 = arith.addf %gather3A_894, %mul3A_905 : vector<16xf32>
        %swap3A_907 = arith.index_cast %add3A_902 : i32 to index
        %swap3A_908 = tpu.vector_load %arg18[%swap3A_907] {strides = array<i32>} : memref<2048xf32, #tpu.memory_space<vmem>>, vector<16xf32>,
        tpu.vector_store %arg18[%swap3A_907], %add3A_906 {strides = array<i32>} : memref<2048xf32, #tpu.memory_space<vmem>>, vector<16xf32>,
        %mul3A_909 = arith.mulf %get3A_904, %gather3A_900 : vector<16xf32>
        %add3A_910 = arith.addf %gather3A_898, %mul3A_909 : vector<16xf32>
        %swap3A_911 = arith.index_cast %add3A_902 : i32 to index
        %swap3A_912 = tpu.vector_load %arg19[%swap3A_911] {strides = array<i32>} : memref<2048xf32, #tpu.memory_space<vmem>>, vector<16xf32>,
        tpu.vector_store %arg19[%swap3A_911], %add3A_910 {strides = array<i32>} : memref<2048xf32, #tpu.memory_space<vmem>>, vector<16xf32>,
        %shift_right_arithmetic3A_913 = arith.constant 1 : i32
        %shift_right_arithmetic3A_914 = vector.broadcast %shift_right_arithmetic3A_913 : i32 to vector<16xi32>
        %shift_right_arithmetic3A_915 = arith.shrsi %convert_element_type3A_795, %shift_right_arithmetic3A_914 : vector<16xi32>
        %and3A_916 = arith.constant 384 : i32
        %and3A_917 = vector.broadcast %and3A_916 : i32 to vector<16xi32>
        %and3A_918 = arith.andi %shift_right_arithmetic3A_915, %and3A_917 : vector<16xi32>
        %shift_right_arithmetic3A_919 = arith.constant 1 : i32
        %shift_right_arithmetic3A_920 = vector.broadcast %shift_right_arithmetic3A_919 : i32 to vector<16xi32>
        %shift_right_arithmetic3A_921 = arith.shrsi %convert_element_type3A_801, %shift_right_arithmetic3A_920 : vector<16xi32>
        %and3A_922 = arith.constant 384 : i32
        %and3A_923 = vector.broadcast %and3A_922 : i32 to vector<16xi32>
        %and3A_924 = arith.andi %shift_right_arithmetic3A_921, %and3A_923 : vector<16xi32>
        %add3A_925 = arith.constant 1536 : i32
        %add3A_926 = vector.broadcast %add3A_925 : i32 to vector<16xi32>
        %add3A_927 = arith.addi %add3A_809, %add3A_926 : vector<16xi32>
        %add3A_928 = arith.addi %add3A_927, %and3A_918 : vector<16xi32>
        %gather3A_929 = tpu.vector_load_idx %arg15[%add3A_928] : memref<8192xf32, #tpu.memory_space<vmem>>[vector<16xi32>], vector<16xf32>,
        %add3A_930 = arith.addi %add3A_927, %and3A_918 : vector<16xi32>
        %gather3A_931 = tpu.vector_load_idx %arg16[%add3A_930] : memref<8192xf32, #tpu.memory_space<vmem>>[vector<16xi32>], vector<16xf32>,
        %add3A_932 = arith.addi %add3A_927, %and3A_924 : vector<16xi32>
        %gather3A_933 = tpu.vector_load_idx %arg15[%add3A_932] : memref<8192xf32, #tpu.memory_space<vmem>>[vector<16xi32>], vector<16xf32>,
        %add3A_934 = arith.addi %add3A_927, %and3A_924 : vector<16xi32>
        %gather3A_935 = tpu.vector_load_idx %arg16[%add3A_934] : memref<8192xf32, #tpu.memory_space<vmem>>[vector<16xi32>], vector<16xf32>,
        %add3A_936 = arith.constant 384 : i32
        %add3A_937 = arith.addi %add3A_804, %add3A_936 : i32
        %get3A_938 = arith.index_cast %add3A_937 : i32 to index
        %get3A_939 = tpu.vector_load %arg17[%get3A_938] {strides = array<i32>} : memref<2048xf32, #tpu.memory_space<vmem>>, vector<16xf32>,
        %mul3A_940 = arith.mulf %get3A_939, %gather3A_931 : vector<16xf32>
        %add3A_941 = arith.addf %gather3A_929, %mul3A_940 : vector<16xf32>
        %swap3A_942 = arith.index_cast %add3A_937 : i32 to index
        %swap3A_943 = tpu.vector_load %arg18[%swap3A_942] {strides = array<i32>} : memref<2048xf32, #tpu.memory_space<vmem>>, vector<16xf32>,
        tpu.vector_store %arg18[%swap3A_942], %add3A_941 {strides = array<i32>} : memref<2048xf32, #tpu.memory_space<vmem>>, vector<16xf32>,
        %mul3A_944 = arith.mulf %get3A_939, %gather3A_935 : vector<16xf32>
        %add3A_945 = arith.addf %gather3A_933, %mul3A_944 : vector<16xf32>
        %swap3A_946 = arith.index_cast %add3A_937 : i32 to index
        %swap3A_947 = tpu.vector_load %arg19[%swap3A_946] {strides = array<i32>} : memref<2048xf32, #tpu.memory_space<vmem>>, vector<16xf32>,
        tpu.vector_store %arg19[%swap3A_946], %add3A_945 {strides = array<i32>} : memref<2048xf32, #tpu.memory_space<vmem>>, vector<16xf32>,
        %shift_left3A = arith.constant 1 : i32
        %shift_left3A_948 = vector.broadcast %shift_left3A : i32 to vector<16xi32>
        %shift_left3A_949 = arith.shli %convert_element_type3A_795, %shift_left3A_948 : vector<16xi32>
        %and3A_950 = arith.constant 384 : i32
        %and3A_951 = vector.broadcast %and3A_950 : i32 to vector<16xi32>
        %and3A_952 = arith.andi %shift_left3A_949, %and3A_951 : vector<16xi32>
        %shift_left3A_953 = arith.constant 1 : i32
        %shift_left3A_954 = vector.broadcast %shift_left3A_953 : i32 to vector<16xi32>
        %shift_left3A_955 = arith.shli %convert_element_type3A_801, %shift_left3A_954 : vector<16xi32>
        %and3A_956 = arith.constant 384 : i32
        %and3A_957 = vector.broadcast %and3A_956 : i32 to vector<16xi32>
        %and3A_958 = arith.andi %shift_left3A_955, %and3A_957 : vector<16xi32>
        %add3A_959 = arith.constant 2048 : i32
        %add3A_960 = vector.broadcast %add3A_959 : i32 to vector<16xi32>
        %add3A_961 = arith.addi %add3A_809, %add3A_960 : vector<16xi32>
        %add3A_962 = arith.addi %add3A_961, %and3A_952 : vector<16xi32>
        %gather3A_963 = tpu.vector_load_idx %arg15[%add3A_962] : memref<8192xf32, #tpu.memory_space<vmem>>[vector<16xi32>], vector<16xf32>,
        %add3A_964 = arith.addi %add3A_961, %and3A_952 : vector<16xi32>
        %gather3A_965 = tpu.vector_load_idx %arg16[%add3A_964] : memref<8192xf32, #tpu.memory_space<vmem>>[vector<16xi32>], vector<16xf32>,
        %add3A_966 = arith.addi %add3A_961, %and3A_958 : vector<16xi32>
        %gather3A_967 = tpu.vector_load_idx %arg15[%add3A_966] : memref<8192xf32, #tpu.memory_space<vmem>>[vector<16xi32>], vector<16xf32>,
        %add3A_968 = arith.addi %add3A_961, %and3A_958 : vector<16xi32>
        %gather3A_969 = tpu.vector_load_idx %arg16[%add3A_968] : memref<8192xf32, #tpu.memory_space<vmem>>[vector<16xi32>], vector<16xf32>,
        %add3A_970 = arith.constant 512 : i32
        %add3A_971 = arith.addi %add3A_804, %add3A_970 : i32
        %get3A_972 = arith.index_cast %add3A_971 : i32 to index
        %get3A_973 = tpu.vector_load %arg17[%get3A_972] {strides = array<i32>} : memref<2048xf32, #tpu.memory_space<vmem>>, vector<16xf32>,
        %mul3A_974 = arith.mulf %get3A_973, %gather3A_965 : vector<16xf32>
        %add3A_975 = arith.addf %gather3A_963, %mul3A_974 : vector<16xf32>
        %swap3A_976 = arith.index_cast %add3A_971 : i32 to index
        %swap3A_977 = tpu.vector_load %arg18[%swap3A_976] {strides = array<i32>} : memref<2048xf32, #tpu.memory_space<vmem>>, vector<16xf32>,
        tpu.vector_store %arg18[%swap3A_976], %add3A_975 {strides = array<i32>} : memref<2048xf32, #tpu.memory_space<vmem>>, vector<16xf32>,
        %mul3A_978 = arith.mulf %get3A_973, %gather3A_969 : vector<16xf32>
        %add3A_979 = arith.addf %gather3A_967, %mul3A_978 : vector<16xf32>
        %swap3A_980 = arith.index_cast %add3A_971 : i32 to index
        %swap3A_981 = tpu.vector_load %arg19[%swap3A_980] {strides = array<i32>} : memref<2048xf32, #tpu.memory_space<vmem>>, vector<16xf32>,
        tpu.vector_store %arg19[%swap3A_980], %add3A_979 {strides = array<i32>} : memref<2048xf32, #tpu.memory_space<vmem>>, vector<16xf32>,
        %shift_left3A_982 = arith.constant 3 : i32
        %shift_left3A_983 = vector.broadcast %shift_left3A_982 : i32 to vector<16xi32>
        %shift_left3A_984 = arith.shli %convert_element_type3A_795, %shift_left3A_983 : vector<16xi32>
        %and3A_985 = arith.constant 384 : i32
        %and3A_986 = vector.broadcast %and3A_985 : i32 to vector<16xi32>
        %and3A_987 = arith.andi %shift_left3A_984, %and3A_986 : vector<16xi32>
        %shift_left3A_988 = arith.constant 3 : i32
        %shift_left3A_989 = vector.broadcast %shift_left3A_988 : i32 to vector<16xi32>
        %shift_left3A_990 = arith.shli %convert_element_type3A_801, %shift_left3A_989 : vector<16xi32>
        %and3A_991 = arith.constant 384 : i32
        %and3A_992 = vector.broadcast %and3A_991 : i32 to vector<16xi32>
        %and3A_993 = arith.andi %shift_left3A_990, %and3A_992 : vector<16xi32>
        %add3A_994 = arith.constant 2560 : i32
        %add3A_995 = vector.broadcast %add3A_994 : i32 to vector<16xi32>
        %add3A_996 = arith.addi %add3A_809, %add3A_995 : vector<16xi32>
        %add3A_997 = arith.addi %add3A_996, %and3A_987 : vector<16xi32>
        %gather3A_998 = tpu.vector_load_idx %arg15[%add3A_997] : memref<8192xf32, #tpu.memory_space<vmem>>[vector<16xi32>], vector<16xf32>,
        %add3A_999 = arith.addi %add3A_996, %and3A_987 : vector<16xi32>
        %gather3A_1000 = tpu.vector_load_idx %arg16[%add3A_999] : memref<8192xf32, #tpu.memory_space<vmem>>[vector<16xi32>], vector<16xf32>,
        %add3A_1001 = arith.addi %add3A_996, %and3A_993 : vector<16xi32>
        %gather3A_1002 = tpu.vector_load_idx %arg15[%add3A_1001] : memref<8192xf32, #tpu.memory_space<vmem>>[vector<16xi32>], vector<16xf32>,
        %add3A_1003 = arith.addi %add3A_996, %and3A_993 : vector<16xi32>
        %gather3A_1004 = tpu.vector_load_idx %arg16[%add3A_1003] : memref<8192xf32, #tpu.memory_space<vmem>>[vector<16xi32>], vector<16xf32>,
        %add3A_1005 = arith.constant 640 : i32
        %add3A_1006 = arith.addi %add3A_804, %add3A_1005 : i32
        %get3A_1007 = arith.index_cast %add3A_1006 : i32 to index
        %get3A_1008 = tpu.vector_load %arg17[%get3A_1007] {strides = array<i32>} : memref<2048xf32, #tpu.memory_space<vmem>>, vector<16xf32>,
        %mul3A_1009 = arith.mulf %get3A_1008, %gather3A_1000 : vector<16xf32>
        %add3A_1010 = arith.addf %gather3A_998, %mul3A_1009 : vector<16xf32>
        %swap3A_1011 = arith.index_cast %add3A_1006 : i32 to index
        %swap3A_1012 = tpu.vector_load %arg18[%swap3A_1011] {strides = array<i32>} : memref<2048xf32, #tpu.memory_space<vmem>>, vector<16xf32>,
        tpu.vector_store %arg18[%swap3A_1011], %add3A_1010 {strides = array<i32>} : memref<2048xf32, #tpu.memory_space<vmem>>, vector<16xf32>,
        %mul3A_1013 = arith.mulf %get3A_1008, %gather3A_1004 : vector<16xf32>
        %add3A_1014 = arith.addf %gather3A_1002, %mul3A_1013 : vector<16xf32>
        %swap3A_1015 = arith.index_cast %add3A_1006 : i32 to index
        %swap3A_1016 = tpu.vector_load %arg19[%swap3A_1015] {strides = array<i32>} : memref<2048xf32, #tpu.memory_space<vmem>>, vector<16xf32>,
        tpu.vector_store %arg19[%swap3A_1015], %add3A_1014 {strides = array<i32>} : memref<2048xf32, #tpu.memory_space<vmem>>, vector<16xf32>,
        %shift_left3A_1017 = arith.constant 5 : i32
        %shift_left3A_1018 = vector.broadcast %shift_left3A_1017 : i32 to vector<16xi32>
        %shift_left3A_1019 = arith.shli %convert_element_type3A_795, %shift_left3A_1018 : vector<16xi32>
        %and3A_1020 = arith.constant 384 : i32
        %and3A_1021 = vector.broadcast %and3A_1020 : i32 to vector<16xi32>
        %and3A_1022 = arith.andi %shift_left3A_1019, %and3A_1021 : vector<16xi32>
        %shift_left3A_1023 = arith.constant 5 : i32
        %shift_left3A_1024 = vector.broadcast %shift_left3A_1023 : i32 to vector<16xi32>
        %shift_left3A_1025 = arith.shli %convert_element_type3A_801, %shift_left3A_1024 : vector<16xi32>
        %and3A_1026 = arith.constant 384 : i32
        %and3A_1027 = vector.broadcast %and3A_1026 : i32 to vector<16xi32>
        %and3A_1028 = arith.andi %shift_left3A_1025, %and3A_1027 : vector<16xi32>
        %add3A_1029 = arith.constant 3072 : i32
        %add3A_1030 = vector.broadcast %add3A_1029 : i32 to vector<16xi32>
        %add3A_1031 = arith.addi %add3A_809, %add3A_1030 : vector<16xi32>
        %add3A_1032 = arith.addi %add3A_1031, %and3A_1022 : vector<16xi32>
        %gather3A_1033 = tpu.vector_load_idx %arg15[%add3A_1032] : memref<8192xf32, #tpu.memory_space<vmem>>[vector<16xi32>], vector<16xf32>,
        %add3A_1034 = arith.addi %add3A_1031, %and3A_1022 : vector<16xi32>
        %gather3A_1035 = tpu.vector_load_idx %arg16[%add3A_1034] : memref<8192xf32, #tpu.memory_space<vmem>>[vector<16xi32>], vector<16xf32>,
        %add3A_1036 = arith.addi %add3A_1031, %and3A_1028 : vector<16xi32>
        %gather3A_1037 = tpu.vector_load_idx %arg15[%add3A_1036] : memref<8192xf32, #tpu.memory_space<vmem>>[vector<16xi32>], vector<16xf32>,
        %add3A_1038 = arith.addi %add3A_1031, %and3A_1028 : vector<16xi32>
        %gather3A_1039 = tpu.vector_load_idx %arg16[%add3A_1038] : memref<8192xf32, #tpu.memory_space<vmem>>[vector<16xi32>], vector<16xf32>,
        %add3A_1040 = arith.constant 768 : i32
        %add3A_1041 = arith.addi %add3A_804, %add3A_1040 : i32
        %get3A_1042 = arith.index_cast %add3A_1041 : i32 to index
        %get3A_1043 = tpu.vector_load %arg17[%get3A_1042] {strides = array<i32>} : memref<2048xf32, #tpu.memory_space<vmem>>, vector<16xf32>,
        %mul3A_1044 = arith.mulf %get3A_1043, %gather3A_1035 : vector<16xf32>
        %add3A_1045 = arith.addf %gather3A_1033, %mul3A_1044 : vector<16xf32>
        %swap3A_1046 = arith.index_cast %add3A_1041 : i32 to index
        %swap3A_1047 = tpu.vector_load %arg18[%swap3A_1046] {strides = array<i32>} : memref<2048xf32, #tpu.memory_space<vmem>>, vector<16xf32>,
        tpu.vector_store %arg18[%swap3A_1046], %add3A_1045 {strides = array<i32>} : memref<2048xf32, #tpu.memory_space<vmem>>, vector<16xf32>,
        %mul3A_1048 = arith.mulf %get3A_1043, %gather3A_1039 : vector<16xf32>
        %add3A_1049 = arith.addf %gather3A_1037, %mul3A_1048 : vector<16xf32>
        %swap3A_1050 = arith.index_cast %add3A_1041 : i32 to index
        %swap3A_1051 = tpu.vector_load %arg19[%swap3A_1050] {strides = array<i32>} : memref<2048xf32, #tpu.memory_space<vmem>>, vector<16xf32>,
        tpu.vector_store %arg19[%swap3A_1050], %add3A_1049 {strides = array<i32>} : memref<2048xf32, #tpu.memory_space<vmem>>, vector<16xf32>,
        %shift_left3A_1052 = arith.constant 7 : i32
        %shift_left3A_1053 = vector.broadcast %shift_left3A_1052 : i32 to vector<16xi32>
        %shift_left3A_1054 = arith.shli %convert_element_type3A_795, %shift_left3A_1053 : vector<16xi32>
        %and3A_1055 = arith.constant 384 : i32
        %and3A_1056 = vector.broadcast %and3A_1055 : i32 to vector<16xi32>
        %and3A_1057 = arith.andi %shift_left3A_1054, %and3A_1056 : vector<16xi32>
        %shift_left3A_1058 = arith.constant 7 : i32
        %shift_left3A_1059 = vector.broadcast %shift_left3A_1058 : i32 to vector<16xi32>
        %shift_left3A_1060 = arith.shli %convert_element_type3A_801, %shift_left3A_1059 : vector<16xi32>
        %and3A_1061 = arith.constant 384 : i32
        %and3A_1062 = vector.broadcast %and3A_1061 : i32 to vector<16xi32>
        %and3A_1063 = arith.andi %shift_left3A_1060, %and3A_1062 : vector<16xi32>
        %add3A_1064 = arith.constant 3584 : i32
        %add3A_1065 = vector.broadcast %add3A_1064 : i32 to vector<16xi32>
        %add3A_1066 = arith.addi %add3A_809, %add3A_1065 : vector<16xi32>
        %add3A_1067 = arith.addi %add3A_1066, %and3A_1057 : vector<16xi32>
        %gather3A_1068 = tpu.vector_load_idx %arg15[%add3A_1067] : memref<8192xf32, #tpu.memory_space<vmem>>[vector<16xi32>], vector<16xf32>,
        %add3A_1069 = arith.addi %add3A_1066, %and3A_1057 : vector<16xi32>
        %gather3A_1070 = tpu.vector_load_idx %arg16[%add3A_1069] : memref<8192xf32, #tpu.memory_space<vmem>>[vector<16xi32>], vector<16xf32>,
        %add3A_1071 = arith.addi %add3A_1066, %and3A_1063 : vector<16xi32>
        %gather3A_1072 = tpu.vector_load_idx %arg15[%add3A_1071] : memref<8192xf32, #tpu.memory_space<vmem>>[vector<16xi32>], vector<16xf32>,
        %add3A_1073 = arith.addi %add3A_1066, %and3A_1063 : vector<16xi32>
        %gather3A_1074 = tpu.vector_load_idx %arg16[%add3A_1073] : memref<8192xf32, #tpu.memory_space<vmem>>[vector<16xi32>], vector<16xf32>,
        %add3A_1075 = arith.constant 896 : i32
        %add3A_1076 = arith.addi %add3A_804, %add3A_1075 : i32
        %get3A_1077 = arith.index_cast %add3A_1076 : i32 to index
        %get3A_1078 = tpu.vector_load %arg17[%get3A_1077] {strides = array<i32>} : memref<2048xf32, #tpu.memory_space<vmem>>, vector<16xf32>,
        %mul3A_1079 = arith.mulf %get3A_1078, %gather3A_1070 : vector<16xf32>
        %add3A_1080 = arith.addf %gather3A_1068, %mul3A_1079 : vector<16xf32>
        %swap3A_1081 = arith.index_cast %add3A_1076 : i32 to index
        %swap3A_1082 = tpu.vector_load %arg18[%swap3A_1081] {strides = array<i32>} : memref<2048xf32, #tpu.memory_space<vmem>>, vector<16xf32>,
        tpu.vector_store %arg18[%swap3A_1081], %add3A_1080 {strides = array<i32>} : memref<2048xf32, #tpu.memory_space<vmem>>, vector<16xf32>,
        %mul3A_1083 = arith.mulf %get3A_1078, %gather3A_1074 : vector<16xf32>
        %add3A_1084 = arith.addf %gather3A_1072, %mul3A_1083 : vector<16xf32>
        %swap3A_1085 = arith.index_cast %add3A_1076 : i32 to index
        %swap3A_1086 = tpu.vector_load %arg19[%swap3A_1085] {strides = array<i32>} : memref<2048xf32, #tpu.memory_space<vmem>>, vector<16xf32>,
        tpu.vector_store %arg19[%swap3A_1085], %add3A_1084 {strides = array<i32>} : memref<2048xf32, #tpu.memory_space<vmem>>, vector<16xf32>,
        %scan3A_1087 = arith.constant 0 : i32
        scf.yield %scan3A_1087 : i32
      }
      %scan3A_524 = arith.constant 16 : i32
      %mul3A_525 = arith.constant 131072 : i32
      %mul3A_526 = arith.muli %add3A, %mul3A_525 : i32
      %mul3A_527 = arith.constant 2048 : i32
      %mul3A_528 = arith.muli %add3A_455, %mul3A_527 : i32
      %add3A_529 = arith.addi %mul3A_526, %mul3A_528 : i32
      %multiple_of3A_530 = tpu.assume_multiple %add3A_529, 2048 : i32
      %add3A_531 = arith.constant 4194304 : i32
      %add3A_532 = arith.addi %add3A_531, %multiple_of3A_530 : i32
      %add3A_533 = arith.constant 4194304 : i32
      %add3A_534 = arith.addi %add3A_533, %multiple_of3A_530 : i32
      %dma_start3A_535 = arith.constant 1 : i32
      %dma_start3A_536 = tpu.memref_slice %arg6[%multiple_of3A_530] : memref<8388608xf32, #tpu.memory_space<hbm>> -> memref<2048xf32, #tpu.memory_space<hbm>>
      %dma_start3A_537 = tpu.memref_slice %arg34[%dma_start3A_535] : memref<4x!tpu.dma_semaphore, #tpu.memory_space<semaphore_mem>> -> memref<1x!tpu.dma_semaphore, #tpu.memory_space<semaphore_mem>>
      %dma_start3A_538 = tpu.memref_squeeze %dma_start3A_537 : memref<1x!tpu.dma_semaphore, #tpu.memory_space<semaphore_mem>> -> memref<!tpu.dma_semaphore, #tpu.memory_space<semaphore_mem>>
      %dma_start3A_539 = tpu.memref_slice %arg6[%multiple_of3A_530] : memref<8388608xf32, #tpu.memory_space<hbm>> -> memref<2048xf32, #tpu.memory_space<hbm>>
      tpu.enqueue_dma source(%arg18 : memref<2048xf32, #tpu.memory_space<vmem>>) target(%dma_start3A_539 : memref<2048xf32, #tpu.memory_space<hbm>>) target_semaphore(%dma_start3A_538 : memref<!tpu.dma_semaphore, #tpu.memory_space<semaphore_mem>>)
      %dma_start3A_540 = arith.constant 1 : i32
      %dma_start3A_541 = tpu.memref_slice %arg6[%add3A_532] : memref<8388608xf32, #tpu.memory_space<hbm>> -> memref<2048xf32, #tpu.memory_space<hbm>>
      %dma_start3A_542 = tpu.memref_slice %arg34[%dma_start3A_540] : memref<4x!tpu.dma_semaphore, #tpu.memory_space<semaphore_mem>> -> memref<1x!tpu.dma_semaphore, #tpu.memory_space<semaphore_mem>>
      %dma_start3A_543 = tpu.memref_squeeze %dma_start3A_542 : memref<1x!tpu.dma_semaphore, #tpu.memory_space<semaphore_mem>> -> memref<!tpu.dma_semaphore, #tpu.memory_space<semaphore_mem>>
      %dma_start3A_544 = tpu.memref_slice %arg6[%add3A_532] : memref<8388608xf32, #tpu.memory_space<hbm>> -> memref<2048xf32, #tpu.memory_space<hbm>>
      tpu.enqueue_dma source(%arg19 : memref<2048xf32, #tpu.memory_space<vmem>>) target(%dma_start3A_544 : memref<2048xf32, #tpu.memory_space<hbm>>) target_semaphore(%dma_start3A_543 : memref<!tpu.dma_semaphore, #tpu.memory_space<semaphore_mem>>)
      %dma_start3A_545 = arith.constant 1 : i32
      %dma_start3A_546 = tpu.memref_slice %arg7[%multiple_of3A_530] : memref<8388608xf32, #tpu.memory_space<hbm>> -> memref<2048xf32, #tpu.memory_space<hbm>>
      %dma_start3A_547 = tpu.memref_slice %arg34[%dma_start3A_545] : memref<4x!tpu.dma_semaphore, #tpu.memory_space<semaphore_mem>> -> memref<1x!tpu.dma_semaphore, #tpu.memory_space<semaphore_mem>>
      %dma_start3A_548 = tpu.memref_squeeze %dma_start3A_547 : memref<1x!tpu.dma_semaphore, #tpu.memory_space<semaphore_mem>> -> memref<!tpu.dma_semaphore, #tpu.memory_space<semaphore_mem>>
      %dma_start3A_549 = tpu.memref_slice %arg7[%multiple_of3A_530] : memref<8388608xf32, #tpu.memory_space<hbm>> -> memref<2048xf32, #tpu.memory_space<hbm>>
      tpu.enqueue_dma source(%arg32 : memref<2048xf32, #tpu.memory_space<vmem>>) target(%dma_start3A_549 : memref<2048xf32, #tpu.memory_space<hbm>>) target_semaphore(%dma_start3A_548 : memref<!tpu.dma_semaphore, #tpu.memory_space<semaphore_mem>>)
      %dma_start3A_550 = arith.constant 1 : i32
      %dma_start3A_551 = tpu.memref_slice %arg7[%add3A_534] : memref<8388608xf32, #tpu.memory_space<hbm>> -> memref<2048xf32, #tpu.memory_space<hbm>>
      %dma_start3A_552 = tpu.memref_slice %arg34[%dma_start3A_550] : memref<4x!tpu.dma_semaphore, #tpu.memory_space<semaphore_mem>> -> memref<1x!tpu.dma_semaphore, #tpu.memory_space<semaphore_mem>>
      %dma_start3A_553 = tpu.memref_squeeze %dma_start3A_552 : memref<1x!tpu.dma_semaphore, #tpu.memory_space<semaphore_mem>> -> memref<!tpu.dma_semaphore, #tpu.memory_space<semaphore_mem>>
      %dma_start3A_554 = tpu.memref_slice %arg7[%add3A_534] : memref<8388608xf32, #tpu.memory_space<hbm>> -> memref<2048xf32, #tpu.memory_space<hbm>>
      tpu.enqueue_dma source(%arg32 : memref<2048xf32, #tpu.memory_space<vmem>>) target(%dma_start3A_554 : memref<2048xf32, #tpu.memory_space<hbm>>) target_semaphore(%dma_start3A_553 : memref<!tpu.dma_semaphore, #tpu.memory_space<semaphore_mem>>)
      %add3A_555 = arith.constant 4 : i32
      %add3A_556 = arith.addi %add3A_455, %add3A_555 : i32
      %lt3A_557 = arith.constant 64 : i32
      %lt3A_558 = arith.cmpi slt, %add3A_556, %lt3A_557 : i32
      %convert_element_type3A_559 = arith.extui %lt3A_558 : i1 to i32
      %cond3A_560 = arith.constant 0 : i32
      %cond3A_561 = arith.cmpi ne, %convert_element_type3A_559, %cond3A_560 : i32
      scf.if %cond3A_561 {
        %add3A_783 = arith.constant 4 : i32
        %add3A_784 = arith.addi %add3A_455, %add3A_783 : i32
        %mul3A_785 = arith.constant 131072 : i32
        %mul3A_786 = arith.muli %add3A, %mul3A_785 : i32
        %mul3A_787 = arith.constant 2048 : i32
        %mul3A_788 = arith.muli %add3A_784, %mul3A_787 : i32
        %add3A_789 = arith.addi %mul3A_786, %mul3A_788 : i32
        %multiple_of3A_790 = tpu.assume_multiple %add3A_789, 2048 : i32
        %jit3A_791 = arith.constant 8 : i32
        %div3A_792 = arith.divsi %multiple_of3A_790, %jit3A_791 : i32
        %sign3A_793 = arith.constant 0 : i32
        %sign3A_794 = arith.cmpi sgt, %multiple_of3A_790, %sign3A_793 : i32
        %sign3A_795 = arith.extui %sign3A_794 : i1 to i32
        %sign3A_796 = arith.constant 0 : i32
        %sign3A_797 = arith.cmpi slt, %multiple_of3A_790, %sign3A_796 : i32
        %sign3A_798 = arith.extui %sign3A_797 : i1 to i32
        %sign3A_799 = arith.subi %sign3A_795, %sign3A_798 : i32
        %sign3A_800 = arith.constant 0 : i32
        %sign3A_801 = arith.cmpi sgt, %jit3A_791, %sign3A_800 : i32
        %sign3A_802 = arith.extui %sign3A_801 : i1 to i32
        %sign3A_803 = arith.constant 0 : i32
        %sign3A_804 = arith.cmpi slt, %jit3A_791, %sign3A_803 : i32
        %sign3A_805 = arith.extui %sign3A_804 : i1 to i32
        %sign3A_806 = arith.subi %sign3A_802, %sign3A_805 : i32
        %ne3A_807 = arith.cmpi ne, %sign3A_799, %sign3A_806 : i32
        %rem3A_808 = arith.remsi %multiple_of3A_790, %jit3A_791 : i32
        %ne3A_809 = arith.constant 0 : i32
        %ne3A_810 = arith.cmpi ne, %rem3A_808, %ne3A_809 : i32
        %and3A_811 = arith.andi %ne3A_807, %ne3A_810 : i1
        %sub3A_812 = arith.constant 1 : i32
        %sub3A_813 = arith.subi %div3A_792, %sub3A_812 : i32
        %select_n3A_814 = arith.select %and3A_811, %sub3A_813, %div3A_792 : i32
        %multiple_of3A_815 = tpu.assume_multiple %select_n3A_814, 256 : i32
        %mul3A_816 = arith.constant 4 : i32
        %mul3A_817 = arith.muli %multiple_of3A_790, %mul3A_816 : i32
        %multiple_of3A_818 = tpu.assume_multiple %mul3A_817, 8192 : i32
        %mul3A_819 = arith.constant 4 : i32
        %mul3A_820 = arith.muli %multiple_of3A_790, %mul3A_819 : i32
        %multiple_of3A_821 = tpu.assume_multiple %mul3A_820, 8192 : i32
        %dma_start3A_822 = arith.constant 1 : i32
        %dma_start3A_823 = tpu.memref_slice %arg2[%multiple_of3A_815] : memref<524288xf32, #tpu.memory_space<hbm>> -> memref<256xf32, #tpu.memory_space<hbm>>
        %dma_start3A_824 = tpu.memref_slice %arg33[%dma_start3A_822] : memref<4x!tpu.dma_semaphore, #tpu.memory_space<semaphore_mem>> -> memref<1x!tpu.dma_semaphore, #tpu.memory_space<semaphore_mem>>
        %dma_start3A_825 = tpu.memref_squeeze %dma_start3A_824 : memref<1x!tpu.dma_semaphore, #tpu.memory_space<semaphore_mem>> -> memref<!tpu.dma_semaphore, #tpu.memory_space<semaphore_mem>>
        %dma_start3A_826 = tpu.memref_slice %arg2[%multiple_of3A_815] : memref<524288xf32, #tpu.memory_space<hbm>> -> memref<256xf32, #tpu.memory_space<hbm>>
        tpu.enqueue_dma source(%dma_start3A_826 : memref<256xf32, #tpu.memory_space<hbm>>) target(%arg14 : memref<256xf32, #tpu.memory_space<vmem>>) target_semaphore(%dma_start3A_825 : memref<!tpu.dma_semaphore, #tpu.memory_space<semaphore_mem>>)
        %dma_start3A_827 = arith.constant 1 : i32
        %dma_start3A_828 = tpu.memref_slice %arg3[%multiple_of3A_818] : memref<16777216xf32, #tpu.memory_space<hbm>> -> memref<8192xf32, #tpu.memory_space<hbm>>
        %dma_start3A_829 = tpu.memref_slice %arg33[%dma_start3A_827] : memref<4x!tpu.dma_semaphore, #tpu.memory_space<semaphore_mem>> -> memref<1x!tpu.dma_semaphore, #tpu.memory_space<semaphore_mem>>
        %dma_start3A_830 = tpu.memref_squeeze %dma_start3A_829 : memref<1x!tpu.dma_semaphore, #tpu.memory_space<semaphore_mem>> -> memref<!tpu.dma_semaphore, #tpu.memory_space<semaphore_mem>>
        %dma_start3A_831 = tpu.memref_slice %arg3[%multiple_of3A_818] : memref<16777216xf32, #tpu.memory_space<hbm>> -> memref<8192xf32, #tpu.memory_space<hbm>>
        tpu.enqueue_dma source(%dma_start3A_831 : memref<8192xf32, #tpu.memory_space<hbm>>) target(%arg15 : memref<8192xf32, #tpu.memory_space<vmem>>) target_semaphore(%dma_start3A_830 : memref<!tpu.dma_semaphore, #tpu.memory_space<semaphore_mem>>)
        %dma_start3A_832 = arith.constant 1 : i32
        %dma_start3A_833 = tpu.memref_slice %arg4[%multiple_of3A_821] : memref<16777216xf32, #tpu.memory_space<hbm>> -> memref<8192xf32, #tpu.memory_space<hbm>>
        %dma_start3A_834 = tpu.memref_slice %arg33[%dma_start3A_832] : memref<4x!tpu.dma_semaphore, #tpu.memory_space<semaphore_mem>> -> memref<1x!tpu.dma_semaphore, #tpu.memory_space<semaphore_mem>>
        %dma_start3A_835 = tpu.memref_squeeze %dma_start3A_834 : memref<1x!tpu.dma_semaphore, #tpu.memory_space<semaphore_mem>> -> memref<!tpu.dma_semaphore, #tpu.memory_space<semaphore_mem>>
        %dma_start3A_836 = tpu.memref_slice %arg4[%multiple_of3A_821] : memref<16777216xf32, #tpu.memory_space<hbm>> -> memref<8192xf32, #tpu.memory_space<hbm>>
        tpu.enqueue_dma source(%dma_start3A_836 : memref<8192xf32, #tpu.memory_space<hbm>>) target(%arg16 : memref<8192xf32, #tpu.memory_space<vmem>>) target_semaphore(%dma_start3A_835 : memref<!tpu.dma_semaphore, #tpu.memory_space<semaphore_mem>>)
        %dma_start3A_837 = arith.constant 1 : i32
        %dma_start3A_838 = tpu.memref_slice %arg5[%multiple_of3A_790] : memref<4194304xf32, #tpu.memory_space<hbm>> -> memref<2048xf32, #tpu.memory_space<hbm>>
        %dma_start3A_839 = tpu.memref_slice %arg33[%dma_start3A_837] : memref<4x!tpu.dma_semaphore, #tpu.memory_space<semaphore_mem>> -> memref<1x!tpu.dma_semaphore, #tpu.memory_space<semaphore_mem>>
        %dma_start3A_840 = tpu.memref_squeeze %dma_start3A_839 : memref<1x!tpu.dma_semaphore, #tpu.memory_space<semaphore_mem>> -> memref<!tpu.dma_semaphore, #tpu.memory_space<semaphore_mem>>
        %dma_start3A_841 = tpu.memref_slice %arg5[%multiple_of3A_790] : memref<4194304xf32, #tpu.memory_space<hbm>> -> memref<2048xf32, #tpu.memory_space<hbm>>
        tpu.enqueue_dma source(%dma_start3A_841 : memref<2048xf32, #tpu.memory_space<hbm>>) target(%arg17 : memref<2048xf32, #tpu.memory_space<vmem>>) target_semaphore(%dma_start3A_840 : memref<!tpu.dma_semaphore, #tpu.memory_space<semaphore_mem>>)
      } else {
      }
      %mul3A_562 = arith.constant 4 : i32
      %mul3A_563 = arith.muli %scan3A_344, %mul3A_562 : i32
      %add3A_564 = arith.constant 2 : i32
      %add3A_565 = arith.addi %mul3A_563, %add3A_564 : i32
      %mul3A_566 = arith.constant 131072 : i32
      %mul3A_567 = arith.muli %add3A, %mul3A_566 : i32
      %mul3A_568 = arith.constant 2048 : i32
      %mul3A_569 = arith.muli %add3A_565, %mul3A_568 : i32
      %add3A_570 = arith.addi %mul3A_567, %mul3A_569 : i32
      %multiple_of3A_571 = tpu.assume_multiple %add3A_570, 2048 : i32
      %jit3A_572 = arith.constant 8 : i32
      %div3A_573 = arith.divsi %multiple_of3A_571, %jit3A_572 : i32
      %sign3A_574 = arith.constant 0 : i32
      %sign3A_575 = arith.cmpi sgt, %multiple_of3A_571, %sign3A_574 : i32
      %sign3A_576 = arith.extui %sign3A_575 : i1 to i32
      %sign3A_577 = arith.constant 0 : i32
      %sign3A_578 = arith.cmpi slt, %multiple_of3A_571, %sign3A_577 : i32
      %sign3A_579 = arith.extui %sign3A_578 : i1 to i32
      %sign3A_580 = arith.subi %sign3A_576, %sign3A_579 : i32
      %sign3A_581 = arith.constant 0 : i32
      %sign3A_582 = arith.cmpi sgt, %jit3A_572, %sign3A_581 : i32
      %sign3A_583 = arith.extui %sign3A_582 : i1 to i32
      %sign3A_584 = arith.constant 0 : i32
      %sign3A_585 = arith.cmpi slt, %jit3A_572, %sign3A_584 : i32
      %sign3A_586 = arith.extui %sign3A_585 : i1 to i32
      %sign3A_587 = arith.subi %sign3A_583, %sign3A_586 : i32
      %ne3A_588 = arith.cmpi ne, %sign3A_580, %sign3A_587 : i32
      %rem3A_589 = arith.remsi %multiple_of3A_571, %jit3A_572 : i32
      %ne3A_590 = arith.constant 0 : i32
      %ne3A_591 = arith.cmpi ne, %rem3A_589, %ne3A_590 : i32
      %and3A_592 = arith.andi %ne3A_588, %ne3A_591 : i1
      %sub3A_593 = arith.constant 1 : i32
      %sub3A_594 = arith.subi %div3A_573, %sub3A_593 : i32
      %select_n3A_595 = arith.select %and3A_592, %sub3A_594, %div3A_573 : i32
      %multiple_of3A_596 = tpu.assume_multiple %select_n3A_595, 256 : i32
      %mul3A_597 = arith.constant 4 : i32
      %mul3A_598 = arith.muli %multiple_of3A_571, %mul3A_597 : i32
      %multiple_of3A_599 = tpu.assume_multiple %mul3A_598, 8192 : i32
      %mul3A_600 = arith.constant 4 : i32
      %mul3A_601 = arith.muli %multiple_of3A_571, %mul3A_600 : i32
      %multiple_of3A_602 = tpu.assume_multiple %mul3A_601, 8192 : i32
      %dma_wait3A_603 = arith.constant 2 : i32
      %dma_wait3A_604 = tpu.memref_slice %arg2[%multiple_of3A_596] : memref<524288xf32, #tpu.memory_space<hbm>> -> memref<256xf32, #tpu.memory_space<hbm>>
      %dma_wait3A_605 = tpu.memref_slice %arg33[%dma_wait3A_603] : memref<4x!tpu.dma_semaphore, #tpu.memory_space<semaphore_mem>> -> memref<1x!tpu.dma_semaphore, #tpu.memory_space<semaphore_mem>>
      %dma_wait3A_606 = tpu.memref_squeeze %dma_wait3A_605 : memref<1x!tpu.dma_semaphore, #tpu.memory_space<semaphore_mem>> -> memref<!tpu.dma_semaphore, #tpu.memory_space<semaphore_mem>>
      %dma_wait3A_607 = tpu.memref_slice %arg2[%multiple_of3A_596] : memref<524288xf32, #tpu.memory_space<hbm>> -> memref<256xf32, #tpu.memory_space<hbm>>
      tpu.wait_dma2 semaphore(%dma_wait3A_606 : memref<!tpu.dma_semaphore, #tpu.memory_space<semaphore_mem>>) src(%dma_wait3A_607 : memref<256xf32, #tpu.memory_space<hbm>>) dst(%arg20 : memref<256xf32, #tpu.memory_space<vmem>>)
      %dma_wait3A_608 = arith.constant 2 : i32
      %dma_wait3A_609 = tpu.memref_slice %arg3[%multiple_of3A_599] : memref<16777216xf32, #tpu.memory_space<hbm>> -> memref<8192xf32, #tpu.memory_space<hbm>>
      %dma_wait3A_610 = tpu.memref_slice %arg33[%dma_wait3A_608] : memref<4x!tpu.dma_semaphore, #tpu.memory_space<semaphore_mem>> -> memref<1x!tpu.dma_semaphore, #tpu.memory_space<semaphore_mem>>
      %dma_wait3A_611 = tpu.memref_squeeze %dma_wait3A_610 : memref<1x!tpu.dma_semaphore, #tpu.memory_space<semaphore_mem>> -> memref<!tpu.dma_semaphore, #tpu.memory_space<semaphore_mem>>
      %dma_wait3A_612 = tpu.memref_slice %arg3[%multiple_of3A_599] : memref<16777216xf32, #tpu.memory_space<hbm>> -> memref<8192xf32, #tpu.memory_space<hbm>>
      tpu.wait_dma2 semaphore(%dma_wait3A_611 : memref<!tpu.dma_semaphore, #tpu.memory_space<semaphore_mem>>) src(%dma_wait3A_612 : memref<8192xf32, #tpu.memory_space<hbm>>) dst(%arg21 : memref<8192xf32, #tpu.memory_space<vmem>>)
      %dma_wait3A_613 = arith.constant 2 : i32
      %dma_wait3A_614 = tpu.memref_slice %arg4[%multiple_of3A_602] : memref<16777216xf32, #tpu.memory_space<hbm>> -> memref<8192xf32, #tpu.memory_space<hbm>>
      %dma_wait3A_615 = tpu.memref_slice %arg33[%dma_wait3A_613] : memref<4x!tpu.dma_semaphore, #tpu.memory_space<semaphore_mem>> -> memref<1x!tpu.dma_semaphore, #tpu.memory_space<semaphore_mem>>
      %dma_wait3A_616 = tpu.memref_squeeze %dma_wait3A_615 : memref<1x!tpu.dma_semaphore, #tpu.memory_space<semaphore_mem>> -> memref<!tpu.dma_semaphore, #tpu.memory_space<semaphore_mem>>
      %dma_wait3A_617 = tpu.memref_slice %arg4[%multiple_of3A_602] : memref<16777216xf32, #tpu.memory_space<hbm>> -> memref<8192xf32, #tpu.memory_space<hbm>>
      tpu.wait_dma2 semaphore(%dma_wait3A_616 : memref<!tpu.dma_semaphore, #tpu.memory_space<semaphore_mem>>) src(%dma_wait3A_617 : memref<8192xf32, #tpu.memory_space<hbm>>) dst(%arg22 : memref<8192xf32, #tpu.memory_space<vmem>>)
      %dma_wait3A_618 = arith.constant 2 : i32
      %dma_wait3A_619 = tpu.memref_slice %arg5[%multiple_of3A_571] : memref<4194304xf32, #tpu.memory_space<hbm>> -> memref<2048xf32, #tpu.memory_space<hbm>>
      %dma_wait3A_620 = tpu.memref_slice %arg33[%dma_wait3A_618] : memref<4x!tpu.dma_semaphore, #tpu.memory_space<semaphore_mem>> -> memref<1x!tpu.dma_semaphore, #tpu.memory_space<semaphore_mem>>
      %dma_wait3A_621 = tpu.memref_squeeze %dma_wait3A_620 : memref<1x!tpu.dma_semaphore, #tpu.memory_space<semaphore_mem>> -> memref<!tpu.dma_semaphore, #tpu.memory_space<semaphore_mem>>
      %dma_wait3A_622 = tpu.memref_slice %arg5[%multiple_of3A_571] : memref<4194304xf32, #tpu.memory_space<hbm>> -> memref<2048xf32, #tpu.memory_space<hbm>>
      tpu.wait_dma2 semaphore(%dma_wait3A_621 : memref<!tpu.dma_semaphore, #tpu.memory_space<semaphore_mem>>) src(%dma_wait3A_622 : memref<2048xf32, #tpu.memory_space<hbm>>) dst(%arg23 : memref<2048xf32, #tpu.memory_space<vmem>>)
      %ge3A_623 = arith.constant 4 : i32
      %ge3A_624 = arith.cmpi sge, %add3A_565, %ge3A_623 : i32
      %convert_element_type3A_625 = arith.extui %ge3A_624 : i1 to i32
      %cond3A_626 = arith.constant 0 : i32
      %cond3A_627 = arith.cmpi ne, %convert_element_type3A_625, %cond3A_626 : i32
      scf.if %cond3A_627 {
        %sub3A_783 = arith.constant 4 : i32
        %sub3A_784 = arith.subi %add3A_565, %sub3A_783 : i32
        %mul3A_785 = arith.constant 131072 : i32
        %mul3A_786 = arith.muli %add3A, %mul3A_785 : i32
        %mul3A_787 = arith.constant 2048 : i32
        %mul3A_788 = arith.muli %sub3A_784, %mul3A_787 : i32
        %add3A_789 = arith.addi %mul3A_786, %mul3A_788 : i32
        %multiple_of3A_790 = tpu.assume_multiple %add3A_789, 2048 : i32
        %add3A_791 = arith.constant 4194304 : i32
        %add3A_792 = arith.addi %add3A_791, %multiple_of3A_790 : i32
        %add3A_793 = arith.constant 4194304 : i32
        %add3A_794 = arith.addi %add3A_793, %multiple_of3A_790 : i32
        %dma_wait3A_795 = arith.constant 2 : i32
        %dma_wait3A_796 = tpu.memref_slice %arg6[%multiple_of3A_790] : memref<8388608xf32, #tpu.memory_space<hbm>> -> memref<2048xf32, #tpu.memory_space<hbm>>
        %dma_wait3A_797 = tpu.memref_slice %arg34[%dma_wait3A_795] : memref<4x!tpu.dma_semaphore, #tpu.memory_space<semaphore_mem>> -> memref<1x!tpu.dma_semaphore, #tpu.memory_space<semaphore_mem>>
        %dma_wait3A_798 = tpu.memref_squeeze %dma_wait3A_797 : memref<1x!tpu.dma_semaphore, #tpu.memory_space<semaphore_mem>> -> memref<!tpu.dma_semaphore, #tpu.memory_space<semaphore_mem>>
        %dma_wait3A_799 = tpu.memref_slice %arg6[%multiple_of3A_790] : memref<8388608xf32, #tpu.memory_space<hbm>> -> memref<2048xf32, #tpu.memory_space<hbm>>
        tpu.wait_dma2 semaphore(%dma_wait3A_798 : memref<!tpu.dma_semaphore, #tpu.memory_space<semaphore_mem>>) src(%arg24 : memref<2048xf32, #tpu.memory_space<vmem>>) dst(%dma_wait3A_799 : memref<2048xf32, #tpu.memory_space<hbm>>)
        %dma_wait3A_800 = arith.constant 2 : i32
        %dma_wait3A_801 = tpu.memref_slice %arg6[%add3A_792] : memref<8388608xf32, #tpu.memory_space<hbm>> -> memref<2048xf32, #tpu.memory_space<hbm>>
        %dma_wait3A_802 = tpu.memref_slice %arg34[%dma_wait3A_800] : memref<4x!tpu.dma_semaphore, #tpu.memory_space<semaphore_mem>> -> memref<1x!tpu.dma_semaphore, #tpu.memory_space<semaphore_mem>>
        %dma_wait3A_803 = tpu.memref_squeeze %dma_wait3A_802 : memref<1x!tpu.dma_semaphore, #tpu.memory_space<semaphore_mem>> -> memref<!tpu.dma_semaphore, #tpu.memory_space<semaphore_mem>>
        %dma_wait3A_804 = tpu.memref_slice %arg6[%add3A_792] : memref<8388608xf32, #tpu.memory_space<hbm>> -> memref<2048xf32, #tpu.memory_space<hbm>>
        tpu.wait_dma2 semaphore(%dma_wait3A_803 : memref<!tpu.dma_semaphore, #tpu.memory_space<semaphore_mem>>) src(%arg25 : memref<2048xf32, #tpu.memory_space<vmem>>) dst(%dma_wait3A_804 : memref<2048xf32, #tpu.memory_space<hbm>>)
        %dma_wait3A_805 = arith.constant 2 : i32
        %dma_wait3A_806 = tpu.memref_slice %arg7[%multiple_of3A_790] : memref<8388608xf32, #tpu.memory_space<hbm>> -> memref<2048xf32, #tpu.memory_space<hbm>>
        %dma_wait3A_807 = tpu.memref_slice %arg34[%dma_wait3A_805] : memref<4x!tpu.dma_semaphore, #tpu.memory_space<semaphore_mem>> -> memref<1x!tpu.dma_semaphore, #tpu.memory_space<semaphore_mem>>
        %dma_wait3A_808 = tpu.memref_squeeze %dma_wait3A_807 : memref<1x!tpu.dma_semaphore, #tpu.memory_space<semaphore_mem>> -> memref<!tpu.dma_semaphore, #tpu.memory_space<semaphore_mem>>
        %dma_wait3A_809 = tpu.memref_slice %arg7[%multiple_of3A_790] : memref<8388608xf32, #tpu.memory_space<hbm>> -> memref<2048xf32, #tpu.memory_space<hbm>>
        tpu.wait_dma2 semaphore(%dma_wait3A_808 : memref<!tpu.dma_semaphore, #tpu.memory_space<semaphore_mem>>) src(%arg32 : memref<2048xf32, #tpu.memory_space<vmem>>) dst(%dma_wait3A_809 : memref<2048xf32, #tpu.memory_space<hbm>>)
        %dma_wait3A_810 = arith.constant 2 : i32
        %dma_wait3A_811 = tpu.memref_slice %arg7[%add3A_794] : memref<8388608xf32, #tpu.memory_space<hbm>> -> memref<2048xf32, #tpu.memory_space<hbm>>
        %dma_wait3A_812 = tpu.memref_slice %arg34[%dma_wait3A_810] : memref<4x!tpu.dma_semaphore, #tpu.memory_space<semaphore_mem>> -> memref<1x!tpu.dma_semaphore, #tpu.memory_space<semaphore_mem>>
        %dma_wait3A_813 = tpu.memref_squeeze %dma_wait3A_812 : memref<1x!tpu.dma_semaphore, #tpu.memory_space<semaphore_mem>> -> memref<!tpu.dma_semaphore, #tpu.memory_space<semaphore_mem>>
        %dma_wait3A_814 = tpu.memref_slice %arg7[%add3A_794] : memref<8388608xf32, #tpu.memory_space<hbm>> -> memref<2048xf32, #tpu.memory_space<hbm>>
        tpu.wait_dma2 semaphore(%dma_wait3A_813 : memref<!tpu.dma_semaphore, #tpu.memory_space<semaphore_mem>>) src(%arg32 : memref<2048xf32, #tpu.memory_space<vmem>>) dst(%dma_wait3A_814 : memref<2048xf32, #tpu.memory_space<hbm>>)
      } else {
      }
      %scan3A_628 = arith.constant 0 : i32
      %scan3A_629 = arith.constant 0 : i32
      %scan3A_630 = arith.constant 16 : i32
      %scan3A_631 = arith.addi %scan3A_629, %scan3A_630 : i32
      %scan3A_632 = arith.constant 1 : i32
      %scan3A_633 = scf.for %scan3A_783 = %scan3A_629 to %scan3A_631 step %scan3A_632 iter_args(%scan3A_784 = %scan3A_628) -> (i32)  : i32 {
        %shift_right_arithmetic3A = arith.constant 3 : i32
        %shift_right_arithmetic3A_785 = arith.shrsi %scan3A_783, %shift_right_arithmetic3A : i32
        %and3A_786 = arith.constant 7 : i32
        %and3A_787 = arith.andi %scan3A_783, %and3A_786 : i32
        %mul3A_788 = arith.constant 16 : i32
        %mul3A_789 = arith.muli %and3A_787, %mul3A_788 : i32
        %mul3A_790 = arith.constant 16 : i32
        %mul3A_791 = arith.muli %scan3A_783, %mul3A_790 : i32
        %get3A = arith.index_cast %mul3A_791 : i32 to index
        %get3A_792 = tpu.vector_load %arg20[%get3A] {strides = array<i32>} : memref<256xf32, #tpu.memory_space<vmem>>, vector<16xf32>,
        %max3A = arith.constant 0.000000e+00 : f32
        %max3A_793 = vector.broadcast %max3A : f32 to vector<16xf32>
        %max3A_794 = arith.maximumf %get3A_792, %max3A_793 : vector<16xf32>
        %convert_element_type3A_795 = arith.fptosi %max3A_794 : vector<16xf32> to vector<16xi32>
        %neg3A = arith.constant 0.000000e+00 : f32
        %neg3A_796 = vector.broadcast %neg3A : f32 to vector<16xf32>
        %neg3A_797 = arith.subf %neg3A_796, %get3A_792 : vector<16xf32>
        %max3A_798 = arith.constant 0.000000e+00 : f32
        %max3A_799 = vector.broadcast %max3A_798 : f32 to vector<16xf32>
        %max3A_800 = arith.maximumf %neg3A_797, %max3A_799 : vector<16xf32>
        %convert_element_type3A_801 = arith.fptosi %max3A_800 : vector<16xf32> to vector<16xi32>
        %mul3A_802 = arith.constant 1024 : i32
        %mul3A_803 = arith.muli %shift_right_arithmetic3A_785, %mul3A_802 : i32
        %add3A_804 = arith.addi %mul3A_803, %mul3A_789 : i32
        %mul3A_805 = arith.constant 4096 : i32
        %mul3A_806 = arith.muli %shift_right_arithmetic3A_785, %mul3A_805 : i32
        %add3A_807 = arith.addi %mul3A_806, %mul3A_789 : i32
        %add3A_808 = vector.broadcast %add3A_807 : i32 to vector<16xi32>
        %add3A_809 = arith.addi %add3A_808, %iota3A : vector<16xi32>
        %shift_right_arithmetic3A_810 = arith.constant 7 : i32
        %shift_right_arithmetic3A_811 = vector.broadcast %shift_right_arithmetic3A_810 : i32 to vector<16xi32>
        %shift_right_arithmetic3A_812 = arith.shrsi %convert_element_type3A_795, %shift_right_arithmetic3A_811 : vector<16xi32>
        %and3A_813 = arith.constant 384 : i32
        %and3A_814 = vector.broadcast %and3A_813 : i32 to vector<16xi32>
        %and3A_815 = arith.andi %shift_right_arithmetic3A_812, %and3A_814 : vector<16xi32>
        %shift_right_arithmetic3A_816 = arith.constant 7 : i32
        %shift_right_arithmetic3A_817 = vector.broadcast %shift_right_arithmetic3A_816 : i32 to vector<16xi32>
        %shift_right_arithmetic3A_818 = arith.shrsi %convert_element_type3A_801, %shift_right_arithmetic3A_817 : vector<16xi32>
        %and3A_819 = arith.constant 384 : i32
        %and3A_820 = vector.broadcast %and3A_819 : i32 to vector<16xi32>
        %and3A_821 = arith.andi %shift_right_arithmetic3A_818, %and3A_820 : vector<16xi32>
        %add3A_822 = arith.constant 0 : i32
        %add3A_823 = vector.broadcast %add3A_822 : i32 to vector<16xi32>
        %add3A_824 = arith.addi %add3A_809, %add3A_823 : vector<16xi32>
        %add3A_825 = arith.addi %add3A_824, %and3A_815 : vector<16xi32>
        %gather3A = tpu.vector_load_idx %arg21[%add3A_825] : memref<8192xf32, #tpu.memory_space<vmem>>[vector<16xi32>], vector<16xf32>,
        %add3A_826 = arith.addi %add3A_824, %and3A_815 : vector<16xi32>
        %gather3A_827 = tpu.vector_load_idx %arg22[%add3A_826] : memref<8192xf32, #tpu.memory_space<vmem>>[vector<16xi32>], vector<16xf32>,
        %add3A_828 = arith.addi %add3A_824, %and3A_821 : vector<16xi32>
        %gather3A_829 = tpu.vector_load_idx %arg21[%add3A_828] : memref<8192xf32, #tpu.memory_space<vmem>>[vector<16xi32>], vector<16xf32>,
        %add3A_830 = arith.addi %add3A_824, %and3A_821 : vector<16xi32>
        %gather3A_831 = tpu.vector_load_idx %arg22[%add3A_830] : memref<8192xf32, #tpu.memory_space<vmem>>[vector<16xi32>], vector<16xf32>,
        %add3A_832 = arith.constant 0 : i32
        %add3A_833 = arith.addi %add3A_804, %add3A_832 : i32
        %get3A_834 = arith.index_cast %add3A_833 : i32 to index
        %get3A_835 = tpu.vector_load %arg23[%get3A_834] {strides = array<i32>} : memref<2048xf32, #tpu.memory_space<vmem>>, vector<16xf32>,
        %mul3A_836 = arith.mulf %get3A_835, %gather3A_827 : vector<16xf32>
        %add3A_837 = arith.addf %gather3A, %mul3A_836 : vector<16xf32>
        %swap3A = arith.index_cast %add3A_833 : i32 to index
        %swap3A_838 = tpu.vector_load %arg24[%swap3A] {strides = array<i32>} : memref<2048xf32, #tpu.memory_space<vmem>>, vector<16xf32>,
        tpu.vector_store %arg24[%swap3A], %add3A_837 {strides = array<i32>} : memref<2048xf32, #tpu.memory_space<vmem>>, vector<16xf32>,
        %mul3A_839 = arith.mulf %get3A_835, %gather3A_831 : vector<16xf32>
        %add3A_840 = arith.addf %gather3A_829, %mul3A_839 : vector<16xf32>
        %swap3A_841 = arith.index_cast %add3A_833 : i32 to index
        %swap3A_842 = tpu.vector_load %arg25[%swap3A_841] {strides = array<i32>} : memref<2048xf32, #tpu.memory_space<vmem>>, vector<16xf32>,
        tpu.vector_store %arg25[%swap3A_841], %add3A_840 {strides = array<i32>} : memref<2048xf32, #tpu.memory_space<vmem>>, vector<16xf32>,
        %shift_right_arithmetic3A_843 = arith.constant 5 : i32
        %shift_right_arithmetic3A_844 = vector.broadcast %shift_right_arithmetic3A_843 : i32 to vector<16xi32>
        %shift_right_arithmetic3A_845 = arith.shrsi %convert_element_type3A_795, %shift_right_arithmetic3A_844 : vector<16xi32>
        %and3A_846 = arith.constant 384 : i32
        %and3A_847 = vector.broadcast %and3A_846 : i32 to vector<16xi32>
        %and3A_848 = arith.andi %shift_right_arithmetic3A_845, %and3A_847 : vector<16xi32>
        %shift_right_arithmetic3A_849 = arith.constant 5 : i32
        %shift_right_arithmetic3A_850 = vector.broadcast %shift_right_arithmetic3A_849 : i32 to vector<16xi32>
        %shift_right_arithmetic3A_851 = arith.shrsi %convert_element_type3A_801, %shift_right_arithmetic3A_850 : vector<16xi32>
        %and3A_852 = arith.constant 384 : i32
        %and3A_853 = vector.broadcast %and3A_852 : i32 to vector<16xi32>
        %and3A_854 = arith.andi %shift_right_arithmetic3A_851, %and3A_853 : vector<16xi32>
        %add3A_855 = arith.constant 512 : i32
        %add3A_856 = vector.broadcast %add3A_855 : i32 to vector<16xi32>
        %add3A_857 = arith.addi %add3A_809, %add3A_856 : vector<16xi32>
        %add3A_858 = arith.addi %add3A_857, %and3A_848 : vector<16xi32>
        %gather3A_859 = tpu.vector_load_idx %arg21[%add3A_858] : memref<8192xf32, #tpu.memory_space<vmem>>[vector<16xi32>], vector<16xf32>,
        %add3A_860 = arith.addi %add3A_857, %and3A_848 : vector<16xi32>
        %gather3A_861 = tpu.vector_load_idx %arg22[%add3A_860] : memref<8192xf32, #tpu.memory_space<vmem>>[vector<16xi32>], vector<16xf32>,
        %add3A_862 = arith.addi %add3A_857, %and3A_854 : vector<16xi32>
        %gather3A_863 = tpu.vector_load_idx %arg21[%add3A_862] : memref<8192xf32, #tpu.memory_space<vmem>>[vector<16xi32>], vector<16xf32>,
        %add3A_864 = arith.addi %add3A_857, %and3A_854 : vector<16xi32>
        %gather3A_865 = tpu.vector_load_idx %arg22[%add3A_864] : memref<8192xf32, #tpu.memory_space<vmem>>[vector<16xi32>], vector<16xf32>,
        %add3A_866 = arith.constant 128 : i32
        %add3A_867 = arith.addi %add3A_804, %add3A_866 : i32
        %get3A_868 = arith.index_cast %add3A_867 : i32 to index
        %get3A_869 = tpu.vector_load %arg23[%get3A_868] {strides = array<i32>} : memref<2048xf32, #tpu.memory_space<vmem>>, vector<16xf32>,
        %mul3A_870 = arith.mulf %get3A_869, %gather3A_861 : vector<16xf32>
        %add3A_871 = arith.addf %gather3A_859, %mul3A_870 : vector<16xf32>
        %swap3A_872 = arith.index_cast %add3A_867 : i32 to index
        %swap3A_873 = tpu.vector_load %arg24[%swap3A_872] {strides = array<i32>} : memref<2048xf32, #tpu.memory_space<vmem>>, vector<16xf32>,
        tpu.vector_store %arg24[%swap3A_872], %add3A_871 {strides = array<i32>} : memref<2048xf32, #tpu.memory_space<vmem>>, vector<16xf32>,
        %mul3A_874 = arith.mulf %get3A_869, %gather3A_865 : vector<16xf32>
        %add3A_875 = arith.addf %gather3A_863, %mul3A_874 : vector<16xf32>
        %swap3A_876 = arith.index_cast %add3A_867 : i32 to index
        %swap3A_877 = tpu.vector_load %arg25[%swap3A_876] {strides = array<i32>} : memref<2048xf32, #tpu.memory_space<vmem>>, vector<16xf32>,
        tpu.vector_store %arg25[%swap3A_876], %add3A_875 {strides = array<i32>} : memref<2048xf32, #tpu.memory_space<vmem>>, vector<16xf32>,
        %shift_right_arithmetic3A_878 = arith.constant 3 : i32
        %shift_right_arithmetic3A_879 = vector.broadcast %shift_right_arithmetic3A_878 : i32 to vector<16xi32>
        %shift_right_arithmetic3A_880 = arith.shrsi %convert_element_type3A_795, %shift_right_arithmetic3A_879 : vector<16xi32>
        %and3A_881 = arith.constant 384 : i32
        %and3A_882 = vector.broadcast %and3A_881 : i32 to vector<16xi32>
        %and3A_883 = arith.andi %shift_right_arithmetic3A_880, %and3A_882 : vector<16xi32>
        %shift_right_arithmetic3A_884 = arith.constant 3 : i32
        %shift_right_arithmetic3A_885 = vector.broadcast %shift_right_arithmetic3A_884 : i32 to vector<16xi32>
        %shift_right_arithmetic3A_886 = arith.shrsi %convert_element_type3A_801, %shift_right_arithmetic3A_885 : vector<16xi32>
        %and3A_887 = arith.constant 384 : i32
        %and3A_888 = vector.broadcast %and3A_887 : i32 to vector<16xi32>
        %and3A_889 = arith.andi %shift_right_arithmetic3A_886, %and3A_888 : vector<16xi32>
        %add3A_890 = arith.constant 1024 : i32
        %add3A_891 = vector.broadcast %add3A_890 : i32 to vector<16xi32>
        %add3A_892 = arith.addi %add3A_809, %add3A_891 : vector<16xi32>
        %add3A_893 = arith.addi %add3A_892, %and3A_883 : vector<16xi32>
        %gather3A_894 = tpu.vector_load_idx %arg21[%add3A_893] : memref<8192xf32, #tpu.memory_space<vmem>>[vector<16xi32>], vector<16xf32>,
        %add3A_895 = arith.addi %add3A_892, %and3A_883 : vector<16xi32>
        %gather3A_896 = tpu.vector_load_idx %arg22[%add3A_895] : memref<8192xf32, #tpu.memory_space<vmem>>[vector<16xi32>], vector<16xf32>,
        %add3A_897 = arith.addi %add3A_892, %and3A_889 : vector<16xi32>
        %gather3A_898 = tpu.vector_load_idx %arg21[%add3A_897] : memref<8192xf32, #tpu.memory_space<vmem>>[vector<16xi32>], vector<16xf32>,
        %add3A_899 = arith.addi %add3A_892, %and3A_889 : vector<16xi32>
        %gather3A_900 = tpu.vector_load_idx %arg22[%add3A_899] : memref<8192xf32, #tpu.memory_space<vmem>>[vector<16xi32>], vector<16xf32>,
        %add3A_901 = arith.constant 256 : i32
        %add3A_902 = arith.addi %add3A_804, %add3A_901 : i32
        %get3A_903 = arith.index_cast %add3A_902 : i32 to index
        %get3A_904 = tpu.vector_load %arg23[%get3A_903] {strides = array<i32>} : memref<2048xf32, #tpu.memory_space<vmem>>, vector<16xf32>,
        %mul3A_905 = arith.mulf %get3A_904, %gather3A_896 : vector<16xf32>
        %add3A_906 = arith.addf %gather3A_894, %mul3A_905 : vector<16xf32>
        %swap3A_907 = arith.index_cast %add3A_902 : i32 to index
        %swap3A_908 = tpu.vector_load %arg24[%swap3A_907] {strides = array<i32>} : memref<2048xf32, #tpu.memory_space<vmem>>, vector<16xf32>,
        tpu.vector_store %arg24[%swap3A_907], %add3A_906 {strides = array<i32>} : memref<2048xf32, #tpu.memory_space<vmem>>, vector<16xf32>,
        %mul3A_909 = arith.mulf %get3A_904, %gather3A_900 : vector<16xf32>
        %add3A_910 = arith.addf %gather3A_898, %mul3A_909 : vector<16xf32>
        %swap3A_911 = arith.index_cast %add3A_902 : i32 to index
        %swap3A_912 = tpu.vector_load %arg25[%swap3A_911] {strides = array<i32>} : memref<2048xf32, #tpu.memory_space<vmem>>, vector<16xf32>,
        tpu.vector_store %arg25[%swap3A_911], %add3A_910 {strides = array<i32>} : memref<2048xf32, #tpu.memory_space<vmem>>, vector<16xf32>,
        %shift_right_arithmetic3A_913 = arith.constant 1 : i32
        %shift_right_arithmetic3A_914 = vector.broadcast %shift_right_arithmetic3A_913 : i32 to vector<16xi32>
        %shift_right_arithmetic3A_915 = arith.shrsi %convert_element_type3A_795, %shift_right_arithmetic3A_914 : vector<16xi32>
        %and3A_916 = arith.constant 384 : i32
        %and3A_917 = vector.broadcast %and3A_916 : i32 to vector<16xi32>
        %and3A_918 = arith.andi %shift_right_arithmetic3A_915, %and3A_917 : vector<16xi32>
        %shift_right_arithmetic3A_919 = arith.constant 1 : i32
        %shift_right_arithmetic3A_920 = vector.broadcast %shift_right_arithmetic3A_919 : i32 to vector<16xi32>
        %shift_right_arithmetic3A_921 = arith.shrsi %convert_element_type3A_801, %shift_right_arithmetic3A_920 : vector<16xi32>
        %and3A_922 = arith.constant 384 : i32
        %and3A_923 = vector.broadcast %and3A_922 : i32 to vector<16xi32>
        %and3A_924 = arith.andi %shift_right_arithmetic3A_921, %and3A_923 : vector<16xi32>
        %add3A_925 = arith.constant 1536 : i32
        %add3A_926 = vector.broadcast %add3A_925 : i32 to vector<16xi32>
        %add3A_927 = arith.addi %add3A_809, %add3A_926 : vector<16xi32>
        %add3A_928 = arith.addi %add3A_927, %and3A_918 : vector<16xi32>
        %gather3A_929 = tpu.vector_load_idx %arg21[%add3A_928] : memref<8192xf32, #tpu.memory_space<vmem>>[vector<16xi32>], vector<16xf32>,
        %add3A_930 = arith.addi %add3A_927, %and3A_918 : vector<16xi32>
        %gather3A_931 = tpu.vector_load_idx %arg22[%add3A_930] : memref<8192xf32, #tpu.memory_space<vmem>>[vector<16xi32>], vector<16xf32>,
        %add3A_932 = arith.addi %add3A_927, %and3A_924 : vector<16xi32>
        %gather3A_933 = tpu.vector_load_idx %arg21[%add3A_932] : memref<8192xf32, #tpu.memory_space<vmem>>[vector<16xi32>], vector<16xf32>,
        %add3A_934 = arith.addi %add3A_927, %and3A_924 : vector<16xi32>
        %gather3A_935 = tpu.vector_load_idx %arg22[%add3A_934] : memref<8192xf32, #tpu.memory_space<vmem>>[vector<16xi32>], vector<16xf32>,
        %add3A_936 = arith.constant 384 : i32
        %add3A_937 = arith.addi %add3A_804, %add3A_936 : i32
        %get3A_938 = arith.index_cast %add3A_937 : i32 to index
        %get3A_939 = tpu.vector_load %arg23[%get3A_938] {strides = array<i32>} : memref<2048xf32, #tpu.memory_space<vmem>>, vector<16xf32>,
        %mul3A_940 = arith.mulf %get3A_939, %gather3A_931 : vector<16xf32>
        %add3A_941 = arith.addf %gather3A_929, %mul3A_940 : vector<16xf32>
        %swap3A_942 = arith.index_cast %add3A_937 : i32 to index
        %swap3A_943 = tpu.vector_load %arg24[%swap3A_942] {strides = array<i32>} : memref<2048xf32, #tpu.memory_space<vmem>>, vector<16xf32>,
        tpu.vector_store %arg24[%swap3A_942], %add3A_941 {strides = array<i32>} : memref<2048xf32, #tpu.memory_space<vmem>>, vector<16xf32>,
        %mul3A_944 = arith.mulf %get3A_939, %gather3A_935 : vector<16xf32>
        %add3A_945 = arith.addf %gather3A_933, %mul3A_944 : vector<16xf32>
        %swap3A_946 = arith.index_cast %add3A_937 : i32 to index
        %swap3A_947 = tpu.vector_load %arg25[%swap3A_946] {strides = array<i32>} : memref<2048xf32, #tpu.memory_space<vmem>>, vector<16xf32>,
        tpu.vector_store %arg25[%swap3A_946], %add3A_945 {strides = array<i32>} : memref<2048xf32, #tpu.memory_space<vmem>>, vector<16xf32>,
        %shift_left3A = arith.constant 1 : i32
        %shift_left3A_948 = vector.broadcast %shift_left3A : i32 to vector<16xi32>
        %shift_left3A_949 = arith.shli %convert_element_type3A_795, %shift_left3A_948 : vector<16xi32>
        %and3A_950 = arith.constant 384 : i32
        %and3A_951 = vector.broadcast %and3A_950 : i32 to vector<16xi32>
        %and3A_952 = arith.andi %shift_left3A_949, %and3A_951 : vector<16xi32>
        %shift_left3A_953 = arith.constant 1 : i32
        %shift_left3A_954 = vector.broadcast %shift_left3A_953 : i32 to vector<16xi32>
        %shift_left3A_955 = arith.shli %convert_element_type3A_801, %shift_left3A_954 : vector<16xi32>
        %and3A_956 = arith.constant 384 : i32
        %and3A_957 = vector.broadcast %and3A_956 : i32 to vector<16xi32>
        %and3A_958 = arith.andi %shift_left3A_955, %and3A_957 : vector<16xi32>
        %add3A_959 = arith.constant 2048 : i32
        %add3A_960 = vector.broadcast %add3A_959 : i32 to vector<16xi32>
        %add3A_961 = arith.addi %add3A_809, %add3A_960 : vector<16xi32>
        %add3A_962 = arith.addi %add3A_961, %and3A_952 : vector<16xi32>
        %gather3A_963 = tpu.vector_load_idx %arg21[%add3A_962] : memref<8192xf32, #tpu.memory_space<vmem>>[vector<16xi32>], vector<16xf32>,
        %add3A_964 = arith.addi %add3A_961, %and3A_952 : vector<16xi32>
        %gather3A_965 = tpu.vector_load_idx %arg22[%add3A_964] : memref<8192xf32, #tpu.memory_space<vmem>>[vector<16xi32>], vector<16xf32>,
        %add3A_966 = arith.addi %add3A_961, %and3A_958 : vector<16xi32>
        %gather3A_967 = tpu.vector_load_idx %arg21[%add3A_966] : memref<8192xf32, #tpu.memory_space<vmem>>[vector<16xi32>], vector<16xf32>,
        %add3A_968 = arith.addi %add3A_961, %and3A_958 : vector<16xi32>
        %gather3A_969 = tpu.vector_load_idx %arg22[%add3A_968] : memref<8192xf32, #tpu.memory_space<vmem>>[vector<16xi32>], vector<16xf32>,
        %add3A_970 = arith.constant 512 : i32
        %add3A_971 = arith.addi %add3A_804, %add3A_970 : i32
        %get3A_972 = arith.index_cast %add3A_971 : i32 to index
        %get3A_973 = tpu.vector_load %arg23[%get3A_972] {strides = array<i32>} : memref<2048xf32, #tpu.memory_space<vmem>>, vector<16xf32>,
        %mul3A_974 = arith.mulf %get3A_973, %gather3A_965 : vector<16xf32>
        %add3A_975 = arith.addf %gather3A_963, %mul3A_974 : vector<16xf32>
        %swap3A_976 = arith.index_cast %add3A_971 : i32 to index
        %swap3A_977 = tpu.vector_load %arg24[%swap3A_976] {strides = array<i32>} : memref<2048xf32, #tpu.memory_space<vmem>>, vector<16xf32>,
        tpu.vector_store %arg24[%swap3A_976], %add3A_975 {strides = array<i32>} : memref<2048xf32, #tpu.memory_space<vmem>>, vector<16xf32>,
        %mul3A_978 = arith.mulf %get3A_973, %gather3A_969 : vector<16xf32>
        %add3A_979 = arith.addf %gather3A_967, %mul3A_978 : vector<16xf32>
        %swap3A_980 = arith.index_cast %add3A_971 : i32 to index
        %swap3A_981 = tpu.vector_load %arg25[%swap3A_980] {strides = array<i32>} : memref<2048xf32, #tpu.memory_space<vmem>>, vector<16xf32>,
        tpu.vector_store %arg25[%swap3A_980], %add3A_979 {strides = array<i32>} : memref<2048xf32, #tpu.memory_space<vmem>>, vector<16xf32>,
        %shift_left3A_982 = arith.constant 3 : i32
        %shift_left3A_983 = vector.broadcast %shift_left3A_982 : i32 to vector<16xi32>
        %shift_left3A_984 = arith.shli %convert_element_type3A_795, %shift_left3A_983 : vector<16xi32>
        %and3A_985 = arith.constant 384 : i32
        %and3A_986 = vector.broadcast %and3A_985 : i32 to vector<16xi32>
        %and3A_987 = arith.andi %shift_left3A_984, %and3A_986 : vector<16xi32>
        %shift_left3A_988 = arith.constant 3 : i32
        %shift_left3A_989 = vector.broadcast %shift_left3A_988 : i32 to vector<16xi32>
        %shift_left3A_990 = arith.shli %convert_element_type3A_801, %shift_left3A_989 : vector<16xi32>
        %and3A_991 = arith.constant 384 : i32
        %and3A_992 = vector.broadcast %and3A_991 : i32 to vector<16xi32>
        %and3A_993 = arith.andi %shift_left3A_990, %and3A_992 : vector<16xi32>
        %add3A_994 = arith.constant 2560 : i32
        %add3A_995 = vector.broadcast %add3A_994 : i32 to vector<16xi32>
        %add3A_996 = arith.addi %add3A_809, %add3A_995 : vector<16xi32>
        %add3A_997 = arith.addi %add3A_996, %and3A_987 : vector<16xi32>
        %gather3A_998 = tpu.vector_load_idx %arg21[%add3A_997] : memref<8192xf32, #tpu.memory_space<vmem>>[vector<16xi32>], vector<16xf32>,
        %add3A_999 = arith.addi %add3A_996, %and3A_987 : vector<16xi32>
        %gather3A_1000 = tpu.vector_load_idx %arg22[%add3A_999] : memref<8192xf32, #tpu.memory_space<vmem>>[vector<16xi32>], vector<16xf32>,
        %add3A_1001 = arith.addi %add3A_996, %and3A_993 : vector<16xi32>
        %gather3A_1002 = tpu.vector_load_idx %arg21[%add3A_1001] : memref<8192xf32, #tpu.memory_space<vmem>>[vector<16xi32>], vector<16xf32>,
        %add3A_1003 = arith.addi %add3A_996, %and3A_993 : vector<16xi32>
        %gather3A_1004 = tpu.vector_load_idx %arg22[%add3A_1003] : memref<8192xf32, #tpu.memory_space<vmem>>[vector<16xi32>], vector<16xf32>,
        %add3A_1005 = arith.constant 640 : i32
        %add3A_1006 = arith.addi %add3A_804, %add3A_1005 : i32
        %get3A_1007 = arith.index_cast %add3A_1006 : i32 to index
        %get3A_1008 = tpu.vector_load %arg23[%get3A_1007] {strides = array<i32>} : memref<2048xf32, #tpu.memory_space<vmem>>, vector<16xf32>,
        %mul3A_1009 = arith.mulf %get3A_1008, %gather3A_1000 : vector<16xf32>
        %add3A_1010 = arith.addf %gather3A_998, %mul3A_1009 : vector<16xf32>
        %swap3A_1011 = arith.index_cast %add3A_1006 : i32 to index
        %swap3A_1012 = tpu.vector_load %arg24[%swap3A_1011] {strides = array<i32>} : memref<2048xf32, #tpu.memory_space<vmem>>, vector<16xf32>,
        tpu.vector_store %arg24[%swap3A_1011], %add3A_1010 {strides = array<i32>} : memref<2048xf32, #tpu.memory_space<vmem>>, vector<16xf32>,
        %mul3A_1013 = arith.mulf %get3A_1008, %gather3A_1004 : vector<16xf32>
        %add3A_1014 = arith.addf %gather3A_1002, %mul3A_1013 : vector<16xf32>
        %swap3A_1015 = arith.index_cast %add3A_1006 : i32 to index
        %swap3A_1016 = tpu.vector_load %arg25[%swap3A_1015] {strides = array<i32>} : memref<2048xf32, #tpu.memory_space<vmem>>, vector<16xf32>,
        tpu.vector_store %arg25[%swap3A_1015], %add3A_1014 {strides = array<i32>} : memref<2048xf32, #tpu.memory_space<vmem>>, vector<16xf32>,
        %shift_left3A_1017 = arith.constant 5 : i32
        %shift_left3A_1018 = vector.broadcast %shift_left3A_1017 : i32 to vector<16xi32>
        %shift_left3A_1019 = arith.shli %convert_element_type3A_795, %shift_left3A_1018 : vector<16xi32>
        %and3A_1020 = arith.constant 384 : i32
        %and3A_1021 = vector.broadcast %and3A_1020 : i32 to vector<16xi32>
        %and3A_1022 = arith.andi %shift_left3A_1019, %and3A_1021 : vector<16xi32>
        %shift_left3A_1023 = arith.constant 5 : i32
        %shift_left3A_1024 = vector.broadcast %shift_left3A_1023 : i32 to vector<16xi32>
        %shift_left3A_1025 = arith.shli %convert_element_type3A_801, %shift_left3A_1024 : vector<16xi32>
        %and3A_1026 = arith.constant 384 : i32
        %and3A_1027 = vector.broadcast %and3A_1026 : i32 to vector<16xi32>
        %and3A_1028 = arith.andi %shift_left3A_1025, %and3A_1027 : vector<16xi32>
        %add3A_1029 = arith.constant 3072 : i32
        %add3A_1030 = vector.broadcast %add3A_1029 : i32 to vector<16xi32>
        %add3A_1031 = arith.addi %add3A_809, %add3A_1030 : vector<16xi32>
        %add3A_1032 = arith.addi %add3A_1031, %and3A_1022 : vector<16xi32>
        %gather3A_1033 = tpu.vector_load_idx %arg21[%add3A_1032] : memref<8192xf32, #tpu.memory_space<vmem>>[vector<16xi32>], vector<16xf32>,
        %add3A_1034 = arith.addi %add3A_1031, %and3A_1022 : vector<16xi32>
        %gather3A_1035 = tpu.vector_load_idx %arg22[%add3A_1034] : memref<8192xf32, #tpu.memory_space<vmem>>[vector<16xi32>], vector<16xf32>,
        %add3A_1036 = arith.addi %add3A_1031, %and3A_1028 : vector<16xi32>
        %gather3A_1037 = tpu.vector_load_idx %arg21[%add3A_1036] : memref<8192xf32, #tpu.memory_space<vmem>>[vector<16xi32>], vector<16xf32>,
        %add3A_1038 = arith.addi %add3A_1031, %and3A_1028 : vector<16xi32>
        %gather3A_1039 = tpu.vector_load_idx %arg22[%add3A_1038] : memref<8192xf32, #tpu.memory_space<vmem>>[vector<16xi32>], vector<16xf32>,
        %add3A_1040 = arith.constant 768 : i32
        %add3A_1041 = arith.addi %add3A_804, %add3A_1040 : i32
        %get3A_1042 = arith.index_cast %add3A_1041 : i32 to index
        %get3A_1043 = tpu.vector_load %arg23[%get3A_1042] {strides = array<i32>} : memref<2048xf32, #tpu.memory_space<vmem>>, vector<16xf32>,
        %mul3A_1044 = arith.mulf %get3A_1043, %gather3A_1035 : vector<16xf32>
        %add3A_1045 = arith.addf %gather3A_1033, %mul3A_1044 : vector<16xf32>
        %swap3A_1046 = arith.index_cast %add3A_1041 : i32 to index
        %swap3A_1047 = tpu.vector_load %arg24[%swap3A_1046] {strides = array<i32>} : memref<2048xf32, #tpu.memory_space<vmem>>, vector<16xf32>,
        tpu.vector_store %arg24[%swap3A_1046], %add3A_1045 {strides = array<i32>} : memref<2048xf32, #tpu.memory_space<vmem>>, vector<16xf32>,
        %mul3A_1048 = arith.mulf %get3A_1043, %gather3A_1039 : vector<16xf32>
        %add3A_1049 = arith.addf %gather3A_1037, %mul3A_1048 : vector<16xf32>
        %swap3A_1050 = arith.index_cast %add3A_1041 : i32 to index
        %swap3A_1051 = tpu.vector_load %arg25[%swap3A_1050] {strides = array<i32>} : memref<2048xf32, #tpu.memory_space<vmem>>, vector<16xf32>,
        tpu.vector_store %arg25[%swap3A_1050], %add3A_1049 {strides = array<i32>} : memref<2048xf32, #tpu.memory_space<vmem>>, vector<16xf32>,
        %shift_left3A_1052 = arith.constant 7 : i32
        %shift_left3A_1053 = vector.broadcast %shift_left3A_1052 : i32 to vector<16xi32>
        %shift_left3A_1054 = arith.shli %convert_element_type3A_795, %shift_left3A_1053 : vector<16xi32>
        %and3A_1055 = arith.constant 384 : i32
        %and3A_1056 = vector.broadcast %and3A_1055 : i32 to vector<16xi32>
        %and3A_1057 = arith.andi %shift_left3A_1054, %and3A_1056 : vector<16xi32>
        %shift_left3A_1058 = arith.constant 7 : i32
        %shift_left3A_1059 = vector.broadcast %shift_left3A_1058 : i32 to vector<16xi32>
        %shift_left3A_1060 = arith.shli %convert_element_type3A_801, %shift_left3A_1059 : vector<16xi32>
        %and3A_1061 = arith.constant 384 : i32
        %and3A_1062 = vector.broadcast %and3A_1061 : i32 to vector<16xi32>
        %and3A_1063 = arith.andi %shift_left3A_1060, %and3A_1062 : vector<16xi32>
        %add3A_1064 = arith.constant 3584 : i32
        %add3A_1065 = vector.broadcast %add3A_1064 : i32 to vector<16xi32>
        %add3A_1066 = arith.addi %add3A_809, %add3A_1065 : vector<16xi32>
        %add3A_1067 = arith.addi %add3A_1066, %and3A_1057 : vector<16xi32>
        %gather3A_1068 = tpu.vector_load_idx %arg21[%add3A_1067] : memref<8192xf32, #tpu.memory_space<vmem>>[vector<16xi32>], vector<16xf32>,
        %add3A_1069 = arith.addi %add3A_1066, %and3A_1057 : vector<16xi32>
        %gather3A_1070 = tpu.vector_load_idx %arg22[%add3A_1069] : memref<8192xf32, #tpu.memory_space<vmem>>[vector<16xi32>], vector<16xf32>,
        %add3A_1071 = arith.addi %add3A_1066, %and3A_1063 : vector<16xi32>
        %gather3A_1072 = tpu.vector_load_idx %arg21[%add3A_1071] : memref<8192xf32, #tpu.memory_space<vmem>>[vector<16xi32>], vector<16xf32>,
        %add3A_1073 = arith.addi %add3A_1066, %and3A_1063 : vector<16xi32>
        %gather3A_1074 = tpu.vector_load_idx %arg22[%add3A_1073] : memref<8192xf32, #tpu.memory_space<vmem>>[vector<16xi32>], vector<16xf32>,
        %add3A_1075 = arith.constant 896 : i32
        %add3A_1076 = arith.addi %add3A_804, %add3A_1075 : i32
        %get3A_1077 = arith.index_cast %add3A_1076 : i32 to index
        %get3A_1078 = tpu.vector_load %arg23[%get3A_1077] {strides = array<i32>} : memref<2048xf32, #tpu.memory_space<vmem>>, vector<16xf32>,
        %mul3A_1079 = arith.mulf %get3A_1078, %gather3A_1070 : vector<16xf32>
        %add3A_1080 = arith.addf %gather3A_1068, %mul3A_1079 : vector<16xf32>
        %swap3A_1081 = arith.index_cast %add3A_1076 : i32 to index
        %swap3A_1082 = tpu.vector_load %arg24[%swap3A_1081] {strides = array<i32>} : memref<2048xf32, #tpu.memory_space<vmem>>, vector<16xf32>,
        tpu.vector_store %arg24[%swap3A_1081], %add3A_1080 {strides = array<i32>} : memref<2048xf32, #tpu.memory_space<vmem>>, vector<16xf32>,
        %mul3A_1083 = arith.mulf %get3A_1078, %gather3A_1074 : vector<16xf32>
        %add3A_1084 = arith.addf %gather3A_1072, %mul3A_1083 : vector<16xf32>
        %swap3A_1085 = arith.index_cast %add3A_1076 : i32 to index
        %swap3A_1086 = tpu.vector_load %arg25[%swap3A_1085] {strides = array<i32>} : memref<2048xf32, #tpu.memory_space<vmem>>, vector<16xf32>,
        tpu.vector_store %arg25[%swap3A_1085], %add3A_1084 {strides = array<i32>} : memref<2048xf32, #tpu.memory_space<vmem>>, vector<16xf32>,
        %scan3A_1087 = arith.constant 0 : i32
        scf.yield %scan3A_1087 : i32
      }
      %scan3A_634 = arith.constant 16 : i32
      %mul3A_635 = arith.constant 131072 : i32
      %mul3A_636 = arith.muli %add3A, %mul3A_635 : i32
      %mul3A_637 = arith.constant 2048 : i32
      %mul3A_638 = arith.muli %add3A_565, %mul3A_637 : i32
      %add3A_639 = arith.addi %mul3A_636, %mul3A_638 : i32
      %multiple_of3A_640 = tpu.assume_multiple %add3A_639, 2048 : i32
      %add3A_641 = arith.constant 4194304 : i32
      %add3A_642 = arith.addi %add3A_641, %multiple_of3A_640 : i32
      %add3A_643 = arith.constant 4194304 : i32
      %add3A_644 = arith.addi %add3A_643, %multiple_of3A_640 : i32
      %dma_start3A_645 = arith.constant 2 : i32
      %dma_start3A_646 = tpu.memref_slice %arg6[%multiple_of3A_640] : memref<8388608xf32, #tpu.memory_space<hbm>> -> memref<2048xf32, #tpu.memory_space<hbm>>
      %dma_start3A_647 = tpu.memref_slice %arg34[%dma_start3A_645] : memref<4x!tpu.dma_semaphore, #tpu.memory_space<semaphore_mem>> -> memref<1x!tpu.dma_semaphore, #tpu.memory_space<semaphore_mem>>
      %dma_start3A_648 = tpu.memref_squeeze %dma_start3A_647 : memref<1x!tpu.dma_semaphore, #tpu.memory_space<semaphore_mem>> -> memref<!tpu.dma_semaphore, #tpu.memory_space<semaphore_mem>>
      %dma_start3A_649 = tpu.memref_slice %arg6[%multiple_of3A_640] : memref<8388608xf32, #tpu.memory_space<hbm>> -> memref<2048xf32, #tpu.memory_space<hbm>>
      tpu.enqueue_dma source(%arg24 : memref<2048xf32, #tpu.memory_space<vmem>>) target(%dma_start3A_649 : memref<2048xf32, #tpu.memory_space<hbm>>) target_semaphore(%dma_start3A_648 : memref<!tpu.dma_semaphore, #tpu.memory_space<semaphore_mem>>)
      %dma_start3A_650 = arith.constant 2 : i32
      %dma_start3A_651 = tpu.memref_slice %arg6[%add3A_642] : memref<8388608xf32, #tpu.memory_space<hbm>> -> memref<2048xf32, #tpu.memory_space<hbm>>
      %dma_start3A_652 = tpu.memref_slice %arg34[%dma_start3A_650] : memref<4x!tpu.dma_semaphore, #tpu.memory_space<semaphore_mem>> -> memref<1x!tpu.dma_semaphore, #tpu.memory_space<semaphore_mem>>
      %dma_start3A_653 = tpu.memref_squeeze %dma_start3A_652 : memref<1x!tpu.dma_semaphore, #tpu.memory_space<semaphore_mem>> -> memref<!tpu.dma_semaphore, #tpu.memory_space<semaphore_mem>>
      %dma_start3A_654 = tpu.memref_slice %arg6[%add3A_642] : memref<8388608xf32, #tpu.memory_space<hbm>> -> memref<2048xf32, #tpu.memory_space<hbm>>
      tpu.enqueue_dma source(%arg25 : memref<2048xf32, #tpu.memory_space<vmem>>) target(%dma_start3A_654 : memref<2048xf32, #tpu.memory_space<hbm>>) target_semaphore(%dma_start3A_653 : memref<!tpu.dma_semaphore, #tpu.memory_space<semaphore_mem>>)
      %dma_start3A_655 = arith.constant 2 : i32
      %dma_start3A_656 = tpu.memref_slice %arg7[%multiple_of3A_640] : memref<8388608xf32, #tpu.memory_space<hbm>> -> memref<2048xf32, #tpu.memory_space<hbm>>
      %dma_start3A_657 = tpu.memref_slice %arg34[%dma_start3A_655] : memref<4x!tpu.dma_semaphore, #tpu.memory_space<semaphore_mem>> -> memref<1x!tpu.dma_semaphore, #tpu.memory_space<semaphore_mem>>
      %dma_start3A_658 = tpu.memref_squeeze %dma_start3A_657 : memref<1x!tpu.dma_semaphore, #tpu.memory_space<semaphore_mem>> -> memref<!tpu.dma_semaphore, #tpu.memory_space<semaphore_mem>>
      %dma_start3A_659 = tpu.memref_slice %arg7[%multiple_of3A_640] : memref<8388608xf32, #tpu.memory_space<hbm>> -> memref<2048xf32, #tpu.memory_space<hbm>>
      tpu.enqueue_dma source(%arg32 : memref<2048xf32, #tpu.memory_space<vmem>>) target(%dma_start3A_659 : memref<2048xf32, #tpu.memory_space<hbm>>) target_semaphore(%dma_start3A_658 : memref<!tpu.dma_semaphore, #tpu.memory_space<semaphore_mem>>)
      %dma_start3A_660 = arith.constant 2 : i32
      %dma_start3A_661 = tpu.memref_slice %arg7[%add3A_644] : memref<8388608xf32, #tpu.memory_space<hbm>> -> memref<2048xf32, #tpu.memory_space<hbm>>
      %dma_start3A_662 = tpu.memref_slice %arg34[%dma_start3A_660] : memref<4x!tpu.dma_semaphore, #tpu.memory_space<semaphore_mem>> -> memref<1x!tpu.dma_semaphore, #tpu.memory_space<semaphore_mem>>
      %dma_start3A_663 = tpu.memref_squeeze %dma_start3A_662 : memref<1x!tpu.dma_semaphore, #tpu.memory_space<semaphore_mem>> -> memref<!tpu.dma_semaphore, #tpu.memory_space<semaphore_mem>>
      %dma_start3A_664 = tpu.memref_slice %arg7[%add3A_644] : memref<8388608xf32, #tpu.memory_space<hbm>> -> memref<2048xf32, #tpu.memory_space<hbm>>
      tpu.enqueue_dma source(%arg32 : memref<2048xf32, #tpu.memory_space<vmem>>) target(%dma_start3A_664 : memref<2048xf32, #tpu.memory_space<hbm>>) target_semaphore(%dma_start3A_663 : memref<!tpu.dma_semaphore, #tpu.memory_space<semaphore_mem>>)
      %add3A_665 = arith.constant 4 : i32
      %add3A_666 = arith.addi %add3A_565, %add3A_665 : i32
      %lt3A_667 = arith.constant 64 : i32
      %lt3A_668 = arith.cmpi slt, %add3A_666, %lt3A_667 : i32
      %convert_element_type3A_669 = arith.extui %lt3A_668 : i1 to i32
      %cond3A_670 = arith.constant 0 : i32
      %cond3A_671 = arith.cmpi ne, %convert_element_type3A_669, %cond3A_670 : i32
      scf.if %cond3A_671 {
        %add3A_783 = arith.constant 4 : i32
        %add3A_784 = arith.addi %add3A_565, %add3A_783 : i32
        %mul3A_785 = arith.constant 131072 : i32
        %mul3A_786 = arith.muli %add3A, %mul3A_785 : i32
        %mul3A_787 = arith.constant 2048 : i32
        %mul3A_788 = arith.muli %add3A_784, %mul3A_787 : i32
        %add3A_789 = arith.addi %mul3A_786, %mul3A_788 : i32
        %multiple_of3A_790 = tpu.assume_multiple %add3A_789, 2048 : i32
        %jit3A_791 = arith.constant 8 : i32
        %div3A_792 = arith.divsi %multiple_of3A_790, %jit3A_791 : i32
        %sign3A_793 = arith.constant 0 : i32
        %sign3A_794 = arith.cmpi sgt, %multiple_of3A_790, %sign3A_793 : i32
        %sign3A_795 = arith.extui %sign3A_794 : i1 to i32
        %sign3A_796 = arith.constant 0 : i32
        %sign3A_797 = arith.cmpi slt, %multiple_of3A_790, %sign3A_796 : i32
        %sign3A_798 = arith.extui %sign3A_797 : i1 to i32
        %sign3A_799 = arith.subi %sign3A_795, %sign3A_798 : i32
        %sign3A_800 = arith.constant 0 : i32
        %sign3A_801 = arith.cmpi sgt, %jit3A_791, %sign3A_800 : i32
        %sign3A_802 = arith.extui %sign3A_801 : i1 to i32
        %sign3A_803 = arith.constant 0 : i32
        %sign3A_804 = arith.cmpi slt, %jit3A_791, %sign3A_803 : i32
        %sign3A_805 = arith.extui %sign3A_804 : i1 to i32
        %sign3A_806 = arith.subi %sign3A_802, %sign3A_805 : i32
        %ne3A_807 = arith.cmpi ne, %sign3A_799, %sign3A_806 : i32
        %rem3A_808 = arith.remsi %multiple_of3A_790, %jit3A_791 : i32
        %ne3A_809 = arith.constant 0 : i32
        %ne3A_810 = arith.cmpi ne, %rem3A_808, %ne3A_809 : i32
        %and3A_811 = arith.andi %ne3A_807, %ne3A_810 : i1
        %sub3A_812 = arith.constant 1 : i32
        %sub3A_813 = arith.subi %div3A_792, %sub3A_812 : i32
        %select_n3A_814 = arith.select %and3A_811, %sub3A_813, %div3A_792 : i32
        %multiple_of3A_815 = tpu.assume_multiple %select_n3A_814, 256 : i32
        %mul3A_816 = arith.constant 4 : i32
        %mul3A_817 = arith.muli %multiple_of3A_790, %mul3A_816 : i32
        %multiple_of3A_818 = tpu.assume_multiple %mul3A_817, 8192 : i32
        %mul3A_819 = arith.constant 4 : i32
        %mul3A_820 = arith.muli %multiple_of3A_790, %mul3A_819 : i32
        %multiple_of3A_821 = tpu.assume_multiple %mul3A_820, 8192 : i32
        %dma_start3A_822 = arith.constant 2 : i32
        %dma_start3A_823 = tpu.memref_slice %arg2[%multiple_of3A_815] : memref<524288xf32, #tpu.memory_space<hbm>> -> memref<256xf32, #tpu.memory_space<hbm>>
        %dma_start3A_824 = tpu.memref_slice %arg33[%dma_start3A_822] : memref<4x!tpu.dma_semaphore, #tpu.memory_space<semaphore_mem>> -> memref<1x!tpu.dma_semaphore, #tpu.memory_space<semaphore_mem>>
        %dma_start3A_825 = tpu.memref_squeeze %dma_start3A_824 : memref<1x!tpu.dma_semaphore, #tpu.memory_space<semaphore_mem>> -> memref<!tpu.dma_semaphore, #tpu.memory_space<semaphore_mem>>
        %dma_start3A_826 = tpu.memref_slice %arg2[%multiple_of3A_815] : memref<524288xf32, #tpu.memory_space<hbm>> -> memref<256xf32, #tpu.memory_space<hbm>>
        tpu.enqueue_dma source(%dma_start3A_826 : memref<256xf32, #tpu.memory_space<hbm>>) target(%arg20 : memref<256xf32, #tpu.memory_space<vmem>>) target_semaphore(%dma_start3A_825 : memref<!tpu.dma_semaphore, #tpu.memory_space<semaphore_mem>>)
        %dma_start3A_827 = arith.constant 2 : i32
        %dma_start3A_828 = tpu.memref_slice %arg3[%multiple_of3A_818] : memref<16777216xf32, #tpu.memory_space<hbm>> -> memref<8192xf32, #tpu.memory_space<hbm>>
        %dma_start3A_829 = tpu.memref_slice %arg33[%dma_start3A_827] : memref<4x!tpu.dma_semaphore, #tpu.memory_space<semaphore_mem>> -> memref<1x!tpu.dma_semaphore, #tpu.memory_space<semaphore_mem>>
        %dma_start3A_830 = tpu.memref_squeeze %dma_start3A_829 : memref<1x!tpu.dma_semaphore, #tpu.memory_space<semaphore_mem>> -> memref<!tpu.dma_semaphore, #tpu.memory_space<semaphore_mem>>
        %dma_start3A_831 = tpu.memref_slice %arg3[%multiple_of3A_818] : memref<16777216xf32, #tpu.memory_space<hbm>> -> memref<8192xf32, #tpu.memory_space<hbm>>
        tpu.enqueue_dma source(%dma_start3A_831 : memref<8192xf32, #tpu.memory_space<hbm>>) target(%arg21 : memref<8192xf32, #tpu.memory_space<vmem>>) target_semaphore(%dma_start3A_830 : memref<!tpu.dma_semaphore, #tpu.memory_space<semaphore_mem>>)
        %dma_start3A_832 = arith.constant 2 : i32
        %dma_start3A_833 = tpu.memref_slice %arg4[%multiple_of3A_821] : memref<16777216xf32, #tpu.memory_space<hbm>> -> memref<8192xf32, #tpu.memory_space<hbm>>
        %dma_start3A_834 = tpu.memref_slice %arg33[%dma_start3A_832] : memref<4x!tpu.dma_semaphore, #tpu.memory_space<semaphore_mem>> -> memref<1x!tpu.dma_semaphore, #tpu.memory_space<semaphore_mem>>
        %dma_start3A_835 = tpu.memref_squeeze %dma_start3A_834 : memref<1x!tpu.dma_semaphore, #tpu.memory_space<semaphore_mem>> -> memref<!tpu.dma_semaphore, #tpu.memory_space<semaphore_mem>>
        %dma_start3A_836 = tpu.memref_slice %arg4[%multiple_of3A_821] : memref<16777216xf32, #tpu.memory_space<hbm>> -> memref<8192xf32, #tpu.memory_space<hbm>>
        tpu.enqueue_dma source(%dma_start3A_836 : memref<8192xf32, #tpu.memory_space<hbm>>) target(%arg22 : memref<8192xf32, #tpu.memory_space<vmem>>) target_semaphore(%dma_start3A_835 : memref<!tpu.dma_semaphore, #tpu.memory_space<semaphore_mem>>)
        %dma_start3A_837 = arith.constant 2 : i32
        %dma_start3A_838 = tpu.memref_slice %arg5[%multiple_of3A_790] : memref<4194304xf32, #tpu.memory_space<hbm>> -> memref<2048xf32, #tpu.memory_space<hbm>>
        %dma_start3A_839 = tpu.memref_slice %arg33[%dma_start3A_837] : memref<4x!tpu.dma_semaphore, #tpu.memory_space<semaphore_mem>> -> memref<1x!tpu.dma_semaphore, #tpu.memory_space<semaphore_mem>>
        %dma_start3A_840 = tpu.memref_squeeze %dma_start3A_839 : memref<1x!tpu.dma_semaphore, #tpu.memory_space<semaphore_mem>> -> memref<!tpu.dma_semaphore, #tpu.memory_space<semaphore_mem>>
        %dma_start3A_841 = tpu.memref_slice %arg5[%multiple_of3A_790] : memref<4194304xf32, #tpu.memory_space<hbm>> -> memref<2048xf32, #tpu.memory_space<hbm>>
        tpu.enqueue_dma source(%dma_start3A_841 : memref<2048xf32, #tpu.memory_space<hbm>>) target(%arg23 : memref<2048xf32, #tpu.memory_space<vmem>>) target_semaphore(%dma_start3A_840 : memref<!tpu.dma_semaphore, #tpu.memory_space<semaphore_mem>>)
      } else {
      }
      %mul3A_672 = arith.constant 4 : i32
      %mul3A_673 = arith.muli %scan3A_344, %mul3A_672 : i32
      %add3A_674 = arith.constant 3 : i32
      %add3A_675 = arith.addi %mul3A_673, %add3A_674 : i32
      %mul3A_676 = arith.constant 131072 : i32
      %mul3A_677 = arith.muli %add3A, %mul3A_676 : i32
      %mul3A_678 = arith.constant 2048 : i32
      %mul3A_679 = arith.muli %add3A_675, %mul3A_678 : i32
      %add3A_680 = arith.addi %mul3A_677, %mul3A_679 : i32
      %multiple_of3A_681 = tpu.assume_multiple %add3A_680, 2048 : i32
      %jit3A_682 = arith.constant 8 : i32
      %div3A_683 = arith.divsi %multiple_of3A_681, %jit3A_682 : i32
      %sign3A_684 = arith.constant 0 : i32
      %sign3A_685 = arith.cmpi sgt, %multiple_of3A_681, %sign3A_684 : i32
      %sign3A_686 = arith.extui %sign3A_685 : i1 to i32
      %sign3A_687 = arith.constant 0 : i32
      %sign3A_688 = arith.cmpi slt, %multiple_of3A_681, %sign3A_687 : i32
      %sign3A_689 = arith.extui %sign3A_688 : i1 to i32
      %sign3A_690 = arith.subi %sign3A_686, %sign3A_689 : i32
      %sign3A_691 = arith.constant 0 : i32
      %sign3A_692 = arith.cmpi sgt, %jit3A_682, %sign3A_691 : i32
      %sign3A_693 = arith.extui %sign3A_692 : i1 to i32
      %sign3A_694 = arith.constant 0 : i32
      %sign3A_695 = arith.cmpi slt, %jit3A_682, %sign3A_694 : i32
      %sign3A_696 = arith.extui %sign3A_695 : i1 to i32
      %sign3A_697 = arith.subi %sign3A_693, %sign3A_696 : i32
      %ne3A_698 = arith.cmpi ne, %sign3A_690, %sign3A_697 : i32
      %rem3A_699 = arith.remsi %multiple_of3A_681, %jit3A_682 : i32
      %ne3A_700 = arith.constant 0 : i32
      %ne3A_701 = arith.cmpi ne, %rem3A_699, %ne3A_700 : i32
      %and3A_702 = arith.andi %ne3A_698, %ne3A_701 : i1
      %sub3A_703 = arith.constant 1 : i32
      %sub3A_704 = arith.subi %div3A_683, %sub3A_703 : i32
      %select_n3A_705 = arith.select %and3A_702, %sub3A_704, %div3A_683 : i32
      %multiple_of3A_706 = tpu.assume_multiple %select_n3A_705, 256 : i32
      %mul3A_707 = arith.constant 4 : i32
      %mul3A_708 = arith.muli %multiple_of3A_681, %mul3A_707 : i32
      %multiple_of3A_709 = tpu.assume_multiple %mul3A_708, 8192 : i32
      %mul3A_710 = arith.constant 4 : i32
      %mul3A_711 = arith.muli %multiple_of3A_681, %mul3A_710 : i32
      %multiple_of3A_712 = tpu.assume_multiple %mul3A_711, 8192 : i32
      %dma_wait3A_713 = arith.constant 3 : i32
      %dma_wait3A_714 = tpu.memref_slice %arg2[%multiple_of3A_706] : memref<524288xf32, #tpu.memory_space<hbm>> -> memref<256xf32, #tpu.memory_space<hbm>>
      %dma_wait3A_715 = tpu.memref_slice %arg33[%dma_wait3A_713] : memref<4x!tpu.dma_semaphore, #tpu.memory_space<semaphore_mem>> -> memref<1x!tpu.dma_semaphore, #tpu.memory_space<semaphore_mem>>
      %dma_wait3A_716 = tpu.memref_squeeze %dma_wait3A_715 : memref<1x!tpu.dma_semaphore, #tpu.memory_space<semaphore_mem>> -> memref<!tpu.dma_semaphore, #tpu.memory_space<semaphore_mem>>
      %dma_wait3A_717 = tpu.memref_slice %arg2[%multiple_of3A_706] : memref<524288xf32, #tpu.memory_space<hbm>> -> memref<256xf32, #tpu.memory_space<hbm>>
      tpu.wait_dma2 semaphore(%dma_wait3A_716 : memref<!tpu.dma_semaphore, #tpu.memory_space<semaphore_mem>>) src(%dma_wait3A_717 : memref<256xf32, #tpu.memory_space<hbm>>) dst(%arg26 : memref<256xf32, #tpu.memory_space<vmem>>)
      %dma_wait3A_718 = arith.constant 3 : i32
      %dma_wait3A_719 = tpu.memref_slice %arg3[%multiple_of3A_709] : memref<16777216xf32, #tpu.memory_space<hbm>> -> memref<8192xf32, #tpu.memory_space<hbm>>
      %dma_wait3A_720 = tpu.memref_slice %arg33[%dma_wait3A_718] : memref<4x!tpu.dma_semaphore, #tpu.memory_space<semaphore_mem>> -> memref<1x!tpu.dma_semaphore, #tpu.memory_space<semaphore_mem>>
      %dma_wait3A_721 = tpu.memref_squeeze %dma_wait3A_720 : memref<1x!tpu.dma_semaphore, #tpu.memory_space<semaphore_mem>> -> memref<!tpu.dma_semaphore, #tpu.memory_space<semaphore_mem>>
      %dma_wait3A_722 = tpu.memref_slice %arg3[%multiple_of3A_709] : memref<16777216xf32, #tpu.memory_space<hbm>> -> memref<8192xf32, #tpu.memory_space<hbm>>
      tpu.wait_dma2 semaphore(%dma_wait3A_721 : memref<!tpu.dma_semaphore, #tpu.memory_space<semaphore_mem>>) src(%dma_wait3A_722 : memref<8192xf32, #tpu.memory_space<hbm>>) dst(%arg27 : memref<8192xf32, #tpu.memory_space<vmem>>)
      %dma_wait3A_723 = arith.constant 3 : i32
      %dma_wait3A_724 = tpu.memref_slice %arg4[%multiple_of3A_712] : memref<16777216xf32, #tpu.memory_space<hbm>> -> memref<8192xf32, #tpu.memory_space<hbm>>
      %dma_wait3A_725 = tpu.memref_slice %arg33[%dma_wait3A_723] : memref<4x!tpu.dma_semaphore, #tpu.memory_space<semaphore_mem>> -> memref<1x!tpu.dma_semaphore, #tpu.memory_space<semaphore_mem>>
      %dma_wait3A_726 = tpu.memref_squeeze %dma_wait3A_725 : memref<1x!tpu.dma_semaphore, #tpu.memory_space<semaphore_mem>> -> memref<!tpu.dma_semaphore, #tpu.memory_space<semaphore_mem>>
      %dma_wait3A_727 = tpu.memref_slice %arg4[%multiple_of3A_712] : memref<16777216xf32, #tpu.memory_space<hbm>> -> memref<8192xf32, #tpu.memory_space<hbm>>
      tpu.wait_dma2 semaphore(%dma_wait3A_726 : memref<!tpu.dma_semaphore, #tpu.memory_space<semaphore_mem>>) src(%dma_wait3A_727 : memref<8192xf32, #tpu.memory_space<hbm>>) dst(%arg28 : memref<8192xf32, #tpu.memory_space<vmem>>)
      %dma_wait3A_728 = arith.constant 3 : i32
      %dma_wait3A_729 = tpu.memref_slice %arg5[%multiple_of3A_681] : memref<4194304xf32, #tpu.memory_space<hbm>> -> memref<2048xf32, #tpu.memory_space<hbm>>
      %dma_wait3A_730 = tpu.memref_slice %arg33[%dma_wait3A_728] : memref<4x!tpu.dma_semaphore, #tpu.memory_space<semaphore_mem>> -> memref<1x!tpu.dma_semaphore, #tpu.memory_space<semaphore_mem>>
      %dma_wait3A_731 = tpu.memref_squeeze %dma_wait3A_730 : memref<1x!tpu.dma_semaphore, #tpu.memory_space<semaphore_mem>> -> memref<!tpu.dma_semaphore, #tpu.memory_space<semaphore_mem>>
      %dma_wait3A_732 = tpu.memref_slice %arg5[%multiple_of3A_681] : memref<4194304xf32, #tpu.memory_space<hbm>> -> memref<2048xf32, #tpu.memory_space<hbm>>
      tpu.wait_dma2 semaphore(%dma_wait3A_731 : memref<!tpu.dma_semaphore, #tpu.memory_space<semaphore_mem>>) src(%dma_wait3A_732 : memref<2048xf32, #tpu.memory_space<hbm>>) dst(%arg29 : memref<2048xf32, #tpu.memory_space<vmem>>)
      %ge3A_733 = arith.constant 4 : i32
      %ge3A_734 = arith.cmpi sge, %add3A_675, %ge3A_733 : i32
      %convert_element_type3A_735 = arith.extui %ge3A_734 : i1 to i32
      %cond3A_736 = arith.constant 0 : i32
      %cond3A_737 = arith.cmpi ne, %convert_element_type3A_735, %cond3A_736 : i32
      scf.if %cond3A_737 {
        %sub3A_783 = arith.constant 4 : i32
        %sub3A_784 = arith.subi %add3A_675, %sub3A_783 : i32
        %mul3A_785 = arith.constant 131072 : i32
        %mul3A_786 = arith.muli %add3A, %mul3A_785 : i32
        %mul3A_787 = arith.constant 2048 : i32
        %mul3A_788 = arith.muli %sub3A_784, %mul3A_787 : i32
        %add3A_789 = arith.addi %mul3A_786, %mul3A_788 : i32
        %multiple_of3A_790 = tpu.assume_multiple %add3A_789, 2048 : i32
        %add3A_791 = arith.constant 4194304 : i32
        %add3A_792 = arith.addi %add3A_791, %multiple_of3A_790 : i32
        %add3A_793 = arith.constant 4194304 : i32
        %add3A_794 = arith.addi %add3A_793, %multiple_of3A_790 : i32
        %dma_wait3A_795 = arith.constant 3 : i32
        %dma_wait3A_796 = tpu.memref_slice %arg6[%multiple_of3A_790] : memref<8388608xf32, #tpu.memory_space<hbm>> -> memref<2048xf32, #tpu.memory_space<hbm>>
        %dma_wait3A_797 = tpu.memref_slice %arg34[%dma_wait3A_795] : memref<4x!tpu.dma_semaphore, #tpu.memory_space<semaphore_mem>> -> memref<1x!tpu.dma_semaphore, #tpu.memory_space<semaphore_mem>>
        %dma_wait3A_798 = tpu.memref_squeeze %dma_wait3A_797 : memref<1x!tpu.dma_semaphore, #tpu.memory_space<semaphore_mem>> -> memref<!tpu.dma_semaphore, #tpu.memory_space<semaphore_mem>>
        %dma_wait3A_799 = tpu.memref_slice %arg6[%multiple_of3A_790] : memref<8388608xf32, #tpu.memory_space<hbm>> -> memref<2048xf32, #tpu.memory_space<hbm>>
        tpu.wait_dma2 semaphore(%dma_wait3A_798 : memref<!tpu.dma_semaphore, #tpu.memory_space<semaphore_mem>>) src(%arg30 : memref<2048xf32, #tpu.memory_space<vmem>>) dst(%dma_wait3A_799 : memref<2048xf32, #tpu.memory_space<hbm>>)
        %dma_wait3A_800 = arith.constant 3 : i32
        %dma_wait3A_801 = tpu.memref_slice %arg6[%add3A_792] : memref<8388608xf32, #tpu.memory_space<hbm>> -> memref<2048xf32, #tpu.memory_space<hbm>>
        %dma_wait3A_802 = tpu.memref_slice %arg34[%dma_wait3A_800] : memref<4x!tpu.dma_semaphore, #tpu.memory_space<semaphore_mem>> -> memref<1x!tpu.dma_semaphore, #tpu.memory_space<semaphore_mem>>
        %dma_wait3A_803 = tpu.memref_squeeze %dma_wait3A_802 : memref<1x!tpu.dma_semaphore, #tpu.memory_space<semaphore_mem>> -> memref<!tpu.dma_semaphore, #tpu.memory_space<semaphore_mem>>
        %dma_wait3A_804 = tpu.memref_slice %arg6[%add3A_792] : memref<8388608xf32, #tpu.memory_space<hbm>> -> memref<2048xf32, #tpu.memory_space<hbm>>
        tpu.wait_dma2 semaphore(%dma_wait3A_803 : memref<!tpu.dma_semaphore, #tpu.memory_space<semaphore_mem>>) src(%arg31 : memref<2048xf32, #tpu.memory_space<vmem>>) dst(%dma_wait3A_804 : memref<2048xf32, #tpu.memory_space<hbm>>)
        %dma_wait3A_805 = arith.constant 3 : i32
        %dma_wait3A_806 = tpu.memref_slice %arg7[%multiple_of3A_790] : memref<8388608xf32, #tpu.memory_space<hbm>> -> memref<2048xf32, #tpu.memory_space<hbm>>
        %dma_wait3A_807 = tpu.memref_slice %arg34[%dma_wait3A_805] : memref<4x!tpu.dma_semaphore, #tpu.memory_space<semaphore_mem>> -> memref<1x!tpu.dma_semaphore, #tpu.memory_space<semaphore_mem>>
        %dma_wait3A_808 = tpu.memref_squeeze %dma_wait3A_807 : memref<1x!tpu.dma_semaphore, #tpu.memory_space<semaphore_mem>> -> memref<!tpu.dma_semaphore, #tpu.memory_space<semaphore_mem>>
        %dma_wait3A_809 = tpu.memref_slice %arg7[%multiple_of3A_790] : memref<8388608xf32, #tpu.memory_space<hbm>> -> memref<2048xf32, #tpu.memory_space<hbm>>
        tpu.wait_dma2 semaphore(%dma_wait3A_808 : memref<!tpu.dma_semaphore, #tpu.memory_space<semaphore_mem>>) src(%arg32 : memref<2048xf32, #tpu.memory_space<vmem>>) dst(%dma_wait3A_809 : memref<2048xf32, #tpu.memory_space<hbm>>)
        %dma_wait3A_810 = arith.constant 3 : i32
        %dma_wait3A_811 = tpu.memref_slice %arg7[%add3A_794] : memref<8388608xf32, #tpu.memory_space<hbm>> -> memref<2048xf32, #tpu.memory_space<hbm>>
        %dma_wait3A_812 = tpu.memref_slice %arg34[%dma_wait3A_810] : memref<4x!tpu.dma_semaphore, #tpu.memory_space<semaphore_mem>> -> memref<1x!tpu.dma_semaphore, #tpu.memory_space<semaphore_mem>>
        %dma_wait3A_813 = tpu.memref_squeeze %dma_wait3A_812 : memref<1x!tpu.dma_semaphore, #tpu.memory_space<semaphore_mem>> -> memref<!tpu.dma_semaphore, #tpu.memory_space<semaphore_mem>>
        %dma_wait3A_814 = tpu.memref_slice %arg7[%add3A_794] : memref<8388608xf32, #tpu.memory_space<hbm>> -> memref<2048xf32, #tpu.memory_space<hbm>>
        tpu.wait_dma2 semaphore(%dma_wait3A_813 : memref<!tpu.dma_semaphore, #tpu.memory_space<semaphore_mem>>) src(%arg32 : memref<2048xf32, #tpu.memory_space<vmem>>) dst(%dma_wait3A_814 : memref<2048xf32, #tpu.memory_space<hbm>>)
      } else {
      }
      %scan3A_738 = arith.constant 0 : i32
      %scan3A_739 = arith.constant 0 : i32
      %scan3A_740 = arith.constant 16 : i32
      %scan3A_741 = arith.addi %scan3A_739, %scan3A_740 : i32
      %scan3A_742 = arith.constant 1 : i32
      %scan3A_743 = scf.for %scan3A_783 = %scan3A_739 to %scan3A_741 step %scan3A_742 iter_args(%scan3A_784 = %scan3A_738) -> (i32)  : i32 {
        %shift_right_arithmetic3A = arith.constant 3 : i32
        %shift_right_arithmetic3A_785 = arith.shrsi %scan3A_783, %shift_right_arithmetic3A : i32
        %and3A_786 = arith.constant 7 : i32
        %and3A_787 = arith.andi %scan3A_783, %and3A_786 : i32
        %mul3A_788 = arith.constant 16 : i32
        %mul3A_789 = arith.muli %and3A_787, %mul3A_788 : i32
        %mul3A_790 = arith.constant 16 : i32
        %mul3A_791 = arith.muli %scan3A_783, %mul3A_790 : i32
        %get3A = arith.index_cast %mul3A_791 : i32 to index
        %get3A_792 = tpu.vector_load %arg26[%get3A] {strides = array<i32>} : memref<256xf32, #tpu.memory_space<vmem>>, vector<16xf32>,
        %max3A = arith.constant 0.000000e+00 : f32
        %max3A_793 = vector.broadcast %max3A : f32 to vector<16xf32>
        %max3A_794 = arith.maximumf %get3A_792, %max3A_793 : vector<16xf32>
        %convert_element_type3A_795 = arith.fptosi %max3A_794 : vector<16xf32> to vector<16xi32>
        %neg3A = arith.constant 0.000000e+00 : f32
        %neg3A_796 = vector.broadcast %neg3A : f32 to vector<16xf32>
        %neg3A_797 = arith.subf %neg3A_796, %get3A_792 : vector<16xf32>
        %max3A_798 = arith.constant 0.000000e+00 : f32
        %max3A_799 = vector.broadcast %max3A_798 : f32 to vector<16xf32>
        %max3A_800 = arith.maximumf %neg3A_797, %max3A_799 : vector<16xf32>
        %convert_element_type3A_801 = arith.fptosi %max3A_800 : vector<16xf32> to vector<16xi32>
        %mul3A_802 = arith.constant 1024 : i32
        %mul3A_803 = arith.muli %shift_right_arithmetic3A_785, %mul3A_802 : i32
        %add3A_804 = arith.addi %mul3A_803, %mul3A_789 : i32
        %mul3A_805 = arith.constant 4096 : i32
        %mul3A_806 = arith.muli %shift_right_arithmetic3A_785, %mul3A_805 : i32
        %add3A_807 = arith.addi %mul3A_806, %mul3A_789 : i32
        %add3A_808 = vector.broadcast %add3A_807 : i32 to vector<16xi32>
        %add3A_809 = arith.addi %add3A_808, %iota3A : vector<16xi32>
        %shift_right_arithmetic3A_810 = arith.constant 7 : i32
        %shift_right_arithmetic3A_811 = vector.broadcast %shift_right_arithmetic3A_810 : i32 to vector<16xi32>
        %shift_right_arithmetic3A_812 = arith.shrsi %convert_element_type3A_795, %shift_right_arithmetic3A_811 : vector<16xi32>
        %and3A_813 = arith.constant 384 : i32
        %and3A_814 = vector.broadcast %and3A_813 : i32 to vector<16xi32>
        %and3A_815 = arith.andi %shift_right_arithmetic3A_812, %and3A_814 : vector<16xi32>
        %shift_right_arithmetic3A_816 = arith.constant 7 : i32
        %shift_right_arithmetic3A_817 = vector.broadcast %shift_right_arithmetic3A_816 : i32 to vector<16xi32>
        %shift_right_arithmetic3A_818 = arith.shrsi %convert_element_type3A_801, %shift_right_arithmetic3A_817 : vector<16xi32>
        %and3A_819 = arith.constant 384 : i32
        %and3A_820 = vector.broadcast %and3A_819 : i32 to vector<16xi32>
        %and3A_821 = arith.andi %shift_right_arithmetic3A_818, %and3A_820 : vector<16xi32>
        %add3A_822 = arith.constant 0 : i32
        %add3A_823 = vector.broadcast %add3A_822 : i32 to vector<16xi32>
        %add3A_824 = arith.addi %add3A_809, %add3A_823 : vector<16xi32>
        %add3A_825 = arith.addi %add3A_824, %and3A_815 : vector<16xi32>
        %gather3A = tpu.vector_load_idx %arg27[%add3A_825] : memref<8192xf32, #tpu.memory_space<vmem>>[vector<16xi32>], vector<16xf32>,
        %add3A_826 = arith.addi %add3A_824, %and3A_815 : vector<16xi32>
        %gather3A_827 = tpu.vector_load_idx %arg28[%add3A_826] : memref<8192xf32, #tpu.memory_space<vmem>>[vector<16xi32>], vector<16xf32>,
        %add3A_828 = arith.addi %add3A_824, %and3A_821 : vector<16xi32>
        %gather3A_829 = tpu.vector_load_idx %arg27[%add3A_828] : memref<8192xf32, #tpu.memory_space<vmem>>[vector<16xi32>], vector<16xf32>,
        %add3A_830 = arith.addi %add3A_824, %and3A_821 : vector<16xi32>
        %gather3A_831 = tpu.vector_load_idx %arg28[%add3A_830] : memref<8192xf32, #tpu.memory_space<vmem>>[vector<16xi32>], vector<16xf32>,
        %add3A_832 = arith.constant 0 : i32
        %add3A_833 = arith.addi %add3A_804, %add3A_832 : i32
        %get3A_834 = arith.index_cast %add3A_833 : i32 to index
        %get3A_835 = tpu.vector_load %arg29[%get3A_834] {strides = array<i32>} : memref<2048xf32, #tpu.memory_space<vmem>>, vector<16xf32>,
        %mul3A_836 = arith.mulf %get3A_835, %gather3A_827 : vector<16xf32>
        %add3A_837 = arith.addf %gather3A, %mul3A_836 : vector<16xf32>
        %swap3A = arith.index_cast %add3A_833 : i32 to index
        %swap3A_838 = tpu.vector_load %arg30[%swap3A] {strides = array<i32>} : memref<2048xf32, #tpu.memory_space<vmem>>, vector<16xf32>,
        tpu.vector_store %arg30[%swap3A], %add3A_837 {strides = array<i32>} : memref<2048xf32, #tpu.memory_space<vmem>>, vector<16xf32>,
        %mul3A_839 = arith.mulf %get3A_835, %gather3A_831 : vector<16xf32>
        %add3A_840 = arith.addf %gather3A_829, %mul3A_839 : vector<16xf32>
        %swap3A_841 = arith.index_cast %add3A_833 : i32 to index
        %swap3A_842 = tpu.vector_load %arg31[%swap3A_841] {strides = array<i32>} : memref<2048xf32, #tpu.memory_space<vmem>>, vector<16xf32>,
        tpu.vector_store %arg31[%swap3A_841], %add3A_840 {strides = array<i32>} : memref<2048xf32, #tpu.memory_space<vmem>>, vector<16xf32>,
        %shift_right_arithmetic3A_843 = arith.constant 5 : i32
        %shift_right_arithmetic3A_844 = vector.broadcast %shift_right_arithmetic3A_843 : i32 to vector<16xi32>
        %shift_right_arithmetic3A_845 = arith.shrsi %convert_element_type3A_795, %shift_right_arithmetic3A_844 : vector<16xi32>
        %and3A_846 = arith.constant 384 : i32
        %and3A_847 = vector.broadcast %and3A_846 : i32 to vector<16xi32>
        %and3A_848 = arith.andi %shift_right_arithmetic3A_845, %and3A_847 : vector<16xi32>
        %shift_right_arithmetic3A_849 = arith.constant 5 : i32
        %shift_right_arithmetic3A_850 = vector.broadcast %shift_right_arithmetic3A_849 : i32 to vector<16xi32>
        %shift_right_arithmetic3A_851 = arith.shrsi %convert_element_type3A_801, %shift_right_arithmetic3A_850 : vector<16xi32>
        %and3A_852 = arith.constant 384 : i32
        %and3A_853 = vector.broadcast %and3A_852 : i32 to vector<16xi32>
        %and3A_854 = arith.andi %shift_right_arithmetic3A_851, %and3A_853 : vector<16xi32>
        %add3A_855 = arith.constant 512 : i32
        %add3A_856 = vector.broadcast %add3A_855 : i32 to vector<16xi32>
        %add3A_857 = arith.addi %add3A_809, %add3A_856 : vector<16xi32>
        %add3A_858 = arith.addi %add3A_857, %and3A_848 : vector<16xi32>
        %gather3A_859 = tpu.vector_load_idx %arg27[%add3A_858] : memref<8192xf32, #tpu.memory_space<vmem>>[vector<16xi32>], vector<16xf32>,
        %add3A_860 = arith.addi %add3A_857, %and3A_848 : vector<16xi32>
        %gather3A_861 = tpu.vector_load_idx %arg28[%add3A_860] : memref<8192xf32, #tpu.memory_space<vmem>>[vector<16xi32>], vector<16xf32>,
        %add3A_862 = arith.addi %add3A_857, %and3A_854 : vector<16xi32>
        %gather3A_863 = tpu.vector_load_idx %arg27[%add3A_862] : memref<8192xf32, #tpu.memory_space<vmem>>[vector<16xi32>], vector<16xf32>,
        %add3A_864 = arith.addi %add3A_857, %and3A_854 : vector<16xi32>
        %gather3A_865 = tpu.vector_load_idx %arg28[%add3A_864] : memref<8192xf32, #tpu.memory_space<vmem>>[vector<16xi32>], vector<16xf32>,
        %add3A_866 = arith.constant 128 : i32
        %add3A_867 = arith.addi %add3A_804, %add3A_866 : i32
        %get3A_868 = arith.index_cast %add3A_867 : i32 to index
        %get3A_869 = tpu.vector_load %arg29[%get3A_868] {strides = array<i32>} : memref<2048xf32, #tpu.memory_space<vmem>>, vector<16xf32>,
        %mul3A_870 = arith.mulf %get3A_869, %gather3A_861 : vector<16xf32>
        %add3A_871 = arith.addf %gather3A_859, %mul3A_870 : vector<16xf32>
        %swap3A_872 = arith.index_cast %add3A_867 : i32 to index
        %swap3A_873 = tpu.vector_load %arg30[%swap3A_872] {strides = array<i32>} : memref<2048xf32, #tpu.memory_space<vmem>>, vector<16xf32>,
        tpu.vector_store %arg30[%swap3A_872], %add3A_871 {strides = array<i32>} : memref<2048xf32, #tpu.memory_space<vmem>>, vector<16xf32>,
        %mul3A_874 = arith.mulf %get3A_869, %gather3A_865 : vector<16xf32>
        %add3A_875 = arith.addf %gather3A_863, %mul3A_874 : vector<16xf32>
        %swap3A_876 = arith.index_cast %add3A_867 : i32 to index
        %swap3A_877 = tpu.vector_load %arg31[%swap3A_876] {strides = array<i32>} : memref<2048xf32, #tpu.memory_space<vmem>>, vector<16xf32>,
        tpu.vector_store %arg31[%swap3A_876], %add3A_875 {strides = array<i32>} : memref<2048xf32, #tpu.memory_space<vmem>>, vector<16xf32>,
        %shift_right_arithmetic3A_878 = arith.constant 3 : i32
        %shift_right_arithmetic3A_879 = vector.broadcast %shift_right_arithmetic3A_878 : i32 to vector<16xi32>
        %shift_right_arithmetic3A_880 = arith.shrsi %convert_element_type3A_795, %shift_right_arithmetic3A_879 : vector<16xi32>
        %and3A_881 = arith.constant 384 : i32
        %and3A_882 = vector.broadcast %and3A_881 : i32 to vector<16xi32>
        %and3A_883 = arith.andi %shift_right_arithmetic3A_880, %and3A_882 : vector<16xi32>
        %shift_right_arithmetic3A_884 = arith.constant 3 : i32
        %shift_right_arithmetic3A_885 = vector.broadcast %shift_right_arithmetic3A_884 : i32 to vector<16xi32>
        %shift_right_arithmetic3A_886 = arith.shrsi %convert_element_type3A_801, %shift_right_arithmetic3A_885 : vector<16xi32>
        %and3A_887 = arith.constant 384 : i32
        %and3A_888 = vector.broadcast %and3A_887 : i32 to vector<16xi32>
        %and3A_889 = arith.andi %shift_right_arithmetic3A_886, %and3A_888 : vector<16xi32>
        %add3A_890 = arith.constant 1024 : i32
        %add3A_891 = vector.broadcast %add3A_890 : i32 to vector<16xi32>
        %add3A_892 = arith.addi %add3A_809, %add3A_891 : vector<16xi32>
        %add3A_893 = arith.addi %add3A_892, %and3A_883 : vector<16xi32>
        %gather3A_894 = tpu.vector_load_idx %arg27[%add3A_893] : memref<8192xf32, #tpu.memory_space<vmem>>[vector<16xi32>], vector<16xf32>,
        %add3A_895 = arith.addi %add3A_892, %and3A_883 : vector<16xi32>
        %gather3A_896 = tpu.vector_load_idx %arg28[%add3A_895] : memref<8192xf32, #tpu.memory_space<vmem>>[vector<16xi32>], vector<16xf32>,
        %add3A_897 = arith.addi %add3A_892, %and3A_889 : vector<16xi32>
        %gather3A_898 = tpu.vector_load_idx %arg27[%add3A_897] : memref<8192xf32, #tpu.memory_space<vmem>>[vector<16xi32>], vector<16xf32>,
        %add3A_899 = arith.addi %add3A_892, %and3A_889 : vector<16xi32>
        %gather3A_900 = tpu.vector_load_idx %arg28[%add3A_899] : memref<8192xf32, #tpu.memory_space<vmem>>[vector<16xi32>], vector<16xf32>,
        %add3A_901 = arith.constant 256 : i32
        %add3A_902 = arith.addi %add3A_804, %add3A_901 : i32
        %get3A_903 = arith.index_cast %add3A_902 : i32 to index
        %get3A_904 = tpu.vector_load %arg29[%get3A_903] {strides = array<i32>} : memref<2048xf32, #tpu.memory_space<vmem>>, vector<16xf32>,
        %mul3A_905 = arith.mulf %get3A_904, %gather3A_896 : vector<16xf32>
        %add3A_906 = arith.addf %gather3A_894, %mul3A_905 : vector<16xf32>
        %swap3A_907 = arith.index_cast %add3A_902 : i32 to index
        %swap3A_908 = tpu.vector_load %arg30[%swap3A_907] {strides = array<i32>} : memref<2048xf32, #tpu.memory_space<vmem>>, vector<16xf32>,
        tpu.vector_store %arg30[%swap3A_907], %add3A_906 {strides = array<i32>} : memref<2048xf32, #tpu.memory_space<vmem>>, vector<16xf32>,
        %mul3A_909 = arith.mulf %get3A_904, %gather3A_900 : vector<16xf32>
        %add3A_910 = arith.addf %gather3A_898, %mul3A_909 : vector<16xf32>
        %swap3A_911 = arith.index_cast %add3A_902 : i32 to index
        %swap3A_912 = tpu.vector_load %arg31[%swap3A_911] {strides = array<i32>} : memref<2048xf32, #tpu.memory_space<vmem>>, vector<16xf32>,
        tpu.vector_store %arg31[%swap3A_911], %add3A_910 {strides = array<i32>} : memref<2048xf32, #tpu.memory_space<vmem>>, vector<16xf32>,
        %shift_right_arithmetic3A_913 = arith.constant 1 : i32
        %shift_right_arithmetic3A_914 = vector.broadcast %shift_right_arithmetic3A_913 : i32 to vector<16xi32>
        %shift_right_arithmetic3A_915 = arith.shrsi %convert_element_type3A_795, %shift_right_arithmetic3A_914 : vector<16xi32>
        %and3A_916 = arith.constant 384 : i32
        %and3A_917 = vector.broadcast %and3A_916 : i32 to vector<16xi32>
        %and3A_918 = arith.andi %shift_right_arithmetic3A_915, %and3A_917 : vector<16xi32>
        %shift_right_arithmetic3A_919 = arith.constant 1 : i32
        %shift_right_arithmetic3A_920 = vector.broadcast %shift_right_arithmetic3A_919 : i32 to vector<16xi32>
        %shift_right_arithmetic3A_921 = arith.shrsi %convert_element_type3A_801, %shift_right_arithmetic3A_920 : vector<16xi32>
        %and3A_922 = arith.constant 384 : i32
        %and3A_923 = vector.broadcast %and3A_922 : i32 to vector<16xi32>
        %and3A_924 = arith.andi %shift_right_arithmetic3A_921, %and3A_923 : vector<16xi32>
        %add3A_925 = arith.constant 1536 : i32
        %add3A_926 = vector.broadcast %add3A_925 : i32 to vector<16xi32>
        %add3A_927 = arith.addi %add3A_809, %add3A_926 : vector<16xi32>
        %add3A_928 = arith.addi %add3A_927, %and3A_918 : vector<16xi32>
        %gather3A_929 = tpu.vector_load_idx %arg27[%add3A_928] : memref<8192xf32, #tpu.memory_space<vmem>>[vector<16xi32>], vector<16xf32>,
        %add3A_930 = arith.addi %add3A_927, %and3A_918 : vector<16xi32>
        %gather3A_931 = tpu.vector_load_idx %arg28[%add3A_930] : memref<8192xf32, #tpu.memory_space<vmem>>[vector<16xi32>], vector<16xf32>,
        %add3A_932 = arith.addi %add3A_927, %and3A_924 : vector<16xi32>
        %gather3A_933 = tpu.vector_load_idx %arg27[%add3A_932] : memref<8192xf32, #tpu.memory_space<vmem>>[vector<16xi32>], vector<16xf32>,
        %add3A_934 = arith.addi %add3A_927, %and3A_924 : vector<16xi32>
        %gather3A_935 = tpu.vector_load_idx %arg28[%add3A_934] : memref<8192xf32, #tpu.memory_space<vmem>>[vector<16xi32>], vector<16xf32>,
        %add3A_936 = arith.constant 384 : i32
        %add3A_937 = arith.addi %add3A_804, %add3A_936 : i32
        %get3A_938 = arith.index_cast %add3A_937 : i32 to index
        %get3A_939 = tpu.vector_load %arg29[%get3A_938] {strides = array<i32>} : memref<2048xf32, #tpu.memory_space<vmem>>, vector<16xf32>,
        %mul3A_940 = arith.mulf %get3A_939, %gather3A_931 : vector<16xf32>
        %add3A_941 = arith.addf %gather3A_929, %mul3A_940 : vector<16xf32>
        %swap3A_942 = arith.index_cast %add3A_937 : i32 to index
        %swap3A_943 = tpu.vector_load %arg30[%swap3A_942] {strides = array<i32>} : memref<2048xf32, #tpu.memory_space<vmem>>, vector<16xf32>,
        tpu.vector_store %arg30[%swap3A_942], %add3A_941 {strides = array<i32>} : memref<2048xf32, #tpu.memory_space<vmem>>, vector<16xf32>,
        %mul3A_944 = arith.mulf %get3A_939, %gather3A_935 : vector<16xf32>
        %add3A_945 = arith.addf %gather3A_933, %mul3A_944 : vector<16xf32>
        %swap3A_946 = arith.index_cast %add3A_937 : i32 to index
        %swap3A_947 = tpu.vector_load %arg31[%swap3A_946] {strides = array<i32>} : memref<2048xf32, #tpu.memory_space<vmem>>, vector<16xf32>,
        tpu.vector_store %arg31[%swap3A_946], %add3A_945 {strides = array<i32>} : memref<2048xf32, #tpu.memory_space<vmem>>, vector<16xf32>,
        %shift_left3A = arith.constant 1 : i32
        %shift_left3A_948 = vector.broadcast %shift_left3A : i32 to vector<16xi32>
        %shift_left3A_949 = arith.shli %convert_element_type3A_795, %shift_left3A_948 : vector<16xi32>
        %and3A_950 = arith.constant 384 : i32
        %and3A_951 = vector.broadcast %and3A_950 : i32 to vector<16xi32>
        %and3A_952 = arith.andi %shift_left3A_949, %and3A_951 : vector<16xi32>
        %shift_left3A_953 = arith.constant 1 : i32
        %shift_left3A_954 = vector.broadcast %shift_left3A_953 : i32 to vector<16xi32>
        %shift_left3A_955 = arith.shli %convert_element_type3A_801, %shift_left3A_954 : vector<16xi32>
        %and3A_956 = arith.constant 384 : i32
        %and3A_957 = vector.broadcast %and3A_956 : i32 to vector<16xi32>
        %and3A_958 = arith.andi %shift_left3A_955, %and3A_957 : vector<16xi32>
        %add3A_959 = arith.constant 2048 : i32
        %add3A_960 = vector.broadcast %add3A_959 : i32 to vector<16xi32>
        %add3A_961 = arith.addi %add3A_809, %add3A_960 : vector<16xi32>
        %add3A_962 = arith.addi %add3A_961, %and3A_952 : vector<16xi32>
        %gather3A_963 = tpu.vector_load_idx %arg27[%add3A_962] : memref<8192xf32, #tpu.memory_space<vmem>>[vector<16xi32>], vector<16xf32>,
        %add3A_964 = arith.addi %add3A_961, %and3A_952 : vector<16xi32>
        %gather3A_965 = tpu.vector_load_idx %arg28[%add3A_964] : memref<8192xf32, #tpu.memory_space<vmem>>[vector<16xi32>], vector<16xf32>,
        %add3A_966 = arith.addi %add3A_961, %and3A_958 : vector<16xi32>
        %gather3A_967 = tpu.vector_load_idx %arg27[%add3A_966] : memref<8192xf32, #tpu.memory_space<vmem>>[vector<16xi32>], vector<16xf32>,
        %add3A_968 = arith.addi %add3A_961, %and3A_958 : vector<16xi32>
        %gather3A_969 = tpu.vector_load_idx %arg28[%add3A_968] : memref<8192xf32, #tpu.memory_space<vmem>>[vector<16xi32>], vector<16xf32>,
        %add3A_970 = arith.constant 512 : i32
        %add3A_971 = arith.addi %add3A_804, %add3A_970 : i32
        %get3A_972 = arith.index_cast %add3A_971 : i32 to index
        %get3A_973 = tpu.vector_load %arg29[%get3A_972] {strides = array<i32>} : memref<2048xf32, #tpu.memory_space<vmem>>, vector<16xf32>,
        %mul3A_974 = arith.mulf %get3A_973, %gather3A_965 : vector<16xf32>
        %add3A_975 = arith.addf %gather3A_963, %mul3A_974 : vector<16xf32>
        %swap3A_976 = arith.index_cast %add3A_971 : i32 to index
        %swap3A_977 = tpu.vector_load %arg30[%swap3A_976] {strides = array<i32>} : memref<2048xf32, #tpu.memory_space<vmem>>, vector<16xf32>,
        tpu.vector_store %arg30[%swap3A_976], %add3A_975 {strides = array<i32>} : memref<2048xf32, #tpu.memory_space<vmem>>, vector<16xf32>,
        %mul3A_978 = arith.mulf %get3A_973, %gather3A_969 : vector<16xf32>
        %add3A_979 = arith.addf %gather3A_967, %mul3A_978 : vector<16xf32>
        %swap3A_980 = arith.index_cast %add3A_971 : i32 to index
        %swap3A_981 = tpu.vector_load %arg31[%swap3A_980] {strides = array<i32>} : memref<2048xf32, #tpu.memory_space<vmem>>, vector<16xf32>,
        tpu.vector_store %arg31[%swap3A_980], %add3A_979 {strides = array<i32>} : memref<2048xf32, #tpu.memory_space<vmem>>, vector<16xf32>,
        %shift_left3A_982 = arith.constant 3 : i32
        %shift_left3A_983 = vector.broadcast %shift_left3A_982 : i32 to vector<16xi32>
        %shift_left3A_984 = arith.shli %convert_element_type3A_795, %shift_left3A_983 : vector<16xi32>
        %and3A_985 = arith.constant 384 : i32
        %and3A_986 = vector.broadcast %and3A_985 : i32 to vector<16xi32>
        %and3A_987 = arith.andi %shift_left3A_984, %and3A_986 : vector<16xi32>
        %shift_left3A_988 = arith.constant 3 : i32
        %shift_left3A_989 = vector.broadcast %shift_left3A_988 : i32 to vector<16xi32>
        %shift_left3A_990 = arith.shli %convert_element_type3A_801, %shift_left3A_989 : vector<16xi32>
        %and3A_991 = arith.constant 384 : i32
        %and3A_992 = vector.broadcast %and3A_991 : i32 to vector<16xi32>
        %and3A_993 = arith.andi %shift_left3A_990, %and3A_992 : vector<16xi32>
        %add3A_994 = arith.constant 2560 : i32
        %add3A_995 = vector.broadcast %add3A_994 : i32 to vector<16xi32>
        %add3A_996 = arith.addi %add3A_809, %add3A_995 : vector<16xi32>
        %add3A_997 = arith.addi %add3A_996, %and3A_987 : vector<16xi32>
        %gather3A_998 = tpu.vector_load_idx %arg27[%add3A_997] : memref<8192xf32, #tpu.memory_space<vmem>>[vector<16xi32>], vector<16xf32>,
        %add3A_999 = arith.addi %add3A_996, %and3A_987 : vector<16xi32>
        %gather3A_1000 = tpu.vector_load_idx %arg28[%add3A_999] : memref<8192xf32, #tpu.memory_space<vmem>>[vector<16xi32>], vector<16xf32>,
        %add3A_1001 = arith.addi %add3A_996, %and3A_993 : vector<16xi32>
        %gather3A_1002 = tpu.vector_load_idx %arg27[%add3A_1001] : memref<8192xf32, #tpu.memory_space<vmem>>[vector<16xi32>], vector<16xf32>,
        %add3A_1003 = arith.addi %add3A_996, %and3A_993 : vector<16xi32>
        %gather3A_1004 = tpu.vector_load_idx %arg28[%add3A_1003] : memref<8192xf32, #tpu.memory_space<vmem>>[vector<16xi32>], vector<16xf32>,
        %add3A_1005 = arith.constant 640 : i32
        %add3A_1006 = arith.addi %add3A_804, %add3A_1005 : i32
        %get3A_1007 = arith.index_cast %add3A_1006 : i32 to index
        %get3A_1008 = tpu.vector_load %arg29[%get3A_1007] {strides = array<i32>} : memref<2048xf32, #tpu.memory_space<vmem>>, vector<16xf32>,
        %mul3A_1009 = arith.mulf %get3A_1008, %gather3A_1000 : vector<16xf32>
        %add3A_1010 = arith.addf %gather3A_998, %mul3A_1009 : vector<16xf32>
        %swap3A_1011 = arith.index_cast %add3A_1006 : i32 to index
        %swap3A_1012 = tpu.vector_load %arg30[%swap3A_1011] {strides = array<i32>} : memref<2048xf32, #tpu.memory_space<vmem>>, vector<16xf32>,
        tpu.vector_store %arg30[%swap3A_1011], %add3A_1010 {strides = array<i32>} : memref<2048xf32, #tpu.memory_space<vmem>>, vector<16xf32>,
        %mul3A_1013 = arith.mulf %get3A_1008, %gather3A_1004 : vector<16xf32>
        %add3A_1014 = arith.addf %gather3A_1002, %mul3A_1013 : vector<16xf32>
        %swap3A_1015 = arith.index_cast %add3A_1006 : i32 to index
        %swap3A_1016 = tpu.vector_load %arg31[%swap3A_1015] {strides = array<i32>} : memref<2048xf32, #tpu.memory_space<vmem>>, vector<16xf32>,
        tpu.vector_store %arg31[%swap3A_1015], %add3A_1014 {strides = array<i32>} : memref<2048xf32, #tpu.memory_space<vmem>>, vector<16xf32>,
        %shift_left3A_1017 = arith.constant 5 : i32
        %shift_left3A_1018 = vector.broadcast %shift_left3A_1017 : i32 to vector<16xi32>
        %shift_left3A_1019 = arith.shli %convert_element_type3A_795, %shift_left3A_1018 : vector<16xi32>
        %and3A_1020 = arith.constant 384 : i32
        %and3A_1021 = vector.broadcast %and3A_1020 : i32 to vector<16xi32>
        %and3A_1022 = arith.andi %shift_left3A_1019, %and3A_1021 : vector<16xi32>
        %shift_left3A_1023 = arith.constant 5 : i32
        %shift_left3A_1024 = vector.broadcast %shift_left3A_1023 : i32 to vector<16xi32>
        %shift_left3A_1025 = arith.shli %convert_element_type3A_801, %shift_left3A_1024 : vector<16xi32>
        %and3A_1026 = arith.constant 384 : i32
        %and3A_1027 = vector.broadcast %and3A_1026 : i32 to vector<16xi32>
        %and3A_1028 = arith.andi %shift_left3A_1025, %and3A_1027 : vector<16xi32>
        %add3A_1029 = arith.constant 3072 : i32
        %add3A_1030 = vector.broadcast %add3A_1029 : i32 to vector<16xi32>
        %add3A_1031 = arith.addi %add3A_809, %add3A_1030 : vector<16xi32>
        %add3A_1032 = arith.addi %add3A_1031, %and3A_1022 : vector<16xi32>
        %gather3A_1033 = tpu.vector_load_idx %arg27[%add3A_1032] : memref<8192xf32, #tpu.memory_space<vmem>>[vector<16xi32>], vector<16xf32>,
        %add3A_1034 = arith.addi %add3A_1031, %and3A_1022 : vector<16xi32>
        %gather3A_1035 = tpu.vector_load_idx %arg28[%add3A_1034] : memref<8192xf32, #tpu.memory_space<vmem>>[vector<16xi32>], vector<16xf32>,
        %add3A_1036 = arith.addi %add3A_1031, %and3A_1028 : vector<16xi32>
        %gather3A_1037 = tpu.vector_load_idx %arg27[%add3A_1036] : memref<8192xf32, #tpu.memory_space<vmem>>[vector<16xi32>], vector<16xf32>,
        %add3A_1038 = arith.addi %add3A_1031, %and3A_1028 : vector<16xi32>
        %gather3A_1039 = tpu.vector_load_idx %arg28[%add3A_1038] : memref<8192xf32, #tpu.memory_space<vmem>>[vector<16xi32>], vector<16xf32>,
        %add3A_1040 = arith.constant 768 : i32
        %add3A_1041 = arith.addi %add3A_804, %add3A_1040 : i32
        %get3A_1042 = arith.index_cast %add3A_1041 : i32 to index
        %get3A_1043 = tpu.vector_load %arg29[%get3A_1042] {strides = array<i32>} : memref<2048xf32, #tpu.memory_space<vmem>>, vector<16xf32>,
        %mul3A_1044 = arith.mulf %get3A_1043, %gather3A_1035 : vector<16xf32>
        %add3A_1045 = arith.addf %gather3A_1033, %mul3A_1044 : vector<16xf32>
        %swap3A_1046 = arith.index_cast %add3A_1041 : i32 to index
        %swap3A_1047 = tpu.vector_load %arg30[%swap3A_1046] {strides = array<i32>} : memref<2048xf32, #tpu.memory_space<vmem>>, vector<16xf32>,
        tpu.vector_store %arg30[%swap3A_1046], %add3A_1045 {strides = array<i32>} : memref<2048xf32, #tpu.memory_space<vmem>>, vector<16xf32>,
        %mul3A_1048 = arith.mulf %get3A_1043, %gather3A_1039 : vector<16xf32>
        %add3A_1049 = arith.addf %gather3A_1037, %mul3A_1048 : vector<16xf32>
        %swap3A_1050 = arith.index_cast %add3A_1041 : i32 to index
        %swap3A_1051 = tpu.vector_load %arg31[%swap3A_1050] {strides = array<i32>} : memref<2048xf32, #tpu.memory_space<vmem>>, vector<16xf32>,
        tpu.vector_store %arg31[%swap3A_1050], %add3A_1049 {strides = array<i32>} : memref<2048xf32, #tpu.memory_space<vmem>>, vector<16xf32>,
        %shift_left3A_1052 = arith.constant 7 : i32
        %shift_left3A_1053 = vector.broadcast %shift_left3A_1052 : i32 to vector<16xi32>
        %shift_left3A_1054 = arith.shli %convert_element_type3A_795, %shift_left3A_1053 : vector<16xi32>
        %and3A_1055 = arith.constant 384 : i32
        %and3A_1056 = vector.broadcast %and3A_1055 : i32 to vector<16xi32>
        %and3A_1057 = arith.andi %shift_left3A_1054, %and3A_1056 : vector<16xi32>
        %shift_left3A_1058 = arith.constant 7 : i32
        %shift_left3A_1059 = vector.broadcast %shift_left3A_1058 : i32 to vector<16xi32>
        %shift_left3A_1060 = arith.shli %convert_element_type3A_801, %shift_left3A_1059 : vector<16xi32>
        %and3A_1061 = arith.constant 384 : i32
        %and3A_1062 = vector.broadcast %and3A_1061 : i32 to vector<16xi32>
        %and3A_1063 = arith.andi %shift_left3A_1060, %and3A_1062 : vector<16xi32>
        %add3A_1064 = arith.constant 3584 : i32
        %add3A_1065 = vector.broadcast %add3A_1064 : i32 to vector<16xi32>
        %add3A_1066 = arith.addi %add3A_809, %add3A_1065 : vector<16xi32>
        %add3A_1067 = arith.addi %add3A_1066, %and3A_1057 : vector<16xi32>
        %gather3A_1068 = tpu.vector_load_idx %arg27[%add3A_1067] : memref<8192xf32, #tpu.memory_space<vmem>>[vector<16xi32>], vector<16xf32>,
        %add3A_1069 = arith.addi %add3A_1066, %and3A_1057 : vector<16xi32>
        %gather3A_1070 = tpu.vector_load_idx %arg28[%add3A_1069] : memref<8192xf32, #tpu.memory_space<vmem>>[vector<16xi32>], vector<16xf32>,
        %add3A_1071 = arith.addi %add3A_1066, %and3A_1063 : vector<16xi32>
        %gather3A_1072 = tpu.vector_load_idx %arg27[%add3A_1071] : memref<8192xf32, #tpu.memory_space<vmem>>[vector<16xi32>], vector<16xf32>,
        %add3A_1073 = arith.addi %add3A_1066, %and3A_1063 : vector<16xi32>
        %gather3A_1074 = tpu.vector_load_idx %arg28[%add3A_1073] : memref<8192xf32, #tpu.memory_space<vmem>>[vector<16xi32>], vector<16xf32>,
        %add3A_1075 = arith.constant 896 : i32
        %add3A_1076 = arith.addi %add3A_804, %add3A_1075 : i32
        %get3A_1077 = arith.index_cast %add3A_1076 : i32 to index
        %get3A_1078 = tpu.vector_load %arg29[%get3A_1077] {strides = array<i32>} : memref<2048xf32, #tpu.memory_space<vmem>>, vector<16xf32>,
        %mul3A_1079 = arith.mulf %get3A_1078, %gather3A_1070 : vector<16xf32>
        %add3A_1080 = arith.addf %gather3A_1068, %mul3A_1079 : vector<16xf32>
        %swap3A_1081 = arith.index_cast %add3A_1076 : i32 to index
        %swap3A_1082 = tpu.vector_load %arg30[%swap3A_1081] {strides = array<i32>} : memref<2048xf32, #tpu.memory_space<vmem>>, vector<16xf32>,
        tpu.vector_store %arg30[%swap3A_1081], %add3A_1080 {strides = array<i32>} : memref<2048xf32, #tpu.memory_space<vmem>>, vector<16xf32>,
        %mul3A_1083 = arith.mulf %get3A_1078, %gather3A_1074 : vector<16xf32>
        %add3A_1084 = arith.addf %gather3A_1072, %mul3A_1083 : vector<16xf32>
        %swap3A_1085 = arith.index_cast %add3A_1076 : i32 to index
        %swap3A_1086 = tpu.vector_load %arg31[%swap3A_1085] {strides = array<i32>} : memref<2048xf32, #tpu.memory_space<vmem>>, vector<16xf32>,
        tpu.vector_store %arg31[%swap3A_1085], %add3A_1084 {strides = array<i32>} : memref<2048xf32, #tpu.memory_space<vmem>>, vector<16xf32>,
        %scan3A_1087 = arith.constant 0 : i32
        scf.yield %scan3A_1087 : i32
      }
      %scan3A_744 = arith.constant 16 : i32
      %mul3A_745 = arith.constant 131072 : i32
      %mul3A_746 = arith.muli %add3A, %mul3A_745 : i32
      %mul3A_747 = arith.constant 2048 : i32
      %mul3A_748 = arith.muli %add3A_675, %mul3A_747 : i32
      %add3A_749 = arith.addi %mul3A_746, %mul3A_748 : i32
      %multiple_of3A_750 = tpu.assume_multiple %add3A_749, 2048 : i32
      %add3A_751 = arith.constant 4194304 : i32
      %add3A_752 = arith.addi %add3A_751, %multiple_of3A_750 : i32
      %add3A_753 = arith.constant 4194304 : i32
      %add3A_754 = arith.addi %add3A_753, %multiple_of3A_750 : i32
      %dma_start3A_755 = arith.constant 3 : i32
      %dma_start3A_756 = tpu.memref_slice %arg6[%multiple_of3A_750] : memref<8388608xf32, #tpu.memory_space<hbm>> -> memref<2048xf32, #tpu.memory_space<hbm>>
      %dma_start3A_757 = tpu.memref_slice %arg34[%dma_start3A_755] : memref<4x!tpu.dma_semaphore, #tpu.memory_space<semaphore_mem>> -> memref<1x!tpu.dma_semaphore, #tpu.memory_space<semaphore_mem>>
      %dma_start3A_758 = tpu.memref_squeeze %dma_start3A_757 : memref<1x!tpu.dma_semaphore, #tpu.memory_space<semaphore_mem>> -> memref<!tpu.dma_semaphore, #tpu.memory_space<semaphore_mem>>
      %dma_start3A_759 = tpu.memref_slice %arg6[%multiple_of3A_750] : memref<8388608xf32, #tpu.memory_space<hbm>> -> memref<2048xf32, #tpu.memory_space<hbm>>
      tpu.enqueue_dma source(%arg30 : memref<2048xf32, #tpu.memory_space<vmem>>) target(%dma_start3A_759 : memref<2048xf32, #tpu.memory_space<hbm>>) target_semaphore(%dma_start3A_758 : memref<!tpu.dma_semaphore, #tpu.memory_space<semaphore_mem>>)
      %dma_start3A_760 = arith.constant 3 : i32
      %dma_start3A_761 = tpu.memref_slice %arg6[%add3A_752] : memref<8388608xf32, #tpu.memory_space<hbm>> -> memref<2048xf32, #tpu.memory_space<hbm>>
      %dma_start3A_762 = tpu.memref_slice %arg34[%dma_start3A_760] : memref<4x!tpu.dma_semaphore, #tpu.memory_space<semaphore_mem>> -> memref<1x!tpu.dma_semaphore, #tpu.memory_space<semaphore_mem>>
      %dma_start3A_763 = tpu.memref_squeeze %dma_start3A_762 : memref<1x!tpu.dma_semaphore, #tpu.memory_space<semaphore_mem>> -> memref<!tpu.dma_semaphore, #tpu.memory_space<semaphore_mem>>
      %dma_start3A_764 = tpu.memref_slice %arg6[%add3A_752] : memref<8388608xf32, #tpu.memory_space<hbm>> -> memref<2048xf32, #tpu.memory_space<hbm>>
      tpu.enqueue_dma source(%arg31 : memref<2048xf32, #tpu.memory_space<vmem>>) target(%dma_start3A_764 : memref<2048xf32, #tpu.memory_space<hbm>>) target_semaphore(%dma_start3A_763 : memref<!tpu.dma_semaphore, #tpu.memory_space<semaphore_mem>>)
      %dma_start3A_765 = arith.constant 3 : i32
      %dma_start3A_766 = tpu.memref_slice %arg7[%multiple_of3A_750] : memref<8388608xf32, #tpu.memory_space<hbm>> -> memref<2048xf32, #tpu.memory_space<hbm>>
      %dma_start3A_767 = tpu.memref_slice %arg34[%dma_start3A_765] : memref<4x!tpu.dma_semaphore, #tpu.memory_space<semaphore_mem>> -> memref<1x!tpu.dma_semaphore, #tpu.memory_space<semaphore_mem>>
      %dma_start3A_768 = tpu.memref_squeeze %dma_start3A_767 : memref<1x!tpu.dma_semaphore, #tpu.memory_space<semaphore_mem>> -> memref<!tpu.dma_semaphore, #tpu.memory_space<semaphore_mem>>
      %dma_start3A_769 = tpu.memref_slice %arg7[%multiple_of3A_750] : memref<8388608xf32, #tpu.memory_space<hbm>> -> memref<2048xf32, #tpu.memory_space<hbm>>
      tpu.enqueue_dma source(%arg32 : memref<2048xf32, #tpu.memory_space<vmem>>) target(%dma_start3A_769 : memref<2048xf32, #tpu.memory_space<hbm>>) target_semaphore(%dma_start3A_768 : memref<!tpu.dma_semaphore, #tpu.memory_space<semaphore_mem>>)
      %dma_start3A_770 = arith.constant 3 : i32
      %dma_start3A_771 = tpu.memref_slice %arg7[%add3A_754] : memref<8388608xf32, #tpu.memory_space<hbm>> -> memref<2048xf32, #tpu.memory_space<hbm>>
      %dma_start3A_772 = tpu.memref_slice %arg34[%dma_start3A_770] : memref<4x!tpu.dma_semaphore, #tpu.memory_space<semaphore_mem>> -> memref<1x!tpu.dma_semaphore, #tpu.memory_space<semaphore_mem>>
      %dma_start3A_773 = tpu.memref_squeeze %dma_start3A_772 : memref<1x!tpu.dma_semaphore, #tpu.memory_space<semaphore_mem>> -> memref<!tpu.dma_semaphore, #tpu.memory_space<semaphore_mem>>
      %dma_start3A_774 = tpu.memref_slice %arg7[%add3A_754] : memref<8388608xf32, #tpu.memory_space<hbm>> -> memref<2048xf32, #tpu.memory_space<hbm>>
      tpu.enqueue_dma source(%arg32 : memref<2048xf32, #tpu.memory_space<vmem>>) target(%dma_start3A_774 : memref<2048xf32, #tpu.memory_space<hbm>>) target_semaphore(%dma_start3A_773 : memref<!tpu.dma_semaphore, #tpu.memory_space<semaphore_mem>>)
      %add3A_775 = arith.constant 4 : i32
      %add3A_776 = arith.addi %add3A_675, %add3A_775 : i32
      %lt3A_777 = arith.constant 64 : i32
      %lt3A_778 = arith.cmpi slt, %add3A_776, %lt3A_777 : i32
      %convert_element_type3A_779 = arith.extui %lt3A_778 : i1 to i32
      %cond3A_780 = arith.constant 0 : i32
      %cond3A_781 = arith.cmpi ne, %convert_element_type3A_779, %cond3A_780 : i32
      scf.if %cond3A_781 {
        %add3A_783 = arith.constant 4 : i32
        %add3A_784 = arith.addi %add3A_675, %add3A_783 : i32
        %mul3A_785 = arith.constant 131072 : i32
        %mul3A_786 = arith.muli %add3A, %mul3A_785 : i32
        %mul3A_787 = arith.constant 2048 : i32
        %mul3A_788 = arith.muli %add3A_784, %mul3A_787 : i32
        %add3A_789 = arith.addi %mul3A_786, %mul3A_788 : i32
        %multiple_of3A_790 = tpu.assume_multiple %add3A_789, 2048 : i32
        %jit3A_791 = arith.constant 8 : i32
        %div3A_792 = arith.divsi %multiple_of3A_790, %jit3A_791 : i32
        %sign3A_793 = arith.constant 0 : i32
        %sign3A_794 = arith.cmpi sgt, %multiple_of3A_790, %sign3A_793 : i32
        %sign3A_795 = arith.extui %sign3A_794 : i1 to i32
        %sign3A_796 = arith.constant 0 : i32
        %sign3A_797 = arith.cmpi slt, %multiple_of3A_790, %sign3A_796 : i32
        %sign3A_798 = arith.extui %sign3A_797 : i1 to i32
        %sign3A_799 = arith.subi %sign3A_795, %sign3A_798 : i32
        %sign3A_800 = arith.constant 0 : i32
        %sign3A_801 = arith.cmpi sgt, %jit3A_791, %sign3A_800 : i32
        %sign3A_802 = arith.extui %sign3A_801 : i1 to i32
        %sign3A_803 = arith.constant 0 : i32
        %sign3A_804 = arith.cmpi slt, %jit3A_791, %sign3A_803 : i32
        %sign3A_805 = arith.extui %sign3A_804 : i1 to i32
        %sign3A_806 = arith.subi %sign3A_802, %sign3A_805 : i32
        %ne3A_807 = arith.cmpi ne, %sign3A_799, %sign3A_806 : i32
        %rem3A_808 = arith.remsi %multiple_of3A_790, %jit3A_791 : i32
        %ne3A_809 = arith.constant 0 : i32
        %ne3A_810 = arith.cmpi ne, %rem3A_808, %ne3A_809 : i32
        %and3A_811 = arith.andi %ne3A_807, %ne3A_810 : i1
        %sub3A_812 = arith.constant 1 : i32
        %sub3A_813 = arith.subi %div3A_792, %sub3A_812 : i32
        %select_n3A_814 = arith.select %and3A_811, %sub3A_813, %div3A_792 : i32
        %multiple_of3A_815 = tpu.assume_multiple %select_n3A_814, 256 : i32
        %mul3A_816 = arith.constant 4 : i32
        %mul3A_817 = arith.muli %multiple_of3A_790, %mul3A_816 : i32
        %multiple_of3A_818 = tpu.assume_multiple %mul3A_817, 8192 : i32
        %mul3A_819 = arith.constant 4 : i32
        %mul3A_820 = arith.muli %multiple_of3A_790, %mul3A_819 : i32
        %multiple_of3A_821 = tpu.assume_multiple %mul3A_820, 8192 : i32
        %dma_start3A_822 = arith.constant 3 : i32
        %dma_start3A_823 = tpu.memref_slice %arg2[%multiple_of3A_815] : memref<524288xf32, #tpu.memory_space<hbm>> -> memref<256xf32, #tpu.memory_space<hbm>>
        %dma_start3A_824 = tpu.memref_slice %arg33[%dma_start3A_822] : memref<4x!tpu.dma_semaphore, #tpu.memory_space<semaphore_mem>> -> memref<1x!tpu.dma_semaphore, #tpu.memory_space<semaphore_mem>>
        %dma_start3A_825 = tpu.memref_squeeze %dma_start3A_824 : memref<1x!tpu.dma_semaphore, #tpu.memory_space<semaphore_mem>> -> memref<!tpu.dma_semaphore, #tpu.memory_space<semaphore_mem>>
        %dma_start3A_826 = tpu.memref_slice %arg2[%multiple_of3A_815] : memref<524288xf32, #tpu.memory_space<hbm>> -> memref<256xf32, #tpu.memory_space<hbm>>
        tpu.enqueue_dma source(%dma_start3A_826 : memref<256xf32, #tpu.memory_space<hbm>>) target(%arg26 : memref<256xf32, #tpu.memory_space<vmem>>) target_semaphore(%dma_start3A_825 : memref<!tpu.dma_semaphore, #tpu.memory_space<semaphore_mem>>)
        %dma_start3A_827 = arith.constant 3 : i32
        %dma_start3A_828 = tpu.memref_slice %arg3[%multiple_of3A_818] : memref<16777216xf32, #tpu.memory_space<hbm>> -> memref<8192xf32, #tpu.memory_space<hbm>>
        %dma_start3A_829 = tpu.memref_slice %arg33[%dma_start3A_827] : memref<4x!tpu.dma_semaphore, #tpu.memory_space<semaphore_mem>> -> memref<1x!tpu.dma_semaphore, #tpu.memory_space<semaphore_mem>>
        %dma_start3A_830 = tpu.memref_squeeze %dma_start3A_829 : memref<1x!tpu.dma_semaphore, #tpu.memory_space<semaphore_mem>> -> memref<!tpu.dma_semaphore, #tpu.memory_space<semaphore_mem>>
        %dma_start3A_831 = tpu.memref_slice %arg3[%multiple_of3A_818] : memref<16777216xf32, #tpu.memory_space<hbm>> -> memref<8192xf32, #tpu.memory_space<hbm>>
        tpu.enqueue_dma source(%dma_start3A_831 : memref<8192xf32, #tpu.memory_space<hbm>>) target(%arg27 : memref<8192xf32, #tpu.memory_space<vmem>>) target_semaphore(%dma_start3A_830 : memref<!tpu.dma_semaphore, #tpu.memory_space<semaphore_mem>>)
        %dma_start3A_832 = arith.constant 3 : i32
        %dma_start3A_833 = tpu.memref_slice %arg4[%multiple_of3A_821] : memref<16777216xf32, #tpu.memory_space<hbm>> -> memref<8192xf32, #tpu.memory_space<hbm>>
        %dma_start3A_834 = tpu.memref_slice %arg33[%dma_start3A_832] : memref<4x!tpu.dma_semaphore, #tpu.memory_space<semaphore_mem>> -> memref<1x!tpu.dma_semaphore, #tpu.memory_space<semaphore_mem>>
        %dma_start3A_835 = tpu.memref_squeeze %dma_start3A_834 : memref<1x!tpu.dma_semaphore, #tpu.memory_space<semaphore_mem>> -> memref<!tpu.dma_semaphore, #tpu.memory_space<semaphore_mem>>
        %dma_start3A_836 = tpu.memref_slice %arg4[%multiple_of3A_821] : memref<16777216xf32, #tpu.memory_space<hbm>> -> memref<8192xf32, #tpu.memory_space<hbm>>
        tpu.enqueue_dma source(%dma_start3A_836 : memref<8192xf32, #tpu.memory_space<hbm>>) target(%arg28 : memref<8192xf32, #tpu.memory_space<vmem>>) target_semaphore(%dma_start3A_835 : memref<!tpu.dma_semaphore, #tpu.memory_space<semaphore_mem>>)
        %dma_start3A_837 = arith.constant 3 : i32
        %dma_start3A_838 = tpu.memref_slice %arg5[%multiple_of3A_790] : memref<4194304xf32, #tpu.memory_space<hbm>> -> memref<2048xf32, #tpu.memory_space<hbm>>
        %dma_start3A_839 = tpu.memref_slice %arg33[%dma_start3A_837] : memref<4x!tpu.dma_semaphore, #tpu.memory_space<semaphore_mem>> -> memref<1x!tpu.dma_semaphore, #tpu.memory_space<semaphore_mem>>
        %dma_start3A_840 = tpu.memref_squeeze %dma_start3A_839 : memref<1x!tpu.dma_semaphore, #tpu.memory_space<semaphore_mem>> -> memref<!tpu.dma_semaphore, #tpu.memory_space<semaphore_mem>>
        %dma_start3A_841 = tpu.memref_slice %arg5[%multiple_of3A_790] : memref<4194304xf32, #tpu.memory_space<hbm>> -> memref<2048xf32, #tpu.memory_space<hbm>>
        tpu.enqueue_dma source(%dma_start3A_841 : memref<2048xf32, #tpu.memory_space<hbm>>) target(%arg29 : memref<2048xf32, #tpu.memory_space<vmem>>) target_semaphore(%dma_start3A_840 : memref<!tpu.dma_semaphore, #tpu.memory_space<semaphore_mem>>)
      } else {
      }
      %scan3A_782 = arith.constant 0 : i32
      scf.yield %scan3A_782 : i32
    }
    %scan3A_228 = arith.constant 16 : i32
    %mul3A_229 = arith.constant 131072 : i32
    %mul3A_230 = arith.muli %add3A, %mul3A_229 : i32
    %add3A_231 = arith.constant 122880 : i32
    %add3A_232 = arith.addi %mul3A_230, %add3A_231 : i32
    %multiple_of3A_233 = tpu.assume_multiple %add3A_232, 2048 : i32
    %add3A_234 = arith.constant 4194304 : i32
    %add3A_235 = arith.addi %add3A_234, %multiple_of3A_233 : i32
    %add3A_236 = arith.constant 4194304 : i32
    %add3A_237 = arith.addi %add3A_236, %multiple_of3A_233 : i32
    %dma_wait3A = arith.constant 0 : i32
    %dma_wait3A_238 = tpu.memref_slice %arg6[%multiple_of3A_233] : memref<8388608xf32, #tpu.memory_space<hbm>> -> memref<2048xf32, #tpu.memory_space<hbm>>
    %dma_wait3A_239 = tpu.memref_slice %arg34[%dma_wait3A] : memref<4x!tpu.dma_semaphore, #tpu.memory_space<semaphore_mem>> -> memref<1x!tpu.dma_semaphore, #tpu.memory_space<semaphore_mem>>
    %dma_wait3A_240 = tpu.memref_squeeze %dma_wait3A_239 : memref<1x!tpu.dma_semaphore, #tpu.memory_space<semaphore_mem>> -> memref<!tpu.dma_semaphore, #tpu.memory_space<semaphore_mem>>
    %dma_wait3A_241 = tpu.memref_slice %arg6[%multiple_of3A_233] : memref<8388608xf32, #tpu.memory_space<hbm>> -> memref<2048xf32, #tpu.memory_space<hbm>>
    tpu.wait_dma2 semaphore(%dma_wait3A_240 : memref<!tpu.dma_semaphore, #tpu.memory_space<semaphore_mem>>) src(%arg12 : memref<2048xf32, #tpu.memory_space<vmem>>) dst(%dma_wait3A_241 : memref<2048xf32, #tpu.memory_space<hbm>>)
    %dma_wait3A_242 = arith.constant 0 : i32
    %dma_wait3A_243 = tpu.memref_slice %arg6[%add3A_235] : memref<8388608xf32, #tpu.memory_space<hbm>> -> memref<2048xf32, #tpu.memory_space<hbm>>
    %dma_wait3A_244 = tpu.memref_slice %arg34[%dma_wait3A_242] : memref<4x!tpu.dma_semaphore, #tpu.memory_space<semaphore_mem>> -> memref<1x!tpu.dma_semaphore, #tpu.memory_space<semaphore_mem>>
    %dma_wait3A_245 = tpu.memref_squeeze %dma_wait3A_244 : memref<1x!tpu.dma_semaphore, #tpu.memory_space<semaphore_mem>> -> memref<!tpu.dma_semaphore, #tpu.memory_space<semaphore_mem>>
    %dma_wait3A_246 = tpu.memref_slice %arg6[%add3A_235] : memref<8388608xf32, #tpu.memory_space<hbm>> -> memref<2048xf32, #tpu.memory_space<hbm>>
    tpu.wait_dma2 semaphore(%dma_wait3A_245 : memref<!tpu.dma_semaphore, #tpu.memory_space<semaphore_mem>>) src(%arg13 : memref<2048xf32, #tpu.memory_space<vmem>>) dst(%dma_wait3A_246 : memref<2048xf32, #tpu.memory_space<hbm>>)
    %dma_wait3A_247 = arith.constant 0 : i32
    %dma_wait3A_248 = tpu.memref_slice %arg7[%multiple_of3A_233] : memref<8388608xf32, #tpu.memory_space<hbm>> -> memref<2048xf32, #tpu.memory_space<hbm>>
    %dma_wait3A_249 = tpu.memref_slice %arg34[%dma_wait3A_247] : memref<4x!tpu.dma_semaphore, #tpu.memory_space<semaphore_mem>> -> memref<1x!tpu.dma_semaphore, #tpu.memory_space<semaphore_mem>>
    %dma_wait3A_250 = tpu.memref_squeeze %dma_wait3A_249 : memref<1x!tpu.dma_semaphore, #tpu.memory_space<semaphore_mem>> -> memref<!tpu.dma_semaphore, #tpu.memory_space<semaphore_mem>>
    %dma_wait3A_251 = tpu.memref_slice %arg7[%multiple_of3A_233] : memref<8388608xf32, #tpu.memory_space<hbm>> -> memref<2048xf32, #tpu.memory_space<hbm>>
    tpu.wait_dma2 semaphore(%dma_wait3A_250 : memref<!tpu.dma_semaphore, #tpu.memory_space<semaphore_mem>>) src(%arg32 : memref<2048xf32, #tpu.memory_space<vmem>>) dst(%dma_wait3A_251 : memref<2048xf32, #tpu.memory_space<hbm>>)
    %dma_wait3A_252 = arith.constant 0 : i32
    %dma_wait3A_253 = tpu.memref_slice %arg7[%add3A_237] : memref<8388608xf32, #tpu.memory_space<hbm>> -> memref<2048xf32, #tpu.memory_space<hbm>>
    %dma_wait3A_254 = tpu.memref_slice %arg34[%dma_wait3A_252] : memref<4x!tpu.dma_semaphore, #tpu.memory_space<semaphore_mem>> -> memref<1x!tpu.dma_semaphore, #tpu.memory_space<semaphore_mem>>
    %dma_wait3A_255 = tpu.memref_squeeze %dma_wait3A_254 : memref<1x!tpu.dma_semaphore, #tpu.memory_space<semaphore_mem>> -> memref<!tpu.dma_semaphore, #tpu.memory_space<semaphore_mem>>
    %dma_wait3A_256 = tpu.memref_slice %arg7[%add3A_237] : memref<8388608xf32, #tpu.memory_space<hbm>> -> memref<2048xf32, #tpu.memory_space<hbm>>
    tpu.wait_dma2 semaphore(%dma_wait3A_255 : memref<!tpu.dma_semaphore, #tpu.memory_space<semaphore_mem>>) src(%arg32 : memref<2048xf32, #tpu.memory_space<vmem>>) dst(%dma_wait3A_256 : memref<2048xf32, #tpu.memory_space<hbm>>)
    %mul3A_257 = arith.constant 131072 : i32
    %mul3A_258 = arith.muli %add3A, %mul3A_257 : i32
    %add3A_259 = arith.constant 124928 : i32
    %add3A_260 = arith.addi %mul3A_258, %add3A_259 : i32
    %multiple_of3A_261 = tpu.assume_multiple %add3A_260, 2048 : i32
    %add3A_262 = arith.constant 4194304 : i32
    %add3A_263 = arith.addi %add3A_262, %multiple_of3A_261 : i32
    %add3A_264 = arith.constant 4194304 : i32
    %add3A_265 = arith.addi %add3A_264, %multiple_of3A_261 : i32
    %dma_wait3A_266 = arith.constant 1 : i32
    %dma_wait3A_267 = tpu.memref_slice %arg6[%multiple_of3A_261] : memref<8388608xf32, #tpu.memory_space<hbm>> -> memref<2048xf32, #tpu.memory_space<hbm>>
    %dma_wait3A_268 = tpu.memref_slice %arg34[%dma_wait3A_266] : memref<4x!tpu.dma_semaphore, #tpu.memory_space<semaphore_mem>> -> memref<1x!tpu.dma_semaphore, #tpu.memory_space<semaphore_mem>>
    %dma_wait3A_269 = tpu.memref_squeeze %dma_wait3A_268 : memref<1x!tpu.dma_semaphore, #tpu.memory_space<semaphore_mem>> -> memref<!tpu.dma_semaphore, #tpu.memory_space<semaphore_mem>>
    %dma_wait3A_270 = tpu.memref_slice %arg6[%multiple_of3A_261] : memref<8388608xf32, #tpu.memory_space<hbm>> -> memref<2048xf32, #tpu.memory_space<hbm>>
    tpu.wait_dma2 semaphore(%dma_wait3A_269 : memref<!tpu.dma_semaphore, #tpu.memory_space<semaphore_mem>>) src(%arg18 : memref<2048xf32, #tpu.memory_space<vmem>>) dst(%dma_wait3A_270 : memref<2048xf32, #tpu.memory_space<hbm>>)
    %dma_wait3A_271 = arith.constant 1 : i32
    %dma_wait3A_272 = tpu.memref_slice %arg6[%add3A_263] : memref<8388608xf32, #tpu.memory_space<hbm>> -> memref<2048xf32, #tpu.memory_space<hbm>>
    %dma_wait3A_273 = tpu.memref_slice %arg34[%dma_wait3A_271] : memref<4x!tpu.dma_semaphore, #tpu.memory_space<semaphore_mem>> -> memref<1x!tpu.dma_semaphore, #tpu.memory_space<semaphore_mem>>
    %dma_wait3A_274 = tpu.memref_squeeze %dma_wait3A_273 : memref<1x!tpu.dma_semaphore, #tpu.memory_space<semaphore_mem>> -> memref<!tpu.dma_semaphore, #tpu.memory_space<semaphore_mem>>
    %dma_wait3A_275 = tpu.memref_slice %arg6[%add3A_263] : memref<8388608xf32, #tpu.memory_space<hbm>> -> memref<2048xf32, #tpu.memory_space<hbm>>
    tpu.wait_dma2 semaphore(%dma_wait3A_274 : memref<!tpu.dma_semaphore, #tpu.memory_space<semaphore_mem>>) src(%arg19 : memref<2048xf32, #tpu.memory_space<vmem>>) dst(%dma_wait3A_275 : memref<2048xf32, #tpu.memory_space<hbm>>)
    %dma_wait3A_276 = arith.constant 1 : i32
    %dma_wait3A_277 = tpu.memref_slice %arg7[%multiple_of3A_261] : memref<8388608xf32, #tpu.memory_space<hbm>> -> memref<2048xf32, #tpu.memory_space<hbm>>
    %dma_wait3A_278 = tpu.memref_slice %arg34[%dma_wait3A_276] : memref<4x!tpu.dma_semaphore, #tpu.memory_space<semaphore_mem>> -> memref<1x!tpu.dma_semaphore, #tpu.memory_space<semaphore_mem>>
    %dma_wait3A_279 = tpu.memref_squeeze %dma_wait3A_278 : memref<1x!tpu.dma_semaphore, #tpu.memory_space<semaphore_mem>> -> memref<!tpu.dma_semaphore, #tpu.memory_space<semaphore_mem>>
    %dma_wait3A_280 = tpu.memref_slice %arg7[%multiple_of3A_261] : memref<8388608xf32, #tpu.memory_space<hbm>> -> memref<2048xf32, #tpu.memory_space<hbm>>
    tpu.wait_dma2 semaphore(%dma_wait3A_279 : memref<!tpu.dma_semaphore, #tpu.memory_space<semaphore_mem>>) src(%arg32 : memref<2048xf32, #tpu.memory_space<vmem>>) dst(%dma_wait3A_280 : memref<2048xf32, #tpu.memory_space<hbm>>)
    %dma_wait3A_281 = arith.constant 1 : i32
    %dma_wait3A_282 = tpu.memref_slice %arg7[%add3A_265] : memref<8388608xf32, #tpu.memory_space<hbm>> -> memref<2048xf32, #tpu.memory_space<hbm>>
    %dma_wait3A_283 = tpu.memref_slice %arg34[%dma_wait3A_281] : memref<4x!tpu.dma_semaphore, #tpu.memory_space<semaphore_mem>> -> memref<1x!tpu.dma_semaphore, #tpu.memory_space<semaphore_mem>>
    %dma_wait3A_284 = tpu.memref_squeeze %dma_wait3A_283 : memref<1x!tpu.dma_semaphore, #tpu.memory_space<semaphore_mem>> -> memref<!tpu.dma_semaphore, #tpu.memory_space<semaphore_mem>>
    %dma_wait3A_285 = tpu.memref_slice %arg7[%add3A_265] : memref<8388608xf32, #tpu.memory_space<hbm>> -> memref<2048xf32, #tpu.memory_space<hbm>>
    tpu.wait_dma2 semaphore(%dma_wait3A_284 : memref<!tpu.dma_semaphore, #tpu.memory_space<semaphore_mem>>) src(%arg32 : memref<2048xf32, #tpu.memory_space<vmem>>) dst(%dma_wait3A_285 : memref<2048xf32, #tpu.memory_space<hbm>>)
    %mul3A_286 = arith.constant 131072 : i32
    %mul3A_287 = arith.muli %add3A, %mul3A_286 : i32
    %add3A_288 = arith.constant 126976 : i32
    %add3A_289 = arith.addi %mul3A_287, %add3A_288 : i32
    %multiple_of3A_290 = tpu.assume_multiple %add3A_289, 2048 : i32
    %add3A_291 = arith.constant 4194304 : i32
    %add3A_292 = arith.addi %add3A_291, %multiple_of3A_290 : i32
    %add3A_293 = arith.constant 4194304 : i32
    %add3A_294 = arith.addi %add3A_293, %multiple_of3A_290 : i32
    %dma_wait3A_295 = arith.constant 2 : i32
    %dma_wait3A_296 = tpu.memref_slice %arg6[%multiple_of3A_290] : memref<8388608xf32, #tpu.memory_space<hbm>> -> memref<2048xf32, #tpu.memory_space<hbm>>
    %dma_wait3A_297 = tpu.memref_slice %arg34[%dma_wait3A_295] : memref<4x!tpu.dma_semaphore, #tpu.memory_space<semaphore_mem>> -> memref<1x!tpu.dma_semaphore, #tpu.memory_space<semaphore_mem>>
    %dma_wait3A_298 = tpu.memref_squeeze %dma_wait3A_297 : memref<1x!tpu.dma_semaphore, #tpu.memory_space<semaphore_mem>> -> memref<!tpu.dma_semaphore, #tpu.memory_space<semaphore_mem>>
    %dma_wait3A_299 = tpu.memref_slice %arg6[%multiple_of3A_290] : memref<8388608xf32, #tpu.memory_space<hbm>> -> memref<2048xf32, #tpu.memory_space<hbm>>
    tpu.wait_dma2 semaphore(%dma_wait3A_298 : memref<!tpu.dma_semaphore, #tpu.memory_space<semaphore_mem>>) src(%arg24 : memref<2048xf32, #tpu.memory_space<vmem>>) dst(%dma_wait3A_299 : memref<2048xf32, #tpu.memory_space<hbm>>)
    %dma_wait3A_300 = arith.constant 2 : i32
    %dma_wait3A_301 = tpu.memref_slice %arg6[%add3A_292] : memref<8388608xf32, #tpu.memory_space<hbm>> -> memref<2048xf32, #tpu.memory_space<hbm>>
    %dma_wait3A_302 = tpu.memref_slice %arg34[%dma_wait3A_300] : memref<4x!tpu.dma_semaphore, #tpu.memory_space<semaphore_mem>> -> memref<1x!tpu.dma_semaphore, #tpu.memory_space<semaphore_mem>>
    %dma_wait3A_303 = tpu.memref_squeeze %dma_wait3A_302 : memref<1x!tpu.dma_semaphore, #tpu.memory_space<semaphore_mem>> -> memref<!tpu.dma_semaphore, #tpu.memory_space<semaphore_mem>>
    %dma_wait3A_304 = tpu.memref_slice %arg6[%add3A_292] : memref<8388608xf32, #tpu.memory_space<hbm>> -> memref<2048xf32, #tpu.memory_space<hbm>>
    tpu.wait_dma2 semaphore(%dma_wait3A_303 : memref<!tpu.dma_semaphore, #tpu.memory_space<semaphore_mem>>) src(%arg25 : memref<2048xf32, #tpu.memory_space<vmem>>) dst(%dma_wait3A_304 : memref<2048xf32, #tpu.memory_space<hbm>>)
    %dma_wait3A_305 = arith.constant 2 : i32
    %dma_wait3A_306 = tpu.memref_slice %arg7[%multiple_of3A_290] : memref<8388608xf32, #tpu.memory_space<hbm>> -> memref<2048xf32, #tpu.memory_space<hbm>>
    %dma_wait3A_307 = tpu.memref_slice %arg34[%dma_wait3A_305] : memref<4x!tpu.dma_semaphore, #tpu.memory_space<semaphore_mem>> -> memref<1x!tpu.dma_semaphore, #tpu.memory_space<semaphore_mem>>
    %dma_wait3A_308 = tpu.memref_squeeze %dma_wait3A_307 : memref<1x!tpu.dma_semaphore, #tpu.memory_space<semaphore_mem>> -> memref<!tpu.dma_semaphore, #tpu.memory_space<semaphore_mem>>
    %dma_wait3A_309 = tpu.memref_slice %arg7[%multiple_of3A_290] : memref<8388608xf32, #tpu.memory_space<hbm>> -> memref<2048xf32, #tpu.memory_space<hbm>>
    tpu.wait_dma2 semaphore(%dma_wait3A_308 : memref<!tpu.dma_semaphore, #tpu.memory_space<semaphore_mem>>) src(%arg32 : memref<2048xf32, #tpu.memory_space<vmem>>) dst(%dma_wait3A_309 : memref<2048xf32, #tpu.memory_space<hbm>>)
    %dma_wait3A_310 = arith.constant 2 : i32
    %dma_wait3A_311 = tpu.memref_slice %arg7[%add3A_294] : memref<8388608xf32, #tpu.memory_space<hbm>> -> memref<2048xf32, #tpu.memory_space<hbm>>
    %dma_wait3A_312 = tpu.memref_slice %arg34[%dma_wait3A_310] : memref<4x!tpu.dma_semaphore, #tpu.memory_space<semaphore_mem>> -> memref<1x!tpu.dma_semaphore, #tpu.memory_space<semaphore_mem>>
    %dma_wait3A_313 = tpu.memref_squeeze %dma_wait3A_312 : memref<1x!tpu.dma_semaphore, #tpu.memory_space<semaphore_mem>> -> memref<!tpu.dma_semaphore, #tpu.memory_space<semaphore_mem>>
    %dma_wait3A_314 = tpu.memref_slice %arg7[%add3A_294] : memref<8388608xf32, #tpu.memory_space<hbm>> -> memref<2048xf32, #tpu.memory_space<hbm>>
    tpu.wait_dma2 semaphore(%dma_wait3A_313 : memref<!tpu.dma_semaphore, #tpu.memory_space<semaphore_mem>>) src(%arg32 : memref<2048xf32, #tpu.memory_space<vmem>>) dst(%dma_wait3A_314 : memref<2048xf32, #tpu.memory_space<hbm>>)
    %mul3A_315 = arith.constant 131072 : i32
    %mul3A_316 = arith.muli %add3A, %mul3A_315 : i32
    %add3A_317 = arith.constant 129024 : i32
    %add3A_318 = arith.addi %mul3A_316, %add3A_317 : i32
    %multiple_of3A_319 = tpu.assume_multiple %add3A_318, 2048 : i32
    %add3A_320 = arith.constant 4194304 : i32
    %add3A_321 = arith.addi %add3A_320, %multiple_of3A_319 : i32
    %add3A_322 = arith.constant 4194304 : i32
    %add3A_323 = arith.addi %add3A_322, %multiple_of3A_319 : i32
    %dma_wait3A_324 = arith.constant 3 : i32
    %dma_wait3A_325 = tpu.memref_slice %arg6[%multiple_of3A_319] : memref<8388608xf32, #tpu.memory_space<hbm>> -> memref<2048xf32, #tpu.memory_space<hbm>>
    %dma_wait3A_326 = tpu.memref_slice %arg34[%dma_wait3A_324] : memref<4x!tpu.dma_semaphore, #tpu.memory_space<semaphore_mem>> -> memref<1x!tpu.dma_semaphore, #tpu.memory_space<semaphore_mem>>
    %dma_wait3A_327 = tpu.memref_squeeze %dma_wait3A_326 : memref<1x!tpu.dma_semaphore, #tpu.memory_space<semaphore_mem>> -> memref<!tpu.dma_semaphore, #tpu.memory_space<semaphore_mem>>
    %dma_wait3A_328 = tpu.memref_slice %arg6[%multiple_of3A_319] : memref<8388608xf32, #tpu.memory_space<hbm>> -> memref<2048xf32, #tpu.memory_space<hbm>>
    tpu.wait_dma2 semaphore(%dma_wait3A_327 : memref<!tpu.dma_semaphore, #tpu.memory_space<semaphore_mem>>) src(%arg30 : memref<2048xf32, #tpu.memory_space<vmem>>) dst(%dma_wait3A_328 : memref<2048xf32, #tpu.memory_space<hbm>>)
    %dma_wait3A_329 = arith.constant 3 : i32
    %dma_wait3A_330 = tpu.memref_slice %arg6[%add3A_321] : memref<8388608xf32, #tpu.memory_space<hbm>> -> memref<2048xf32, #tpu.memory_space<hbm>>
    %dma_wait3A_331 = tpu.memref_slice %arg34[%dma_wait3A_329] : memref<4x!tpu.dma_semaphore, #tpu.memory_space<semaphore_mem>> -> memref<1x!tpu.dma_semaphore, #tpu.memory_space<semaphore_mem>>
    %dma_wait3A_332 = tpu.memref_squeeze %dma_wait3A_331 : memref<1x!tpu.dma_semaphore, #tpu.memory_space<semaphore_mem>> -> memref<!tpu.dma_semaphore, #tpu.memory_space<semaphore_mem>>
    %dma_wait3A_333 = tpu.memref_slice %arg6[%add3A_321] : memref<8388608xf32, #tpu.memory_space<hbm>> -> memref<2048xf32, #tpu.memory_space<hbm>>
    tpu.wait_dma2 semaphore(%dma_wait3A_332 : memref<!tpu.dma_semaphore, #tpu.memory_space<semaphore_mem>>) src(%arg31 : memref<2048xf32, #tpu.memory_space<vmem>>) dst(%dma_wait3A_333 : memref<2048xf32, #tpu.memory_space<hbm>>)
    %dma_wait3A_334 = arith.constant 3 : i32
    %dma_wait3A_335 = tpu.memref_slice %arg7[%multiple_of3A_319] : memref<8388608xf32, #tpu.memory_space<hbm>> -> memref<2048xf32, #tpu.memory_space<hbm>>
    %dma_wait3A_336 = tpu.memref_slice %arg34[%dma_wait3A_334] : memref<4x!tpu.dma_semaphore, #tpu.memory_space<semaphore_mem>> -> memref<1x!tpu.dma_semaphore, #tpu.memory_space<semaphore_mem>>
    %dma_wait3A_337 = tpu.memref_squeeze %dma_wait3A_336 : memref<1x!tpu.dma_semaphore, #tpu.memory_space<semaphore_mem>> -> memref<!tpu.dma_semaphore, #tpu.memory_space<semaphore_mem>>
    %dma_wait3A_338 = tpu.memref_slice %arg7[%multiple_of3A_319] : memref<8388608xf32, #tpu.memory_space<hbm>> -> memref<2048xf32, #tpu.memory_space<hbm>>
    tpu.wait_dma2 semaphore(%dma_wait3A_337 : memref<!tpu.dma_semaphore, #tpu.memory_space<semaphore_mem>>) src(%arg32 : memref<2048xf32, #tpu.memory_space<vmem>>) dst(%dma_wait3A_338 : memref<2048xf32, #tpu.memory_space<hbm>>)
    %dma_wait3A_339 = arith.constant 3 : i32
    %dma_wait3A_340 = tpu.memref_slice %arg7[%add3A_323] : memref<8388608xf32, #tpu.memory_space<hbm>> -> memref<2048xf32, #tpu.memory_space<hbm>>
    %dma_wait3A_341 = tpu.memref_slice %arg34[%dma_wait3A_339] : memref<4x!tpu.dma_semaphore, #tpu.memory_space<semaphore_mem>> -> memref<1x!tpu.dma_semaphore, #tpu.memory_space<semaphore_mem>>
    %dma_wait3A_342 = tpu.memref_squeeze %dma_wait3A_341 : memref<1x!tpu.dma_semaphore, #tpu.memory_space<semaphore_mem>> -> memref<!tpu.dma_semaphore, #tpu.memory_space<semaphore_mem>>
    %dma_wait3A_343 = tpu.memref_slice %arg7[%add3A_323] : memref<8388608xf32, #tpu.memory_space<hbm>> -> memref<2048xf32, #tpu.memory_space<hbm>>
    tpu.wait_dma2 semaphore(%dma_wait3A_342 : memref<!tpu.dma_semaphore, #tpu.memory_space<semaphore_mem>>) src(%arg32 : memref<2048xf32, #tpu.memory_space<vmem>>) dst(%dma_wait3A_343 : memref<2048xf32, #tpu.memory_space<hbm>>)
    return
  }
}

</mosaic_0001>

<sc_bundles>
// kernel: kernel.3.cloned.1.call-start
scs
__scs_entry_jumppad:
0x0: {  	(pc) =	sbr.rel $0x88, $3  }
0x1: {  	(tag) =	ssettag $0x0;
	lr =	simm.s32 $0x1  }
0x2: {  	[smem:$0x3F9D] =	sst lr;
	_ =	strace $0xD0000000  }
0x3: {  	_ = 	snop  }
0x4: {  	_ = 	snop  }
0x5: {  	_ = 	snop  }
0x6: {  	_ = 	snop  }
0x7: {  	_ = 	snop  }
__scs_overlays_trampoline_lowered:
0x8: {  	[smem:$0x3FAC] =	sst s0  }
0x9: {  	[smem:$0x3FAD] =	sst s1  }
0xa: {  	[smem:$0x3FAE] =	sst s2  }
0xb: {  	[smem:$0x3FAF] =	sst s3  }
0xc: {  	[smem:$0x3FB0] =	sst s4  }
0xd: {  	[smem:$0x3FB1] =	sst s5  }
0xe: {  	[smem:$0x3FB2] =	sst s6  }
0xf: {  	[smem:$0x3FB3] =	sst s7  }
0x10: {  	[smem:$0x3FB4] =	sst s8  }
0x11: {  	[smem:$0x3FB5] =	sst s9;
	s0 =	simm.s32 @!p0 $0x0  }
0x12: {  	s1 =	sld [smem:$0x3F9B];
	s0 =	simm.s32 @p0 $0x1  }
0x13: {  	[smem:$0x3FB6] =	sst s0;
	s0 =	simm.s32 @!p1 $0x0  }
0x14: {  	s2 =	sld [smem:$0x3F9A];
	s0 =	simm.s32 @p1 $0x1  }
0x15: {  	[smem:$0x3FB7] =	sst s0;
	s0 =	simm.s32 @!p2 $0x0  }
0x16: {  	s3 =	sld [smem:$0x3FDB];
	s0 =	simm.s32 @p2 $0x1  }
0x17: {  	s4 =	simm.s32 $0x1BF5;
	[smem:$0x3FB9] =	sst s0  }
0x18: {  	s0 =	sld [smem:$0x3F9C];
	_ =	swait.ge [sflag:s4], $0x0  }
0x19: {  	s7 =	sld [smem:$0x3F9D]  }
0x1a: {  	s8 =	sadd.s32 $0xFFFFE003, lr  }
0x1b: {  	s9 =	sadd.s32 $0xFFFFFEF7, lr;
	s5 =	simm.s32 $0xFFFFFFFF;
	p2 =	slt.u32 s8, $0xFFFFF086  }
0x1c: {  	p1 =	slt.u32 s9, $0xF7A;
	s5 =	simm.s32 @!p2 $0x0  }
0x1d: {  	s5 =	simm.s32 @p1 $0x1;
	p0 =	seq.s32 s7, s2  }
0x1e: {  	s7 =	smul.u32 @!p0 $0xF7A, s2;
	p2 =	seq.s32 @!p0 s5, $0x0  }
0x1f: {  	s9 =	smul.u32 $0xF7A, s1;
	s8 =	simm.s32 @!p0 $0x1BF5;
	p2 =	por !p2, p0  }
0x20: {  	[sflag:s8] =	ssyncset.s32 @!p0 $0xFFFFF086;
	s6 =	sadd.s32 @!p0 s3, s7;
	s7 =	simm.s32 @!p0 $0x108  }
0x21: {  	s3 =	sadd.s32 s3, s9;
	s6 =	sadd.s32 @!p0 $0x88, s6;
	s7 =	simm.s32 @p2 $0x1082  }
0x22: {  	[simem:s7], [sflag:s8] =	dma.local @!p0 [hbm:s6], $0xF7A  }
0x23: {  	s9 =	sor.u32 $0xD0000000, s2;
	s6 =	simm.s32 $0x108;
	_ =	swait.ge @!p0 [sflag:s8], $0x0  }
0x24: {  	s3 =	sadd.s32 $0x88, s3;
	s6 =	simm.s32 @!p1 $0x1082;
	[sflag:s4] =	ssyncset.s32 $0xFFFFF086  }
0x25: {  	[simem:s6], [sflag:s4] =	dma.local [hbm:s3], $0xF7A  }
0x26: {  	[smem:$0x3F9D] =	sst s1;
	(tag) =	ssettag s2;
	_ =	strace s9  }
0x27: {  	s1 =	sld [smem:$0x3FAD]  }
0x28: {  	s2 =	sld [smem:$0x3FAE]  }
0x29: {  	s4 =	sld [smem:$0x3FB0]  }
0x2a: {  	p0 =	seq.s32 s5, $0x0;
	s5 =	sld [smem:$0x3FB1]  }
0x2b: {  	s6 =	sld [smem:$0x3FB2]  }
0x2c: {  	s7 =	sld [smem:$0x3FB3]  }
0x2d: {  	s3 =	simm.s32 $0x108;
	s8 =	sld [smem:$0x3FB4]  }
0x2e: {  	s3 =	simm.s32 @!p0 $0x1082;
	s9 =	sld [smem:$0x3FB5]  }
0x2f: {  	lr =	sadd.s32 s0, s3;
	s0 =	sld [smem:$0x3FAC]  }
0x30: {  	s3 =	sld [smem:$0x3FAF]  }
0x31: {  	[smem:$0x3FB8] =	sst s10  }
0x32: {  	s10 =	sld [smem:$0x3FB6];
	_ =	sdelay $0x3  }
0x33: {  	p0 =	seq.s32 s10, $0x1;
	s10 =	sld [smem:$0x3FB8];
	_ =	sdelay $0x3  }
0x34: {  	[smem:$0x3FB8] =	sst s10  }
0x35: {  	s10 =	sld [smem:$0x3FB7];
	_ =	sdelay $0x3  }
0x36: {  	p1 =	seq.s32 s10, $0x1;
	s10 =	sld [smem:$0x3FB8];
	_ =	sdelay $0x3  }
0x37: {  	[smem:$0x3FB8] =	sst s10  }
0x38: {  	s10 =	sld [smem:$0x3FB9]  }
0x39: {  	_ = 	snop;
	(pc) =	sbr.ind lr, $3  }
0x3a: {  	_ = 	snop  }
0x3b: {  	_ = 	snop  }
0x3c: {  	p2 =	seq.s32 s10, $0x1;
	s10 =	sld [smem:$0x3FB8]  }
0x3d: {  	_ =	shalt  }
0x3e: {  	_ =	shalt  }
0x3f: {  	_ =	shalt  }
0x40: {  	_ =	shalt  }
0x41: {  	_ =	shalt  }
0x42: {  	_ =	shalt  }
0x43: {  	_ =	shalt  }
0x44: {  	_ =	shalt  }
0x45: {  	_ =	shalt  }
0x46: {  	_ =	shalt  }
0x47: {  	_ =	shalt  }
0x48: {  	_ =	shalt  }
0x49: {  	_ =	shalt  }
0x4a: {  	_ =	shalt  }
0x4b: {  	_ =	shalt  }
0x4c: {  	_ =	shalt  }
0x4d: {  	_ =	shalt  }
0x4e: {  	_ =	shalt  }
0x4f: {  	_ =	shalt  }
0x50: {  	_ =	shalt  }
0x51: {  	_ =	shalt  }
0x52: {  	_ =	shalt  }
0x53: {  	_ =	shalt  }
0x54: {  	_ =	shalt  }
0x55: {  	_ =	shalt  }
0x56: {  	_ =	shalt  }
0x57: {  	_ =	shalt  }
0x58: {  	_ =	shalt  }
0x59: {  	_ =	shalt  }
0x5a: {  	_ =	shalt  }
0x5b: {  	_ =	shalt  }
0x5c: {  	_ =	shalt  }
0x5d: {  	_ =	shalt  }
0x5e: {  	_ =	shalt  }
0x5f: {  	_ =	shalt  }
0x60: {  	_ =	shalt  }
0x61: {  	_ =	shalt  }
0x62: {  	_ =	shalt  }
0x63: {  	_ =	shalt  }
0x64: {  	_ =	shalt  }
0x65: {  	_ =	shalt  }
0x66: {  	_ =	shalt  }
0x67: {  	_ =	shalt  }
0x68: {  	_ =	shalt  }
0x69: {  	_ =	shalt  }
0x6a: {  	_ =	shalt  }
0x6b: {  	_ =	shalt  }
0x6c: {  	_ =	shalt  }
0x6d: {  	_ =	shalt  }
0x6e: {  	_ =	shalt  }
0x6f: {  	_ =	shalt  }
0x70: {  	_ =	shalt  }
0x71: {  	_ =	shalt  }
0x72: {  	_ =	shalt  }
0x73: {  	_ =	shalt  }
0x74: {  	_ =	shalt  }
0x75: {  	_ =	shalt  }
0x76: {  	_ =	shalt  }
0x77: {  	_ =	shalt  }
0x78: {  	_ =	shalt  }
0x79: {  	_ =	shalt  }
0x7a: {  	_ =	shalt  }
0x7b: {  	_ =	shalt  }
0x7c: {  	_ =	shalt  }
0x7d: {  	_ =	shalt  }
0x7e: {  	_ =	shalt  }
0x7f: {  	_ =	shalt  }
0x80: {  	_ =	shalt  }
0x81: {  	_ =	shalt  }
0x82: {  	_ =	shalt  }
0x83: {  	_ =	shalt  }
0x84: {  	_ =	shalt  }
0x85: {  	_ =	shalt  }
0x86: {  	_ =	shalt  }
0x87: {  	_ =	shalt  }
.Lfunc_end0:
.L_simem_size_0:
called_computation_lowered:
.L_overlay_start_0:
0x88: {  	s2 =	sld [smem:$0x3FD9]  }
0x89: {  	s3 =	sld [smem:$0x3FFE];
	_ =	sdelay $0x1  }
0x8a: {  	s1 =	srdreg.scid  }
0x8b: {  	s0 =	sand.u32 $0x1, s1  }
0x8c: {  	s15 =	sshll.u32 s0, $0xA;
	s2 =	sadd.s32 s3, s2  }
0x8d: {  	s2 =	sadd.s32 s2, s15  }
0x8e: {  	[smem:$0x3FC4] =	sst s2  }
0x8f: {  	_ = 	snop  }
0x90: {  	s2 =	sld [smem:$0x3FC9]  }
0x91: {  	s16 =	sld [smem:$0x3FD0]  }
0x92: {  	s4 =	sld [smem:$0x3FC8]  }
0x93: {  	s5 =	sld [smem:$0x3FC7]  }
0x94: {  	s7 =	simm.s32 $0xA;
	s8 =	simm.s32 $0x10;
	s6 =	sld [smem:$0x3FC6]  }
0x95: {  	[smem:s8], [sflag:s7] =	dma.local [hbm:s16], $0x1  }
0x96: {  	_ =	swait.eq [sflag:s7], $0x1  }
0x97: {  	[sflag:s7] =	ssyncset.done $0x0  }
0x98: {  	s17 =	sld [smem:$0x10];
	[sflag:s7] =	ssyncadd.s32 $0xFFFFFFFF  }
0x99: {  	s18 =	sld [smem:$0x11];
	(tm) =	ssettm $0x1  }
0x9a: {  	s19 =	sld [smem:$0x3FFB];
	_ =	sdelay $0x3  }
0x9b: {  	_ =	strace s19  }
0x9c: {  	s8 =	sld [smem:$0x3FFC];
	_ =	sdelay $0x3  }
0x9d: {  	_ =	strace s8  }
0x9e: {  	s8 =	sld [smem:$0x3FFD];
	_ =	sdelay $0x3  }
0x9f: {  	_ =	strace s8  }
0xa0: {  	_ =	strace $0x8FFFFFFF  }
0xa1: {  	s20 =	sld [smem:$0x3FDB];
	_ =	sdelay $0x1  }
0xa2: {  	s9 =	simm.s32 $_scs_section_size  }
0xa3: {  	s10 =	simm.s32 $_size__tile_overlayer_lowered;
	s11 =	simm.s32 $_tile_overlayer_lowered  }
0xa4: {  	s23 =	simm.s32 $0x1BFF;
	s22 =	sshll.u32 s11, $0x1;
	s8 =	sadd.s32 s9, s20  }
0xa5: {  	s12 =	simm.s32 $0x0;
	s21 =	sshll.u32 s10, $0x1;
	s10 =	sadd.s32 s22, s8  }
0xa6: {  	[timem:s12], [sflag:s23] =	dma.local [hbm:s10], s21  }
0xa7: {  	_ =	swait.ge [sflag:s23], s21  }
0xa8: {  	s9 =	ssub.s32 $0x0, s21;
	[sflag:s23] =	ssyncset.done $0x0  }
0xa9: {  	[sflag:s23] =	ssyncadd.s32 s9;
	_ =	sdelay $0x1  }
0xaa: {  	s24 =	simm.s32 $0x1B8B  }
0xab: {  	_ =	swait.ge [sflag:s24], $0x1  }
0xac: {  	[sflag:s24] =	ssyncset.done $0x0  }
0xad: {  	s25 =	simm.s32 $0x1B8E;
	[sflag:s24] =	ssyncadd.s32 $0xFFFFFFFF  }
0xae: {  	s26 =	simm.s32 $execute0_lowered;
	[smem:$0x3FD2] =	sst s25  }
0xaf: {  	s9 =	sshll.u32 s26, $0x1;
	_ =	strace $0x80000046;
	[dreg:$0x1] =	wrdreg $0xFFFFFFFF  }
0xb0: {  	s28 =	simm.s32 $_size_execute0_lowered;
	s8 =	sadd.s32 s8, s9;
	[dreg:$0x0] =	wrdreg $0x0  }
0xb1: {  	s9 =	sshll.u32 s28, $0x1;
	[dreg:$0x2] =	wrdreg s8  }
0xb2: {  	[dreg:$0x3] =	wrdreg s9  }
0xb3: {  	[dreg:$0x4] =	wrdreg $0xC0  }
0xb4: {  	_ =	task [dreg:s12], $0x5FFFF  }
0xb5: {  	[dreg:$0x1] =	wrdreg $0xFFFFFFFF  }
0xb6: {  	[dreg:$0x0] =	wrdreg $0x60  }
0xb7: {  	[dreg:$0x2] =	wrdreg s2  }
0xb8: {  	[dreg:$0x3] =	wrdreg s4  }
0xb9: {  	[dreg:$0x4] =	wrdreg s5  }
0xba: {  	[dreg:$0x5] =	wrdreg s6  }
0xbb: {  	[dreg:$0x6] =	wrdreg s18  }
0xbc: {  	[dreg:$0x7] =	wrdreg s17  }
0xbd: {  	[dreg:$0x8] =	wrdreg $0x9  }
0xbe: {  	_ =	task.clear_ibuf [dreg:s12], $0x9FFFF;
	_ =	strace $0x90000046  }
0xbf: {  	s29 =	simm.s32 $0x9;
	_ =	strace $0x80000048  }
0xc0: {  	_ =	swait.ge [sflag:s29], $0x1  }
0xc1: {  	[sflag:s29] =	ssyncadd.s32 $0xFFFFFFFF  }
0xc2: {  	_ =	strace $0x90000048  }
0xc3: {  	_ =	sfence  }
0xc4: {  	s30 =	sld [smem:$0x0];
	_ =	sdelay $0x2  }
0xc5: {  	s31 =	sshll.u32 s1, $0xD;
	s1 =	sshrl.u32 s1, $0x2  }
0xc6: {  	s3 =	sand.u32 $0x4000, s31;
	s1 =	sadd.s32 s1, s30  }
0xc7: {  	s0 =	sor.u32 s3, s0;
	s1 =	sshll.u32 s1, $0x11  }
0xc8: {  	s0 =	sor.u32 s1, s0  }
0xc9: {  	s0 =	sadd.s32 $0x8F2B, s0  }
0xca: {  	[sflag:s0] =	ssyncadd.remote.s32 $0x1  }
0xcb: {  	_ =	sfence.sel $0xFFFF  }
0xcc: {  	[dreg:$0x0] =	wrdreg $0xFFFFFFFF;
	(pc) =	sbr.abs _section_cstart, $3  }
0xcd: {  	[dreg:$0x1] =	wrdreg $0xFFFFFFFF  }
0xce: {  	_ =	task.clear_ibuf [dreg:s12], $0x2FFFF;
	_ =	strace $0x9FFFFFFF  }
0xcf: {  	(tm) =	ssettm $0x7FFFFFFF  }
tec
execute0_lowered:
.L_overlay_start_1:
0x0: {  	(tag) =	ssettag $0x1  }
0x1: {  	s0 =	rddreg [dreg:$0x0]  }
0x2: {  	s2 =	rddreg [dreg:$0x1]  }
0x3: {  	s3 =	rddreg [dreg:$0x2]  }
0x4: {  	s4 =	rddreg [dreg:$0x3]  }
0x5: {  	s6 =	rddreg [dreg:$0x4]  }
0x6: {  	s7 =	rddreg [dreg:$0x5];
	s1 =	srdreg.scid  }
0x7: {  	s5 =	stileid.u32;
	s8 =	simm.s32 $0x0;
	s1 =	sand.u32 $0x1, s1  }
0x8: {  	s5 =	sshll.u32 s5, $0x12;
	s9 =	sshll.u32 s1, $0x11;
	s1 =	ssub.s32 $0x2, s1  }
0x9: {  	[smem:$0x7FF] =	sst s8;
	s12 =	sor.u32 s9, s5;
	s25 =	sshrl.u32 s1, $0x1  }
0xa: {  	_ =	strace $0x80000047;
	s9 =	sshrl.u32 s12, $0x6;
	s1 =	ssub.s32 s1, s25  }
0xb: {  	s28 =	sshrl.u32 s12, $0x1;
	s31 =	sor.u32 $0x800, s12;
	s13 =	sshrl.u32 s12, $0x3  }
0xc: {  	s17 =	sor.u32 $0x1000, s12;
	s21 =	sor.u32 $0x1800, s12;
	s30 =	smov.u32 s12  }
0xd: {  	s26 =	sadd.s32 s0, s9;
	s29 =	sadd.s32 s2, s28;
	s5 =	sadd.s32 s3, s28  }
0xe: {  	s10 =	sshrl.u32 s31, $0x6;
	s11 =	sshrl.u32 s31, $0x1;
	[dreg:$0x7] =	wrdreg s26  }
0xf: {  	s9 =	sadd.s32 s4, s13;
	s18 =	sshrl.u32 s17, $0x6;
	[dreg:$0x8] =	wrdreg s29  }
0x10: {  	s19 =	sshrl.u32 s17, $0x1;
	s22 =	sshrl.u32 s21, $0x6;
	[dreg:$0x9] =	wrdreg s5  }
0x11: {  	s24 =	sshrl.u32 s21, $0x1;
	s1 =	smax.u32 s1, $0x1;
	[dreg:$0xa] =	wrdreg s9  }
0x12: {  	s28 =	sor.u32 $0x2800, s12;
	s13 =	simm.s32 $0xD300;
	[dreg:$0x17] =	wrdreg s1  }
0x13: {  	s14 =	sadd.s32 s0, s10;
	s15 =	sadd.s32 s2, s11;
	[dreg:$0x19] =	wrdreg s28  }
0x14: {  	s16 =	sadd.s32 s3, s11;
	s5 =	sshrl.u32 s31, $0x3;
	[dreg:$0xb] =	wrdreg s14  }
0x15: {  	s20 =	sadd.s32 s2, s19;
	s10 =	sadd.s32 s3, s19;
	[dreg:$0xc] =	wrdreg s15  }
0x16: {  	s9 =	sshrl.u32 s17, $0x3;
	s23 =	sadd.s32 s0, s22;
	[dreg:$0xd] =	wrdreg s16  }
0x17: {  	s25 =	sadd.s32 s2, s24;
	s26 =	sor.u32 $0x2000, s12;
	[dreg:$0x10] =	wrdreg s20  }
0x18: {  	s29 =	sor.u32 $0x3000, s12;
	s31 =	sor.u32 $0x3800, s12;
	[dreg:$0x11] =	wrdreg s10  }
0x19: {  	s1 =	simm.s32 $0x100;
	s11 =	simm.s32 $0x7A00;
	[dreg:$0x13] =	wrdreg s23  }
0x1a: {  	s12 =	simm.s32 $0xB300;
	s22 =	simm.s32 $0x2;
	[dreg:$0x14] =	wrdreg s25  }
0x1b: {  	s17 =	simm.s32 $0x4;
	s19 =	simm.s32 $0x0;
	[dreg:$0x18] =	wrdreg s26  }
0x1c: {  	s5 =	sadd.s32 s4, s5;
	s9 =	sadd.s32 s4, s9;
	[dreg:$0x1a] =	wrdreg s29  }
0x1d: {  	[dreg:$0x1b] =	wrdreg s31;
	s10 =	simm.s32 $0x5A00;
	s15 =	simm.s32 $0x10C00  }
.Ltmp0:
0x1e: {  	s16 =	simm.s32 $0x12C00;
	[dreg:$0xe] =	wrdreg s5;
	(pc) =	sbr.rel .LBB2_1-.Ltmp0, $4  }
0x1f: {  	v0 =	vlaneseq.u32;
	s25 =	simm.s32 $0x3;
	s5 =	sadd.s32 s0, s18;
	[dreg:$0x12] =	wrdreg s9  }
0x20: {  	v1 =	vimm.f32 $0.0e+00;
	v2 =	vor.u32 $0x200, v0;
	s9 =	sadd.s32 s3, s24;
	[dreg:$0xf] =	wrdreg s5;
	s5 =	sshrl.u32 s21, $0x3  }
0x21: {  	v3 =	vor.u32 $0x400, v0;
	v4 =	vor.u32 $0x600, v0;
	v5 =	vor.u32 $0x800, v0;
	s18 =	simm.s32 $0x1;
	[dreg:$0x15] =	wrdreg s9;
	s5 =	sadd.s32 s4, s5  }
0x22: {  	v6 =	vor.u32 $0xA00, v0;
	v7 =	vor.u32 $0xC00, v0;
	v8 =	vor.u32 $0xE00, v0;
	s21 =	simm.s32 $0x16400;
	[dreg:$0x16] =	wrdreg s5;
	s5 =	simm.s32 $0x2100  }
.LBB2_14:
0x23: {  	s9 =	simm.s32 $0x5  }
0x24: {  	_ =	swait.ge [sflag:s9], $0x800  }
0x25: {  	[sflag:s9] =	ssyncset.done $0x0  }
0x26: {  	[sflag:s9] =	ssyncadd.s32 $0xFFFFF800  }
0x27: {  	_ =	swait.ge [sflag:s9], $0x800  }
0x28: {  	[sflag:s9] =	ssyncset.done $0x0  }
0x29: {  	[sflag:s9] =	ssyncadd.s32 $0xFFFFF800  }
0x2a: {  	_ =	swait.ge [sflag:s9], $0x800  }
0x2b: {  	[sflag:s9] =	ssyncset.done $0x0  }
0x2c: {  	[sflag:s9] =	ssyncadd.s32 $0xFFFFF800  }
0x2d: {  	_ =	swait.ge [sflag:s9], $0x800  }
0x2e: {  	[sflag:s9] =	ssyncset.done $0x0  }
0x2f: {  	s28 =	simm.s32 $0x6;
	[sflag:s9] =	ssyncadd.s32 $0xFFFFF800  }
0x30: {  	_ =	swait.ge [sflag:s28], $0x800  }
0x31: {  	[sflag:s28] =	ssyncset.done $0x0  }
0x32: {  	[sflag:s28] =	ssyncadd.s32 $0xFFFFF800  }
0x33: {  	_ =	swait.ge [sflag:s28], $0x800  }
0x34: {  	[sflag:s28] =	ssyncset.done $0x0  }
0x35: {  	[sflag:s28] =	ssyncadd.s32 $0xFFFFF800  }
0x36: {  	_ =	swait.ge [sflag:s28], $0x800  }
0x37: {  	[sflag:s28] =	ssyncset.done $0x0  }
0x38: {  	[sflag:s28] =	ssyncadd.s32 $0xFFFFF800  }
0x39: {  	_ =	swait.ge [sflag:s28], $0x800  }
0x3a: {  	[sflag:s28] =	ssyncset.done $0x0  }
0x3b: {  	s29 =	simm.s32 $0x7;
	[sflag:s28] =	ssyncadd.s32 $0xFFFFF800  }
0x3c: {  	_ =	swait.ge [sflag:s29], $0x800  }
0x3d: {  	[sflag:s29] =	ssyncset.done $0x0  }
0x3e: {  	[sflag:s29] =	ssyncadd.s32 $0xFFFFF800  }
0x3f: {  	_ =	swait.ge [sflag:s29], $0x800  }
0x40: {  	[sflag:s29] =	ssyncset.done $0x0  }
0x41: {  	[sflag:s29] =	ssyncadd.s32 $0xFFFFF800  }
0x42: {  	_ =	swait.ge [sflag:s29], $0x800  }
0x43: {  	[sflag:s29] =	ssyncset.done $0x0  }
0x44: {  	[sflag:s29] =	ssyncadd.s32 $0xFFFFF800  }
0x45: {  	_ =	swait.ge [sflag:s29], $0x800  }
0x46: {  	[sflag:s29] =	ssyncset.done $0x0  }
0x47: {  	s14 =	simm.s32 $0x8;
	[sflag:s29] =	ssyncadd.s32 $0xFFFFF800  }
0x48: {  	_ =	swait.ge [sflag:s14], $0x800  }
0x49: {  	[sflag:s14] =	ssyncset.done $0x0  }
0x4a: {  	[sflag:s14] =	ssyncadd.s32 $0xFFFFF800  }
0x4b: {  	_ =	swait.ge [sflag:s14], $0x800  }
0x4c: {  	[sflag:s14] =	ssyncset.done $0x0  }
0x4d: {  	[sflag:s14] =	ssyncadd.s32 $0xFFFFF800  }
0x4e: {  	_ =	swait.ge [sflag:s14], $0x800  }
0x4f: {  	[sflag:s14] =	ssyncset.done $0x0  }
0x50: {  	[sflag:s14] =	ssyncadd.s32 $0xFFFFF800  }
0x51: {  	_ =	swait.ge [sflag:s14], $0x800  }
0x52: {  	s19 =	rddreg [dreg:$0x1c]  }
0x53: {  	s31 =	rddreg [dreg:$0x17];
	s19 =	sadd.s32 $0x1, s19  }
0x54: {  	p0 =	sne.s32 s19, s31  }
.Ltmp1:
0x55: {  	_ = 	snop;
	(pc) =	sbr.rel @!p0 .LBB2_15-.Ltmp1, $3  }
0x56: {  	_ =	sdelay $0x1  }
0x57: {  	[sflag:s14] =	ssyncset.done $0x0  }
0x58: {  	[sflag:s14] =	ssyncadd.s32 $0xFFFFF800  }
.LBB2_1:
0x59: {  	[dreg:$0x1c] =	wrdreg s19;
	s9 =	simm.s32 $0x40;
	s14 =	simm.s32 $0x0  }
.LBB2_2:
0x5a: {  	p0 =	sne.s32 s9, $0x1FC0;
	[tilespmem:s14+$0x16400] =	vst v1;
	s14 =	smov.u32 s9;
	s9 =	sadd.s32 $0x40, s9  }
.Ltmp2:
0x5b: {  	(pc) =	sbr.rel @p0 .LBB2_2-.Ltmp2, $2  }
0x5c: {  	_ =	sdelay $0x2  }
0x5d: {  	s14 =	sshra.s32 s14, $0x2  }
0x5e: {  	[tilespmem:s14+$0x16400] =	vst v1;
	s23 =	simm.s32 $0x0;
	s9 =	rddreg [dreg:$0x7]  }
0x5f: {  	[tilespmem:s23], [sflag:$0x1] =	stream.linear.gather [hbm4b:s9+s23], $0x100, $0x38;
	[tilespmem:$0x16C00] =	vst v63  }
0x60: {  	s20 =	rddreg [dreg:$0x8]  }
0x61: {  	[tilespmem:s1], [sflag:$0x1] =	stream.linear.gather [hbm4b:s20+s23], $0x2000, $0x38;
	[tilespmem:$0x16C00] =	vst v63  }
0x62: {  	s24 =	rddreg [dreg:$0x9]  }
0x63: {  	[tilespmem:s5], [sflag:$0x1] =	stream.linear.gather [hbm4b:s24+s23], $0x2000, $0x38;
	[tilespmem:$0x16C00] =	vst v63  }
0x64: {  	s26 =	rddreg [dreg:$0xa];
	s28 =	simm.s32 $0x4100  }
0x65: {  	[tilespmem:s28], [sflag:$0x1] =	stream.linear.gather [hbm4b:s26+s23], $0x800, $0x38;
	[tilespmem:$0x16C00] =	vst v63  }
0x66: {  	s29 =	rddreg [dreg:$0xb];
	s31 =	simm.s32 $0x5900  }
0x67: {  	[tilespmem:s31], [sflag:$0x2] =	stream.linear.gather [hbm4b:s29+s23], $0x100, $0x38;
	[tilespmem:$0x16C00] =	vst v63  }
0x68: {  	s14 =	rddreg [dreg:$0xc]  }
0x69: {  	[tilespmem:s10], [sflag:$0x2] =	stream.linear.gather [hbm4b:s14+s23], $0x2000, $0x38;
	[tilespmem:$0x16C00] =	vst v63  }
0x6a: {  	s19 =	rddreg [dreg:$0xd]  }
0x6b: {  	[tilespmem:s11], [sflag:$0x2] =	stream.linear.gather [hbm4b:s19+s23], $0x2000, $0x38;
	[tilespmem:$0x16C00] =	vst v63  }
0x6c: {  	s20 =	rddreg [dreg:$0xe];
	s24 =	simm.s32 $0x9A00  }
0x6d: {  	[tilespmem:s24], [sflag:$0x2] =	stream.linear.gather [hbm4b:s20+s23], $0x800, $0x38;
	[tilespmem:$0x16C00] =	vst v63  }
0x6e: {  	s26 =	rddreg [dreg:$0xf];
	s28 =	simm.s32 $0xB200  }
0x6f: {  	[tilespmem:s28], [sflag:$0x3] =	stream.linear.gather [hbm4b:s26+s23], $0x100, $0x38;
	[tilespmem:$0x16C00] =	vst v63  }
0x70: {  	s29 =	rddreg [dreg:$0x10]  }
0x71: {  	[tilespmem:s12], [sflag:$0x3] =	stream.linear.gather [hbm4b:s29+s23], $0x2000, $0x38;
	[tilespmem:$0x16C00] =	vst v63  }
0x72: {  	s31 =	rddreg [dreg:$0x11]  }
0x73: {  	[tilespmem:s13], [sflag:$0x3] =	stream.linear.gather [hbm4b:s31+s23], $0x2000, $0x38;
	[tilespmem:$0x16C00] =	vst v63  }
0x74: {  	s14 =	rddreg [dreg:$0x12];
	s19 =	simm.s32 $0xF300  }
0x75: {  	[tilespmem:s19], [sflag:$0x3] =	stream.linear.gather [hbm4b:s14+s23], $0x800, $0x38;
	[tilespmem:$0x16C00] =	vst v63  }
0x76: {  	s20 =	rddreg [dreg:$0x13];
	s24 =	simm.s32 $0x10B00  }
0x77: {  	[tilespmem:s24], [sflag:$0x4] =	stream.linear.gather [hbm4b:s20+s23], $0x100, $0x38;
	[tilespmem:$0x16C00] =	vst v63  }
0x78: {  	s26 =	rddreg [dreg:$0x14]  }
0x79: {  	[tilespmem:s15], [sflag:$0x4] =	stream.linear.gather [hbm4b:s26+s23], $0x2000, $0x38;
	[tilespmem:$0x16C00] =	vst v63  }
0x7a: {  	s28 =	rddreg [dreg:$0x15]  }
0x7b: {  	[tilespmem:s16], [sflag:$0x4] =	stream.linear.gather [hbm4b:s28+s23], $0x2000, $0x38;
	[tilespmem:$0x16C00] =	vst v63  }
0x7c: {  	s29 =	rddreg [dreg:$0x16];
	s31 =	simm.s32 $0x14C00  }
0x7d: {  	[tilespmem:s31], [sflag:$0x4] =	stream.linear.gather [hbm4b:s29+s23], $0x800, $0x38;
	[tilespmem:$0x16C00] =	vst v63  }
.LBB2_4:
0x7e: {  	_ =	swait.ge [sflag:s18], $0x100  }
0x7f: {  	[sflag:s18] =	ssyncset.done $0x0  }
0x80: {  	[sflag:s18] =	ssyncadd.s32 $0xFFFFFF00  }
0x81: {  	_ =	swait.ge [sflag:s18], $0x2000  }
0x82: {  	[sflag:s18] =	ssyncset.done $0x0  }
0x83: {  	[sflag:s18] =	ssyncadd.s32 $0xFFFFE000  }
0x84: {  	_ =	swait.ge [sflag:s18], $0x2000  }
0x85: {  	[sflag:s18] =	ssyncset.done $0x0  }
0x86: {  	[sflag:s18] =	ssyncadd.s32 $0xFFFFE000  }
0x87: {  	_ =	swait.ge [sflag:s18], $0x800  }
0x88: {  	p0 =	seq.s32 s23, $0x0;
	[sflag:s18] =	ssyncset.done $0x0  }
0x89: {  	s9 =	simm.s32 @!p0 $0x5;
	[sflag:s18] =	ssyncadd.s32 $0xFFFFF800  }
0x8a: {  	_ =	swait.ge @!p0 [sflag:s9], $0x800  }
0x8b: {  	[sflag:s9] =	ssyncset.done @!p0 $0x0  }
0x8c: {  	[sflag:s9] =	ssyncadd.s32 @!p0 $0xFFFFF800  }
0x8d: {  	_ =	swait.ge @!p0 [sflag:s9], $0x800  }
0x8e: {  	[sflag:s9] =	ssyncset.done @!p0 $0x0  }
0x8f: {  	[sflag:s9] =	ssyncadd.s32 @!p0 $0xFFFFF800  }
0x90: {  	_ =	swait.ge @!p0 [sflag:s9], $0x800  }
0x91: {  	[sflag:s9] =	ssyncset.done @!p0 $0x0  }
0x92: {  	[sflag:s9] =	ssyncadd.s32 @!p0 $0xFFFFF800  }
0x93: {  	s24 =	sshll.u32 s23, $0xD;
	_ =	swait.ge @!p0 [sflag:s9], $0x800  }
0x94: {  	s14 =	simm.s32 $0x0;
	s19 =	simm.s32 $0x0;
	[sflag:s9] =	ssyncset.done @!p0 $0x0  }
0x95: {  	s20 =	simm.s32 $0x0;
	s26 =	sor.u32 s30, s24;
	[sflag:s9] =	ssyncadd.s32 @!p0 $0xFFFFF800  }
.LBB2_5:
0x96: {  	v9 =	vld [tilespmem:s19+$0x0];
	_ =	sdelay $0x4  }
0x97: {  	v11 =	vsub.f32 $0.0e+00, v9  }
0x98: {  	v10 =	vmax.f32 v9, $0.0e+00  }
0x99: {  	s9 =	sshrl.u32 s20, $0x3;
	v9 =	vtrunc.f32 v10;
	v10 =	vmax.f32 v11, $0.0e+00  }
0x9a: {  	s28 =	sand.u32 $0x70, s14;
	s31 =	sshll.u32 s9, $0xC;
	v9 =	vcvt.f32.s32 v9;
	v10 =	vtrunc.f32 v10  }
0x9b: {  	s31 =	sor.u32 s28, s31;
	v10 =	vcvt.f32.s32 v10  }
0x9c: {  	v11 =	vor.u32 s31, v0;
	v12 =	vshrl.u32 v9, $0x7  }
0x9d: {  	v11 =	vand.u32 $0x107F, v11;
	v12 =	vand.u32 $0x180, v12;
	v13 =	vshrl.u32 v10, $0x7  }
0x9e: {  	v12 =	vor.u32 v12, v11;
	v13 =	vand.u32 $0x180, v13  }
0x9f: {  	v11 =	vor.u32 v13, v11  }
0xa0: {  	s29 =	sshll.u32 s9, $0xA  }
0xa1: {  	s9 =	sor.u32 s28, s29  }
0xa2: {  	v14 =	vld [tilespmem:s9+$0x4100]  }
0xa3: {  	v32 =	vld.idx.msk [tilespmem:v12+s5+$0x0], $0xffff  }
0xa4: {  	v15 =	vld.idx.msk [tilespmem:v11+s5+$0x0], $0xffff  }
0xa5: {  	v12 =	vld.idx.msk [tilespmem:v12+s1+$0x0], $0xffff  }
0xa6: {  	v11 =	vld.idx.msk [tilespmem:v11+s1+$0x0], $0xffff  }
0xa7: {  	v16 =	vshrl.u32 v9, $0x5  }
0xa8: {  	v17 =	vor.u32 s31, v2;
	v16 =	vand.u32 $0x180, v16;
	v13 =	vmul.f32 v14, v32  }
0xa9: {  	v33 =	vshrl.u32 v10, $0x5;
	v16 =	vor.u32 v17, v16;
	v14 =	vmul.f32 v14, v15  }
0xaa: {  	v34 =	vand.u32 $0x180, v33;
	v12 =	vadd.f32 v13, v12  }
0xab: {  	v13 =	vor.u32 v17, v34;
	v11 =	vadd.f32 v14, v11  }
0xac: {  	[tilespmem:s9+$0x4900] =	vst v12  }
0xad: {  	s28 =	sadd.s32 s29, s14;
	[tilespmem:s9+$0x5100] =	vst v11  }
0xae: {  	s29 =	sor.u32 $0x80, s28;
	v11 =	vld.idx.msk [tilespmem:v16+s5+$0x0], $0xffff  }
0xaf: {  	v12 =	vld [tilespmem:s29+$0x4100]  }
0xb0: {  	v35 =	vld.idx.msk [tilespmem:v13+s5+$0x0], $0xffff  }
0xb1: {  	v36 =	vld.idx.msk [tilespmem:v16+s1+$0x0], $0xffff  }
0xb2: {  	v13 =	vld.idx.msk [tilespmem:v13+s1+$0x0], $0xffff  }
0xb3: {  	v37 =	vshrl.u32 v9, $0x3  }
0xb4: {  	v38 =	vor.u32 s31, v3;
	v16 =	vand.u32 $0x180, v37;
	v11 =	vmul.f32 v12, v11  }
0xb5: {  	v39 =	vshrl.u32 v10, $0x3;
	v16 =	vor.u32 v38, v16;
	v12 =	vmul.f32 v12, v35  }
0xb6: {  	v14 =	vand.u32 $0x180, v39;
	v11 =	vadd.f32 v11, v36  }
0xb7: {  	v40 =	vor.u32 v38, v14;
	v12 =	vadd.f32 v12, v13  }
0xb8: {  	[tilespmem:s29+$0x4900] =	vst v11  }
0xb9: {  	[tilespmem:s29+$0x5100] =	vst v12  }
0xba: {  	v11 =	vld.idx.msk [tilespmem:v16+s5+$0x0], $0xffff  }
0xbb: {  	v12 =	vld [tilespmem:s9+$0x4200]  }
0xbc: {  	v14 =	vld.idx.msk [tilespmem:v40+s5+$0x0], $0xffff  }
0xbd: {  	v41 =	vld.idx.msk [tilespmem:v16+s1+$0x0], $0xffff  }
0xbe: {  	v13 =	vld.idx.msk [tilespmem:v40+s1+$0x0], $0xffff  }
0xbf: {  	v42 =	vshrl.u32 v9, $0x1  }
0xc0: {  	v43 =	vor.u32 s31, v4;
	v16 =	vand.u32 $0x180, v42;
	v11 =	vmul.f32 v12, v11  }
0xc1: {  	v44 =	vshrl.u32 v10, $0x1;
	v16 =	vor.u32 v43, v16;
	v12 =	vmul.f32 v12, v14  }
0xc2: {  	v14 =	vand.u32 $0x180, v44;
	v11 =	vadd.f32 v11, v41  }
0xc3: {  	v45 =	vor.u32 v43, v14;
	v12 =	vadd.f32 v12, v13  }
0xc4: {  	[tilespmem:s9+$0x4A00] =	vst v11  }
0xc5: {  	[tilespmem:s9+$0x5200] =	vst v12  }
0xc6: {  	s29 =	sor.u32 $0x180, s28;
	v11 =	vld.idx.msk [tilespmem:v16+s5+$0x0], $0xffff  }
0xc7: {  	v12 =	vld [tilespmem:s29+$0x4100]  }
0xc8: {  	v14 =	vld.idx.msk [tilespmem:v45+s5+$0x0], $0xffff  }
0xc9: {  	v46 =	vld.idx.msk [tilespmem:v16+s1+$0x0], $0xffff  }
0xca: {  	v13 =	vld.idx.msk [tilespmem:v45+s1+$0x0], $0xffff  }
0xcb: {  	v47 =	vshll.u32 v9, $0x1  }
0xcc: {  	v48 =	vor.u32 s31, v5;
	v16 =	vand.u32 $0x180, v47;
	v11 =	vmul.f32 v12, v11  }
0xcd: {  	v49 =	vshll.u32 v10, $0x1;
	v16 =	vor.u32 v48, v16;
	v12 =	vmul.f32 v12, v14  }
0xce: {  	v14 =	vand.u32 $0x180, v49;
	v11 =	vadd.f32 v11, v46  }
0xcf: {  	v50 =	vor.u32 v48, v14;
	v12 =	vadd.f32 v12, v13  }
0xd0: {  	[tilespmem:s29+$0x4900] =	vst v11  }
0xd1: {  	[tilespmem:s29+$0x5100] =	vst v12  }
0xd2: {  	v11 =	vld.idx.msk [tilespmem:v16+s5+$0x0], $0xffff  }
0xd3: {  	v12 =	vld [tilespmem:s9+$0x4300]  }
0xd4: {  	v14 =	vld.idx.msk [tilespmem:v50+s5+$0x0], $0xffff  }
0xd5: {  	v51 =	vld.idx.msk [tilespmem:v16+s1+$0x0], $0xffff  }
0xd6: {  	v13 =	vld.idx.msk [tilespmem:v50+s1+$0x0], $0xffff  }
0xd7: {  	v52 =	vshll.u32 v9, $0x3  }
0xd8: {  	v53 =	vor.u32 s31, v6;
	v16 =	vand.u32 $0x180, v52;
	v11 =	vmul.f32 v12, v11  }
0xd9: {  	v54 =	vshll.u32 v10, $0x3;
	v16 =	vor.u32 v53, v16;
	v12 =	vmul.f32 v12, v14  }
0xda: {  	v14 =	vand.u32 $0x180, v54;
	v11 =	vadd.f32 v11, v51  }
0xdb: {  	v55 =	vor.u32 v53, v14;
	v12 =	vadd.f32 v12, v13  }
0xdc: {  	[tilespmem:s9+$0x4B00] =	vst v11  }
0xdd: {  	[tilespmem:s9+$0x5300] =	vst v12  }
0xde: {  	s29 =	sor.u32 $0x280, s28;
	v11 =	vld.idx.msk [tilespmem:v16+s5+$0x0], $0xffff  }
0xdf: {  	v12 =	vld [tilespmem:s29+$0x4100]  }
0xe0: {  	v14 =	vld.idx.msk [tilespmem:v55+s5+$0x0], $0xffff  }
0xe1: {  	v56 =	vld.idx.msk [tilespmem:v16+s1+$0x0], $0xffff  }
0xe2: {  	v13 =	vld.idx.msk [tilespmem:v55+s1+$0x0], $0xffff  }
0xe3: {  	v57 =	vshll.u32 v9, $0x5  }
0xe4: {  	v58 =	vor.u32 s31, v7;
	v16 =	vand.u32 $0x180, v57;
	v11 =	vmul.f32 v12, v11  }
0xe5: {  	v59 =	vshll.u32 v10, $0x5;
	v16 =	vor.u32 v58, v16;
	v12 =	vmul.f32 v12, v14  }
0xe6: {  	v14 =	vand.u32 $0x180, v59;
	v11 =	vadd.f32 v11, v56  }
0xe7: {  	v60 =	vor.u32 v58, v14;
	v12 =	vadd.f32 v12, v13  }
0xe8: {  	[tilespmem:s29+$0x4900] =	vst v11  }
0xe9: {  	[tilespmem:s29+$0x5100] =	vst v12  }
0xea: {  	v11 =	vld.idx.msk [tilespmem:v16+s5+$0x0], $0xffff  }
0xeb: {  	v12 =	vld [tilespmem:s9+$0x4400]  }
0xec: {  	v14 =	vld.idx.msk [tilespmem:v60+s5+$0x0], $0xffff  }
0xed: {  	v61 =	vld.idx.msk [tilespmem:v16+s1+$0x0], $0xffff  }
0xee: {  	v13 =	vld.idx.msk [tilespmem:v60+s1+$0x0], $0xffff  }
0xef: {  	v9 =	vshll.u32 v9, $0x7  }
0xf0: {  	v62 =	vor.u32 s31, v8;
	v9 =	vand.u32 $0x180, v9;
	v11 =	vmul.f32 v12, v11  }
0xf1: {  	v10 =	vshll.u32 v10, $0x7;
	v9 =	vor.u32 v62, v9;
	v12 =	vmul.f32 v12, v14  }
0xf2: {  	v10 =	vand.u32 $0x180, v10;
	v11 =	vadd.f32 v11, v61  }
0xf3: {  	v10 =	vor.u32 v62, v10;
	v12 =	vadd.f32 v12, v13  }
0xf4: {  	[tilespmem:s9+$0x4C00] =	vst v11  }
0xf5: {  	[tilespmem:s9+$0x5400] =	vst v12  }
0xf6: {  	s31 =	sor.u32 $0x380, s28;
	v11 =	vld.idx.msk [tilespmem:v9+s5+$0x0], $0xffff  }
0xf7: {  	v12 =	vld [tilespmem:s31+$0x4100]  }
0xf8: {  	v63 =	vld.idx.msk [tilespmem:v10+s5+$0x0], $0xffff  }
0xf9: {  	v9 =	vld.idx.msk [tilespmem:v9+s1+$0x0], $0xffff  }
0xfa: {  	v10 =	vld.idx.msk [tilespmem:v10+s1+$0x0], $0xffff;
	_ =	sdelay $0x1  }
0xfb: {  	p1 =	sne.s32 s20, $0xF;
	v11 =	vmul.f32 v12, v11  }
.Ltmp3:
0xfc: {  	v12 =	vmul.f32 v12, v63;
	(pc) =	sbr.rel @p1 .LBB2_5-.Ltmp3, $4  }
0xfd: {  	v9 =	vadd.f32 v11, v9  }
0xfe: {  	v10 =	vadd.f32 v12, v10  }
0xff: {  	[tilespmem:s31+$0x4900] =	vst v9  }
0x100: {  	s19 =	sadd.s32 $0x10, s19;
	s20 =	sadd.s32 $0x1, s20;
	s14 =	sadd.s32 $0x10, s14;
	[tilespmem:s31+$0x5100] =	vst v10  }
0x101: {  	s26 =	sshrl.u32 s26, $0x3  }
0x102: {  	s14 =	simm.s32 $0x4900;
	s9 =	sadd.s32 s6, s26;
	s28 =	sor.u32 $0x80000, s26  }
0x103: {  	[hbm4b:s9+s8] =	stream.linear.scatter [tilespmem:s14], [sflag:$0x5], $0x800, $0x38;
	[tilespmem:$0x16C00] =	vst v63  }
0x104: {  	s19 =	simm.s32 $0x5100;
	s29 =	sadd.s32 s6, s28  }
0x105: {  	[hbm4b:s29+s8] =	stream.linear.scatter [tilespmem:s19], [sflag:$0x5], $0x800, $0x38;
	[tilespmem:$0x16C00] =	vst v63  }
0x106: {  	s31 =	sadd.s32 s7, s26  }
0x107: {  	[hbm4b:s31+s8] =	stream.linear.scatter [tilespmem:s21], [sflag:$0x5], $0x800, $0x38;
	[tilespmem:$0x16C00] =	vst v63  }
0x108: {  	s9 =	sadd.s32 s7, s28  }
0x109: {  	[hbm4b:s9+s8] =	stream.linear.scatter [tilespmem:s21], [sflag:$0x5], $0x800, $0x38;
	[tilespmem:$0x16C00] =	vst v63  }
0x10a: {  	p1 =	seq.s32 s23, $0xF;
	s9 =	rddreg [dreg:$0x18]  }
0x10b: {  	s9 =	sadd.s32 @!p1 s24, s9  }
0x10c: {  	s14 =	sshrl.u32 @!p1 s9, $0x6  }
0x10d: {  	s19 =	simm.s32 @!p1 $0x0;
	s14 =	sadd.s32 @!p1 s0, s14  }
0x10e: {  	[tilespmem:s19], [sflag:$0x1] =	stream.linear.gather @!p1 [hbm4b:s14+s19], $0x100, $0x38;
	[tilespmem:$0x16C00] =	vst v63  }
0x10f: {  	s14 =	sshrl.u32 @!p1 s9, $0x1  }
0x110: {  	s28 =	simm.s32 @!p1 $0x100;
	s20 =	sadd.s32 @!p1 s2, s14  }
0x111: {  	[tilespmem:s28], [sflag:$0x1] =	stream.linear.gather @!p1 [hbm4b:s20+s19], $0x2000, $0x38;
	[tilespmem:$0x16C00] =	vst v63  }
0x112: {  	s9 =	sshrl.u32 @!p1 s9, $0x3;
	s14 =	sadd.s32 @!p1 s3, s14;
	s20 =	simm.s32 @!p1 $0x2100  }
0x113: {  	[tilespmem:s20], [sflag:$0x1] =	stream.linear.gather @!p1 [hbm4b:s14+s19], $0x2000, $0x38;
	[tilespmem:$0x16C00] =	vst v63  }
0x114: {  	s9 =	sadd.s32 @!p1 s4, s9;
	s14 =	simm.s32 @!p1 $0x4100  }
0x115: {  	[tilespmem:s14], [sflag:$0x1] =	stream.linear.gather @!p1 [hbm4b:s9+s19], $0x800, $0x38;
	[tilespmem:$0x16C00] =	vst v63  }
0x116: {  	_ =	swait.ge [sflag:s22], $0x100  }
0x117: {  	[sflag:s22] =	ssyncset.done $0x0  }
0x118: {  	[sflag:s22] =	ssyncadd.s32 $0xFFFFFF00  }
0x119: {  	_ =	swait.ge [sflag:s22], $0x2000  }
0x11a: {  	[sflag:s22] =	ssyncset.done $0x0  }
0x11b: {  	[sflag:s22] =	ssyncadd.s32 $0xFFFFE000  }
0x11c: {  	_ =	swait.ge [sflag:s22], $0x2000  }
0x11d: {  	[sflag:s22] =	ssyncset.done $0x0  }
0x11e: {  	[sflag:s22] =	ssyncadd.s32 $0xFFFFE000  }
0x11f: {  	_ =	swait.ge [sflag:s22], $0x800  }
0x120: {  	[sflag:s22] =	ssyncset.done $0x0  }
0x121: {  	s9 =	simm.s32 @!p0 $0x6;
	[sflag:s22] =	ssyncadd.s32 $0xFFFFF800  }
0x122: {  	_ =	swait.ge @!p0 [sflag:s9], $0x800  }
0x123: {  	[sflag:s9] =	ssyncset.done @!p0 $0x0  }
0x124: {  	[sflag:s9] =	ssyncadd.s32 @!p0 $0xFFFFF800  }
0x125: {  	_ =	swait.ge @!p0 [sflag:s9], $0x800  }
0x126: {  	[sflag:s9] =	ssyncset.done @!p0 $0x0  }
0x127: {  	[sflag:s9] =	ssyncadd.s32 @!p0 $0xFFFFF800  }
0x128: {  	_ =	swait.ge @!p0 [sflag:s9], $0x800  }
0x129: {  	[sflag:s9] =	ssyncset.done @!p0 $0x0  }
0x12a: {  	[sflag:s9] =	ssyncadd.s32 @!p0 $0xFFFFF800  }
0x12b: {  	_ =	swait.ge @!p0 [sflag:s9], $0x800  }
0x12c: {  	s20 =	simm.s32 $0x0;
	[sflag:s9] =	ssyncset.done @!p0 $0x0  }
0x12d: {  	s14 =	simm.s32 $0x5900;
	s19 =	simm.s32 $0x0;
	[sflag:s9] =	ssyncadd.s32 @!p0 $0xFFFFF800  }
.LBB2_7:
0x12e: {  	v9 =	vld [tilespmem:s14+$0x0];
	_ =	sdelay $0x4  }
0x12f: {  	v11 =	vsub.f32 $0.0e+00, v9  }
0x130: {  	v10 =	vmax.f32 v9, $0.0e+00  }
0x131: {  	s9 =	sshrl.u32 s20, $0x3;
	v9 =	vtrunc.f32 v10;
	v10 =	vmax.f32 v11, $0.0e+00  }
0x132: {  	s28 =	sand.u32 $0x70, s19;
	s29 =	sshll.u32 s9, $0xC;
	v9 =	vcvt.f32.s32 v9;
	v10 =	vtrunc.f32 v10  }
0x133: {  	s31 =	sor.u32 s28, s29;
	v10 =	vcvt.f32.s32 v10  }
0x134: {  	v11 =	vor.u32 s31, v0;
	v12 =	vshrl.u32 v9, $0x7  }
0x135: {  	v11 =	vand.u32 $0x107F, v11;
	v12 =	vand.u32 $0x180, v12;
	v13 =	vshrl.u32 v10, $0x7  }
0x136: {  	v12 =	vor.u32 v12, v11;
	v13 =	vand.u32 $0x180, v13  }
0x137: {  	v11 =	vor.u32 v13, v11  }
0x138: {  	s29 =	sshll.u32 s9, $0xA  }
0x139: {  	s9 =	sor.u32 s28, s29  }
0x13a: {  	v14 =	vld [tilespmem:s9+$0x9A00]  }
0x13b: {  	v32 =	vld.idx.msk [tilespmem:v12+s11+$0x0], $0xffff  }
0x13c: {  	v15 =	vld.idx.msk [tilespmem:v11+s11+$0x0], $0xffff  }
0x13d: {  	v12 =	vld.idx.msk [tilespmem:v12+s10+$0x0], $0xffff  }
0x13e: {  	v11 =	vld.idx.msk [tilespmem:v11+s10+$0x0], $0xffff  }
0x13f: {  	v16 =	vshrl.u32 v9, $0x5  }
0x140: {  	v17 =	vor.u32 s31, v2;
	v16 =	vand.u32 $0x180, v16;
	v13 =	vmul.f32 v14, v32  }
0x141: {  	v33 =	vshrl.u32 v10, $0x5;
	v16 =	vor.u32 v17, v16;
	v14 =	vmul.f32 v14, v15  }
0x142: {  	v34 =	vand.u32 $0x180, v33;
	v12 =	vadd.f32 v13, v12  }
0x143: {  	v13 =	vor.u32 v17, v34;
	v11 =	vadd.f32 v14, v11  }
0x144: {  	[tilespmem:s9+$0xA200] =	vst v12  }
0x145: {  	s28 =	sadd.s32 s29, s19;
	[tilespmem:s9+$0xAA00] =	vst v11  }
0x146: {  	s29 =	sor.u32 $0x80, s28;
	v11 =	vld.idx.msk [tilespmem:v16+s11+$0x0], $0xffff  }
0x147: {  	v12 =	vld [tilespmem:s29+$0x9A00]  }
0x148: {  	v35 =	vld.idx.msk [tilespmem:v13+s11+$0x0], $0xffff  }
0x149: {  	v36 =	vld.idx.msk [tilespmem:v16+s10+$0x0], $0xffff  }
0x14a: {  	v13 =	vld.idx.msk [tilespmem:v13+s10+$0x0], $0xffff  }
0x14b: {  	v37 =	vshrl.u32 v9, $0x3  }
0x14c: {  	v38 =	vor.u32 s31, v3;
	v16 =	vand.u32 $0x180, v37;
	v11 =	vmul.f32 v12, v11  }
0x14d: {  	v39 =	vshrl.u32 v10, $0x3;
	v16 =	vor.u32 v38, v16;
	v12 =	vmul.f32 v12, v35  }
0x14e: {  	v14 =	vand.u32 $0x180, v39;
	v11 =	vadd.f32 v11, v36  }
0x14f: {  	v40 =	vor.u32 v38, v14;
	v12 =	vadd.f32 v12, v13  }
0x150: {  	[tilespmem:s29+$0xA200] =	vst v11  }
0x151: {  	[tilespmem:s29+$0xAA00] =	vst v12  }
0x152: {  	v11 =	vld.idx.msk [tilespmem:v16+s11+$0x0], $0xffff  }
0x153: {  	v12 =	vld [tilespmem:s9+$0x9B00]  }
0x154: {  	v14 =	vld.idx.msk [tilespmem:v40+s11+$0x0], $0xffff  }
0x155: {  	v41 =	vld.idx.msk [tilespmem:v16+s10+$0x0], $0xffff  }
0x156: {  	v13 =	vld.idx.msk [tilespmem:v40+s10+$0x0], $0xffff  }
0x157: {  	v42 =	vshrl.u32 v9, $0x1  }
0x158: {  	v43 =	vor.u32 s31, v4;
	v16 =	vand.u32 $0x180, v42;
	v11 =	vmul.f32 v12, v11  }
0x159: {  	v44 =	vshrl.u32 v10, $0x1;
	v16 =	vor.u32 v43, v16;
	v12 =	vmul.f32 v12, v14  }
0x15a: {  	v14 =	vand.u32 $0x180, v44;
	v11 =	vadd.f32 v11, v41  }
0x15b: {  	v45 =	vor.u32 v43, v14;
	v12 =	vadd.f32 v12, v13  }
0x15c: {  	[tilespmem:s9+$0xA300] =	vst v11  }
0x15d: {  	[tilespmem:s9+$0xAB00] =	vst v12  }
0x15e: {  	s29 =	sor.u32 $0x180, s28;
	v11 =	vld.idx.msk [tilespmem:v16+s11+$0x0], $0xffff  }
0x15f: {  	v12 =	vld [tilespmem:s29+$0x9A00]  }
0x160: {  	v14 =	vld.idx.msk [tilespmem:v45+s11+$0x0], $0xffff  }
0x161: {  	v46 =	vld.idx.msk [tilespmem:v16+s10+$0x0], $0xffff  }
0x162: {  	v13 =	vld.idx.msk [tilespmem:v45+s10+$0x0], $0xffff  }
0x163: {  	v47 =	vshll.u32 v9, $0x1  }
0x164: {  	v48 =	vor.u32 s31, v5;
	v16 =	vand.u32 $0x180, v47;
	v11 =	vmul.f32 v12, v11  }
0x165: {  	v49 =	vshll.u32 v10, $0x1;
	v16 =	vor.u32 v48, v16;
	v12 =	vmul.f32 v12, v14  }
0x166: {  	v14 =	vand.u32 $0x180, v49;
	v11 =	vadd.f32 v11, v46  }
0x167: {  	v50 =	vor.u32 v48, v14;
	v12 =	vadd.f32 v12, v13  }
0x168: {  	[tilespmem:s29+$0xA200] =	vst v11  }
0x169: {  	[tilespmem:s29+$0xAA00] =	vst v12  }
0x16a: {  	v11 =	vld.idx.msk [tilespmem:v16+s11+$0x0], $0xffff  }
0x16b: {  	v12 =	vld [tilespmem:s9+$0x9C00]  }
0x16c: {  	v14 =	vld.idx.msk [tilespmem:v50+s11+$0x0], $0xffff  }
0x16d: {  	v51 =	vld.idx.msk [tilespmem:v16+s10+$0x0], $0xffff  }
0x16e: {  	v13 =	vld.idx.msk [tilespmem:v50+s10+$0x0], $0xffff  }
0x16f: {  	v52 =	vshll.u32 v9, $0x3  }
0x170: {  	v53 =	vor.u32 s31, v6;
	v16 =	vand.u32 $0x180, v52;
	v11 =	vmul.f32 v12, v11  }
0x171: {  	v54 =	vshll.u32 v10, $0x3;
	v16 =	vor.u32 v53, v16;
	v12 =	vmul.f32 v12, v14  }
0x172: {  	v14 =	vand.u32 $0x180, v54;
	v11 =	vadd.f32 v11, v51  }
0x173: {  	v55 =	vor.u32 v53, v14;
	v12 =	vadd.f32 v12, v13  }
0x174: {  	[tilespmem:s9+$0xA400] =	vst v11  }
0x175: {  	[tilespmem:s9+$0xAC00] =	vst v12  }
0x176: {  	s29 =	sor.u32 $0x280, s28;
	v11 =	vld.idx.msk [tilespmem:v16+s11+$0x0], $0xffff  }
0x177: {  	v12 =	vld [tilespmem:s29+$0x9A00]  }
0x178: {  	v14 =	vld.idx.msk [tilespmem:v55+s11+$0x0], $0xffff  }
0x179: {  	v56 =	vld.idx.msk [tilespmem:v16+s10+$0x0], $0xffff  }
0x17a: {  	v13 =	vld.idx.msk [tilespmem:v55+s10+$0x0], $0xffff  }
0x17b: {  	v57 =	vshll.u32 v9, $0x5  }
0x17c: {  	v58 =	vor.u32 s31, v7;
	v16 =	vand.u32 $0x180, v57;
	v11 =	vmul.f32 v12, v11  }
0x17d: {  	v59 =	vshll.u32 v10, $0x5;
	v16 =	vor.u32 v58, v16;
	v12 =	vmul.f32 v12, v14  }
0x17e: {  	v14 =	vand.u32 $0x180, v59;
	v11 =	vadd.f32 v11, v56  }
0x17f: {  	v60 =	vor.u32 v58, v14;
	v12 =	vadd.f32 v12, v13  }
0x180: {  	[tilespmem:s29+$0xA200] =	vst v11  }
0x181: {  	[tilespmem:s29+$0xAA00] =	vst v12  }
0x182: {  	v11 =	vld.idx.msk [tilespmem:v16+s11+$0x0], $0xffff  }
0x183: {  	v12 =	vld [tilespmem:s9+$0x9D00]  }
0x184: {  	v14 =	vld.idx.msk [tilespmem:v60+s11+$0x0], $0xffff  }
0x185: {  	v61 =	vld.idx.msk [tilespmem:v16+s10+$0x0], $0xffff  }
0x186: {  	v13 =	vld.idx.msk [tilespmem:v60+s10+$0x0], $0xffff  }
0x187: {  	v9 =	vshll.u32 v9, $0x7  }
0x188: {  	v62 =	vor.u32 s31, v8;
	v9 =	vand.u32 $0x180, v9;
	v11 =	vmul.f32 v12, v11  }
0x189: {  	v10 =	vshll.u32 v10, $0x7;
	v9 =	vor.u32 v62, v9;
	v12 =	vmul.f32 v12, v14  }
0x18a: {  	v10 =	vand.u32 $0x180, v10;
	v11 =	vadd.f32 v11, v61  }
0x18b: {  	v10 =	vor.u32 v62, v10;
	v12 =	vadd.f32 v12, v13  }
0x18c: {  	[tilespmem:s9+$0xA500] =	vst v11  }
0x18d: {  	[tilespmem:s9+$0xAD00] =	vst v12  }
0x18e: {  	s31 =	sor.u32 $0x380, s28;
	v11 =	vld.idx.msk [tilespmem:v9+s11+$0x0], $0xffff  }
0x18f: {  	v12 =	vld [tilespmem:s31+$0x9A00]  }
0x190: {  	v63 =	vld.idx.msk [tilespmem:v10+s11+$0x0], $0xffff  }
0x191: {  	v9 =	vld.idx.msk [tilespmem:v9+s10+$0x0], $0xffff  }
0x192: {  	v10 =	vld.idx.msk [tilespmem:v10+s10+$0x0], $0xffff;
	_ =	sdelay $0x1  }
0x193: {  	p2 =	sne.s32 s20, $0xF;
	v11 =	vmul.f32 v12, v11  }
.Ltmp4:
0x194: {  	v12 =	vmul.f32 v12, v63;
	(pc) =	sbr.rel @p2 .LBB2_7-.Ltmp4, $4  }
0x195: {  	v9 =	vadd.f32 v11, v9  }
0x196: {  	v10 =	vadd.f32 v12, v10  }
0x197: {  	[tilespmem:s31+$0xA200] =	vst v9  }
0x198: {  	s14 =	sadd.s32 $0x10, s14;
	s20 =	sadd.s32 $0x1, s20;
	s19 =	sadd.s32 $0x10, s19;
	[tilespmem:s31+$0xAA00] =	vst v10  }
0x199: {  	s9 =	sor.u32 $0x100, s26  }
0x19a: {  	s19 =	simm.s32 $0xA200;
	s28 =	sor.u32 $0x80100, s26;
	s14 =	sadd.s32 s6, s9  }
0x19b: {  	[hbm4b:s14+s8] =	stream.linear.scatter [tilespmem:s19], [sflag:$0x6], $0x800, $0x38;
	[tilespmem:$0x16C00] =	vst v63  }
0x19c: {  	s20 =	simm.s32 $0xAA00;
	s29 =	sadd.s32 s6, s28  }
0x19d: {  	[hbm4b:s29+s8] =	stream.linear.scatter [tilespmem:s20], [sflag:$0x6], $0x800, $0x38;
	[tilespmem:$0x16C00] =	vst v63  }
0x19e: {  	s9 =	sadd.s32 s7, s9  }
0x19f: {  	[hbm4b:s9+s8] =	stream.linear.scatter [tilespmem:s21], [sflag:$0x6], $0x800, $0x38;
	[tilespmem:$0x16C00] =	vst v63  }
0x1a0: {  	s9 =	rddreg [dreg:$0x19]  }
0x1a1: {  	s31 =	sadd.s32 s7, s28;
	s9 =	sadd.s32 @!p1 s24, s9  }
0x1a2: {  	[hbm4b:s31+s8] =	stream.linear.scatter [tilespmem:s21], [sflag:$0x6], $0x800, $0x38;
	[tilespmem:$0x16C00] =	vst v63  }
0x1a3: {  	s14 =	sshrl.u32 @!p1 s9, $0x6  }
0x1a4: {  	s19 =	simm.s32 @!p1 $0x0;
	s20 =	simm.s32 @!p1 $0x5900;
	s14 =	sadd.s32 @!p1 s0, s14  }
0x1a5: {  	[tilespmem:s20], [sflag:$0x2] =	stream.linear.gather @!p1 [hbm4b:s14+s19], $0x100, $0x38;
	[tilespmem:$0x16C00] =	vst v63  }
0x1a6: {  	s14 =	sshrl.u32 @!p1 s9, $0x1  }
0x1a7: {  	s28 =	simm.s32 @!p1 $0x5A00;
	s20 =	sadd.s32 @!p1 s2, s14  }
0x1a8: {  	[tilespmem:s28], [sflag:$0x2] =	stream.linear.gather @!p1 [hbm4b:s20+s19], $0x2000, $0x38;
	[tilespmem:$0x16C00] =	vst v63  }
0x1a9: {  	s9 =	sshrl.u32 @!p1 s9, $0x3;
	s14 =	sadd.s32 @!p1 s3, s14;
	s20 =	simm.s32 @!p1 $0x7A00  }
0x1aa: {  	[tilespmem:s20], [sflag:$0x2] =	stream.linear.gather @!p1 [hbm4b:s14+s19], $0x2000, $0x38;
	[tilespmem:$0x16C00] =	vst v63  }
0x1ab: {  	s9 =	sadd.s32 @!p1 s4, s9;
	s14 =	simm.s32 @!p1 $0x9A00  }
0x1ac: {  	[tilespmem:s14], [sflag:$0x2] =	stream.linear.gather @!p1 [hbm4b:s9+s19], $0x800, $0x38;
	[tilespmem:$0x16C00] =	vst v63  }
0x1ad: {  	_ =	swait.ge [sflag:s25], $0x100  }
0x1ae: {  	[sflag:s25] =	ssyncset.done $0x0  }
0x1af: {  	[sflag:s25] =	ssyncadd.s32 $0xFFFFFF00  }
0x1b0: {  	_ =	swait.ge [sflag:s25], $0x2000  }
0x1b1: {  	[sflag:s25] =	ssyncset.done $0x0  }
0x1b2: {  	[sflag:s25] =	ssyncadd.s32 $0xFFFFE000  }
0x1b3: {  	_ =	swait.ge [sflag:s25], $0x2000  }
0x1b4: {  	[sflag:s25] =	ssyncset.done $0x0  }
0x1b5: {  	[sflag:s25] =	ssyncadd.s32 $0xFFFFE000  }
0x1b6: {  	_ =	swait.ge [sflag:s25], $0x800  }
0x1b7: {  	[sflag:s25] =	ssyncset.done $0x0  }
0x1b8: {  	s9 =	simm.s32 @!p0 $0x7;
	[sflag:s25] =	ssyncadd.s32 $0xFFFFF800  }
0x1b9: {  	_ =	swait.ge @!p0 [sflag:s9], $0x800  }
0x1ba: {  	[sflag:s9] =	ssyncset.done @!p0 $0x0  }
0x1bb: {  	[sflag:s9] =	ssyncadd.s32 @!p0 $0xFFFFF800  }
0x1bc: {  	_ =	swait.ge @!p0 [sflag:s9], $0x800  }
0x1bd: {  	[sflag:s9] =	ssyncset.done @!p0 $0x0  }
0x1be: {  	[sflag:s9] =	ssyncadd.s32 @!p0 $0xFFFFF800  }
0x1bf: {  	_ =	swait.ge @!p0 [sflag:s9], $0x800  }
0x1c0: {  	[sflag:s9] =	ssyncset.done @!p0 $0x0  }
0x1c1: {  	[sflag:s9] =	ssyncadd.s32 @!p0 $0xFFFFF800  }
0x1c2: {  	_ =	swait.ge @!p0 [sflag:s9], $0x800  }
0x1c3: {  	s20 =	simm.s32 $0x0;
	[sflag:s9] =	ssyncset.done @!p0 $0x0  }
0x1c4: {  	s14 =	simm.s32 $0xB200;
	s19 =	simm.s32 $0x0;
	[sflag:s9] =	ssyncadd.s32 @!p0 $0xFFFFF800  }
.LBB2_9:
0x1c5: {  	v9 =	vld [tilespmem:s14+$0x0];
	_ =	sdelay $0x4  }
0x1c6: {  	v11 =	vsub.f32 $0.0e+00, v9  }
0x1c7: {  	v10 =	vmax.f32 v9, $0.0e+00  }
0x1c8: {  	s9 =	sshrl.u32 s20, $0x3;
	v9 =	vtrunc.f32 v10;
	v10 =	vmax.f32 v11, $0.0e+00  }
0x1c9: {  	s28 =	sand.u32 $0x70, s19;
	s29 =	sshll.u32 s9, $0xC;
	v9 =	vcvt.f32.s32 v9;
	v10 =	vtrunc.f32 v10  }
0x1ca: {  	s31 =	sor.u32 s28, s29;
	v10 =	vcvt.f32.s32 v10  }
0x1cb: {  	v11 =	vor.u32 s31, v0;
	v12 =	vshrl.u32 v9, $0x7  }
0x1cc: {  	v11 =	vand.u32 $0x107F, v11;
	v12 =	vand.u32 $0x180, v12;
	v13 =	vshrl.u32 v10, $0x7  }
0x1cd: {  	v12 =	vor.u32 v12, v11;
	v13 =	vand.u32 $0x180, v13  }
0x1ce: {  	v11 =	vor.u32 v13, v11  }
0x1cf: {  	s29 =	sshll.u32 s9, $0xA  }
0x1d0: {  	s9 =	sor.u32 s28, s29  }
0x1d1: {  	v14 =	vld [tilespmem:s9+$0xF300]  }
0x1d2: {  	v32 =	vld.idx.msk [tilespmem:v12+s13+$0x0], $0xffff  }
0x1d3: {  	v15 =	vld.idx.msk [tilespmem:v11+s13+$0x0], $0xffff  }
0x1d4: {  	v12 =	vld.idx.msk [tilespmem:v12+s12+$0x0], $0xffff  }
0x1d5: {  	v11 =	vld.idx.msk [tilespmem:v11+s12+$0x0], $0xffff  }
0x1d6: {  	v16 =	vshrl.u32 v9, $0x5  }
0x1d7: {  	v17 =	vor.u32 s31, v2;
	v16 =	vand.u32 $0x180, v16;
	v13 =	vmul.f32 v14, v32  }
0x1d8: {  	v33 =	vshrl.u32 v10, $0x5;
	v16 =	vor.u32 v17, v16;
	v14 =	vmul.f32 v14, v15  }
0x1d9: {  	v34 =	vand.u32 $0x180, v33;
	v12 =	vadd.f32 v13, v12  }
0x1da: {  	v13 =	vor.u32 v17, v34;
	v11 =	vadd.f32 v14, v11  }
0x1db: {  	[tilespmem:s9+$0xFB00] =	vst v12  }
0x1dc: {  	s28 =	sadd.s32 s29, s19;
	[tilespmem:s9+$0x10300] =	vst v11  }
0x1dd: {  	s29 =	sor.u32 $0x80, s28;
	v11 =	vld.idx.msk [tilespmem:v16+s13+$0x0], $0xffff  }
0x1de: {  	v12 =	vld [tilespmem:s29+$0xF300]  }
0x1df: {  	v35 =	vld.idx.msk [tilespmem:v13+s13+$0x0], $0xffff  }
0x1e0: {  	v36 =	vld.idx.msk [tilespmem:v16+s12+$0x0], $0xffff  }
0x1e1: {  	v13 =	vld.idx.msk [tilespmem:v13+s12+$0x0], $0xffff  }
0x1e2: {  	v37 =	vshrl.u32 v9, $0x3  }
0x1e3: {  	v38 =	vor.u32 s31, v3;
	v16 =	vand.u32 $0x180, v37;
	v11 =	vmul.f32 v12, v11  }
0x1e4: {  	v39 =	vshrl.u32 v10, $0x3;
	v16 =	vor.u32 v38, v16;
	v12 =	vmul.f32 v12, v35  }
0x1e5: {  	v14 =	vand.u32 $0x180, v39;
	v11 =	vadd.f32 v11, v36  }
0x1e6: {  	v40 =	vor.u32 v38, v14;
	v12 =	vadd.f32 v12, v13  }
0x1e7: {  	[tilespmem:s29+$0xFB00] =	vst v11  }
0x1e8: {  	[tilespmem:s29+$0x10300] =	vst v12  }
0x1e9: {  	v11 =	vld.idx.msk [tilespmem:v16+s13+$0x0], $0xffff  }
0x1ea: {  	v12 =	vld [tilespmem:s9+$0xF400]  }
0x1eb: {  	v14 =	vld.idx.msk [tilespmem:v40+s13+$0x0], $0xffff  }
0x1ec: {  	v41 =	vld.idx.msk [tilespmem:v16+s12+$0x0], $0xffff  }
0x1ed: {  	v13 =	vld.idx.msk [tilespmem:v40+s12+$0x0], $0xffff  }
0x1ee: {  	v42 =	vshrl.u32 v9, $0x1  }
0x1ef: {  	v43 =	vor.u32 s31, v4;
	v16 =	vand.u32 $0x180, v42;
	v11 =	vmul.f32 v12, v11  }
0x1f0: {  	v44 =	vshrl.u32 v10, $0x1;
	v16 =	vor.u32 v43, v16;
	v12 =	vmul.f32 v12, v14  }
0x1f1: {  	v14 =	vand.u32 $0x180, v44;
	v11 =	vadd.f32 v11, v41  }
0x1f2: {  	v45 =	vor.u32 v43, v14;
	v12 =	vadd.f32 v12, v13  }
0x1f3: {  	[tilespmem:s9+$0xFC00] =	vst v11  }
0x1f4: {  	[tilespmem:s9+$0x10400] =	vst v12  }
0x1f5: {  	s29 =	sor.u32 $0x180, s28;
	v11 =	vld.idx.msk [tilespmem:v16+s13+$0x0], $0xffff  }
0x1f6: {  	v12 =	vld [tilespmem:s29+$0xF300]  }
0x1f7: {  	v14 =	vld.idx.msk [tilespmem:v45+s13+$0x0], $0xffff  }
0x1f8: {  	v46 =	vld.idx.msk [tilespmem:v16+s12+$0x0], $0xffff  }
0x1f9: {  	v13 =	vld.idx.msk [tilespmem:v45+s12+$0x0], $0xffff  }
0x1fa: {  	v47 =	vshll.u32 v9, $0x1  }
0x1fb: {  	v48 =	vor.u32 s31, v5;
	v16 =	vand.u32 $0x180, v47;
	v11 =	vmul.f32 v12, v11  }
0x1fc: {  	v49 =	vshll.u32 v10, $0x1;
	v16 =	vor.u32 v48, v16;
	v12 =	vmul.f32 v12, v14  }
0x1fd: {  	v14 =	vand.u32 $0x180, v49;
	v11 =	vadd.f32 v11, v46  }
0x1fe: {  	v50 =	vor.u32 v48, v14;
	v12 =	vadd.f32 v12, v13  }
0x1ff: {  	[tilespmem:s29+$0xFB00] =	vst v11  }
0x200: {  	[tilespmem:s29+$0x10300] =	vst v12  }
0x201: {  	v11 =	vld.idx.msk [tilespmem:v16+s13+$0x0], $0xffff  }
0x202: {  	v12 =	vld [tilespmem:s9+$0xF500]  }
0x203: {  	v14 =	vld.idx.msk [tilespmem:v50+s13+$0x0], $0xffff  }
0x204: {  	v51 =	vld.idx.msk [tilespmem:v16+s12+$0x0], $0xffff  }
0x205: {  	v13 =	vld.idx.msk [tilespmem:v50+s12+$0x0], $0xffff  }
0x206: {  	v52 =	vshll.u32 v9, $0x3  }
0x207: {  	v53 =	vor.u32 s31, v6;
	v16 =	vand.u32 $0x180, v52;
	v11 =	vmul.f32 v12, v11  }
0x208: {  	v54 =	vshll.u32 v10, $0x3;
	v16 =	vor.u32 v53, v16;
	v12 =	vmul.f32 v12, v14  }
0x209: {  	v14 =	vand.u32 $0x180, v54;
	v11 =	vadd.f32 v11, v51  }
0x20a: {  	v55 =	vor.u32 v53, v14;
	v12 =	vadd.f32 v12, v13  }
0x20b: {  	[tilespmem:s9+$0xFD00] =	vst v11  }
0x20c: {  	[tilespmem:s9+$0x10500] =	vst v12  }
0x20d: {  	s29 =	sor.u32 $0x280, s28;
	v11 =	vld.idx.msk [tilespmem:v16+s13+$0x0], $0xffff  }
0x20e: {  	v12 =	vld [tilespmem:s29+$0xF300]  }
0x20f: {  	v14 =	vld.idx.msk [tilespmem:v55+s13+$0x0], $0xffff  }
0x210: {  	v56 =	vld.idx.msk [tilespmem:v16+s12+$0x0], $0xffff  }
0x211: {  	v13 =	vld.idx.msk [tilespmem:v55+s12+$0x0], $0xffff  }
0x212: {  	v57 =	vshll.u32 v9, $0x5  }
0x213: {  	v58 =	vor.u32 s31, v7;
	v16 =	vand.u32 $0x180, v57;
	v11 =	vmul.f32 v12, v11  }
0x214: {  	v59 =	vshll.u32 v10, $0x5;
	v16 =	vor.u32 v58, v16;
	v12 =	vmul.f32 v12, v14  }
0x215: {  	v14 =	vand.u32 $0x180, v59;
	v11 =	vadd.f32 v11, v56  }
0x216: {  	v60 =	vor.u32 v58, v14;
	v12 =	vadd.f32 v12, v13  }
0x217: {  	[tilespmem:s29+$0xFB00] =	vst v11  }
0x218: {  	[tilespmem:s29+$0x10300] =	vst v12  }
0x219: {  	v11 =	vld.idx.msk [tilespmem:v16+s13+$0x0], $0xffff  }
0x21a: {  	v12 =	vld [tilespmem:s9+$0xF600]  }
0x21b: {  	v14 =	vld.idx.msk [tilespmem:v60+s13+$0x0], $0xffff  }
0x21c: {  	v61 =	vld.idx.msk [tilespmem:v16+s12+$0x0], $0xffff  }
0x21d: {  	v13 =	vld.idx.msk [tilespmem:v60+s12+$0x0], $0xffff  }
0x21e: {  	v9 =	vshll.u32 v9, $0x7  }
0x21f: {  	v62 =	vor.u32 s31, v8;
	v9 =	vand.u32 $0x180, v9;
	v11 =	vmul.f32 v12, v11  }
0x220: {  	v10 =	vshll.u32 v10, $0x7;
	v9 =	vor.u32 v62, v9;
	v12 =	vmul.f32 v12, v14  }
0x221: {  	v10 =	vand.u32 $0x180, v10;
	v11 =	vadd.f32 v11, v61  }
0x222: {  	v10 =	vor.u32 v62, v10;
	v12 =	vadd.f32 v12, v13  }
0x223: {  	[tilespmem:s9+$0xFE00] =	vst v11  }
0x224: {  	[tilespmem:s9+$0x10600] =	vst v12  }
0x225: {  	s31 =	sor.u32 $0x380, s28;
	v11 =	vld.idx.msk [tilespmem:v9+s13+$0x0], $0xffff  }
0x226: {  	v12 =	vld [tilespmem:s31+$0xF300]  }
0x227: {  	v63 =	vld.idx.msk [tilespmem:v10+s13+$0x0], $0xffff  }
0x228: {  	v9 =	vld.idx.msk [tilespmem:v9+s12+$0x0], $0xffff  }
0x229: {  	v10 =	vld.idx.msk [tilespmem:v10+s12+$0x0], $0xffff;
	_ =	sdelay $0x1  }
0x22a: {  	p2 =	sne.s32 s20, $0xF;
	v11 =	vmul.f32 v12, v11  }
.Ltmp5:
0x22b: {  	v12 =	vmul.f32 v12, v63;
	(pc) =	sbr.rel @p2 .LBB2_9-.Ltmp5, $4  }
0x22c: {  	v9 =	vadd.f32 v11, v9  }
0x22d: {  	v10 =	vadd.f32 v12, v10  }
0x22e: {  	[tilespmem:s31+$0xFB00] =	vst v9  }
0x22f: {  	s14 =	sadd.s32 $0x10, s14;
	s20 =	sadd.s32 $0x1, s20;
	s19 =	sadd.s32 $0x10, s19;
	[tilespmem:s31+$0x10300] =	vst v10  }
0x230: {  	s9 =	sor.u32 $0x200, s26  }
0x231: {  	s19 =	simm.s32 $0xFB00;
	s28 =	sor.u32 $0x80200, s26;
	s14 =	sadd.s32 s6, s9  }
0x232: {  	[hbm4b:s14+s8] =	stream.linear.scatter [tilespmem:s19], [sflag:$0x7], $0x800, $0x38;
	[tilespmem:$0x16C00] =	vst v63  }
0x233: {  	s20 =	simm.s32 $0x10300;
	s29 =	sadd.s32 s6, s28  }
0x234: {  	[hbm4b:s29+s8] =	stream.linear.scatter [tilespmem:s20], [sflag:$0x7], $0x800, $0x38;
	[tilespmem:$0x16C00] =	vst v63  }
0x235: {  	s9 =	sadd.s32 s7, s9  }
0x236: {  	[hbm4b:s9+s8] =	stream.linear.scatter [tilespmem:s21], [sflag:$0x7], $0x800, $0x38;
	[tilespmem:$0x16C00] =	vst v63  }
0x237: {  	s9 =	rddreg [dreg:$0x1a]  }
0x238: {  	s31 =	sadd.s32 s7, s28;
	s9 =	sadd.s32 @!p1 s24, s9  }
0x239: {  	[hbm4b:s31+s8] =	stream.linear.scatter [tilespmem:s21], [sflag:$0x7], $0x800, $0x38;
	[tilespmem:$0x16C00] =	vst v63  }
0x23a: {  	s14 =	sshrl.u32 @!p1 s9, $0x6  }
0x23b: {  	s19 =	simm.s32 @!p1 $0x0;
	s20 =	simm.s32 @!p1 $0xB200;
	s14 =	sadd.s32 @!p1 s0, s14  }
0x23c: {  	[tilespmem:s20], [sflag:$0x3] =	stream.linear.gather @!p1 [hbm4b:s14+s19], $0x100, $0x38;
	[tilespmem:$0x16C00] =	vst v63  }
0x23d: {  	s14 =	sshrl.u32 @!p1 s9, $0x1  }
0x23e: {  	s28 =	simm.s32 @!p1 $0xB300;
	s20 =	sadd.s32 @!p1 s2, s14  }
0x23f: {  	[tilespmem:s28], [sflag:$0x3] =	stream.linear.gather @!p1 [hbm4b:s20+s19], $0x2000, $0x38;
	[tilespmem:$0x16C00] =	vst v63  }
0x240: {  	s9 =	sshrl.u32 @!p1 s9, $0x3;
	s14 =	sadd.s32 @!p1 s3, s14;
	s20 =	simm.s32 @!p1 $0xD300  }
0x241: {  	[tilespmem:s20], [sflag:$0x3] =	stream.linear.gather @!p1 [hbm4b:s14+s19], $0x2000, $0x38;
	[tilespmem:$0x16C00] =	vst v63  }
0x242: {  	s9 =	sadd.s32 @!p1 s4, s9;
	s14 =	simm.s32 @!p1 $0xF300  }
0x243: {  	[tilespmem:s14], [sflag:$0x3] =	stream.linear.gather @!p1 [hbm4b:s9+s19], $0x800, $0x38;
	[tilespmem:$0x16C00] =	vst v63  }
0x244: {  	_ =	swait.ge [sflag:s17], $0x100  }
0x245: {  	[sflag:s17] =	ssyncset.done $0x0  }
0x246: {  	[sflag:s17] =	ssyncadd.s32 $0xFFFFFF00  }
0x247: {  	_ =	swait.ge [sflag:s17], $0x2000  }
0x248: {  	[sflag:s17] =	ssyncset.done $0x0  }
0x249: {  	[sflag:s17] =	ssyncadd.s32 $0xFFFFE000  }
0x24a: {  	_ =	swait.ge [sflag:s17], $0x2000  }
0x24b: {  	[sflag:s17] =	ssyncset.done $0x0  }
0x24c: {  	[sflag:s17] =	ssyncadd.s32 $0xFFFFE000  }
0x24d: {  	_ =	swait.ge [sflag:s17], $0x800  }
0x24e: {  	[sflag:s17] =	ssyncset.done $0x0  }
0x24f: {  	s9 =	simm.s32 @!p0 $0x8;
	[sflag:s17] =	ssyncadd.s32 $0xFFFFF800  }
0x250: {  	_ =	swait.ge @!p0 [sflag:s9], $0x800  }
0x251: {  	[sflag:s9] =	ssyncset.done @!p0 $0x0  }
0x252: {  	[sflag:s9] =	ssyncadd.s32 @!p0 $0xFFFFF800  }
0x253: {  	_ =	swait.ge @!p0 [sflag:s9], $0x800  }
0x254: {  	[sflag:s9] =	ssyncset.done @!p0 $0x0  }
0x255: {  	[sflag:s9] =	ssyncadd.s32 @!p0 $0xFFFFF800  }
0x256: {  	_ =	swait.ge @!p0 [sflag:s9], $0x800  }
0x257: {  	[sflag:s9] =	ssyncset.done @!p0 $0x0  }
0x258: {  	[sflag:s9] =	ssyncadd.s32 @!p0 $0xFFFFF800  }
0x259: {  	_ =	swait.ge @!p0 [sflag:s9], $0x800  }
0x25a: {  	s20 =	simm.s32 $0x0;
	[sflag:s9] =	ssyncset.done @!p0 $0x0  }
0x25b: {  	s14 =	simm.s32 $0x10B00;
	s19 =	simm.s32 $0x0;
	[sflag:s9] =	ssyncadd.s32 @!p0 $0xFFFFF800  }
.LBB2_11:
0x25c: {  	v9 =	vld [tilespmem:s14+$0x0];
	_ =	sdelay $0x4  }
0x25d: {  	v11 =	vsub.f32 $0.0e+00, v9  }
0x25e: {  	v10 =	vmax.f32 v9, $0.0e+00  }
0x25f: {  	s9 =	sshrl.u32 s20, $0x3;
	v9 =	vtrunc.f32 v10;
	v10 =	vmax.f32 v11, $0.0e+00  }
0x260: {  	s28 =	sand.u32 $0x70, s19;
	s29 =	sshll.u32 s9, $0xC;
	v9 =	vcvt.f32.s32 v9;
	v10 =	vtrunc.f32 v10  }
0x261: {  	s31 =	sor.u32 s28, s29;
	v10 =	vcvt.f32.s32 v10  }
0x262: {  	v11 =	vor.u32 s31, v0;
	v12 =	vshrl.u32 v9, $0x7  }
0x263: {  	v11 =	vand.u32 $0x107F, v11;
	v12 =	vand.u32 $0x180, v12;
	v13 =	vshrl.u32 v10, $0x7  }
0x264: {  	v12 =	vor.u32 v12, v11;
	v13 =	vand.u32 $0x180, v13  }
0x265: {  	v11 =	vor.u32 v13, v11  }
0x266: {  	s29 =	sshll.u32 s9, $0xA  }
0x267: {  	s9 =	sor.u32 s28, s29  }
0x268: {  	v14 =	vld [tilespmem:s9+$0x14C00]  }
0x269: {  	v32 =	vld.idx.msk [tilespmem:v12+s16+$0x0], $0xffff  }
0x26a: {  	v15 =	vld.idx.msk [tilespmem:v11+s16+$0x0], $0xffff  }
0x26b: {  	v12 =	vld.idx.msk [tilespmem:v12+s15+$0x0], $0xffff  }
0x26c: {  	v11 =	vld.idx.msk [tilespmem:v11+s15+$0x0], $0xffff  }
0x26d: {  	v16 =	vshrl.u32 v9, $0x5  }
0x26e: {  	v17 =	vor.u32 s31, v2;
	v16 =	vand.u32 $0x180, v16;
	v13 =	vmul.f32 v14, v32  }
0x26f: {  	v33 =	vshrl.u32 v10, $0x5;
	v16 =	vor.u32 v17, v16;
	v14 =	vmul.f32 v14, v15  }
0x270: {  	v34 =	vand.u32 $0x180, v33;
	v12 =	vadd.f32 v13, v12  }
0x271: {  	v13 =	vor.u32 v17, v34;
	v11 =	vadd.f32 v14, v11  }
0x272: {  	[tilespmem:s9+$0x15400] =	vst v12  }
0x273: {  	s28 =	sadd.s32 s29, s19;
	[tilespmem:s9+$0x15C00] =	vst v11  }
0x274: {  	s29 =	sor.u32 $0x80, s28;
	v11 =	vld.idx.msk [tilespmem:v16+s16+$0x0], $0xffff  }
0x275: {  	v12 =	vld [tilespmem:s29+$0x14C00]  }
0x276: {  	v35 =	vld.idx.msk [tilespmem:v13+s16+$0x0], $0xffff  }
0x277: {  	v36 =	vld.idx.msk [tilespmem:v16+s15+$0x0], $0xffff  }
0x278: {  	v13 =	vld.idx.msk [tilespmem:v13+s15+$0x0], $0xffff  }
0x279: {  	v37 =	vshrl.u32 v9, $0x3  }
0x27a: {  	v38 =	vor.u32 s31, v3;
	v16 =	vand.u32 $0x180, v37;
	v11 =	vmul.f32 v12, v11  }
0x27b: {  	v39 =	vshrl.u32 v10, $0x3;
	v16 =	vor.u32 v38, v16;
	v12 =	vmul.f32 v12, v35  }
0x27c: {  	v14 =	vand.u32 $0x180, v39;
	v11 =	vadd.f32 v11, v36  }
0x27d: {  	v40 =	vor.u32 v38, v14;
	v12 =	vadd.f32 v12, v13  }
0x27e: {  	[tilespmem:s29+$0x15400] =	vst v11  }
0x27f: {  	[tilespmem:s29+$0x15C00] =	vst v12  }
0x280: {  	v11 =	vld.idx.msk [tilespmem:v16+s16+$0x0], $0xffff  }
0x281: {  	v12 =	vld [tilespmem:s9+$0x14D00]  }
0x282: {  	v14 =	vld.idx.msk [tilespmem:v40+s16+$0x0], $0xffff  }
0x283: {  	v41 =	vld.idx.msk [tilespmem:v16+s15+$0x0], $0xffff  }
0x284: {  	v13 =	vld.idx.msk [tilespmem:v40+s15+$0x0], $0xffff  }
0x285: {  	v42 =	vshrl.u32 v9, $0x1  }
0x286: {  	v43 =	vor.u32 s31, v4;
	v16 =	vand.u32 $0x180, v42;
	v11 =	vmul.f32 v12, v11  }
0x287: {  	v44 =	vshrl.u32 v10, $0x1;
	v16 =	vor.u32 v43, v16;
	v12 =	vmul.f32 v12, v14  }
0x288: {  	v14 =	vand.u32 $0x180, v44;
	v11 =	vadd.f32 v11, v41  }
0x289: {  	v45 =	vor.u32 v43, v14;
	v12 =	vadd.f32 v12, v13  }
0x28a: {  	[tilespmem:s9+$0x15500] =	vst v11  }
0x28b: {  	[tilespmem:s9+$0x15D00] =	vst v12  }
0x28c: {  	s29 =	sor.u32 $0x180, s28;
	v11 =	vld.idx.msk [tilespmem:v16+s16+$0x0], $0xffff  }
0x28d: {  	v12 =	vld [tilespmem:s29+$0x14C00]  }
0x28e: {  	v14 =	vld.idx.msk [tilespmem:v45+s16+$0x0], $0xffff  }
0x28f: {  	v46 =	vld.idx.msk [tilespmem:v16+s15+$0x0], $0xffff  }
0x290: {  	v13 =	vld.idx.msk [tilespmem:v45+s15+$0x0], $0xffff  }
0x291: {  	v47 =	vshll.u32 v9, $0x1  }
0x292: {  	v48 =	vor.u32 s31, v5;
	v16 =	vand.u32 $0x180, v47;
	v11 =	vmul.f32 v12, v11  }
0x293: {  	v49 =	vshll.u32 v10, $0x1;
	v16 =	vor.u32 v48, v16;
	v12 =	vmul.f32 v12, v14  }
0x294: {  	v14 =	vand.u32 $0x180, v49;
	v11 =	vadd.f32 v11, v46  }
0x295: {  	v50 =	vor.u32 v48, v14;
	v12 =	vadd.f32 v12, v13  }
0x296: {  	[tilespmem:s29+$0x15400] =	vst v11  }
0x297: {  	[tilespmem:s29+$0x15C00] =	vst v12  }
0x298: {  	v11 =	vld.idx.msk [tilespmem:v16+s16+$0x0], $0xffff  }
0x299: {  	v12 =	vld [tilespmem:s9+$0x14E00]  }
0x29a: {  	v14 =	vld.idx.msk [tilespmem:v50+s16+$0x0], $0xffff  }
0x29b: {  	v51 =	vld.idx.msk [tilespmem:v16+s15+$0x0], $0xffff  }
0x29c: {  	v13 =	vld.idx.msk [tilespmem:v50+s15+$0x0], $0xffff  }
0x29d: {  	v52 =	vshll.u32 v9, $0x3  }
0x29e: {  	v53 =	vor.u32 s31, v6;
	v16 =	vand.u32 $0x180, v52;
	v11 =	vmul.f32 v12, v11  }
0x29f: {  	v54 =	vshll.u32 v10, $0x3;
	v16 =	vor.u32 v53, v16;
	v12 =	vmul.f32 v12, v14  }
0x2a0: {  	v14 =	vand.u32 $0x180, v54;
	v11 =	vadd.f32 v11, v51  }
0x2a1: {  	v55 =	vor.u32 v53, v14;
	v12 =	vadd.f32 v12, v13  }
0x2a2: {  	[tilespmem:s9+$0x15600] =	vst v11  }
0x2a3: {  	[tilespmem:s9+$0x15E00] =	vst v12  }
0x2a4: {  	s29 =	sor.u32 $0x280, s28;
	v11 =	vld.idx.msk [tilespmem:v16+s16+$0x0], $0xffff  }
0x2a5: {  	v12 =	vld [tilespmem:s29+$0x14C00]  }
0x2a6: {  	v14 =	vld.idx.msk [tilespmem:v55+s16+$0x0], $0xffff  }
0x2a7: {  	v56 =	vld.idx.msk [tilespmem:v16+s15+$0x0], $0xffff  }
0x2a8: {  	v13 =	vld.idx.msk [tilespmem:v55+s15+$0x0], $0xffff  }
0x2a9: {  	v57 =	vshll.u32 v9, $0x5  }
0x2aa: {  	v58 =	vor.u32 s31, v7;
	v16 =	vand.u32 $0x180, v57;
	v11 =	vmul.f32 v12, v11  }
0x2ab: {  	v59 =	vshll.u32 v10, $0x5;
	v16 =	vor.u32 v58, v16;
	v12 =	vmul.f32 v12, v14  }
0x2ac: {  	v14 =	vand.u32 $0x180, v59;
	v11 =	vadd.f32 v11, v56  }
0x2ad: {  	v60 =	vor.u32 v58, v14;
	v12 =	vadd.f32 v12, v13  }
0x2ae: {  	[tilespmem:s29+$0x15400] =	vst v11  }
0x2af: {  	[tilespmem:s29+$0x15C00] =	vst v12  }
0x2b0: {  	v11 =	vld.idx.msk [tilespmem:v16+s16+$0x0], $0xffff  }
0x2b1: {  	v12 =	vld [tilespmem:s9+$0x14F00]  }
0x2b2: {  	v14 =	vld.idx.msk [tilespmem:v60+s16+$0x0], $0xffff  }
0x2b3: {  	v61 =	vld.idx.msk [tilespmem:v16+s15+$0x0], $0xffff  }
0x2b4: {  	v13 =	vld.idx.msk [tilespmem:v60+s15+$0x0], $0xffff  }
0x2b5: {  	v9 =	vshll.u32 v9, $0x7  }
0x2b6: {  	v62 =	vor.u32 s31, v8;
	v9 =	vand.u32 $0x180, v9;
	v11 =	vmul.f32 v12, v11  }
0x2b7: {  	v10 =	vshll.u32 v10, $0x7;
	v9 =	vor.u32 v62, v9;
	v12 =	vmul.f32 v12, v14  }
0x2b8: {  	v10 =	vand.u32 $0x180, v10;
	v11 =	vadd.f32 v11, v61  }
0x2b9: {  	v10 =	vor.u32 v62, v10;
	v12 =	vadd.f32 v12, v13  }
0x2ba: {  	[tilespmem:s9+$0x15700] =	vst v11  }
0x2bb: {  	[tilespmem:s9+$0x15F00] =	vst v12  }
0x2bc: {  	s31 =	sor.u32 $0x380, s28;
	v11 =	vld.idx.msk [tilespmem:v9+s16+$0x0], $0xffff  }
0x2bd: {  	v12 =	vld [tilespmem:s31+$0x14C00]  }
0x2be: {  	v63 =	vld.idx.msk [tilespmem:v10+s16+$0x0], $0xffff  }
0x2bf: {  	v9 =	vld.idx.msk [tilespmem:v9+s15+$0x0], $0xffff  }
0x2c0: {  	v10 =	vld.idx.msk [tilespmem:v10+s15+$0x0], $0xffff;
	_ =	sdelay $0x1  }
0x2c1: {  	p0 =	sne.s32 s20, $0xF;
	v11 =	vmul.f32 v12, v11  }
.Ltmp6:
0x2c2: {  	v12 =	vmul.f32 v12, v63;
	(pc) =	sbr.rel @p0 .LBB2_11-.Ltmp6, $4  }
0x2c3: {  	v9 =	vadd.f32 v11, v9  }
0x2c4: {  	v10 =	vadd.f32 v12, v10  }
0x2c5: {  	[tilespmem:s31+$0x15400] =	vst v9  }
0x2c6: {  	s14 =	sadd.s32 $0x10, s14;
	s20 =	sadd.s32 $0x1, s20;
	s19 =	sadd.s32 $0x10, s19;
	[tilespmem:s31+$0x15C00] =	vst v10  }
0x2c7: {  	s9 =	sor.u32 $0x300, s26  }
0x2c8: {  	s19 =	simm.s32 $0x15400;
	s28 =	sor.u32 $0x80300, s26;
	s14 =	sadd.s32 s6, s9  }
0x2c9: {  	[hbm4b:s14+s8] =	stream.linear.scatter [tilespmem:s19], [sflag:$0x8], $0x800, $0x38;
	[tilespmem:$0x16C00] =	vst v63  }
0x2ca: {  	s20 =	simm.s32 $0x15C00;
	s29 =	sadd.s32 s6, s28  }
0x2cb: {  	[hbm4b:s29+s8] =	stream.linear.scatter [tilespmem:s20], [sflag:$0x8], $0x800, $0x38;
	[tilespmem:$0x16C00] =	vst v63  }
.Ltmp7:
0x2cc: {  	_ = 	snop;
	(pc) =	sbr.rel @p1 .LBB2_14-.Ltmp7, $4  }
0x2cd: {  	s9 =	sadd.s32 s7, s9  }
0x2ce: {  	[hbm4b:s9+s8] =	stream.linear.scatter [tilespmem:s21], [sflag:$0x8], $0x800, $0x38;
	[tilespmem:$0x16C00] =	vst v63  }
0x2cf: {  	s31 =	sadd.s32 s7, s28  }
0x2d0: {  	[hbm4b:s31+s8] =	stream.linear.scatter [tilespmem:s21], [sflag:$0x8], $0x800, $0x38;
	[tilespmem:$0x16C00] =	vst v63  }
0x2d1: {  	s9 =	rddreg [dreg:$0x1b]  }
0x2d2: {  	s9 =	sadd.s32 s24, s9  }
0x2d3: {  	s14 =	sshrl.u32 s9, $0x6  }
0x2d4: {  	s19 =	simm.s32 $0x10B00;
	s28 =	sshrl.u32 s9, $0x1;
	s14 =	sadd.s32 s0, s14  }
0x2d5: {  	[tilespmem:s19], [sflag:$0x4] =	stream.linear.gather [hbm4b:s14+s8], $0x100, $0x38;
	[tilespmem:$0x16C00] =	vst v63  }
0x2d6: {  	s29 =	sadd.s32 s2, s28  }
0x2d7: {  	[tilespmem:s15], [sflag:$0x4] =	stream.linear.gather [hbm4b:s29+s8], $0x2000, $0x38;
	[tilespmem:$0x16C00] =	vst v63  }
.Ltmp8:
0x2d8: {  	_ = 	snop;
	(pc) =	sbr.rel .LBB2_4-.Ltmp8, $4  }
0x2d9: {  	s9 =	sshrl.u32 s9, $0x3;
	s14 =	sadd.s32 s3, s28  }
0x2da: {  	[tilespmem:s16], [sflag:$0x4] =	stream.linear.gather [hbm4b:s14+s8], $0x2000, $0x38;
	[tilespmem:$0x16C00] =	vst v63  }
0x2db: {  	s31 =	simm.s32 $0x14C00;
	s23 =	sadd.s32 $0x1, s23;
	s9 =	sadd.s32 s4, s9  }
0x2dc: {  	[tilespmem:s31], [sflag:$0x4] =	stream.linear.gather [hbm4b:s9+s8], $0x800, $0x38;
	[tilespmem:$0x16C00] =	vst v63  }
.LBB2_15:
0x2dd: {  	_ =	sfence.sel $0x180000  }
0x2de: {  	[bflag:$0x0] =	sbarrier.arrive $0xFFFF  }
0x2df: {  	_ =	strace $0x90000047  }
0x2e0: {  	s0 =	stileid.u32;
	[bflag:$0x2] =	sbarrier.arrive $0xFFFF  }
0x2e1: {  	p0 =	sne.s32 s0, $0x0;
	s0 =	rddreg [dreg:$0x6]  }
0x2e2: {  	s0 =	sadd.s32 @!p0 $0x100000, s0  }
0x2e3: {  	[sflag:s0] =	ssyncadd.tile.s32 @!p0 $0x1;
	_ =	shalt  }
.Lfunc_end2:
_tile_overlayer_lowered:
.L_overlay_start_2:
0x2e4: {  	(tag) =	ssettag $0x2  }
0x2e5: {  	s0 =	rddreg [dreg:$0x0];
	s2 =	stileid.u32  }
0x2e6: {  	s1 =	rddreg [dreg:$0x1];
	p0 =	sne.s32 s2, $0x0  }
0x2e7: {  	s3 =	rddreg [dreg:$0x2];
	[bflag:$0x3] =	sbarrier.arrive $0xFFFF;
	s2 =	simm.s32 @!p0 $0x1C09  }
0x2e8: {  	[timem:s3], [sflag:s2] =	dma.local @!p0 [hbm:s0], s1  }
0x2e9: {  	s0 =	simm.s32 @!p0 $0x9  }
0x2ea: {  	_ =	swait.ge @!p0 [sflag:s0], s1  }
0x2eb: {  	s1 =	ssub.s32 @!p0 $0x0, s1;
	[sflag:s0] =	ssyncset.done @!p0 $0x0  }
0x2ec: {  	[sflag:s0] =	ssyncadd.s32 @!p0 s1  }
0x2ed: {  	[bflag:$0x3] =	sbarrier.arrive $0xFFFF  }
0x2ee: {  	_ =	shalt  }

</sc_bundles>
